<compile_context>
chip_gen: v7x
topology: tpu7x:2x2x1
jax: 0.10.2.dev20260603
libtpu: 0.0.44.dev20260713+nightly
codegen_flags: <defaults>
</compile_context>

<pallas_src>
import functools

import jax
import jax.numpy as jnp
from jax import lax
from jax.experimental import pallas as pl
from jax.experimental.pallas import tpu as pltpu
from jax.experimental.pallas import tpu_sc as plsc

_L = 16
_CHUNK = 80
_RW = 16


def _rsqrt(n2):
  xhalf = n2 * 0.5
  i = plsc.bitcast(n2, jnp.int32)
  i = jnp.int32(0x5F3759DF) - lax.shift_right_logical(i, 1)
  y = plsc.bitcast(i, jnp.float32)
  y = y * (1.5 - xhalf * y * y)
  y = y * (1.5 - xhalf * y * y)
  y = y * (1.5 - xhalf * y * y)
  return y


def _gather_rows(table_hbm, idx2d_v, dst_v, sem, nch):
  copies = []
  for j in range(nch):
    copies.append(pltpu.async_copy(
        table_hbm.at[idx2d_v.at[j]],
        dst_v.at[pl.ds(j * _CHUNK, _CHUNK)], sem))
  return copies


def _edge_body(e_per_w, blk, nc, half_rows, ng1,
               posb_hbm, lat_hbm, eidx2d_hbm, ecs_hbm,
               dist_hbm, pvd_hbm,
               lat_v, idx0_v, idx1_v, ecs_v, rowsi_v, rowsj_v,
               pvd_v, dist_v, sem):
  wid = lax.axis_index("s") * nc + lax.axis_index("c")
  base_w = wid * e_per_w
  nch = blk // _CHUNK

  pltpu.sync_copy(lat_hbm, lat_v)

  lanes = lax.iota(jnp.int32, _L)
  c0 = jnp.zeros((_L,), jnp.int32)
  c1 = jnp.full((_L,), 1, jnp.int32)
  c2 = jnp.full((_L,), 2, jnp.int32)
  c3 = jnp.full((_L,), 3, jnp.int32)

  def block(b, _):
    base = base_w + b * blk
    rbase = base // _CHUNK
    pltpu.sync_copy(eidx2d_hbm.at[pl.ds(rbase, nch)], idx0_v)
    pltpu.sync_copy(eidx2d_hbm.at[pl.ds(half_rows + rbase, nch)], idx1_v)
    pltpu.sync_copy(ecs_hbm.at[pl.ds(base, blk)], ecs_v)
    copies = _gather_rows(posb_hbm, idx0_v, rowsi_v, sem, nch)
    copies += _gather_rows(posb_hbm, idx1_v, rowsj_v, sem, nch)
    for c in copies:
      c.wait()

    def group(g, _):
      off = g * _L
      idx = lanes + off
      xi = plsc.load_gather(rowsi_v, [idx, c0])
      yi = plsc.load_gather(rowsi_v, [idx, c1])
      zi = plsc.load_gather(rowsi_v, [idx, c2])
      bf = plsc.load_gather(rowsi_v, [idx, c3])
      bi = bf.astype(jnp.int32)
      xj = plsc.load_gather(rowsj_v, [idx, c0])
      yj = plsc.load_gather(rowsj_v, [idx, c1])
      zj = plsc.load_gather(rowsj_v, [idx, c2])
      e0 = plsc.load_gather(ecs_v, [idx, c0]).astype(jnp.float32)
      e1 = plsc.load_gather(ecs_v, [idx, c1]).astype(jnp.float32)
      e2 = plsc.load_gather(ecs_v, [idx, c2]).astype(jnp.float32)
      b9 = jnp.minimum(jnp.maximum(bi, 0), ng1) * 9
      l00 = plsc.load_gather(lat_v, [b9])
      l01 = plsc.load_gather(lat_v, [b9 + 1])
      l02 = plsc.load_gather(lat_v, [b9 + 2])
      l10 = plsc.load_gather(lat_v, [b9 + 3])
      l11 = plsc.load_gather(lat_v, [b9 + 4])
      l12 = plsc.load_gather(lat_v, [b9 + 5])
      l20 = plsc.load_gather(lat_v, [b9 + 6])
      l21 = plsc.load_gather(lat_v, [b9 + 7])
      l22 = plsc.load_gather(lat_v, [b9 + 8])
      sx = e0 * l00 + e1 * l10 + e2 * l20
      sy = e0 * l01 + e1 * l11 + e2 * l21
      sz = e0 * l02 + e1 * l12 + e2 * l22
      px = xj + sx - xi
      py = yj + sy - yi
      pz = zj + sz - zi
      n2 = px * px + py * py + pz * pz
      d = n2 * _rsqrt(n2)
      plsc.store_scatter(pvd_v, [idx, c0], px)
      plsc.store_scatter(pvd_v, [idx, c1], py)
      plsc.store_scatter(pvd_v, [idx, c2], pz)
      plsc.store_scatter(pvd_v, [idx, c3], d)
      dist_v[pl.ds(off, _L)] = d
      return ()

    lax.fori_loop(0, blk // _L, group, (), unroll=False)
    pltpu.sync_copy(dist_v, dist_hbm.at[pl.ds(base, blk)])
    pltpu.sync_copy(pvd_v, pvd_hbm.at[pl.ds(base, blk)])
    return ()

  lax.fori_loop(0, e_per_w // blk, block, (), unroll=False)


def _tri_body(t_per_w, blk, nc, half_rows,
              pvd_hbm, tidx2d_hbm, ang_hbm,
              t0_v, t1_v, rows0_v, rows1_v, ang_v, sem):
  wid = lax.axis_index("s") * nc + lax.axis_index("c")
  base_w = wid * t_per_w
  nch = blk // _CHUNK

  lanes = lax.iota(jnp.int32, _L)
  c0 = jnp.zeros((_L,), jnp.int32)
  c1 = jnp.full((_L,), 1, jnp.int32)
  c2 = jnp.full((_L,), 2, jnp.int32)
  c3 = jnp.full((_L,), 3, jnp.int32)

  def block(b, _):
    base = base_w + b * blk
    rbase = base // _CHUNK
    pltpu.sync_copy(tidx2d_hbm.at[pl.ds(rbase, nch)], t0_v)
    pltpu.sync_copy(tidx2d_hbm.at[pl.ds(half_rows + rbase, nch)], t1_v)
    copies = _gather_rows(pvd_hbm, t0_v, rows0_v, sem, nch)
    copies += _gather_rows(pvd_hbm, t1_v, rows1_v, sem, nch)
    for c in copies:
      c.wait()

    def group(g, _):
      off = g * _L
      idx = lanes + off
      x0 = plsc.load_gather(rows0_v, [idx, c0])
      y0 = plsc.load_gather(rows0_v, [idx, c1])
      z0 = plsc.load_gather(rows0_v, [idx, c2])
      d0 = plsc.load_gather(rows0_v, [idx, c3])
      x1 = plsc.load_gather(rows1_v, [idx, c0])
      y1 = plsc.load_gather(rows1_v, [idx, c1])
      z1 = plsc.load_gather(rows1_v, [idx, c2])
      d1 = plsc.load_gather(rows1_v, [idx, c3])
      cos = (x0 * x1 + y0 * y1 + z0 * z1) / (d0 * d1)
      cos = jnp.minimum(jnp.maximum(cos, -1.0), 1.0)
      ang_v[pl.ds(off, _L)] = cos
      return ()

    lax.fori_loop(0, blk // _L, group, (), unroll=False)
    pltpu.sync_copy(ang_v, ang_hbm.at[pl.ds(base, blk)])
    return ()

  lax.fori_loop(0, t_per_w // blk, block, (), unroll=False)


def kernel(batch, lattice, pos, edge_index, edge_cell_shift,
           triplet_edge_index):
  n_graphs = lattice.shape[0]
  n_nodes = pos.shape[0]
  n_edges = edge_index.shape[1]
  n_tri = triplet_edge_index.shape[1]

  info = plsc.get_sparse_core_info()
  nw = info.num_cores * info.num_subcores
  mesh = plsc.VectorSubcoreMesh(core_axis_name="c", subcore_axis_name="s")

  e_per_w = n_edges // nw
  t_per_w = n_tri // nw
  eblk = 2000
  tblk = 2000

  posb = jnp.zeros((n_nodes, _RW), jnp.float32)
  posb = posb.at[:, :3].set(pos)
  posb = posb.at[:, 3].set(batch.astype(jnp.float32))
  lat_flat = lattice.reshape(n_graphs * 9)
  eidx2d = edge_index.reshape(2 * n_edges // _CHUNK, _CHUNK)
  tidx2d = triplet_edge_index.reshape(2 * n_tri // _CHUNK, _CHUNK)

  edge_k = pl.kernel(
      functools.partial(_edge_body, e_per_w, eblk, info.num_cores,
                        n_edges // _CHUNK, n_graphs - 1),
      out_type=(
          jax.ShapeDtypeStruct((n_edges,), jnp.float32),
          jax.ShapeDtypeStruct((n_edges, _RW), jnp.float32),
      ),
      mesh=mesh,
      compiler_params=pltpu.CompilerParams(
          needs_layout_passes=False, use_tc_tiling_on_sc=False),
      scratch_types=[
          pltpu.VMEM((n_graphs * 9,), jnp.float32),
          pltpu.VMEM((eblk // _CHUNK, _CHUNK), jnp.int32),
          pltpu.VMEM((eblk // _CHUNK, _CHUNK), jnp.int32),
          pltpu.VMEM((eblk, 3), jnp.int32),
          pltpu.VMEM((eblk, _RW), jnp.float32),
          pltpu.VMEM((eblk, _RW), jnp.float32),
          pltpu.VMEM((eblk, _RW), jnp.float32),
          pltpu.VMEM((eblk,), jnp.float32),
          pltpu.SemaphoreType.DMA,
      ],
  )
  dist, pvd = edge_k(posb, lat_flat, eidx2d, edge_cell_shift)

  tri_k = pl.kernel(
      functools.partial(_tri_body, t_per_w, tblk, info.num_cores,
                        n_tri // _CHUNK),
      out_type=jax.ShapeDtypeStruct((n_tri,), jnp.float32),
      mesh=mesh,
      compiler_params=pltpu.CompilerParams(
          needs_layout_passes=False, use_tc_tiling_on_sc=False),
      scratch_types=[
          pltpu.VMEM((tblk // _CHUNK, _CHUNK), jnp.int32),
          pltpu.VMEM((tblk // _CHUNK, _CHUNK), jnp.int32),
          pltpu.VMEM((tblk, _RW), jnp.float32),
          pltpu.VMEM((tblk, _RW), jnp.float32),
          pltpu.VMEM((tblk,), jnp.float32),
          pltpu.SemaphoreType.DMA,
      ],
  )
  angles = tri_k(pvd, tidx2d)
  return dist, angles

# --- scband reference (transcript-rebuilt; emitter-appended) ---
"""Pipeline reference for scband-distance-and-angle-7404523618474 (READ-ONLY COPY).

The authoritative reference and input builder live on the scoring server;
editing this copy changes nothing except your own understanding.
"""

import jax, jax.numpy as jnp
import numpy as np

N_NODES = 100000
N_EDGES = 3200000
N_TRIPLETS = 6400000
N_GRAPHS = 256


def setup_inputs(seed: int = 0) -> dict:
    key = jax.random.key(seed)
    k1, k2, k3, k4, k5, k6 = jax.random.split(key, 6)
    batch = jnp.sort(jax.random.randint(k1, (N_NODES,), 0, N_GRAPHS, dtype=jnp.int64 if jax.config.jax_enable_x64 else jnp.int32)).astype(jnp.int32)
    lattice = jax.random.normal(k2, (N_GRAPHS, 3, 3), dtype=jnp.float32)
    pos = jax.random.uniform(k3, (N_NODES, 3), dtype=jnp.float32)
    edge_index = jax.random.randint(k4, (2, N_EDGES), 0, N_NODES).astype(jnp.int32)
    edge_cell_shift = jax.random.randint(k5, (N_EDGES, 3), 0, 3).astype(jnp.int32)
    triplet_edge_index = jax.random.randint(k6, (2, N_TRIPLETS), 0, N_EDGES).astype(jnp.int32)
    return {
        "batch": batch,
        "lattice": lattice,
        "pos": pos,
        "edge_index": edge_index,
        "edge_cell_shift": edge_cell_shift,
        "triplet_edge_index": triplet_edge_index,
    }


def reference(batch, lattice, pos, edge_index, edge_cell_shift, triplet_edge_index):
    # _get_pair_vectors
    batch_edge = jnp.take(batch, edge_index[0], axis=0)                      # [E]
    lat_e = jnp.take(lattice, batch_edge, axis=0)                            # [E, 3, 3]
    shift_vecs = jnp.sum(edge_cell_shift.astype(jnp.float32)[:, :, None] * lat_e, axis=1)  # [E, 3]
    pair_vecs = jnp.take(pos, edge_index[1], axis=0) + shift_vecs - jnp.take(pos, edge_index[0], axis=0)  # [E, 3]
    # distances and triplet angles
    distances = jnp.linalg.norm(pair_vecs, axis=1)                            # [E]
    vij = jnp.take(pair_vecs, triplet_edge_index[0], axis=0)                  # [T, 3]
    vik = jnp.take(pair_vecs, triplet_edge_index[1], axis=0)                  # [T, 3]
    rij = jnp.take(distances, triplet_edge_index[0], axis=0)                  # [T]
    rik = jnp.take(distances, triplet_edge_index[1], axis=0)                  # [T]
    cos_jik = jnp.sum(vij * vik, axis=1) / (rij * rik)
    angles = jnp.clip(cos_jik, -1.0, 1.0)
    return distances, angles

if __name__ == "__main__":
    import jax
    _d = setup_inputs()
    print(jax.jit(kernel)(*tuple(_d.values())))

</pallas_src>

<mosaic_0001>
#map = affine_map<(d0, d1) -> (0, 0)>
#map1 = affine_map<(d0, d1) -> (0)>
module attributes {stable_mosaic.version = 14 : i64} {
  func.func @_tri_body(%arg0: i32, %arg1: i32, %arg2: memref<3200000x16xf32, #tpu.memory_space<hbm>>, %arg3: memref<160000x80xi32, #tpu.memory_space<hbm>>, %arg4: memref<6400000xf32, #tpu.memory_space<hbm>>, %arg5: memref<25x80xi32, #tpu.memory_space<vmem>>, %arg6: memref<25x80xi32, #tpu.memory_space<vmem>>, %arg7: memref<2000x16xf32, #tpu.memory_space<vmem>>, %arg8: memref<2000x16xf32, #tpu.memory_space<vmem>>, %arg9: memref<2000xf32, #tpu.memory_space<vmem>>, %arg10: memref<!tpu.dma_semaphore, #tpu.memory_space<semaphore_mem>>) attributes {dimension_semantics = [#tpu.dimension_semantics<core_parallel>, #tpu.dimension_semantics<subcore_parallel>], iteration_bounds = array<i64: 2, 16>, scalar_prefetch = 0 : i64, scratch_operands = 6 : i64, tpu.core_type = #tpu.core_type<sc_vector_subcore>, window_params = [{transform_indices = #map}, {transform_indices = #map}, {transform_indices = #map1}]} {
    %mul3A = arith.constant 2 : i32
    %mul3A_0 = arith.muli %arg1, %mul3A : i32
    %add3A = arith.addi %mul3A_0, %arg0 : i32
    %mul3A_1 = arith.constant 200000 : i32
    %mul3A_2 = arith.muli %add3A, %mul3A_1 : i32
    %iota3A = tpu.iota {dimensions = array<i32: 0>} : vector<16xi32>
    %broadcast_in_dim3A = arith.constant 0 : i32
    %broadcast_in_dim3A_3 = vector.broadcast %broadcast_in_dim3A : i32 to vector<16xi32>
    %broadcast_in_dim3A_4 = arith.constant 1 : i32
    %broadcast_in_dim3A_5 = vector.broadcast %broadcast_in_dim3A_4 : i32 to vector<16xi32>
    %broadcast_in_dim3A_6 = arith.constant 2 : i32
    %broadcast_in_dim3A_7 = vector.broadcast %broadcast_in_dim3A_6 : i32 to vector<16xi32>
    %broadcast_in_dim3A_8 = arith.constant 3 : i32
    %broadcast_in_dim3A_9 = vector.broadcast %broadcast_in_dim3A_8 : i32 to vector<16xi32>
    %scan3A = arith.constant 0 : i32
    %scan3A_10 = arith.constant 100 : i32
    %scan3A_11 = arith.addi %scan3A, %scan3A_10 : i32
    %scan3A_12 = arith.constant 1 : i32
    scf.for %scan3A_14 = %scan3A to %scan3A_11 step %scan3A_12  : i32 {
      %mul3A_15 = arith.constant 2000 : i32
      %mul3A_16 = arith.muli %scan3A_14, %mul3A_15 : i32
      %add3A_17 = arith.addi %mul3A_2, %mul3A_16 : i32
      %jit3A = arith.constant 80 : i32
      %div3A = arith.divsi %add3A_17, %jit3A : i32
      %sign3A = arith.constant 0 : i32
      %sign3A_18 = arith.cmpi sgt, %add3A_17, %sign3A : i32
      %sign3A_19 = arith.extui %sign3A_18 : i1 to i32
      %sign3A_20 = arith.constant 0 : i32
      %sign3A_21 = arith.cmpi slt, %add3A_17, %sign3A_20 : i32
      %sign3A_22 = arith.extui %sign3A_21 : i1 to i32
      %sign3A_23 = arith.subi %sign3A_19, %sign3A_22 : i32
      %sign3A_24 = arith.constant 0 : i32
      %sign3A_25 = arith.cmpi sgt, %jit3A, %sign3A_24 : i32
      %sign3A_26 = arith.extui %sign3A_25 : i1 to i32
      %sign3A_27 = arith.constant 0 : i32
      %sign3A_28 = arith.cmpi slt, %jit3A, %sign3A_27 : i32
      %sign3A_29 = arith.extui %sign3A_28 : i1 to i32
      %sign3A_30 = arith.subi %sign3A_26, %sign3A_29 : i32
      %ne3A = arith.cmpi ne, %sign3A_23, %sign3A_30 : i32
      %rem3A = arith.remsi %add3A_17, %jit3A : i32
      %ne3A_31 = arith.constant 0 : i32
      %ne3A_32 = arith.cmpi ne, %rem3A, %ne3A_31 : i32
      %and3A = arith.andi %ne3A, %ne3A_32 : i1
      %sub3A = arith.constant 1 : i32
      %sub3A_33 = arith.subi %div3A, %sub3A : i32
      %select_n3A = arith.select %and3A, %sub3A_33, %div3A : i32
      "tpu.region"() ({
        %run_scoped3A = tpu.sem_alloc : memref<!tpu.dma_semaphore, #tpu.memory_space<semaphore_mem>>
        %dma_start3A_1039 = arith.constant 0 : i32
        %dma_start3A_1040 = tpu.memref_slice %arg3[%select_n3A, %dma_start3A_1039] : memref<160000x80xi32, #tpu.memory_space<hbm>> -> memref<25x80xi32, #tpu.memory_space<hbm>>
        %dma_start3A_1041 = arith.constant 0 : i32
        %dma_start3A_1042 = tpu.memref_slice %arg3[%select_n3A, %dma_start3A_1041] : memref<160000x80xi32, #tpu.memory_space<hbm>> -> memref<25x80xi32, #tpu.memory_space<hbm>>
        tpu.enqueue_dma source(%dma_start3A_1042 : memref<25x80xi32, #tpu.memory_space<hbm>>) target(%arg5 : memref<25x80xi32, #tpu.memory_space<vmem>>) target_semaphore(%run_scoped3A : memref<!tpu.dma_semaphore, #tpu.memory_space<semaphore_mem>>)
        %dma_wait3A_1043 = arith.constant 0 : i32
        %dma_wait3A_1044 = tpu.memref_slice %arg3[%select_n3A, %dma_wait3A_1043] : memref<160000x80xi32, #tpu.memory_space<hbm>> -> memref<25x80xi32, #tpu.memory_space<hbm>>
        %dma_wait3A_1045 = arith.constant 0 : i32
        %dma_wait3A_1046 = tpu.memref_slice %arg3[%select_n3A, %dma_wait3A_1045] : memref<160000x80xi32, #tpu.memory_space<hbm>> -> memref<25x80xi32, #tpu.memory_space<hbm>>
        tpu.wait_dma2 semaphore(%run_scoped3A : memref<!tpu.dma_semaphore, #tpu.memory_space<semaphore_mem>>) src(%dma_wait3A_1046 : memref<25x80xi32, #tpu.memory_space<hbm>>) dst(%arg5 : memref<25x80xi32, #tpu.memory_space<vmem>>)
        tpu.yield
      }) : () -> ()
      %add3A_34 = arith.constant 80000 : i32
      %add3A_35 = arith.addi %add3A_34, %select_n3A : i32
      "tpu.region"() ({
        %run_scoped3A = tpu.sem_alloc : memref<!tpu.dma_semaphore, #tpu.memory_space<semaphore_mem>>
        %dma_start3A_1039 = arith.constant 0 : i32
        %dma_start3A_1040 = tpu.memref_slice %arg3[%add3A_35, %dma_start3A_1039] : memref<160000x80xi32, #tpu.memory_space<hbm>> -> memref<25x80xi32, #tpu.memory_space<hbm>>
        %dma_start3A_1041 = arith.constant 0 : i32
        %dma_start3A_1042 = tpu.memref_slice %arg3[%add3A_35, %dma_start3A_1041] : memref<160000x80xi32, #tpu.memory_space<hbm>> -> memref<25x80xi32, #tpu.memory_space<hbm>>
        tpu.enqueue_dma source(%dma_start3A_1042 : memref<25x80xi32, #tpu.memory_space<hbm>>) target(%arg6 : memref<25x80xi32, #tpu.memory_space<vmem>>) target_semaphore(%run_scoped3A : memref<!tpu.dma_semaphore, #tpu.memory_space<semaphore_mem>>)
        %dma_wait3A_1043 = arith.constant 0 : i32
        %dma_wait3A_1044 = tpu.memref_slice %arg3[%add3A_35, %dma_wait3A_1043] : memref<160000x80xi32, #tpu.memory_space<hbm>> -> memref<25x80xi32, #tpu.memory_space<hbm>>
        %dma_wait3A_1045 = arith.constant 0 : i32
        %dma_wait3A_1046 = tpu.memref_slice %arg3[%add3A_35, %dma_wait3A_1045] : memref<160000x80xi32, #tpu.memory_space<hbm>> -> memref<25x80xi32, #tpu.memory_space<hbm>>
        tpu.wait_dma2 semaphore(%run_scoped3A : memref<!tpu.dma_semaphore, #tpu.memory_space<semaphore_mem>>) src(%dma_wait3A_1046 : memref<25x80xi32, #tpu.memory_space<hbm>>) dst(%arg6 : memref<25x80xi32, #tpu.memory_space<vmem>>)
        tpu.yield
      }) : () -> ()
      %dma_start3A = arith.constant 0 : i32
      %dma_start3A_36 = arith.constant 0 : i32
      %dma_start3A_37 = arith.constant 0 : i32
      %dma_start3A_38 = tpu.memref_slice %arg7[%dma_start3A_36, %dma_start3A_37] : memref<2000x16xf32, #tpu.memory_space<vmem>> -> memref<80x16xf32, #tpu.memory_space<vmem>>
      %dma_start3A_39 = arith.constant 0 : i32
      %dma_start3A_40 = tpu.memref_slice %arg5[%dma_start3A, %dma_start3A_39] : memref<25x80xi32, #tpu.memory_space<vmem>> -> memref<1x80xi32, #tpu.memory_space<vmem>>
      %dma_start3A_41 = tpu.memref_squeeze %dma_start3A_40 : memref<1x80xi32, #tpu.memory_space<vmem>> -> memref<80xi32, #tpu.memory_space<vmem>>
      %dma_start3A_42 = arith.constant 0 : i32
      %dma_start3A_43 = arith.constant 0 : i32
      %dma_start3A_44 = tpu.memref_slice %arg2[%dma_start3A_42, %dma_start3A_43] : memref<3200000x16xf32, #tpu.memory_space<hbm>> -> memref<3200000x16xf32, #tpu.memory_space<hbm>>
      tpu.enqueue_indirect_dma source(%dma_start3A_44 : memref<3200000x16xf32, #tpu.memory_space<hbm>>) target(%dma_start3A_38 : memref<80x16xf32, #tpu.memory_space<vmem>>) offsets(%dma_start3A_41 : memref<80xi32, #tpu.memory_space<vmem>>) semaphore(%arg10 : memref<!tpu.dma_semaphore, #tpu.memory_space<semaphore_mem>>)
      %dma_start3A_45 = arith.constant 1 : i32
      %dma_start3A_46 = arith.constant 80 : i32
      %dma_start3A_47 = arith.constant 0 : i32
      %dma_start3A_48 = tpu.memref_slice %arg7[%dma_start3A_46, %dma_start3A_47] : memref<2000x16xf32, #tpu.memory_space<vmem>> -> memref<80x16xf32, #tpu.memory_space<vmem>>
      %dma_start3A_49 = arith.constant 0 : i32
      %dma_start3A_50 = tpu.memref_slice %arg5[%dma_start3A_45, %dma_start3A_49] : memref<25x80xi32, #tpu.memory_space<vmem>> -> memref<1x80xi32, #tpu.memory_space<vmem>>
      %dma_start3A_51 = tpu.memref_squeeze %dma_start3A_50 : memref<1x80xi32, #tpu.memory_space<vmem>> -> memref<80xi32, #tpu.memory_space<vmem>>
      %dma_start3A_52 = arith.constant 0 : i32
      %dma_start3A_53 = arith.constant 0 : i32
      %dma_start3A_54 = tpu.memref_slice %arg2[%dma_start3A_52, %dma_start3A_53] : memref<3200000x16xf32, #tpu.memory_space<hbm>> -> memref<3200000x16xf32, #tpu.memory_space<hbm>>
      tpu.enqueue_indirect_dma source(%dma_start3A_54 : memref<3200000x16xf32, #tpu.memory_space<hbm>>) target(%dma_start3A_48 : memref<80x16xf32, #tpu.memory_space<vmem>>) offsets(%dma_start3A_51 : memref<80xi32, #tpu.memory_space<vmem>>) semaphore(%arg10 : memref<!tpu.dma_semaphore, #tpu.memory_space<semaphore_mem>>)
      %dma_start3A_55 = arith.constant 2 : i32
      %dma_start3A_56 = arith.constant 160 : i32
      %dma_start3A_57 = arith.constant 0 : i32
      %dma_start3A_58 = tpu.memref_slice %arg7[%dma_start3A_56, %dma_start3A_57] : memref<2000x16xf32, #tpu.memory_space<vmem>> -> memref<80x16xf32, #tpu.memory_space<vmem>>
      %dma_start3A_59 = arith.constant 0 : i32
      %dma_start3A_60 = tpu.memref_slice %arg5[%dma_start3A_55, %dma_start3A_59] : memref<25x80xi32, #tpu.memory_space<vmem>> -> memref<1x80xi32, #tpu.memory_space<vmem>>
      %dma_start3A_61 = tpu.memref_squeeze %dma_start3A_60 : memref<1x80xi32, #tpu.memory_space<vmem>> -> memref<80xi32, #tpu.memory_space<vmem>>
      %dma_start3A_62 = arith.constant 0 : i32
      %dma_start3A_63 = arith.constant 0 : i32
      %dma_start3A_64 = tpu.memref_slice %arg2[%dma_start3A_62, %dma_start3A_63] : memref<3200000x16xf32, #tpu.memory_space<hbm>> -> memref<3200000x16xf32, #tpu.memory_space<hbm>>
      tpu.enqueue_indirect_dma source(%dma_start3A_64 : memref<3200000x16xf32, #tpu.memory_space<hbm>>) target(%dma_start3A_58 : memref<80x16xf32, #tpu.memory_space<vmem>>) offsets(%dma_start3A_61 : memref<80xi32, #tpu.memory_space<vmem>>) semaphore(%arg10 : memref<!tpu.dma_semaphore, #tpu.memory_space<semaphore_mem>>)
      %dma_start3A_65 = arith.constant 3 : i32
      %dma_start3A_66 = arith.constant 240 : i32
      %dma_start3A_67 = arith.constant 0 : i32
      %dma_start3A_68 = tpu.memref_slice %arg7[%dma_start3A_66, %dma_start3A_67] : memref<2000x16xf32, #tpu.memory_space<vmem>> -> memref<80x16xf32, #tpu.memory_space<vmem>>
      %dma_start3A_69 = arith.constant 0 : i32
      %dma_start3A_70 = tpu.memref_slice %arg5[%dma_start3A_65, %dma_start3A_69] : memref<25x80xi32, #tpu.memory_space<vmem>> -> memref<1x80xi32, #tpu.memory_space<vmem>>
      %dma_start3A_71 = tpu.memref_squeeze %dma_start3A_70 : memref<1x80xi32, #tpu.memory_space<vmem>> -> memref<80xi32, #tpu.memory_space<vmem>>
      %dma_start3A_72 = arith.constant 0 : i32
      %dma_start3A_73 = arith.constant 0 : i32
      %dma_start3A_74 = tpu.memref_slice %arg2[%dma_start3A_72, %dma_start3A_73] : memref<3200000x16xf32, #tpu.memory_space<hbm>> -> memref<3200000x16xf32, #tpu.memory_space<hbm>>
      tpu.enqueue_indirect_dma source(%dma_start3A_74 : memref<3200000x16xf32, #tpu.memory_space<hbm>>) target(%dma_start3A_68 : memref<80x16xf32, #tpu.memory_space<vmem>>) offsets(%dma_start3A_71 : memref<80xi32, #tpu.memory_space<vmem>>) semaphore(%arg10 : memref<!tpu.dma_semaphore, #tpu.memory_space<semaphore_mem>>)
      %dma_start3A_75 = arith.constant 4 : i32
      %dma_start3A_76 = arith.constant 320 : i32
      %dma_start3A_77 = arith.constant 0 : i32
      %dma_start3A_78 = tpu.memref_slice %arg7[%dma_start3A_76, %dma_start3A_77] : memref<2000x16xf32, #tpu.memory_space<vmem>> -> memref<80x16xf32, #tpu.memory_space<vmem>>
      %dma_start3A_79 = arith.constant 0 : i32
      %dma_start3A_80 = tpu.memref_slice %arg5[%dma_start3A_75, %dma_start3A_79] : memref<25x80xi32, #tpu.memory_space<vmem>> -> memref<1x80xi32, #tpu.memory_space<vmem>>
      %dma_start3A_81 = tpu.memref_squeeze %dma_start3A_80 : memref<1x80xi32, #tpu.memory_space<vmem>> -> memref<80xi32, #tpu.memory_space<vmem>>
      %dma_start3A_82 = arith.constant 0 : i32
      %dma_start3A_83 = arith.constant 0 : i32
      %dma_start3A_84 = tpu.memref_slice %arg2[%dma_start3A_82, %dma_start3A_83] : memref<3200000x16xf32, #tpu.memory_space<hbm>> -> memref<3200000x16xf32, #tpu.memory_space<hbm>>
      tpu.enqueue_indirect_dma source(%dma_start3A_84 : memref<3200000x16xf32, #tpu.memory_space<hbm>>) target(%dma_start3A_78 : memref<80x16xf32, #tpu.memory_space<vmem>>) offsets(%dma_start3A_81 : memref<80xi32, #tpu.memory_space<vmem>>) semaphore(%arg10 : memref<!tpu.dma_semaphore, #tpu.memory_space<semaphore_mem>>)
      %dma_start3A_85 = arith.constant 5 : i32
      %dma_start3A_86 = arith.constant 400 : i32
      %dma_start3A_87 = arith.constant 0 : i32
      %dma_start3A_88 = tpu.memref_slice %arg7[%dma_start3A_86, %dma_start3A_87] : memref<2000x16xf32, #tpu.memory_space<vmem>> -> memref<80x16xf32, #tpu.memory_space<vmem>>
      %dma_start3A_89 = arith.constant 0 : i32
      %dma_start3A_90 = tpu.memref_slice %arg5[%dma_start3A_85, %dma_start3A_89] : memref<25x80xi32, #tpu.memory_space<vmem>> -> memref<1x80xi32, #tpu.memory_space<vmem>>
      %dma_start3A_91 = tpu.memref_squeeze %dma_start3A_90 : memref<1x80xi32, #tpu.memory_space<vmem>> -> memref<80xi32, #tpu.memory_space<vmem>>
      %dma_start3A_92 = arith.constant 0 : i32
      %dma_start3A_93 = arith.constant 0 : i32
      %dma_start3A_94 = tpu.memref_slice %arg2[%dma_start3A_92, %dma_start3A_93] : memref<3200000x16xf32, #tpu.memory_space<hbm>> -> memref<3200000x16xf32, #tpu.memory_space<hbm>>
      tpu.enqueue_indirect_dma source(%dma_start3A_94 : memref<3200000x16xf32, #tpu.memory_space<hbm>>) target(%dma_start3A_88 : memref<80x16xf32, #tpu.memory_space<vmem>>) offsets(%dma_start3A_91 : memref<80xi32, #tpu.memory_space<vmem>>) semaphore(%arg10 : memref<!tpu.dma_semaphore, #tpu.memory_space<semaphore_mem>>)
      %dma_start3A_95 = arith.constant 6 : i32
      %dma_start3A_96 = arith.constant 480 : i32
      %dma_start3A_97 = arith.constant 0 : i32
      %dma_start3A_98 = tpu.memref_slice %arg7[%dma_start3A_96, %dma_start3A_97] : memref<2000x16xf32, #tpu.memory_space<vmem>> -> memref<80x16xf32, #tpu.memory_space<vmem>>
      %dma_start3A_99 = arith.constant 0 : i32
      %dma_start3A_100 = tpu.memref_slice %arg5[%dma_start3A_95, %dma_start3A_99] : memref<25x80xi32, #tpu.memory_space<vmem>> -> memref<1x80xi32, #tpu.memory_space<vmem>>
      %dma_start3A_101 = tpu.memref_squeeze %dma_start3A_100 : memref<1x80xi32, #tpu.memory_space<vmem>> -> memref<80xi32, #tpu.memory_space<vmem>>
      %dma_start3A_102 = arith.constant 0 : i32
      %dma_start3A_103 = arith.constant 0 : i32
      %dma_start3A_104 = tpu.memref_slice %arg2[%dma_start3A_102, %dma_start3A_103] : memref<3200000x16xf32, #tpu.memory_space<hbm>> -> memref<3200000x16xf32, #tpu.memory_space<hbm>>
      tpu.enqueue_indirect_dma source(%dma_start3A_104 : memref<3200000x16xf32, #tpu.memory_space<hbm>>) target(%dma_start3A_98 : memref<80x16xf32, #tpu.memory_space<vmem>>) offsets(%dma_start3A_101 : memref<80xi32, #tpu.memory_space<vmem>>) semaphore(%arg10 : memref<!tpu.dma_semaphore, #tpu.memory_space<semaphore_mem>>)
      %dma_start3A_105 = arith.constant 7 : i32
      %dma_start3A_106 = arith.constant 560 : i32
      %dma_start3A_107 = arith.constant 0 : i32
      %dma_start3A_108 = tpu.memref_slice %arg7[%dma_start3A_106, %dma_start3A_107] : memref<2000x16xf32, #tpu.memory_space<vmem>> -> memref<80x16xf32, #tpu.memory_space<vmem>>
      %dma_start3A_109 = arith.constant 0 : i32
      %dma_start3A_110 = tpu.memref_slice %arg5[%dma_start3A_105, %dma_start3A_109] : memref<25x80xi32, #tpu.memory_space<vmem>> -> memref<1x80xi32, #tpu.memory_space<vmem>>
      %dma_start3A_111 = tpu.memref_squeeze %dma_start3A_110 : memref<1x80xi32, #tpu.memory_space<vmem>> -> memref<80xi32, #tpu.memory_space<vmem>>
      %dma_start3A_112 = arith.constant 0 : i32
      %dma_start3A_113 = arith.constant 0 : i32
      %dma_start3A_114 = tpu.memref_slice %arg2[%dma_start3A_112, %dma_start3A_113] : memref<3200000x16xf32, #tpu.memory_space<hbm>> -> memref<3200000x16xf32, #tpu.memory_space<hbm>>
      tpu.enqueue_indirect_dma source(%dma_start3A_114 : memref<3200000x16xf32, #tpu.memory_space<hbm>>) target(%dma_start3A_108 : memref<80x16xf32, #tpu.memory_space<vmem>>) offsets(%dma_start3A_111 : memref<80xi32, #tpu.memory_space<vmem>>) semaphore(%arg10 : memref<!tpu.dma_semaphore, #tpu.memory_space<semaphore_mem>>)
      %dma_start3A_115 = arith.constant 8 : i32
      %dma_start3A_116 = arith.constant 640 : i32
      %dma_start3A_117 = arith.constant 0 : i32
      %dma_start3A_118 = tpu.memref_slice %arg7[%dma_start3A_116, %dma_start3A_117] : memref<2000x16xf32, #tpu.memory_space<vmem>> -> memref<80x16xf32, #tpu.memory_space<vmem>>
      %dma_start3A_119 = arith.constant 0 : i32
      %dma_start3A_120 = tpu.memref_slice %arg5[%dma_start3A_115, %dma_start3A_119] : memref<25x80xi32, #tpu.memory_space<vmem>> -> memref<1x80xi32, #tpu.memory_space<vmem>>
      %dma_start3A_121 = tpu.memref_squeeze %dma_start3A_120 : memref<1x80xi32, #tpu.memory_space<vmem>> -> memref<80xi32, #tpu.memory_space<vmem>>
      %dma_start3A_122 = arith.constant 0 : i32
      %dma_start3A_123 = arith.constant 0 : i32
      %dma_start3A_124 = tpu.memref_slice %arg2[%dma_start3A_122, %dma_start3A_123] : memref<3200000x16xf32, #tpu.memory_space<hbm>> -> memref<3200000x16xf32, #tpu.memory_space<hbm>>
      tpu.enqueue_indirect_dma source(%dma_start3A_124 : memref<3200000x16xf32, #tpu.memory_space<hbm>>) target(%dma_start3A_118 : memref<80x16xf32, #tpu.memory_space<vmem>>) offsets(%dma_start3A_121 : memref<80xi32, #tpu.memory_space<vmem>>) semaphore(%arg10 : memref<!tpu.dma_semaphore, #tpu.memory_space<semaphore_mem>>)
      %dma_start3A_125 = arith.constant 9 : i32
      %dma_start3A_126 = arith.constant 720 : i32
      %dma_start3A_127 = arith.constant 0 : i32
      %dma_start3A_128 = tpu.memref_slice %arg7[%dma_start3A_126, %dma_start3A_127] : memref<2000x16xf32, #tpu.memory_space<vmem>> -> memref<80x16xf32, #tpu.memory_space<vmem>>
      %dma_start3A_129 = arith.constant 0 : i32
      %dma_start3A_130 = tpu.memref_slice %arg5[%dma_start3A_125, %dma_start3A_129] : memref<25x80xi32, #tpu.memory_space<vmem>> -> memref<1x80xi32, #tpu.memory_space<vmem>>
      %dma_start3A_131 = tpu.memref_squeeze %dma_start3A_130 : memref<1x80xi32, #tpu.memory_space<vmem>> -> memref<80xi32, #tpu.memory_space<vmem>>
      %dma_start3A_132 = arith.constant 0 : i32
      %dma_start3A_133 = arith.constant 0 : i32
      %dma_start3A_134 = tpu.memref_slice %arg2[%dma_start3A_132, %dma_start3A_133] : memref<3200000x16xf32, #tpu.memory_space<hbm>> -> memref<3200000x16xf32, #tpu.memory_space<hbm>>
      tpu.enqueue_indirect_dma source(%dma_start3A_134 : memref<3200000x16xf32, #tpu.memory_space<hbm>>) target(%dma_start3A_128 : memref<80x16xf32, #tpu.memory_space<vmem>>) offsets(%dma_start3A_131 : memref<80xi32, #tpu.memory_space<vmem>>) semaphore(%arg10 : memref<!tpu.dma_semaphore, #tpu.memory_space<semaphore_mem>>)
      %dma_start3A_135 = arith.constant 10 : i32
      %dma_start3A_136 = arith.constant 800 : i32
      %dma_start3A_137 = arith.constant 0 : i32
      %dma_start3A_138 = tpu.memref_slice %arg7[%dma_start3A_136, %dma_start3A_137] : memref<2000x16xf32, #tpu.memory_space<vmem>> -> memref<80x16xf32, #tpu.memory_space<vmem>>
      %dma_start3A_139 = arith.constant 0 : i32
      %dma_start3A_140 = tpu.memref_slice %arg5[%dma_start3A_135, %dma_start3A_139] : memref<25x80xi32, #tpu.memory_space<vmem>> -> memref<1x80xi32, #tpu.memory_space<vmem>>
      %dma_start3A_141 = tpu.memref_squeeze %dma_start3A_140 : memref<1x80xi32, #tpu.memory_space<vmem>> -> memref<80xi32, #tpu.memory_space<vmem>>
      %dma_start3A_142 = arith.constant 0 : i32
      %dma_start3A_143 = arith.constant 0 : i32
      %dma_start3A_144 = tpu.memref_slice %arg2[%dma_start3A_142, %dma_start3A_143] : memref<3200000x16xf32, #tpu.memory_space<hbm>> -> memref<3200000x16xf32, #tpu.memory_space<hbm>>
      tpu.enqueue_indirect_dma source(%dma_start3A_144 : memref<3200000x16xf32, #tpu.memory_space<hbm>>) target(%dma_start3A_138 : memref<80x16xf32, #tpu.memory_space<vmem>>) offsets(%dma_start3A_141 : memref<80xi32, #tpu.memory_space<vmem>>) semaphore(%arg10 : memref<!tpu.dma_semaphore, #tpu.memory_space<semaphore_mem>>)
      %dma_start3A_145 = arith.constant 11 : i32
      %dma_start3A_146 = arith.constant 880 : i32
      %dma_start3A_147 = arith.constant 0 : i32
      %dma_start3A_148 = tpu.memref_slice %arg7[%dma_start3A_146, %dma_start3A_147] : memref<2000x16xf32, #tpu.memory_space<vmem>> -> memref<80x16xf32, #tpu.memory_space<vmem>>
      %dma_start3A_149 = arith.constant 0 : i32
      %dma_start3A_150 = tpu.memref_slice %arg5[%dma_start3A_145, %dma_start3A_149] : memref<25x80xi32, #tpu.memory_space<vmem>> -> memref<1x80xi32, #tpu.memory_space<vmem>>
      %dma_start3A_151 = tpu.memref_squeeze %dma_start3A_150 : memref<1x80xi32, #tpu.memory_space<vmem>> -> memref<80xi32, #tpu.memory_space<vmem>>
      %dma_start3A_152 = arith.constant 0 : i32
      %dma_start3A_153 = arith.constant 0 : i32
      %dma_start3A_154 = tpu.memref_slice %arg2[%dma_start3A_152, %dma_start3A_153] : memref<3200000x16xf32, #tpu.memory_space<hbm>> -> memref<3200000x16xf32, #tpu.memory_space<hbm>>
      tpu.enqueue_indirect_dma source(%dma_start3A_154 : memref<3200000x16xf32, #tpu.memory_space<hbm>>) target(%dma_start3A_148 : memref<80x16xf32, #tpu.memory_space<vmem>>) offsets(%dma_start3A_151 : memref<80xi32, #tpu.memory_space<vmem>>) semaphore(%arg10 : memref<!tpu.dma_semaphore, #tpu.memory_space<semaphore_mem>>)
      %dma_start3A_155 = arith.constant 12 : i32
      %dma_start3A_156 = arith.constant 960 : i32
      %dma_start3A_157 = arith.constant 0 : i32
      %dma_start3A_158 = tpu.memref_slice %arg7[%dma_start3A_156, %dma_start3A_157] : memref<2000x16xf32, #tpu.memory_space<vmem>> -> memref<80x16xf32, #tpu.memory_space<vmem>>
      %dma_start3A_159 = arith.constant 0 : i32
      %dma_start3A_160 = tpu.memref_slice %arg5[%dma_start3A_155, %dma_start3A_159] : memref<25x80xi32, #tpu.memory_space<vmem>> -> memref<1x80xi32, #tpu.memory_space<vmem>>
      %dma_start3A_161 = tpu.memref_squeeze %dma_start3A_160 : memref<1x80xi32, #tpu.memory_space<vmem>> -> memref<80xi32, #tpu.memory_space<vmem>>
      %dma_start3A_162 = arith.constant 0 : i32
      %dma_start3A_163 = arith.constant 0 : i32
      %dma_start3A_164 = tpu.memref_slice %arg2[%dma_start3A_162, %dma_start3A_163] : memref<3200000x16xf32, #tpu.memory_space<hbm>> -> memref<3200000x16xf32, #tpu.memory_space<hbm>>
      tpu.enqueue_indirect_dma source(%dma_start3A_164 : memref<3200000x16xf32, #tpu.memory_space<hbm>>) target(%dma_start3A_158 : memref<80x16xf32, #tpu.memory_space<vmem>>) offsets(%dma_start3A_161 : memref<80xi32, #tpu.memory_space<vmem>>) semaphore(%arg10 : memref<!tpu.dma_semaphore, #tpu.memory_space<semaphore_mem>>)
      %dma_start3A_165 = arith.constant 13 : i32
      %dma_start3A_166 = arith.constant 1040 : i32
      %dma_start3A_167 = arith.constant 0 : i32
      %dma_start3A_168 = tpu.memref_slice %arg7[%dma_start3A_166, %dma_start3A_167] : memref<2000x16xf32, #tpu.memory_space<vmem>> -> memref<80x16xf32, #tpu.memory_space<vmem>>
      %dma_start3A_169 = arith.constant 0 : i32
      %dma_start3A_170 = tpu.memref_slice %arg5[%dma_start3A_165, %dma_start3A_169] : memref<25x80xi32, #tpu.memory_space<vmem>> -> memref<1x80xi32, #tpu.memory_space<vmem>>
      %dma_start3A_171 = tpu.memref_squeeze %dma_start3A_170 : memref<1x80xi32, #tpu.memory_space<vmem>> -> memref<80xi32, #tpu.memory_space<vmem>>
      %dma_start3A_172 = arith.constant 0 : i32
      %dma_start3A_173 = arith.constant 0 : i32
      %dma_start3A_174 = tpu.memref_slice %arg2[%dma_start3A_172, %dma_start3A_173] : memref<3200000x16xf32, #tpu.memory_space<hbm>> -> memref<3200000x16xf32, #tpu.memory_space<hbm>>
      tpu.enqueue_indirect_dma source(%dma_start3A_174 : memref<3200000x16xf32, #tpu.memory_space<hbm>>) target(%dma_start3A_168 : memref<80x16xf32, #tpu.memory_space<vmem>>) offsets(%dma_start3A_171 : memref<80xi32, #tpu.memory_space<vmem>>) semaphore(%arg10 : memref<!tpu.dma_semaphore, #tpu.memory_space<semaphore_mem>>)
      %dma_start3A_175 = arith.constant 14 : i32
      %dma_start3A_176 = arith.constant 1120 : i32
      %dma_start3A_177 = arith.constant 0 : i32
      %dma_start3A_178 = tpu.memref_slice %arg7[%dma_start3A_176, %dma_start3A_177] : memref<2000x16xf32, #tpu.memory_space<vmem>> -> memref<80x16xf32, #tpu.memory_space<vmem>>
      %dma_start3A_179 = arith.constant 0 : i32
      %dma_start3A_180 = tpu.memref_slice %arg5[%dma_start3A_175, %dma_start3A_179] : memref<25x80xi32, #tpu.memory_space<vmem>> -> memref<1x80xi32, #tpu.memory_space<vmem>>
      %dma_start3A_181 = tpu.memref_squeeze %dma_start3A_180 : memref<1x80xi32, #tpu.memory_space<vmem>> -> memref<80xi32, #tpu.memory_space<vmem>>
      %dma_start3A_182 = arith.constant 0 : i32
      %dma_start3A_183 = arith.constant 0 : i32
      %dma_start3A_184 = tpu.memref_slice %arg2[%dma_start3A_182, %dma_start3A_183] : memref<3200000x16xf32, #tpu.memory_space<hbm>> -> memref<3200000x16xf32, #tpu.memory_space<hbm>>
      tpu.enqueue_indirect_dma source(%dma_start3A_184 : memref<3200000x16xf32, #tpu.memory_space<hbm>>) target(%dma_start3A_178 : memref<80x16xf32, #tpu.memory_space<vmem>>) offsets(%dma_start3A_181 : memref<80xi32, #tpu.memory_space<vmem>>) semaphore(%arg10 : memref<!tpu.dma_semaphore, #tpu.memory_space<semaphore_mem>>)
      %dma_start3A_185 = arith.constant 15 : i32
      %dma_start3A_186 = arith.constant 1200 : i32
      %dma_start3A_187 = arith.constant 0 : i32
      %dma_start3A_188 = tpu.memref_slice %arg7[%dma_start3A_186, %dma_start3A_187] : memref<2000x16xf32, #tpu.memory_space<vmem>> -> memref<80x16xf32, #tpu.memory_space<vmem>>
      %dma_start3A_189 = arith.constant 0 : i32
      %dma_start3A_190 = tpu.memref_slice %arg5[%dma_start3A_185, %dma_start3A_189] : memref<25x80xi32, #tpu.memory_space<vmem>> -> memref<1x80xi32, #tpu.memory_space<vmem>>
      %dma_start3A_191 = tpu.memref_squeeze %dma_start3A_190 : memref<1x80xi32, #tpu.memory_space<vmem>> -> memref<80xi32, #tpu.memory_space<vmem>>
      %dma_start3A_192 = arith.constant 0 : i32
      %dma_start3A_193 = arith.constant 0 : i32
      %dma_start3A_194 = tpu.memref_slice %arg2[%dma_start3A_192, %dma_start3A_193] : memref<3200000x16xf32, #tpu.memory_space<hbm>> -> memref<3200000x16xf32, #tpu.memory_space<hbm>>
      tpu.enqueue_indirect_dma source(%dma_start3A_194 : memref<3200000x16xf32, #tpu.memory_space<hbm>>) target(%dma_start3A_188 : memref<80x16xf32, #tpu.memory_space<vmem>>) offsets(%dma_start3A_191 : memref<80xi32, #tpu.memory_space<vmem>>) semaphore(%arg10 : memref<!tpu.dma_semaphore, #tpu.memory_space<semaphore_mem>>)
      %dma_start3A_195 = arith.constant 16 : i32
      %dma_start3A_196 = arith.constant 1280 : i32
      %dma_start3A_197 = arith.constant 0 : i32
      %dma_start3A_198 = tpu.memref_slice %arg7[%dma_start3A_196, %dma_start3A_197] : memref<2000x16xf32, #tpu.memory_space<vmem>> -> memref<80x16xf32, #tpu.memory_space<vmem>>
      %dma_start3A_199 = arith.constant 0 : i32
      %dma_start3A_200 = tpu.memref_slice %arg5[%dma_start3A_195, %dma_start3A_199] : memref<25x80xi32, #tpu.memory_space<vmem>> -> memref<1x80xi32, #tpu.memory_space<vmem>>
      %dma_start3A_201 = tpu.memref_squeeze %dma_start3A_200 : memref<1x80xi32, #tpu.memory_space<vmem>> -> memref<80xi32, #tpu.memory_space<vmem>>
      %dma_start3A_202 = arith.constant 0 : i32
      %dma_start3A_203 = arith.constant 0 : i32
      %dma_start3A_204 = tpu.memref_slice %arg2[%dma_start3A_202, %dma_start3A_203] : memref<3200000x16xf32, #tpu.memory_space<hbm>> -> memref<3200000x16xf32, #tpu.memory_space<hbm>>
      tpu.enqueue_indirect_dma source(%dma_start3A_204 : memref<3200000x16xf32, #tpu.memory_space<hbm>>) target(%dma_start3A_198 : memref<80x16xf32, #tpu.memory_space<vmem>>) offsets(%dma_start3A_201 : memref<80xi32, #tpu.memory_space<vmem>>) semaphore(%arg10 : memref<!tpu.dma_semaphore, #tpu.memory_space<semaphore_mem>>)
      %dma_start3A_205 = arith.constant 17 : i32
      %dma_start3A_206 = arith.constant 1360 : i32
      %dma_start3A_207 = arith.constant 0 : i32
      %dma_start3A_208 = tpu.memref_slice %arg7[%dma_start3A_206, %dma_start3A_207] : memref<2000x16xf32, #tpu.memory_space<vmem>> -> memref<80x16xf32, #tpu.memory_space<vmem>>
      %dma_start3A_209 = arith.constant 0 : i32
      %dma_start3A_210 = tpu.memref_slice %arg5[%dma_start3A_205, %dma_start3A_209] : memref<25x80xi32, #tpu.memory_space<vmem>> -> memref<1x80xi32, #tpu.memory_space<vmem>>
      %dma_start3A_211 = tpu.memref_squeeze %dma_start3A_210 : memref<1x80xi32, #tpu.memory_space<vmem>> -> memref<80xi32, #tpu.memory_space<vmem>>
      %dma_start3A_212 = arith.constant 0 : i32
      %dma_start3A_213 = arith.constant 0 : i32
      %dma_start3A_214 = tpu.memref_slice %arg2[%dma_start3A_212, %dma_start3A_213] : memref<3200000x16xf32, #tpu.memory_space<hbm>> -> memref<3200000x16xf32, #tpu.memory_space<hbm>>
      tpu.enqueue_indirect_dma source(%dma_start3A_214 : memref<3200000x16xf32, #tpu.memory_space<hbm>>) target(%dma_start3A_208 : memref<80x16xf32, #tpu.memory_space<vmem>>) offsets(%dma_start3A_211 : memref<80xi32, #tpu.memory_space<vmem>>) semaphore(%arg10 : memref<!tpu.dma_semaphore, #tpu.memory_space<semaphore_mem>>)
      %dma_start3A_215 = arith.constant 18 : i32
      %dma_start3A_216 = arith.constant 1440 : i32
      %dma_start3A_217 = arith.constant 0 : i32
      %dma_start3A_218 = tpu.memref_slice %arg7[%dma_start3A_216, %dma_start3A_217] : memref<2000x16xf32, #tpu.memory_space<vmem>> -> memref<80x16xf32, #tpu.memory_space<vmem>>
      %dma_start3A_219 = arith.constant 0 : i32
      %dma_start3A_220 = tpu.memref_slice %arg5[%dma_start3A_215, %dma_start3A_219] : memref<25x80xi32, #tpu.memory_space<vmem>> -> memref<1x80xi32, #tpu.memory_space<vmem>>
      %dma_start3A_221 = tpu.memref_squeeze %dma_start3A_220 : memref<1x80xi32, #tpu.memory_space<vmem>> -> memref<80xi32, #tpu.memory_space<vmem>>
      %dma_start3A_222 = arith.constant 0 : i32
      %dma_start3A_223 = arith.constant 0 : i32
      %dma_start3A_224 = tpu.memref_slice %arg2[%dma_start3A_222, %dma_start3A_223] : memref<3200000x16xf32, #tpu.memory_space<hbm>> -> memref<3200000x16xf32, #tpu.memory_space<hbm>>
      tpu.enqueue_indirect_dma source(%dma_start3A_224 : memref<3200000x16xf32, #tpu.memory_space<hbm>>) target(%dma_start3A_218 : memref<80x16xf32, #tpu.memory_space<vmem>>) offsets(%dma_start3A_221 : memref<80xi32, #tpu.memory_space<vmem>>) semaphore(%arg10 : memref<!tpu.dma_semaphore, #tpu.memory_space<semaphore_mem>>)
      %dma_start3A_225 = arith.constant 19 : i32
      %dma_start3A_226 = arith.constant 1520 : i32
      %dma_start3A_227 = arith.constant 0 : i32
      %dma_start3A_228 = tpu.memref_slice %arg7[%dma_start3A_226, %dma_start3A_227] : memref<2000x16xf32, #tpu.memory_space<vmem>> -> memref<80x16xf32, #tpu.memory_space<vmem>>
      %dma_start3A_229 = arith.constant 0 : i32
      %dma_start3A_230 = tpu.memref_slice %arg5[%dma_start3A_225, %dma_start3A_229] : memref<25x80xi32, #tpu.memory_space<vmem>> -> memref<1x80xi32, #tpu.memory_space<vmem>>
      %dma_start3A_231 = tpu.memref_squeeze %dma_start3A_230 : memref<1x80xi32, #tpu.memory_space<vmem>> -> memref<80xi32, #tpu.memory_space<vmem>>
      %dma_start3A_232 = arith.constant 0 : i32
      %dma_start3A_233 = arith.constant 0 : i32
      %dma_start3A_234 = tpu.memref_slice %arg2[%dma_start3A_232, %dma_start3A_233] : memref<3200000x16xf32, #tpu.memory_space<hbm>> -> memref<3200000x16xf32, #tpu.memory_space<hbm>>
      tpu.enqueue_indirect_dma source(%dma_start3A_234 : memref<3200000x16xf32, #tpu.memory_space<hbm>>) target(%dma_start3A_228 : memref<80x16xf32, #tpu.memory_space<vmem>>) offsets(%dma_start3A_231 : memref<80xi32, #tpu.memory_space<vmem>>) semaphore(%arg10 : memref<!tpu.dma_semaphore, #tpu.memory_space<semaphore_mem>>)
      %dma_start3A_235 = arith.constant 20 : i32
      %dma_start3A_236 = arith.constant 1600 : i32
      %dma_start3A_237 = arith.constant 0 : i32
      %dma_start3A_238 = tpu.memref_slice %arg7[%dma_start3A_236, %dma_start3A_237] : memref<2000x16xf32, #tpu.memory_space<vmem>> -> memref<80x16xf32, #tpu.memory_space<vmem>>
      %dma_start3A_239 = arith.constant 0 : i32
      %dma_start3A_240 = tpu.memref_slice %arg5[%dma_start3A_235, %dma_start3A_239] : memref<25x80xi32, #tpu.memory_space<vmem>> -> memref<1x80xi32, #tpu.memory_space<vmem>>
      %dma_start3A_241 = tpu.memref_squeeze %dma_start3A_240 : memref<1x80xi32, #tpu.memory_space<vmem>> -> memref<80xi32, #tpu.memory_space<vmem>>
      %dma_start3A_242 = arith.constant 0 : i32
      %dma_start3A_243 = arith.constant 0 : i32
      %dma_start3A_244 = tpu.memref_slice %arg2[%dma_start3A_242, %dma_start3A_243] : memref<3200000x16xf32, #tpu.memory_space<hbm>> -> memref<3200000x16xf32, #tpu.memory_space<hbm>>
      tpu.enqueue_indirect_dma source(%dma_start3A_244 : memref<3200000x16xf32, #tpu.memory_space<hbm>>) target(%dma_start3A_238 : memref<80x16xf32, #tpu.memory_space<vmem>>) offsets(%dma_start3A_241 : memref<80xi32, #tpu.memory_space<vmem>>) semaphore(%arg10 : memref<!tpu.dma_semaphore, #tpu.memory_space<semaphore_mem>>)
      %dma_start3A_245 = arith.constant 21 : i32
      %dma_start3A_246 = arith.constant 1680 : i32
      %dma_start3A_247 = arith.constant 0 : i32
      %dma_start3A_248 = tpu.memref_slice %arg7[%dma_start3A_246, %dma_start3A_247] : memref<2000x16xf32, #tpu.memory_space<vmem>> -> memref<80x16xf32, #tpu.memory_space<vmem>>
      %dma_start3A_249 = arith.constant 0 : i32
      %dma_start3A_250 = tpu.memref_slice %arg5[%dma_start3A_245, %dma_start3A_249] : memref<25x80xi32, #tpu.memory_space<vmem>> -> memref<1x80xi32, #tpu.memory_space<vmem>>
      %dma_start3A_251 = tpu.memref_squeeze %dma_start3A_250 : memref<1x80xi32, #tpu.memory_space<vmem>> -> memref<80xi32, #tpu.memory_space<vmem>>
      %dma_start3A_252 = arith.constant 0 : i32
      %dma_start3A_253 = arith.constant 0 : i32
      %dma_start3A_254 = tpu.memref_slice %arg2[%dma_start3A_252, %dma_start3A_253] : memref<3200000x16xf32, #tpu.memory_space<hbm>> -> memref<3200000x16xf32, #tpu.memory_space<hbm>>
      tpu.enqueue_indirect_dma source(%dma_start3A_254 : memref<3200000x16xf32, #tpu.memory_space<hbm>>) target(%dma_start3A_248 : memref<80x16xf32, #tpu.memory_space<vmem>>) offsets(%dma_start3A_251 : memref<80xi32, #tpu.memory_space<vmem>>) semaphore(%arg10 : memref<!tpu.dma_semaphore, #tpu.memory_space<semaphore_mem>>)
      %dma_start3A_255 = arith.constant 22 : i32
      %dma_start3A_256 = arith.constant 1760 : i32
      %dma_start3A_257 = arith.constant 0 : i32
      %dma_start3A_258 = tpu.memref_slice %arg7[%dma_start3A_256, %dma_start3A_257] : memref<2000x16xf32, #tpu.memory_space<vmem>> -> memref<80x16xf32, #tpu.memory_space<vmem>>
      %dma_start3A_259 = arith.constant 0 : i32
      %dma_start3A_260 = tpu.memref_slice %arg5[%dma_start3A_255, %dma_start3A_259] : memref<25x80xi32, #tpu.memory_space<vmem>> -> memref<1x80xi32, #tpu.memory_space<vmem>>
      %dma_start3A_261 = tpu.memref_squeeze %dma_start3A_260 : memref<1x80xi32, #tpu.memory_space<vmem>> -> memref<80xi32, #tpu.memory_space<vmem>>
      %dma_start3A_262 = arith.constant 0 : i32
      %dma_start3A_263 = arith.constant 0 : i32
      %dma_start3A_264 = tpu.memref_slice %arg2[%dma_start3A_262, %dma_start3A_263] : memref<3200000x16xf32, #tpu.memory_space<hbm>> -> memref<3200000x16xf32, #tpu.memory_space<hbm>>
      tpu.enqueue_indirect_dma source(%dma_start3A_264 : memref<3200000x16xf32, #tpu.memory_space<hbm>>) target(%dma_start3A_258 : memref<80x16xf32, #tpu.memory_space<vmem>>) offsets(%dma_start3A_261 : memref<80xi32, #tpu.memory_space<vmem>>) semaphore(%arg10 : memref<!tpu.dma_semaphore, #tpu.memory_space<semaphore_mem>>)
      %dma_start3A_265 = arith.constant 23 : i32
      %dma_start3A_266 = arith.constant 1840 : i32
      %dma_start3A_267 = arith.constant 0 : i32
      %dma_start3A_268 = tpu.memref_slice %arg7[%dma_start3A_266, %dma_start3A_267] : memref<2000x16xf32, #tpu.memory_space<vmem>> -> memref<80x16xf32, #tpu.memory_space<vmem>>
      %dma_start3A_269 = arith.constant 0 : i32
      %dma_start3A_270 = tpu.memref_slice %arg5[%dma_start3A_265, %dma_start3A_269] : memref<25x80xi32, #tpu.memory_space<vmem>> -> memref<1x80xi32, #tpu.memory_space<vmem>>
      %dma_start3A_271 = tpu.memref_squeeze %dma_start3A_270 : memref<1x80xi32, #tpu.memory_space<vmem>> -> memref<80xi32, #tpu.memory_space<vmem>>
      %dma_start3A_272 = arith.constant 0 : i32
      %dma_start3A_273 = arith.constant 0 : i32
      %dma_start3A_274 = tpu.memref_slice %arg2[%dma_start3A_272, %dma_start3A_273] : memref<3200000x16xf32, #tpu.memory_space<hbm>> -> memref<3200000x16xf32, #tpu.memory_space<hbm>>
      tpu.enqueue_indirect_dma source(%dma_start3A_274 : memref<3200000x16xf32, #tpu.memory_space<hbm>>) target(%dma_start3A_268 : memref<80x16xf32, #tpu.memory_space<vmem>>) offsets(%dma_start3A_271 : memref<80xi32, #tpu.memory_space<vmem>>) semaphore(%arg10 : memref<!tpu.dma_semaphore, #tpu.memory_space<semaphore_mem>>)
      %dma_start3A_275 = arith.constant 24 : i32
      %dma_start3A_276 = arith.constant 1920 : i32
      %dma_start3A_277 = arith.constant 0 : i32
      %dma_start3A_278 = tpu.memref_slice %arg7[%dma_start3A_276, %dma_start3A_277] : memref<2000x16xf32, #tpu.memory_space<vmem>> -> memref<80x16xf32, #tpu.memory_space<vmem>>
      %dma_start3A_279 = arith.constant 0 : i32
      %dma_start3A_280 = tpu.memref_slice %arg5[%dma_start3A_275, %dma_start3A_279] : memref<25x80xi32, #tpu.memory_space<vmem>> -> memref<1x80xi32, #tpu.memory_space<vmem>>
      %dma_start3A_281 = tpu.memref_squeeze %dma_start3A_280 : memref<1x80xi32, #tpu.memory_space<vmem>> -> memref<80xi32, #tpu.memory_space<vmem>>
      %dma_start3A_282 = arith.constant 0 : i32
      %dma_start3A_283 = arith.constant 0 : i32
      %dma_start3A_284 = tpu.memref_slice %arg2[%dma_start3A_282, %dma_start3A_283] : memref<3200000x16xf32, #tpu.memory_space<hbm>> -> memref<3200000x16xf32, #tpu.memory_space<hbm>>
      tpu.enqueue_indirect_dma source(%dma_start3A_284 : memref<3200000x16xf32, #tpu.memory_space<hbm>>) target(%dma_start3A_278 : memref<80x16xf32, #tpu.memory_space<vmem>>) offsets(%dma_start3A_281 : memref<80xi32, #tpu.memory_space<vmem>>) semaphore(%arg10 : memref<!tpu.dma_semaphore, #tpu.memory_space<semaphore_mem>>)
      %dma_start3A_285 = arith.constant 0 : i32
      %dma_start3A_286 = arith.constant 0 : i32
      %dma_start3A_287 = arith.constant 0 : i32
      %dma_start3A_288 = tpu.memref_slice %arg8[%dma_start3A_286, %dma_start3A_287] : memref<2000x16xf32, #tpu.memory_space<vmem>> -> memref<80x16xf32, #tpu.memory_space<vmem>>
      %dma_start3A_289 = arith.constant 0 : i32
      %dma_start3A_290 = tpu.memref_slice %arg6[%dma_start3A_285, %dma_start3A_289] : memref<25x80xi32, #tpu.memory_space<vmem>> -> memref<1x80xi32, #tpu.memory_space<vmem>>
      %dma_start3A_291 = tpu.memref_squeeze %dma_start3A_290 : memref<1x80xi32, #tpu.memory_space<vmem>> -> memref<80xi32, #tpu.memory_space<vmem>>
      %dma_start3A_292 = arith.constant 0 : i32
      %dma_start3A_293 = arith.constant 0 : i32
      %dma_start3A_294 = tpu.memref_slice %arg2[%dma_start3A_292, %dma_start3A_293] : memref<3200000x16xf32, #tpu.memory_space<hbm>> -> memref<3200000x16xf32, #tpu.memory_space<hbm>>
      tpu.enqueue_indirect_dma source(%dma_start3A_294 : memref<3200000x16xf32, #tpu.memory_space<hbm>>) target(%dma_start3A_288 : memref<80x16xf32, #tpu.memory_space<vmem>>) offsets(%dma_start3A_291 : memref<80xi32, #tpu.memory_space<vmem>>) semaphore(%arg10 : memref<!tpu.dma_semaphore, #tpu.memory_space<semaphore_mem>>)
      %dma_start3A_295 = arith.constant 1 : i32
      %dma_start3A_296 = arith.constant 80 : i32
      %dma_start3A_297 = arith.constant 0 : i32
      %dma_start3A_298 = tpu.memref_slice %arg8[%dma_start3A_296, %dma_start3A_297] : memref<2000x16xf32, #tpu.memory_space<vmem>> -> memref<80x16xf32, #tpu.memory_space<vmem>>
      %dma_start3A_299 = arith.constant 0 : i32
      %dma_start3A_300 = tpu.memref_slice %arg6[%dma_start3A_295, %dma_start3A_299] : memref<25x80xi32, #tpu.memory_space<vmem>> -> memref<1x80xi32, #tpu.memory_space<vmem>>
      %dma_start3A_301 = tpu.memref_squeeze %dma_start3A_300 : memref<1x80xi32, #tpu.memory_space<vmem>> -> memref<80xi32, #tpu.memory_space<vmem>>
      %dma_start3A_302 = arith.constant 0 : i32
      %dma_start3A_303 = arith.constant 0 : i32
      %dma_start3A_304 = tpu.memref_slice %arg2[%dma_start3A_302, %dma_start3A_303] : memref<3200000x16xf32, #tpu.memory_space<hbm>> -> memref<3200000x16xf32, #tpu.memory_space<hbm>>
      tpu.enqueue_indirect_dma source(%dma_start3A_304 : memref<3200000x16xf32, #tpu.memory_space<hbm>>) target(%dma_start3A_298 : memref<80x16xf32, #tpu.memory_space<vmem>>) offsets(%dma_start3A_301 : memref<80xi32, #tpu.memory_space<vmem>>) semaphore(%arg10 : memref<!tpu.dma_semaphore, #tpu.memory_space<semaphore_mem>>)
      %dma_start3A_305 = arith.constant 2 : i32
      %dma_start3A_306 = arith.constant 160 : i32
      %dma_start3A_307 = arith.constant 0 : i32
      %dma_start3A_308 = tpu.memref_slice %arg8[%dma_start3A_306, %dma_start3A_307] : memref<2000x16xf32, #tpu.memory_space<vmem>> -> memref<80x16xf32, #tpu.memory_space<vmem>>
      %dma_start3A_309 = arith.constant 0 : i32
      %dma_start3A_310 = tpu.memref_slice %arg6[%dma_start3A_305, %dma_start3A_309] : memref<25x80xi32, #tpu.memory_space<vmem>> -> memref<1x80xi32, #tpu.memory_space<vmem>>
      %dma_start3A_311 = tpu.memref_squeeze %dma_start3A_310 : memref<1x80xi32, #tpu.memory_space<vmem>> -> memref<80xi32, #tpu.memory_space<vmem>>
      %dma_start3A_312 = arith.constant 0 : i32
      %dma_start3A_313 = arith.constant 0 : i32
      %dma_start3A_314 = tpu.memref_slice %arg2[%dma_start3A_312, %dma_start3A_313] : memref<3200000x16xf32, #tpu.memory_space<hbm>> -> memref<3200000x16xf32, #tpu.memory_space<hbm>>
      tpu.enqueue_indirect_dma source(%dma_start3A_314 : memref<3200000x16xf32, #tpu.memory_space<hbm>>) target(%dma_start3A_308 : memref<80x16xf32, #tpu.memory_space<vmem>>) offsets(%dma_start3A_311 : memref<80xi32, #tpu.memory_space<vmem>>) semaphore(%arg10 : memref<!tpu.dma_semaphore, #tpu.memory_space<semaphore_mem>>)
      %dma_start3A_315 = arith.constant 3 : i32
      %dma_start3A_316 = arith.constant 240 : i32
      %dma_start3A_317 = arith.constant 0 : i32
      %dma_start3A_318 = tpu.memref_slice %arg8[%dma_start3A_316, %dma_start3A_317] : memref<2000x16xf32, #tpu.memory_space<vmem>> -> memref<80x16xf32, #tpu.memory_space<vmem>>
      %dma_start3A_319 = arith.constant 0 : i32
      %dma_start3A_320 = tpu.memref_slice %arg6[%dma_start3A_315, %dma_start3A_319] : memref<25x80xi32, #tpu.memory_space<vmem>> -> memref<1x80xi32, #tpu.memory_space<vmem>>
      %dma_start3A_321 = tpu.memref_squeeze %dma_start3A_320 : memref<1x80xi32, #tpu.memory_space<vmem>> -> memref<80xi32, #tpu.memory_space<vmem>>
      %dma_start3A_322 = arith.constant 0 : i32
      %dma_start3A_323 = arith.constant 0 : i32
      %dma_start3A_324 = tpu.memref_slice %arg2[%dma_start3A_322, %dma_start3A_323] : memref<3200000x16xf32, #tpu.memory_space<hbm>> -> memref<3200000x16xf32, #tpu.memory_space<hbm>>
      tpu.enqueue_indirect_dma source(%dma_start3A_324 : memref<3200000x16xf32, #tpu.memory_space<hbm>>) target(%dma_start3A_318 : memref<80x16xf32, #tpu.memory_space<vmem>>) offsets(%dma_start3A_321 : memref<80xi32, #tpu.memory_space<vmem>>) semaphore(%arg10 : memref<!tpu.dma_semaphore, #tpu.memory_space<semaphore_mem>>)
      %dma_start3A_325 = arith.constant 4 : i32
      %dma_start3A_326 = arith.constant 320 : i32
      %dma_start3A_327 = arith.constant 0 : i32
      %dma_start3A_328 = tpu.memref_slice %arg8[%dma_start3A_326, %dma_start3A_327] : memref<2000x16xf32, #tpu.memory_space<vmem>> -> memref<80x16xf32, #tpu.memory_space<vmem>>
      %dma_start3A_329 = arith.constant 0 : i32
      %dma_start3A_330 = tpu.memref_slice %arg6[%dma_start3A_325, %dma_start3A_329] : memref<25x80xi32, #tpu.memory_space<vmem>> -> memref<1x80xi32, #tpu.memory_space<vmem>>
      %dma_start3A_331 = tpu.memref_squeeze %dma_start3A_330 : memref<1x80xi32, #tpu.memory_space<vmem>> -> memref<80xi32, #tpu.memory_space<vmem>>
      %dma_start3A_332 = arith.constant 0 : i32
      %dma_start3A_333 = arith.constant 0 : i32
      %dma_start3A_334 = tpu.memref_slice %arg2[%dma_start3A_332, %dma_start3A_333] : memref<3200000x16xf32, #tpu.memory_space<hbm>> -> memref<3200000x16xf32, #tpu.memory_space<hbm>>
      tpu.enqueue_indirect_dma source(%dma_start3A_334 : memref<3200000x16xf32, #tpu.memory_space<hbm>>) target(%dma_start3A_328 : memref<80x16xf32, #tpu.memory_space<vmem>>) offsets(%dma_start3A_331 : memref<80xi32, #tpu.memory_space<vmem>>) semaphore(%arg10 : memref<!tpu.dma_semaphore, #tpu.memory_space<semaphore_mem>>)
      %dma_start3A_335 = arith.constant 5 : i32
      %dma_start3A_336 = arith.constant 400 : i32
      %dma_start3A_337 = arith.constant 0 : i32
      %dma_start3A_338 = tpu.memref_slice %arg8[%dma_start3A_336, %dma_start3A_337] : memref<2000x16xf32, #tpu.memory_space<vmem>> -> memref<80x16xf32, #tpu.memory_space<vmem>>
      %dma_start3A_339 = arith.constant 0 : i32
      %dma_start3A_340 = tpu.memref_slice %arg6[%dma_start3A_335, %dma_start3A_339] : memref<25x80xi32, #tpu.memory_space<vmem>> -> memref<1x80xi32, #tpu.memory_space<vmem>>
      %dma_start3A_341 = tpu.memref_squeeze %dma_start3A_340 : memref<1x80xi32, #tpu.memory_space<vmem>> -> memref<80xi32, #tpu.memory_space<vmem>>
      %dma_start3A_342 = arith.constant 0 : i32
      %dma_start3A_343 = arith.constant 0 : i32
      %dma_start3A_344 = tpu.memref_slice %arg2[%dma_start3A_342, %dma_start3A_343] : memref<3200000x16xf32, #tpu.memory_space<hbm>> -> memref<3200000x16xf32, #tpu.memory_space<hbm>>
      tpu.enqueue_indirect_dma source(%dma_start3A_344 : memref<3200000x16xf32, #tpu.memory_space<hbm>>) target(%dma_start3A_338 : memref<80x16xf32, #tpu.memory_space<vmem>>) offsets(%dma_start3A_341 : memref<80xi32, #tpu.memory_space<vmem>>) semaphore(%arg10 : memref<!tpu.dma_semaphore, #tpu.memory_space<semaphore_mem>>)
      %dma_start3A_345 = arith.constant 6 : i32
      %dma_start3A_346 = arith.constant 480 : i32
      %dma_start3A_347 = arith.constant 0 : i32
      %dma_start3A_348 = tpu.memref_slice %arg8[%dma_start3A_346, %dma_start3A_347] : memref<2000x16xf32, #tpu.memory_space<vmem>> -> memref<80x16xf32, #tpu.memory_space<vmem>>
      %dma_start3A_349 = arith.constant 0 : i32
      %dma_start3A_350 = tpu.memref_slice %arg6[%dma_start3A_345, %dma_start3A_349] : memref<25x80xi32, #tpu.memory_space<vmem>> -> memref<1x80xi32, #tpu.memory_space<vmem>>
      %dma_start3A_351 = tpu.memref_squeeze %dma_start3A_350 : memref<1x80xi32, #tpu.memory_space<vmem>> -> memref<80xi32, #tpu.memory_space<vmem>>
      %dma_start3A_352 = arith.constant 0 : i32
      %dma_start3A_353 = arith.constant 0 : i32
      %dma_start3A_354 = tpu.memref_slice %arg2[%dma_start3A_352, %dma_start3A_353] : memref<3200000x16xf32, #tpu.memory_space<hbm>> -> memref<3200000x16xf32, #tpu.memory_space<hbm>>
      tpu.enqueue_indirect_dma source(%dma_start3A_354 : memref<3200000x16xf32, #tpu.memory_space<hbm>>) target(%dma_start3A_348 : memref<80x16xf32, #tpu.memory_space<vmem>>) offsets(%dma_start3A_351 : memref<80xi32, #tpu.memory_space<vmem>>) semaphore(%arg10 : memref<!tpu.dma_semaphore, #tpu.memory_space<semaphore_mem>>)
      %dma_start3A_355 = arith.constant 7 : i32
      %dma_start3A_356 = arith.constant 560 : i32
      %dma_start3A_357 = arith.constant 0 : i32
      %dma_start3A_358 = tpu.memref_slice %arg8[%dma_start3A_356, %dma_start3A_357] : memref<2000x16xf32, #tpu.memory_space<vmem>> -> memref<80x16xf32, #tpu.memory_space<vmem>>
      %dma_start3A_359 = arith.constant 0 : i32
      %dma_start3A_360 = tpu.memref_slice %arg6[%dma_start3A_355, %dma_start3A_359] : memref<25x80xi32, #tpu.memory_space<vmem>> -> memref<1x80xi32, #tpu.memory_space<vmem>>
      %dma_start3A_361 = tpu.memref_squeeze %dma_start3A_360 : memref<1x80xi32, #tpu.memory_space<vmem>> -> memref<80xi32, #tpu.memory_space<vmem>>
      %dma_start3A_362 = arith.constant 0 : i32
      %dma_start3A_363 = arith.constant 0 : i32
      %dma_start3A_364 = tpu.memref_slice %arg2[%dma_start3A_362, %dma_start3A_363] : memref<3200000x16xf32, #tpu.memory_space<hbm>> -> memref<3200000x16xf32, #tpu.memory_space<hbm>>
      tpu.enqueue_indirect_dma source(%dma_start3A_364 : memref<3200000x16xf32, #tpu.memory_space<hbm>>) target(%dma_start3A_358 : memref<80x16xf32, #tpu.memory_space<vmem>>) offsets(%dma_start3A_361 : memref<80xi32, #tpu.memory_space<vmem>>) semaphore(%arg10 : memref<!tpu.dma_semaphore, #tpu.memory_space<semaphore_mem>>)
      %dma_start3A_365 = arith.constant 8 : i32
      %dma_start3A_366 = arith.constant 640 : i32
      %dma_start3A_367 = arith.constant 0 : i32
      %dma_start3A_368 = tpu.memref_slice %arg8[%dma_start3A_366, %dma_start3A_367] : memref<2000x16xf32, #tpu.memory_space<vmem>> -> memref<80x16xf32, #tpu.memory_space<vmem>>
      %dma_start3A_369 = arith.constant 0 : i32
      %dma_start3A_370 = tpu.memref_slice %arg6[%dma_start3A_365, %dma_start3A_369] : memref<25x80xi32, #tpu.memory_space<vmem>> -> memref<1x80xi32, #tpu.memory_space<vmem>>
      %dma_start3A_371 = tpu.memref_squeeze %dma_start3A_370 : memref<1x80xi32, #tpu.memory_space<vmem>> -> memref<80xi32, #tpu.memory_space<vmem>>
      %dma_start3A_372 = arith.constant 0 : i32
      %dma_start3A_373 = arith.constant 0 : i32
      %dma_start3A_374 = tpu.memref_slice %arg2[%dma_start3A_372, %dma_start3A_373] : memref<3200000x16xf32, #tpu.memory_space<hbm>> -> memref<3200000x16xf32, #tpu.memory_space<hbm>>
      tpu.enqueue_indirect_dma source(%dma_start3A_374 : memref<3200000x16xf32, #tpu.memory_space<hbm>>) target(%dma_start3A_368 : memref<80x16xf32, #tpu.memory_space<vmem>>) offsets(%dma_start3A_371 : memref<80xi32, #tpu.memory_space<vmem>>) semaphore(%arg10 : memref<!tpu.dma_semaphore, #tpu.memory_space<semaphore_mem>>)
      %dma_start3A_375 = arith.constant 9 : i32
      %dma_start3A_376 = arith.constant 720 : i32
      %dma_start3A_377 = arith.constant 0 : i32
      %dma_start3A_378 = tpu.memref_slice %arg8[%dma_start3A_376, %dma_start3A_377] : memref<2000x16xf32, #tpu.memory_space<vmem>> -> memref<80x16xf32, #tpu.memory_space<vmem>>
      %dma_start3A_379 = arith.constant 0 : i32
      %dma_start3A_380 = tpu.memref_slice %arg6[%dma_start3A_375, %dma_start3A_379] : memref<25x80xi32, #tpu.memory_space<vmem>> -> memref<1x80xi32, #tpu.memory_space<vmem>>
      %dma_start3A_381 = tpu.memref_squeeze %dma_start3A_380 : memref<1x80xi32, #tpu.memory_space<vmem>> -> memref<80xi32, #tpu.memory_space<vmem>>
      %dma_start3A_382 = arith.constant 0 : i32
      %dma_start3A_383 = arith.constant 0 : i32
      %dma_start3A_384 = tpu.memref_slice %arg2[%dma_start3A_382, %dma_start3A_383] : memref<3200000x16xf32, #tpu.memory_space<hbm>> -> memref<3200000x16xf32, #tpu.memory_space<hbm>>
      tpu.enqueue_indirect_dma source(%dma_start3A_384 : memref<3200000x16xf32, #tpu.memory_space<hbm>>) target(%dma_start3A_378 : memref<80x16xf32, #tpu.memory_space<vmem>>) offsets(%dma_start3A_381 : memref<80xi32, #tpu.memory_space<vmem>>) semaphore(%arg10 : memref<!tpu.dma_semaphore, #tpu.memory_space<semaphore_mem>>)
      %dma_start3A_385 = arith.constant 10 : i32
      %dma_start3A_386 = arith.constant 800 : i32
      %dma_start3A_387 = arith.constant 0 : i32
      %dma_start3A_388 = tpu.memref_slice %arg8[%dma_start3A_386, %dma_start3A_387] : memref<2000x16xf32, #tpu.memory_space<vmem>> -> memref<80x16xf32, #tpu.memory_space<vmem>>
      %dma_start3A_389 = arith.constant 0 : i32
      %dma_start3A_390 = tpu.memref_slice %arg6[%dma_start3A_385, %dma_start3A_389] : memref<25x80xi32, #tpu.memory_space<vmem>> -> memref<1x80xi32, #tpu.memory_space<vmem>>
      %dma_start3A_391 = tpu.memref_squeeze %dma_start3A_390 : memref<1x80xi32, #tpu.memory_space<vmem>> -> memref<80xi32, #tpu.memory_space<vmem>>
      %dma_start3A_392 = arith.constant 0 : i32
      %dma_start3A_393 = arith.constant 0 : i32
      %dma_start3A_394 = tpu.memref_slice %arg2[%dma_start3A_392, %dma_start3A_393] : memref<3200000x16xf32, #tpu.memory_space<hbm>> -> memref<3200000x16xf32, #tpu.memory_space<hbm>>
      tpu.enqueue_indirect_dma source(%dma_start3A_394 : memref<3200000x16xf32, #tpu.memory_space<hbm>>) target(%dma_start3A_388 : memref<80x16xf32, #tpu.memory_space<vmem>>) offsets(%dma_start3A_391 : memref<80xi32, #tpu.memory_space<vmem>>) semaphore(%arg10 : memref<!tpu.dma_semaphore, #tpu.memory_space<semaphore_mem>>)
      %dma_start3A_395 = arith.constant 11 : i32
      %dma_start3A_396 = arith.constant 880 : i32
      %dma_start3A_397 = arith.constant 0 : i32
      %dma_start3A_398 = tpu.memref_slice %arg8[%dma_start3A_396, %dma_start3A_397] : memref<2000x16xf32, #tpu.memory_space<vmem>> -> memref<80x16xf32, #tpu.memory_space<vmem>>
      %dma_start3A_399 = arith.constant 0 : i32
      %dma_start3A_400 = tpu.memref_slice %arg6[%dma_start3A_395, %dma_start3A_399] : memref<25x80xi32, #tpu.memory_space<vmem>> -> memref<1x80xi32, #tpu.memory_space<vmem>>
      %dma_start3A_401 = tpu.memref_squeeze %dma_start3A_400 : memref<1x80xi32, #tpu.memory_space<vmem>> -> memref<80xi32, #tpu.memory_space<vmem>>
      %dma_start3A_402 = arith.constant 0 : i32
      %dma_start3A_403 = arith.constant 0 : i32
      %dma_start3A_404 = tpu.memref_slice %arg2[%dma_start3A_402, %dma_start3A_403] : memref<3200000x16xf32, #tpu.memory_space<hbm>> -> memref<3200000x16xf32, #tpu.memory_space<hbm>>
      tpu.enqueue_indirect_dma source(%dma_start3A_404 : memref<3200000x16xf32, #tpu.memory_space<hbm>>) target(%dma_start3A_398 : memref<80x16xf32, #tpu.memory_space<vmem>>) offsets(%dma_start3A_401 : memref<80xi32, #tpu.memory_space<vmem>>) semaphore(%arg10 : memref<!tpu.dma_semaphore, #tpu.memory_space<semaphore_mem>>)
      %dma_start3A_405 = arith.constant 12 : i32
      %dma_start3A_406 = arith.constant 960 : i32
      %dma_start3A_407 = arith.constant 0 : i32
      %dma_start3A_408 = tpu.memref_slice %arg8[%dma_start3A_406, %dma_start3A_407] : memref<2000x16xf32, #tpu.memory_space<vmem>> -> memref<80x16xf32, #tpu.memory_space<vmem>>
      %dma_start3A_409 = arith.constant 0 : i32
      %dma_start3A_410 = tpu.memref_slice %arg6[%dma_start3A_405, %dma_start3A_409] : memref<25x80xi32, #tpu.memory_space<vmem>> -> memref<1x80xi32, #tpu.memory_space<vmem>>
      %dma_start3A_411 = tpu.memref_squeeze %dma_start3A_410 : memref<1x80xi32, #tpu.memory_space<vmem>> -> memref<80xi32, #tpu.memory_space<vmem>>
      %dma_start3A_412 = arith.constant 0 : i32
      %dma_start3A_413 = arith.constant 0 : i32
      %dma_start3A_414 = tpu.memref_slice %arg2[%dma_start3A_412, %dma_start3A_413] : memref<3200000x16xf32, #tpu.memory_space<hbm>> -> memref<3200000x16xf32, #tpu.memory_space<hbm>>
      tpu.enqueue_indirect_dma source(%dma_start3A_414 : memref<3200000x16xf32, #tpu.memory_space<hbm>>) target(%dma_start3A_408 : memref<80x16xf32, #tpu.memory_space<vmem>>) offsets(%dma_start3A_411 : memref<80xi32, #tpu.memory_space<vmem>>) semaphore(%arg10 : memref<!tpu.dma_semaphore, #tpu.memory_space<semaphore_mem>>)
      %dma_start3A_415 = arith.constant 13 : i32
      %dma_start3A_416 = arith.constant 1040 : i32
      %dma_start3A_417 = arith.constant 0 : i32
      %dma_start3A_418 = tpu.memref_slice %arg8[%dma_start3A_416, %dma_start3A_417] : memref<2000x16xf32, #tpu.memory_space<vmem>> -> memref<80x16xf32, #tpu.memory_space<vmem>>
      %dma_start3A_419 = arith.constant 0 : i32
      %dma_start3A_420 = tpu.memref_slice %arg6[%dma_start3A_415, %dma_start3A_419] : memref<25x80xi32, #tpu.memory_space<vmem>> -> memref<1x80xi32, #tpu.memory_space<vmem>>
      %dma_start3A_421 = tpu.memref_squeeze %dma_start3A_420 : memref<1x80xi32, #tpu.memory_space<vmem>> -> memref<80xi32, #tpu.memory_space<vmem>>
      %dma_start3A_422 = arith.constant 0 : i32
      %dma_start3A_423 = arith.constant 0 : i32
      %dma_start3A_424 = tpu.memref_slice %arg2[%dma_start3A_422, %dma_start3A_423] : memref<3200000x16xf32, #tpu.memory_space<hbm>> -> memref<3200000x16xf32, #tpu.memory_space<hbm>>
      tpu.enqueue_indirect_dma source(%dma_start3A_424 : memref<3200000x16xf32, #tpu.memory_space<hbm>>) target(%dma_start3A_418 : memref<80x16xf32, #tpu.memory_space<vmem>>) offsets(%dma_start3A_421 : memref<80xi32, #tpu.memory_space<vmem>>) semaphore(%arg10 : memref<!tpu.dma_semaphore, #tpu.memory_space<semaphore_mem>>)
      %dma_start3A_425 = arith.constant 14 : i32
      %dma_start3A_426 = arith.constant 1120 : i32
      %dma_start3A_427 = arith.constant 0 : i32
      %dma_start3A_428 = tpu.memref_slice %arg8[%dma_start3A_426, %dma_start3A_427] : memref<2000x16xf32, #tpu.memory_space<vmem>> -> memref<80x16xf32, #tpu.memory_space<vmem>>
      %dma_start3A_429 = arith.constant 0 : i32
      %dma_start3A_430 = tpu.memref_slice %arg6[%dma_start3A_425, %dma_start3A_429] : memref<25x80xi32, #tpu.memory_space<vmem>> -> memref<1x80xi32, #tpu.memory_space<vmem>>
      %dma_start3A_431 = tpu.memref_squeeze %dma_start3A_430 : memref<1x80xi32, #tpu.memory_space<vmem>> -> memref<80xi32, #tpu.memory_space<vmem>>
      %dma_start3A_432 = arith.constant 0 : i32
      %dma_start3A_433 = arith.constant 0 : i32
      %dma_start3A_434 = tpu.memref_slice %arg2[%dma_start3A_432, %dma_start3A_433] : memref<3200000x16xf32, #tpu.memory_space<hbm>> -> memref<3200000x16xf32, #tpu.memory_space<hbm>>
      tpu.enqueue_indirect_dma source(%dma_start3A_434 : memref<3200000x16xf32, #tpu.memory_space<hbm>>) target(%dma_start3A_428 : memref<80x16xf32, #tpu.memory_space<vmem>>) offsets(%dma_start3A_431 : memref<80xi32, #tpu.memory_space<vmem>>) semaphore(%arg10 : memref<!tpu.dma_semaphore, #tpu.memory_space<semaphore_mem>>)
      %dma_start3A_435 = arith.constant 15 : i32
      %dma_start3A_436 = arith.constant 1200 : i32
      %dma_start3A_437 = arith.constant 0 : i32
      %dma_start3A_438 = tpu.memref_slice %arg8[%dma_start3A_436, %dma_start3A_437] : memref<2000x16xf32, #tpu.memory_space<vmem>> -> memref<80x16xf32, #tpu.memory_space<vmem>>
      %dma_start3A_439 = arith.constant 0 : i32
      %dma_start3A_440 = tpu.memref_slice %arg6[%dma_start3A_435, %dma_start3A_439] : memref<25x80xi32, #tpu.memory_space<vmem>> -> memref<1x80xi32, #tpu.memory_space<vmem>>
      %dma_start3A_441 = tpu.memref_squeeze %dma_start3A_440 : memref<1x80xi32, #tpu.memory_space<vmem>> -> memref<80xi32, #tpu.memory_space<vmem>>
      %dma_start3A_442 = arith.constant 0 : i32
      %dma_start3A_443 = arith.constant 0 : i32
      %dma_start3A_444 = tpu.memref_slice %arg2[%dma_start3A_442, %dma_start3A_443] : memref<3200000x16xf32, #tpu.memory_space<hbm>> -> memref<3200000x16xf32, #tpu.memory_space<hbm>>
      tpu.enqueue_indirect_dma source(%dma_start3A_444 : memref<3200000x16xf32, #tpu.memory_space<hbm>>) target(%dma_start3A_438 : memref<80x16xf32, #tpu.memory_space<vmem>>) offsets(%dma_start3A_441 : memref<80xi32, #tpu.memory_space<vmem>>) semaphore(%arg10 : memref<!tpu.dma_semaphore, #tpu.memory_space<semaphore_mem>>)
      %dma_start3A_445 = arith.constant 16 : i32
      %dma_start3A_446 = arith.constant 1280 : i32
      %dma_start3A_447 = arith.constant 0 : i32
      %dma_start3A_448 = tpu.memref_slice %arg8[%dma_start3A_446, %dma_start3A_447] : memref<2000x16xf32, #tpu.memory_space<vmem>> -> memref<80x16xf32, #tpu.memory_space<vmem>>
      %dma_start3A_449 = arith.constant 0 : i32
      %dma_start3A_450 = tpu.memref_slice %arg6[%dma_start3A_445, %dma_start3A_449] : memref<25x80xi32, #tpu.memory_space<vmem>> -> memref<1x80xi32, #tpu.memory_space<vmem>>
      %dma_start3A_451 = tpu.memref_squeeze %dma_start3A_450 : memref<1x80xi32, #tpu.memory_space<vmem>> -> memref<80xi32, #tpu.memory_space<vmem>>
      %dma_start3A_452 = arith.constant 0 : i32
      %dma_start3A_453 = arith.constant 0 : i32
      %dma_start3A_454 = tpu.memref_slice %arg2[%dma_start3A_452, %dma_start3A_453] : memref<3200000x16xf32, #tpu.memory_space<hbm>> -> memref<3200000x16xf32, #tpu.memory_space<hbm>>
      tpu.enqueue_indirect_dma source(%dma_start3A_454 : memref<3200000x16xf32, #tpu.memory_space<hbm>>) target(%dma_start3A_448 : memref<80x16xf32, #tpu.memory_space<vmem>>) offsets(%dma_start3A_451 : memref<80xi32, #tpu.memory_space<vmem>>) semaphore(%arg10 : memref<!tpu.dma_semaphore, #tpu.memory_space<semaphore_mem>>)
      %dma_start3A_455 = arith.constant 17 : i32
      %dma_start3A_456 = arith.constant 1360 : i32
      %dma_start3A_457 = arith.constant 0 : i32
      %dma_start3A_458 = tpu.memref_slice %arg8[%dma_start3A_456, %dma_start3A_457] : memref<2000x16xf32, #tpu.memory_space<vmem>> -> memref<80x16xf32, #tpu.memory_space<vmem>>
      %dma_start3A_459 = arith.constant 0 : i32
      %dma_start3A_460 = tpu.memref_slice %arg6[%dma_start3A_455, %dma_start3A_459] : memref<25x80xi32, #tpu.memory_space<vmem>> -> memref<1x80xi32, #tpu.memory_space<vmem>>
      %dma_start3A_461 = tpu.memref_squeeze %dma_start3A_460 : memref<1x80xi32, #tpu.memory_space<vmem>> -> memref<80xi32, #tpu.memory_space<vmem>>
      %dma_start3A_462 = arith.constant 0 : i32
      %dma_start3A_463 = arith.constant 0 : i32
      %dma_start3A_464 = tpu.memref_slice %arg2[%dma_start3A_462, %dma_start3A_463] : memref<3200000x16xf32, #tpu.memory_space<hbm>> -> memref<3200000x16xf32, #tpu.memory_space<hbm>>
      tpu.enqueue_indirect_dma source(%dma_start3A_464 : memref<3200000x16xf32, #tpu.memory_space<hbm>>) target(%dma_start3A_458 : memref<80x16xf32, #tpu.memory_space<vmem>>) offsets(%dma_start3A_461 : memref<80xi32, #tpu.memory_space<vmem>>) semaphore(%arg10 : memref<!tpu.dma_semaphore, #tpu.memory_space<semaphore_mem>>)
      %dma_start3A_465 = arith.constant 18 : i32
      %dma_start3A_466 = arith.constant 1440 : i32
      %dma_start3A_467 = arith.constant 0 : i32
      %dma_start3A_468 = tpu.memref_slice %arg8[%dma_start3A_466, %dma_start3A_467] : memref<2000x16xf32, #tpu.memory_space<vmem>> -> memref<80x16xf32, #tpu.memory_space<vmem>>
      %dma_start3A_469 = arith.constant 0 : i32
      %dma_start3A_470 = tpu.memref_slice %arg6[%dma_start3A_465, %dma_start3A_469] : memref<25x80xi32, #tpu.memory_space<vmem>> -> memref<1x80xi32, #tpu.memory_space<vmem>>
      %dma_start3A_471 = tpu.memref_squeeze %dma_start3A_470 : memref<1x80xi32, #tpu.memory_space<vmem>> -> memref<80xi32, #tpu.memory_space<vmem>>
      %dma_start3A_472 = arith.constant 0 : i32
      %dma_start3A_473 = arith.constant 0 : i32
      %dma_start3A_474 = tpu.memref_slice %arg2[%dma_start3A_472, %dma_start3A_473] : memref<3200000x16xf32, #tpu.memory_space<hbm>> -> memref<3200000x16xf32, #tpu.memory_space<hbm>>
      tpu.enqueue_indirect_dma source(%dma_start3A_474 : memref<3200000x16xf32, #tpu.memory_space<hbm>>) target(%dma_start3A_468 : memref<80x16xf32, #tpu.memory_space<vmem>>) offsets(%dma_start3A_471 : memref<80xi32, #tpu.memory_space<vmem>>) semaphore(%arg10 : memref<!tpu.dma_semaphore, #tpu.memory_space<semaphore_mem>>)
      %dma_start3A_475 = arith.constant 19 : i32
      %dma_start3A_476 = arith.constant 1520 : i32
      %dma_start3A_477 = arith.constant 0 : i32
      %dma_start3A_478 = tpu.memref_slice %arg8[%dma_start3A_476, %dma_start3A_477] : memref<2000x16xf32, #tpu.memory_space<vmem>> -> memref<80x16xf32, #tpu.memory_space<vmem>>
      %dma_start3A_479 = arith.constant 0 : i32
      %dma_start3A_480 = tpu.memref_slice %arg6[%dma_start3A_475, %dma_start3A_479] : memref<25x80xi32, #tpu.memory_space<vmem>> -> memref<1x80xi32, #tpu.memory_space<vmem>>
      %dma_start3A_481 = tpu.memref_squeeze %dma_start3A_480 : memref<1x80xi32, #tpu.memory_space<vmem>> -> memref<80xi32, #tpu.memory_space<vmem>>
      %dma_start3A_482 = arith.constant 0 : i32
      %dma_start3A_483 = arith.constant 0 : i32
      %dma_start3A_484 = tpu.memref_slice %arg2[%dma_start3A_482, %dma_start3A_483] : memref<3200000x16xf32, #tpu.memory_space<hbm>> -> memref<3200000x16xf32, #tpu.memory_space<hbm>>
      tpu.enqueue_indirect_dma source(%dma_start3A_484 : memref<3200000x16xf32, #tpu.memory_space<hbm>>) target(%dma_start3A_478 : memref<80x16xf32, #tpu.memory_space<vmem>>) offsets(%dma_start3A_481 : memref<80xi32, #tpu.memory_space<vmem>>) semaphore(%arg10 : memref<!tpu.dma_semaphore, #tpu.memory_space<semaphore_mem>>)
      %dma_start3A_485 = arith.constant 20 : i32
      %dma_start3A_486 = arith.constant 1600 : i32
      %dma_start3A_487 = arith.constant 0 : i32
      %dma_start3A_488 = tpu.memref_slice %arg8[%dma_start3A_486, %dma_start3A_487] : memref<2000x16xf32, #tpu.memory_space<vmem>> -> memref<80x16xf32, #tpu.memory_space<vmem>>
      %dma_start3A_489 = arith.constant 0 : i32
      %dma_start3A_490 = tpu.memref_slice %arg6[%dma_start3A_485, %dma_start3A_489] : memref<25x80xi32, #tpu.memory_space<vmem>> -> memref<1x80xi32, #tpu.memory_space<vmem>>
      %dma_start3A_491 = tpu.memref_squeeze %dma_start3A_490 : memref<1x80xi32, #tpu.memory_space<vmem>> -> memref<80xi32, #tpu.memory_space<vmem>>
      %dma_start3A_492 = arith.constant 0 : i32
      %dma_start3A_493 = arith.constant 0 : i32
      %dma_start3A_494 = tpu.memref_slice %arg2[%dma_start3A_492, %dma_start3A_493] : memref<3200000x16xf32, #tpu.memory_space<hbm>> -> memref<3200000x16xf32, #tpu.memory_space<hbm>>
      tpu.enqueue_indirect_dma source(%dma_start3A_494 : memref<3200000x16xf32, #tpu.memory_space<hbm>>) target(%dma_start3A_488 : memref<80x16xf32, #tpu.memory_space<vmem>>) offsets(%dma_start3A_491 : memref<80xi32, #tpu.memory_space<vmem>>) semaphore(%arg10 : memref<!tpu.dma_semaphore, #tpu.memory_space<semaphore_mem>>)
      %dma_start3A_495 = arith.constant 21 : i32
      %dma_start3A_496 = arith.constant 1680 : i32
      %dma_start3A_497 = arith.constant 0 : i32
      %dma_start3A_498 = tpu.memref_slice %arg8[%dma_start3A_496, %dma_start3A_497] : memref<2000x16xf32, #tpu.memory_space<vmem>> -> memref<80x16xf32, #tpu.memory_space<vmem>>
      %dma_start3A_499 = arith.constant 0 : i32
      %dma_start3A_500 = tpu.memref_slice %arg6[%dma_start3A_495, %dma_start3A_499] : memref<25x80xi32, #tpu.memory_space<vmem>> -> memref<1x80xi32, #tpu.memory_space<vmem>>
      %dma_start3A_501 = tpu.memref_squeeze %dma_start3A_500 : memref<1x80xi32, #tpu.memory_space<vmem>> -> memref<80xi32, #tpu.memory_space<vmem>>
      %dma_start3A_502 = arith.constant 0 : i32
      %dma_start3A_503 = arith.constant 0 : i32
      %dma_start3A_504 = tpu.memref_slice %arg2[%dma_start3A_502, %dma_start3A_503] : memref<3200000x16xf32, #tpu.memory_space<hbm>> -> memref<3200000x16xf32, #tpu.memory_space<hbm>>
      tpu.enqueue_indirect_dma source(%dma_start3A_504 : memref<3200000x16xf32, #tpu.memory_space<hbm>>) target(%dma_start3A_498 : memref<80x16xf32, #tpu.memory_space<vmem>>) offsets(%dma_start3A_501 : memref<80xi32, #tpu.memory_space<vmem>>) semaphore(%arg10 : memref<!tpu.dma_semaphore, #tpu.memory_space<semaphore_mem>>)
      %dma_start3A_505 = arith.constant 22 : i32
      %dma_start3A_506 = arith.constant 1760 : i32
      %dma_start3A_507 = arith.constant 0 : i32
      %dma_start3A_508 = tpu.memref_slice %arg8[%dma_start3A_506, %dma_start3A_507] : memref<2000x16xf32, #tpu.memory_space<vmem>> -> memref<80x16xf32, #tpu.memory_space<vmem>>
      %dma_start3A_509 = arith.constant 0 : i32
      %dma_start3A_510 = tpu.memref_slice %arg6[%dma_start3A_505, %dma_start3A_509] : memref<25x80xi32, #tpu.memory_space<vmem>> -> memref<1x80xi32, #tpu.memory_space<vmem>>
      %dma_start3A_511 = tpu.memref_squeeze %dma_start3A_510 : memref<1x80xi32, #tpu.memory_space<vmem>> -> memref<80xi32, #tpu.memory_space<vmem>>
      %dma_start3A_512 = arith.constant 0 : i32
      %dma_start3A_513 = arith.constant 0 : i32
      %dma_start3A_514 = tpu.memref_slice %arg2[%dma_start3A_512, %dma_start3A_513] : memref<3200000x16xf32, #tpu.memory_space<hbm>> -> memref<3200000x16xf32, #tpu.memory_space<hbm>>
      tpu.enqueue_indirect_dma source(%dma_start3A_514 : memref<3200000x16xf32, #tpu.memory_space<hbm>>) target(%dma_start3A_508 : memref<80x16xf32, #tpu.memory_space<vmem>>) offsets(%dma_start3A_511 : memref<80xi32, #tpu.memory_space<vmem>>) semaphore(%arg10 : memref<!tpu.dma_semaphore, #tpu.memory_space<semaphore_mem>>)
      %dma_start3A_515 = arith.constant 23 : i32
      %dma_start3A_516 = arith.constant 1840 : i32
      %dma_start3A_517 = arith.constant 0 : i32
      %dma_start3A_518 = tpu.memref_slice %arg8[%dma_start3A_516, %dma_start3A_517] : memref<2000x16xf32, #tpu.memory_space<vmem>> -> memref<80x16xf32, #tpu.memory_space<vmem>>
      %dma_start3A_519 = arith.constant 0 : i32
      %dma_start3A_520 = tpu.memref_slice %arg6[%dma_start3A_515, %dma_start3A_519] : memref<25x80xi32, #tpu.memory_space<vmem>> -> memref<1x80xi32, #tpu.memory_space<vmem>>
      %dma_start3A_521 = tpu.memref_squeeze %dma_start3A_520 : memref<1x80xi32, #tpu.memory_space<vmem>> -> memref<80xi32, #tpu.memory_space<vmem>>
      %dma_start3A_522 = arith.constant 0 : i32
      %dma_start3A_523 = arith.constant 0 : i32
      %dma_start3A_524 = tpu.memref_slice %arg2[%dma_start3A_522, %dma_start3A_523] : memref<3200000x16xf32, #tpu.memory_space<hbm>> -> memref<3200000x16xf32, #tpu.memory_space<hbm>>
      tpu.enqueue_indirect_dma source(%dma_start3A_524 : memref<3200000x16xf32, #tpu.memory_space<hbm>>) target(%dma_start3A_518 : memref<80x16xf32, #tpu.memory_space<vmem>>) offsets(%dma_start3A_521 : memref<80xi32, #tpu.memory_space<vmem>>) semaphore(%arg10 : memref<!tpu.dma_semaphore, #tpu.memory_space<semaphore_mem>>)
      %dma_start3A_525 = arith.constant 24 : i32
      %dma_start3A_526 = arith.constant 1920 : i32
      %dma_start3A_527 = arith.constant 0 : i32
      %dma_start3A_528 = tpu.memref_slice %arg8[%dma_start3A_526, %dma_start3A_527] : memref<2000x16xf32, #tpu.memory_space<vmem>> -> memref<80x16xf32, #tpu.memory_space<vmem>>
      %dma_start3A_529 = arith.constant 0 : i32
      %dma_start3A_530 = tpu.memref_slice %arg6[%dma_start3A_525, %dma_start3A_529] : memref<25x80xi32, #tpu.memory_space<vmem>> -> memref<1x80xi32, #tpu.memory_space<vmem>>
      %dma_start3A_531 = tpu.memref_squeeze %dma_start3A_530 : memref<1x80xi32, #tpu.memory_space<vmem>> -> memref<80xi32, #tpu.memory_space<vmem>>
      %dma_start3A_532 = arith.constant 0 : i32
      %dma_start3A_533 = arith.constant 0 : i32
      %dma_start3A_534 = tpu.memref_slice %arg2[%dma_start3A_532, %dma_start3A_533] : memref<3200000x16xf32, #tpu.memory_space<hbm>> -> memref<3200000x16xf32, #tpu.memory_space<hbm>>
      tpu.enqueue_indirect_dma source(%dma_start3A_534 : memref<3200000x16xf32, #tpu.memory_space<hbm>>) target(%dma_start3A_528 : memref<80x16xf32, #tpu.memory_space<vmem>>) offsets(%dma_start3A_531 : memref<80xi32, #tpu.memory_space<vmem>>) semaphore(%arg10 : memref<!tpu.dma_semaphore, #tpu.memory_space<semaphore_mem>>)
      %dma_wait3A = arith.constant 0 : i32
      %dma_wait3A_535 = arith.constant 0 : i32
      %dma_wait3A_536 = arith.constant 0 : i32
      %dma_wait3A_537 = tpu.memref_slice %arg7[%dma_wait3A_535, %dma_wait3A_536] : memref<2000x16xf32, #tpu.memory_space<vmem>> -> memref<80x16xf32, #tpu.memory_space<vmem>>
      %dma_wait3A_538 = arith.constant 0 : i32
      %dma_wait3A_539 = tpu.memref_slice %arg5[%dma_wait3A, %dma_wait3A_538] : memref<25x80xi32, #tpu.memory_space<vmem>> -> memref<1x80xi32, #tpu.memory_space<vmem>>
      %dma_wait3A_540 = tpu.memref_squeeze %dma_wait3A_539 : memref<1x80xi32, #tpu.memory_space<vmem>> -> memref<80xi32, #tpu.memory_space<vmem>>
      %dma_wait3A_541 = arith.constant 0 : i32
      %dma_wait3A_542 = arith.constant 0 : i32
      %dma_wait3A_543 = tpu.memref_slice %arg2[%dma_wait3A_541, %dma_wait3A_542] : memref<3200000x16xf32, #tpu.memory_space<hbm>> -> memref<3200000x16xf32, #tpu.memory_space<hbm>>
      tpu.wait_indirect_dma semaphore(%arg10 : memref<!tpu.dma_semaphore, #tpu.memory_space<semaphore_mem>>) src(%dma_wait3A_543 : memref<3200000x16xf32, #tpu.memory_space<hbm>>) dst(%dma_wait3A_537 : memref<80x16xf32, #tpu.memory_space<vmem>>)
      %dma_wait3A_544 = arith.constant 1 : i32
      %dma_wait3A_545 = arith.constant 80 : i32
      %dma_wait3A_546 = arith.constant 0 : i32
      %dma_wait3A_547 = tpu.memref_slice %arg7[%dma_wait3A_545, %dma_wait3A_546] : memref<2000x16xf32, #tpu.memory_space<vmem>> -> memref<80x16xf32, #tpu.memory_space<vmem>>
      %dma_wait3A_548 = arith.constant 0 : i32
      %dma_wait3A_549 = tpu.memref_slice %arg5[%dma_wait3A_544, %dma_wait3A_548] : memref<25x80xi32, #tpu.memory_space<vmem>> -> memref<1x80xi32, #tpu.memory_space<vmem>>
      %dma_wait3A_550 = tpu.memref_squeeze %dma_wait3A_549 : memref<1x80xi32, #tpu.memory_space<vmem>> -> memref<80xi32, #tpu.memory_space<vmem>>
      %dma_wait3A_551 = arith.constant 0 : i32
      %dma_wait3A_552 = arith.constant 0 : i32
      %dma_wait3A_553 = tpu.memref_slice %arg2[%dma_wait3A_551, %dma_wait3A_552] : memref<3200000x16xf32, #tpu.memory_space<hbm>> -> memref<3200000x16xf32, #tpu.memory_space<hbm>>
      tpu.wait_indirect_dma semaphore(%arg10 : memref<!tpu.dma_semaphore, #tpu.memory_space<semaphore_mem>>) src(%dma_wait3A_553 : memref<3200000x16xf32, #tpu.memory_space<hbm>>) dst(%dma_wait3A_547 : memref<80x16xf32, #tpu.memory_space<vmem>>)
      %dma_wait3A_554 = arith.constant 2 : i32
      %dma_wait3A_555 = arith.constant 160 : i32
      %dma_wait3A_556 = arith.constant 0 : i32
      %dma_wait3A_557 = tpu.memref_slice %arg7[%dma_wait3A_555, %dma_wait3A_556] : memref<2000x16xf32, #tpu.memory_space<vmem>> -> memref<80x16xf32, #tpu.memory_space<vmem>>
      %dma_wait3A_558 = arith.constant 0 : i32
      %dma_wait3A_559 = tpu.memref_slice %arg5[%dma_wait3A_554, %dma_wait3A_558] : memref<25x80xi32, #tpu.memory_space<vmem>> -> memref<1x80xi32, #tpu.memory_space<vmem>>
      %dma_wait3A_560 = tpu.memref_squeeze %dma_wait3A_559 : memref<1x80xi32, #tpu.memory_space<vmem>> -> memref<80xi32, #tpu.memory_space<vmem>>
      %dma_wait3A_561 = arith.constant 0 : i32
      %dma_wait3A_562 = arith.constant 0 : i32
      %dma_wait3A_563 = tpu.memref_slice %arg2[%dma_wait3A_561, %dma_wait3A_562] : memref<3200000x16xf32, #tpu.memory_space<hbm>> -> memref<3200000x16xf32, #tpu.memory_space<hbm>>
      tpu.wait_indirect_dma semaphore(%arg10 : memref<!tpu.dma_semaphore, #tpu.memory_space<semaphore_mem>>) src(%dma_wait3A_563 : memref<3200000x16xf32, #tpu.memory_space<hbm>>) dst(%dma_wait3A_557 : memref<80x16xf32, #tpu.memory_space<vmem>>)
      %dma_wait3A_564 = arith.constant 3 : i32
      %dma_wait3A_565 = arith.constant 240 : i32
      %dma_wait3A_566 = arith.constant 0 : i32
      %dma_wait3A_567 = tpu.memref_slice %arg7[%dma_wait3A_565, %dma_wait3A_566] : memref<2000x16xf32, #tpu.memory_space<vmem>> -> memref<80x16xf32, #tpu.memory_space<vmem>>
      %dma_wait3A_568 = arith.constant 0 : i32
      %dma_wait3A_569 = tpu.memref_slice %arg5[%dma_wait3A_564, %dma_wait3A_568] : memref<25x80xi32, #tpu.memory_space<vmem>> -> memref<1x80xi32, #tpu.memory_space<vmem>>
      %dma_wait3A_570 = tpu.memref_squeeze %dma_wait3A_569 : memref<1x80xi32, #tpu.memory_space<vmem>> -> memref<80xi32, #tpu.memory_space<vmem>>
      %dma_wait3A_571 = arith.constant 0 : i32
      %dma_wait3A_572 = arith.constant 0 : i32
      %dma_wait3A_573 = tpu.memref_slice %arg2[%dma_wait3A_571, %dma_wait3A_572] : memref<3200000x16xf32, #tpu.memory_space<hbm>> -> memref<3200000x16xf32, #tpu.memory_space<hbm>>
      tpu.wait_indirect_dma semaphore(%arg10 : memref<!tpu.dma_semaphore, #tpu.memory_space<semaphore_mem>>) src(%dma_wait3A_573 : memref<3200000x16xf32, #tpu.memory_space<hbm>>) dst(%dma_wait3A_567 : memref<80x16xf32, #tpu.memory_space<vmem>>)
      %dma_wait3A_574 = arith.constant 4 : i32
      %dma_wait3A_575 = arith.constant 320 : i32
      %dma_wait3A_576 = arith.constant 0 : i32
      %dma_wait3A_577 = tpu.memref_slice %arg7[%dma_wait3A_575, %dma_wait3A_576] : memref<2000x16xf32, #tpu.memory_space<vmem>> -> memref<80x16xf32, #tpu.memory_space<vmem>>
      %dma_wait3A_578 = arith.constant 0 : i32
      %dma_wait3A_579 = tpu.memref_slice %arg5[%dma_wait3A_574, %dma_wait3A_578] : memref<25x80xi32, #tpu.memory_space<vmem>> -> memref<1x80xi32, #tpu.memory_space<vmem>>
      %dma_wait3A_580 = tpu.memref_squeeze %dma_wait3A_579 : memref<1x80xi32, #tpu.memory_space<vmem>> -> memref<80xi32, #tpu.memory_space<vmem>>
      %dma_wait3A_581 = arith.constant 0 : i32
      %dma_wait3A_582 = arith.constant 0 : i32
      %dma_wait3A_583 = tpu.memref_slice %arg2[%dma_wait3A_581, %dma_wait3A_582] : memref<3200000x16xf32, #tpu.memory_space<hbm>> -> memref<3200000x16xf32, #tpu.memory_space<hbm>>
      tpu.wait_indirect_dma semaphore(%arg10 : memref<!tpu.dma_semaphore, #tpu.memory_space<semaphore_mem>>) src(%dma_wait3A_583 : memref<3200000x16xf32, #tpu.memory_space<hbm>>) dst(%dma_wait3A_577 : memref<80x16xf32, #tpu.memory_space<vmem>>)
      %dma_wait3A_584 = arith.constant 5 : i32
      %dma_wait3A_585 = arith.constant 400 : i32
      %dma_wait3A_586 = arith.constant 0 : i32
      %dma_wait3A_587 = tpu.memref_slice %arg7[%dma_wait3A_585, %dma_wait3A_586] : memref<2000x16xf32, #tpu.memory_space<vmem>> -> memref<80x16xf32, #tpu.memory_space<vmem>>
      %dma_wait3A_588 = arith.constant 0 : i32
      %dma_wait3A_589 = tpu.memref_slice %arg5[%dma_wait3A_584, %dma_wait3A_588] : memref<25x80xi32, #tpu.memory_space<vmem>> -> memref<1x80xi32, #tpu.memory_space<vmem>>
      %dma_wait3A_590 = tpu.memref_squeeze %dma_wait3A_589 : memref<1x80xi32, #tpu.memory_space<vmem>> -> memref<80xi32, #tpu.memory_space<vmem>>
      %dma_wait3A_591 = arith.constant 0 : i32
      %dma_wait3A_592 = arith.constant 0 : i32
      %dma_wait3A_593 = tpu.memref_slice %arg2[%dma_wait3A_591, %dma_wait3A_592] : memref<3200000x16xf32, #tpu.memory_space<hbm>> -> memref<3200000x16xf32, #tpu.memory_space<hbm>>
      tpu.wait_indirect_dma semaphore(%arg10 : memref<!tpu.dma_semaphore, #tpu.memory_space<semaphore_mem>>) src(%dma_wait3A_593 : memref<3200000x16xf32, #tpu.memory_space<hbm>>) dst(%dma_wait3A_587 : memref<80x16xf32, #tpu.memory_space<vmem>>)
      %dma_wait3A_594 = arith.constant 6 : i32
      %dma_wait3A_595 = arith.constant 480 : i32
      %dma_wait3A_596 = arith.constant 0 : i32
      %dma_wait3A_597 = tpu.memref_slice %arg7[%dma_wait3A_595, %dma_wait3A_596] : memref<2000x16xf32, #tpu.memory_space<vmem>> -> memref<80x16xf32, #tpu.memory_space<vmem>>
      %dma_wait3A_598 = arith.constant 0 : i32
      %dma_wait3A_599 = tpu.memref_slice %arg5[%dma_wait3A_594, %dma_wait3A_598] : memref<25x80xi32, #tpu.memory_space<vmem>> -> memref<1x80xi32, #tpu.memory_space<vmem>>
      %dma_wait3A_600 = tpu.memref_squeeze %dma_wait3A_599 : memref<1x80xi32, #tpu.memory_space<vmem>> -> memref<80xi32, #tpu.memory_space<vmem>>
      %dma_wait3A_601 = arith.constant 0 : i32
      %dma_wait3A_602 = arith.constant 0 : i32
      %dma_wait3A_603 = tpu.memref_slice %arg2[%dma_wait3A_601, %dma_wait3A_602] : memref<3200000x16xf32, #tpu.memory_space<hbm>> -> memref<3200000x16xf32, #tpu.memory_space<hbm>>
      tpu.wait_indirect_dma semaphore(%arg10 : memref<!tpu.dma_semaphore, #tpu.memory_space<semaphore_mem>>) src(%dma_wait3A_603 : memref<3200000x16xf32, #tpu.memory_space<hbm>>) dst(%dma_wait3A_597 : memref<80x16xf32, #tpu.memory_space<vmem>>)
      %dma_wait3A_604 = arith.constant 7 : i32
      %dma_wait3A_605 = arith.constant 560 : i32
      %dma_wait3A_606 = arith.constant 0 : i32
      %dma_wait3A_607 = tpu.memref_slice %arg7[%dma_wait3A_605, %dma_wait3A_606] : memref<2000x16xf32, #tpu.memory_space<vmem>> -> memref<80x16xf32, #tpu.memory_space<vmem>>
      %dma_wait3A_608 = arith.constant 0 : i32
      %dma_wait3A_609 = tpu.memref_slice %arg5[%dma_wait3A_604, %dma_wait3A_608] : memref<25x80xi32, #tpu.memory_space<vmem>> -> memref<1x80xi32, #tpu.memory_space<vmem>>
      %dma_wait3A_610 = tpu.memref_squeeze %dma_wait3A_609 : memref<1x80xi32, #tpu.memory_space<vmem>> -> memref<80xi32, #tpu.memory_space<vmem>>
      %dma_wait3A_611 = arith.constant 0 : i32
      %dma_wait3A_612 = arith.constant 0 : i32
      %dma_wait3A_613 = tpu.memref_slice %arg2[%dma_wait3A_611, %dma_wait3A_612] : memref<3200000x16xf32, #tpu.memory_space<hbm>> -> memref<3200000x16xf32, #tpu.memory_space<hbm>>
      tpu.wait_indirect_dma semaphore(%arg10 : memref<!tpu.dma_semaphore, #tpu.memory_space<semaphore_mem>>) src(%dma_wait3A_613 : memref<3200000x16xf32, #tpu.memory_space<hbm>>) dst(%dma_wait3A_607 : memref<80x16xf32, #tpu.memory_space<vmem>>)
      %dma_wait3A_614 = arith.constant 8 : i32
      %dma_wait3A_615 = arith.constant 640 : i32
      %dma_wait3A_616 = arith.constant 0 : i32
      %dma_wait3A_617 = tpu.memref_slice %arg7[%dma_wait3A_615, %dma_wait3A_616] : memref<2000x16xf32, #tpu.memory_space<vmem>> -> memref<80x16xf32, #tpu.memory_space<vmem>>
      %dma_wait3A_618 = arith.constant 0 : i32
      %dma_wait3A_619 = tpu.memref_slice %arg5[%dma_wait3A_614, %dma_wait3A_618] : memref<25x80xi32, #tpu.memory_space<vmem>> -> memref<1x80xi32, #tpu.memory_space<vmem>>
      %dma_wait3A_620 = tpu.memref_squeeze %dma_wait3A_619 : memref<1x80xi32, #tpu.memory_space<vmem>> -> memref<80xi32, #tpu.memory_space<vmem>>
      %dma_wait3A_621 = arith.constant 0 : i32
      %dma_wait3A_622 = arith.constant 0 : i32
      %dma_wait3A_623 = tpu.memref_slice %arg2[%dma_wait3A_621, %dma_wait3A_622] : memref<3200000x16xf32, #tpu.memory_space<hbm>> -> memref<3200000x16xf32, #tpu.memory_space<hbm>>
      tpu.wait_indirect_dma semaphore(%arg10 : memref<!tpu.dma_semaphore, #tpu.memory_space<semaphore_mem>>) src(%dma_wait3A_623 : memref<3200000x16xf32, #tpu.memory_space<hbm>>) dst(%dma_wait3A_617 : memref<80x16xf32, #tpu.memory_space<vmem>>)
      %dma_wait3A_624 = arith.constant 9 : i32
      %dma_wait3A_625 = arith.constant 720 : i32
      %dma_wait3A_626 = arith.constant 0 : i32
      %dma_wait3A_627 = tpu.memref_slice %arg7[%dma_wait3A_625, %dma_wait3A_626] : memref<2000x16xf32, #tpu.memory_space<vmem>> -> memref<80x16xf32, #tpu.memory_space<vmem>>
      %dma_wait3A_628 = arith.constant 0 : i32
      %dma_wait3A_629 = tpu.memref_slice %arg5[%dma_wait3A_624, %dma_wait3A_628] : memref<25x80xi32, #tpu.memory_space<vmem>> -> memref<1x80xi32, #tpu.memory_space<vmem>>
      %dma_wait3A_630 = tpu.memref_squeeze %dma_wait3A_629 : memref<1x80xi32, #tpu.memory_space<vmem>> -> memref<80xi32, #tpu.memory_space<vmem>>
      %dma_wait3A_631 = arith.constant 0 : i32
      %dma_wait3A_632 = arith.constant 0 : i32
      %dma_wait3A_633 = tpu.memref_slice %arg2[%dma_wait3A_631, %dma_wait3A_632] : memref<3200000x16xf32, #tpu.memory_space<hbm>> -> memref<3200000x16xf32, #tpu.memory_space<hbm>>
      tpu.wait_indirect_dma semaphore(%arg10 : memref<!tpu.dma_semaphore, #tpu.memory_space<semaphore_mem>>) src(%dma_wait3A_633 : memref<3200000x16xf32, #tpu.memory_space<hbm>>) dst(%dma_wait3A_627 : memref<80x16xf32, #tpu.memory_space<vmem>>)
      %dma_wait3A_634 = arith.constant 10 : i32
      %dma_wait3A_635 = arith.constant 800 : i32
      %dma_wait3A_636 = arith.constant 0 : i32
      %dma_wait3A_637 = tpu.memref_slice %arg7[%dma_wait3A_635, %dma_wait3A_636] : memref<2000x16xf32, #tpu.memory_space<vmem>> -> memref<80x16xf32, #tpu.memory_space<vmem>>
      %dma_wait3A_638 = arith.constant 0 : i32
      %dma_wait3A_639 = tpu.memref_slice %arg5[%dma_wait3A_634, %dma_wait3A_638] : memref<25x80xi32, #tpu.memory_space<vmem>> -> memref<1x80xi32, #tpu.memory_space<vmem>>
      %dma_wait3A_640 = tpu.memref_squeeze %dma_wait3A_639 : memref<1x80xi32, #tpu.memory_space<vmem>> -> memref<80xi32, #tpu.memory_space<vmem>>
      %dma_wait3A_641 = arith.constant 0 : i32
      %dma_wait3A_642 = arith.constant 0 : i32
      %dma_wait3A_643 = tpu.memref_slice %arg2[%dma_wait3A_641, %dma_wait3A_642] : memref<3200000x16xf32, #tpu.memory_space<hbm>> -> memref<3200000x16xf32, #tpu.memory_space<hbm>>
      tpu.wait_indirect_dma semaphore(%arg10 : memref<!tpu.dma_semaphore, #tpu.memory_space<semaphore_mem>>) src(%dma_wait3A_643 : memref<3200000x16xf32, #tpu.memory_space<hbm>>) dst(%dma_wait3A_637 : memref<80x16xf32, #tpu.memory_space<vmem>>)
      %dma_wait3A_644 = arith.constant 11 : i32
      %dma_wait3A_645 = arith.constant 880 : i32
      %dma_wait3A_646 = arith.constant 0 : i32
      %dma_wait3A_647 = tpu.memref_slice %arg7[%dma_wait3A_645, %dma_wait3A_646] : memref<2000x16xf32, #tpu.memory_space<vmem>> -> memref<80x16xf32, #tpu.memory_space<vmem>>
      %dma_wait3A_648 = arith.constant 0 : i32
      %dma_wait3A_649 = tpu.memref_slice %arg5[%dma_wait3A_644, %dma_wait3A_648] : memref<25x80xi32, #tpu.memory_space<vmem>> -> memref<1x80xi32, #tpu.memory_space<vmem>>
      %dma_wait3A_650 = tpu.memref_squeeze %dma_wait3A_649 : memref<1x80xi32, #tpu.memory_space<vmem>> -> memref<80xi32, #tpu.memory_space<vmem>>
      %dma_wait3A_651 = arith.constant 0 : i32
      %dma_wait3A_652 = arith.constant 0 : i32
      %dma_wait3A_653 = tpu.memref_slice %arg2[%dma_wait3A_651, %dma_wait3A_652] : memref<3200000x16xf32, #tpu.memory_space<hbm>> -> memref<3200000x16xf32, #tpu.memory_space<hbm>>
      tpu.wait_indirect_dma semaphore(%arg10 : memref<!tpu.dma_semaphore, #tpu.memory_space<semaphore_mem>>) src(%dma_wait3A_653 : memref<3200000x16xf32, #tpu.memory_space<hbm>>) dst(%dma_wait3A_647 : memref<80x16xf32, #tpu.memory_space<vmem>>)
      %dma_wait3A_654 = arith.constant 12 : i32
      %dma_wait3A_655 = arith.constant 960 : i32
      %dma_wait3A_656 = arith.constant 0 : i32
      %dma_wait3A_657 = tpu.memref_slice %arg7[%dma_wait3A_655, %dma_wait3A_656] : memref<2000x16xf32, #tpu.memory_space<vmem>> -> memref<80x16xf32, #tpu.memory_space<vmem>>
      %dma_wait3A_658 = arith.constant 0 : i32
      %dma_wait3A_659 = tpu.memref_slice %arg5[%dma_wait3A_654, %dma_wait3A_658] : memref<25x80xi32, #tpu.memory_space<vmem>> -> memref<1x80xi32, #tpu.memory_space<vmem>>
      %dma_wait3A_660 = tpu.memref_squeeze %dma_wait3A_659 : memref<1x80xi32, #tpu.memory_space<vmem>> -> memref<80xi32, #tpu.memory_space<vmem>>
      %dma_wait3A_661 = arith.constant 0 : i32
      %dma_wait3A_662 = arith.constant 0 : i32
      %dma_wait3A_663 = tpu.memref_slice %arg2[%dma_wait3A_661, %dma_wait3A_662] : memref<3200000x16xf32, #tpu.memory_space<hbm>> -> memref<3200000x16xf32, #tpu.memory_space<hbm>>
      tpu.wait_indirect_dma semaphore(%arg10 : memref<!tpu.dma_semaphore, #tpu.memory_space<semaphore_mem>>) src(%dma_wait3A_663 : memref<3200000x16xf32, #tpu.memory_space<hbm>>) dst(%dma_wait3A_657 : memref<80x16xf32, #tpu.memory_space<vmem>>)
      %dma_wait3A_664 = arith.constant 13 : i32
      %dma_wait3A_665 = arith.constant 1040 : i32
      %dma_wait3A_666 = arith.constant 0 : i32
      %dma_wait3A_667 = tpu.memref_slice %arg7[%dma_wait3A_665, %dma_wait3A_666] : memref<2000x16xf32, #tpu.memory_space<vmem>> -> memref<80x16xf32, #tpu.memory_space<vmem>>
      %dma_wait3A_668 = arith.constant 0 : i32
      %dma_wait3A_669 = tpu.memref_slice %arg5[%dma_wait3A_664, %dma_wait3A_668] : memref<25x80xi32, #tpu.memory_space<vmem>> -> memref<1x80xi32, #tpu.memory_space<vmem>>
      %dma_wait3A_670 = tpu.memref_squeeze %dma_wait3A_669 : memref<1x80xi32, #tpu.memory_space<vmem>> -> memref<80xi32, #tpu.memory_space<vmem>>
      %dma_wait3A_671 = arith.constant 0 : i32
      %dma_wait3A_672 = arith.constant 0 : i32
      %dma_wait3A_673 = tpu.memref_slice %arg2[%dma_wait3A_671, %dma_wait3A_672] : memref<3200000x16xf32, #tpu.memory_space<hbm>> -> memref<3200000x16xf32, #tpu.memory_space<hbm>>
      tpu.wait_indirect_dma semaphore(%arg10 : memref<!tpu.dma_semaphore, #tpu.memory_space<semaphore_mem>>) src(%dma_wait3A_673 : memref<3200000x16xf32, #tpu.memory_space<hbm>>) dst(%dma_wait3A_667 : memref<80x16xf32, #tpu.memory_space<vmem>>)
      %dma_wait3A_674 = arith.constant 14 : i32
      %dma_wait3A_675 = arith.constant 1120 : i32
      %dma_wait3A_676 = arith.constant 0 : i32
      %dma_wait3A_677 = tpu.memref_slice %arg7[%dma_wait3A_675, %dma_wait3A_676] : memref<2000x16xf32, #tpu.memory_space<vmem>> -> memref<80x16xf32, #tpu.memory_space<vmem>>
      %dma_wait3A_678 = arith.constant 0 : i32
      %dma_wait3A_679 = tpu.memref_slice %arg5[%dma_wait3A_674, %dma_wait3A_678] : memref<25x80xi32, #tpu.memory_space<vmem>> -> memref<1x80xi32, #tpu.memory_space<vmem>>
      %dma_wait3A_680 = tpu.memref_squeeze %dma_wait3A_679 : memref<1x80xi32, #tpu.memory_space<vmem>> -> memref<80xi32, #tpu.memory_space<vmem>>
      %dma_wait3A_681 = arith.constant 0 : i32
      %dma_wait3A_682 = arith.constant 0 : i32
      %dma_wait3A_683 = tpu.memref_slice %arg2[%dma_wait3A_681, %dma_wait3A_682] : memref<3200000x16xf32, #tpu.memory_space<hbm>> -> memref<3200000x16xf32, #tpu.memory_space<hbm>>
      tpu.wait_indirect_dma semaphore(%arg10 : memref<!tpu.dma_semaphore, #tpu.memory_space<semaphore_mem>>) src(%dma_wait3A_683 : memref<3200000x16xf32, #tpu.memory_space<hbm>>) dst(%dma_wait3A_677 : memref<80x16xf32, #tpu.memory_space<vmem>>)
      %dma_wait3A_684 = arith.constant 15 : i32
      %dma_wait3A_685 = arith.constant 1200 : i32
      %dma_wait3A_686 = arith.constant 0 : i32
      %dma_wait3A_687 = tpu.memref_slice %arg7[%dma_wait3A_685, %dma_wait3A_686] : memref<2000x16xf32, #tpu.memory_space<vmem>> -> memref<80x16xf32, #tpu.memory_space<vmem>>
      %dma_wait3A_688 = arith.constant 0 : i32
      %dma_wait3A_689 = tpu.memref_slice %arg5[%dma_wait3A_684, %dma_wait3A_688] : memref<25x80xi32, #tpu.memory_space<vmem>> -> memref<1x80xi32, #tpu.memory_space<vmem>>
      %dma_wait3A_690 = tpu.memref_squeeze %dma_wait3A_689 : memref<1x80xi32, #tpu.memory_space<vmem>> -> memref<80xi32, #tpu.memory_space<vmem>>
      %dma_wait3A_691 = arith.constant 0 : i32
      %dma_wait3A_692 = arith.constant 0 : i32
      %dma_wait3A_693 = tpu.memref_slice %arg2[%dma_wait3A_691, %dma_wait3A_692] : memref<3200000x16xf32, #tpu.memory_space<hbm>> -> memref<3200000x16xf32, #tpu.memory_space<hbm>>
      tpu.wait_indirect_dma semaphore(%arg10 : memref<!tpu.dma_semaphore, #tpu.memory_space<semaphore_mem>>) src(%dma_wait3A_693 : memref<3200000x16xf32, #tpu.memory_space<hbm>>) dst(%dma_wait3A_687 : memref<80x16xf32, #tpu.memory_space<vmem>>)
      %dma_wait3A_694 = arith.constant 16 : i32
      %dma_wait3A_695 = arith.constant 1280 : i32
      %dma_wait3A_696 = arith.constant 0 : i32
      %dma_wait3A_697 = tpu.memref_slice %arg7[%dma_wait3A_695, %dma_wait3A_696] : memref<2000x16xf32, #tpu.memory_space<vmem>> -> memref<80x16xf32, #tpu.memory_space<vmem>>
      %dma_wait3A_698 = arith.constant 0 : i32
      %dma_wait3A_699 = tpu.memref_slice %arg5[%dma_wait3A_694, %dma_wait3A_698] : memref<25x80xi32, #tpu.memory_space<vmem>> -> memref<1x80xi32, #tpu.memory_space<vmem>>
      %dma_wait3A_700 = tpu.memref_squeeze %dma_wait3A_699 : memref<1x80xi32, #tpu.memory_space<vmem>> -> memref<80xi32, #tpu.memory_space<vmem>>
      %dma_wait3A_701 = arith.constant 0 : i32
      %dma_wait3A_702 = arith.constant 0 : i32
      %dma_wait3A_703 = tpu.memref_slice %arg2[%dma_wait3A_701, %dma_wait3A_702] : memref<3200000x16xf32, #tpu.memory_space<hbm>> -> memref<3200000x16xf32, #tpu.memory_space<hbm>>
      tpu.wait_indirect_dma semaphore(%arg10 : memref<!tpu.dma_semaphore, #tpu.memory_space<semaphore_mem>>) src(%dma_wait3A_703 : memref<3200000x16xf32, #tpu.memory_space<hbm>>) dst(%dma_wait3A_697 : memref<80x16xf32, #tpu.memory_space<vmem>>)
      %dma_wait3A_704 = arith.constant 17 : i32
      %dma_wait3A_705 = arith.constant 1360 : i32
      %dma_wait3A_706 = arith.constant 0 : i32
      %dma_wait3A_707 = tpu.memref_slice %arg7[%dma_wait3A_705, %dma_wait3A_706] : memref<2000x16xf32, #tpu.memory_space<vmem>> -> memref<80x16xf32, #tpu.memory_space<vmem>>
      %dma_wait3A_708 = arith.constant 0 : i32
      %dma_wait3A_709 = tpu.memref_slice %arg5[%dma_wait3A_704, %dma_wait3A_708] : memref<25x80xi32, #tpu.memory_space<vmem>> -> memref<1x80xi32, #tpu.memory_space<vmem>>
      %dma_wait3A_710 = tpu.memref_squeeze %dma_wait3A_709 : memref<1x80xi32, #tpu.memory_space<vmem>> -> memref<80xi32, #tpu.memory_space<vmem>>
      %dma_wait3A_711 = arith.constant 0 : i32
      %dma_wait3A_712 = arith.constant 0 : i32
      %dma_wait3A_713 = tpu.memref_slice %arg2[%dma_wait3A_711, %dma_wait3A_712] : memref<3200000x16xf32, #tpu.memory_space<hbm>> -> memref<3200000x16xf32, #tpu.memory_space<hbm>>
      tpu.wait_indirect_dma semaphore(%arg10 : memref<!tpu.dma_semaphore, #tpu.memory_space<semaphore_mem>>) src(%dma_wait3A_713 : memref<3200000x16xf32, #tpu.memory_space<hbm>>) dst(%dma_wait3A_707 : memref<80x16xf32, #tpu.memory_space<vmem>>)
      %dma_wait3A_714 = arith.constant 18 : i32
      %dma_wait3A_715 = arith.constant 1440 : i32
      %dma_wait3A_716 = arith.constant 0 : i32
      %dma_wait3A_717 = tpu.memref_slice %arg7[%dma_wait3A_715, %dma_wait3A_716] : memref<2000x16xf32, #tpu.memory_space<vmem>> -> memref<80x16xf32, #tpu.memory_space<vmem>>
      %dma_wait3A_718 = arith.constant 0 : i32
      %dma_wait3A_719 = tpu.memref_slice %arg5[%dma_wait3A_714, %dma_wait3A_718] : memref<25x80xi32, #tpu.memory_space<vmem>> -> memref<1x80xi32, #tpu.memory_space<vmem>>
      %dma_wait3A_720 = tpu.memref_squeeze %dma_wait3A_719 : memref<1x80xi32, #tpu.memory_space<vmem>> -> memref<80xi32, #tpu.memory_space<vmem>>
      %dma_wait3A_721 = arith.constant 0 : i32
      %dma_wait3A_722 = arith.constant 0 : i32
      %dma_wait3A_723 = tpu.memref_slice %arg2[%dma_wait3A_721, %dma_wait3A_722] : memref<3200000x16xf32, #tpu.memory_space<hbm>> -> memref<3200000x16xf32, #tpu.memory_space<hbm>>
      tpu.wait_indirect_dma semaphore(%arg10 : memref<!tpu.dma_semaphore, #tpu.memory_space<semaphore_mem>>) src(%dma_wait3A_723 : memref<3200000x16xf32, #tpu.memory_space<hbm>>) dst(%dma_wait3A_717 : memref<80x16xf32, #tpu.memory_space<vmem>>)
      %dma_wait3A_724 = arith.constant 19 : i32
      %dma_wait3A_725 = arith.constant 1520 : i32
      %dma_wait3A_726 = arith.constant 0 : i32
      %dma_wait3A_727 = tpu.memref_slice %arg7[%dma_wait3A_725, %dma_wait3A_726] : memref<2000x16xf32, #tpu.memory_space<vmem>> -> memref<80x16xf32, #tpu.memory_space<vmem>>
      %dma_wait3A_728 = arith.constant 0 : i32
      %dma_wait3A_729 = tpu.memref_slice %arg5[%dma_wait3A_724, %dma_wait3A_728] : memref<25x80xi32, #tpu.memory_space<vmem>> -> memref<1x80xi32, #tpu.memory_space<vmem>>
      %dma_wait3A_730 = tpu.memref_squeeze %dma_wait3A_729 : memref<1x80xi32, #tpu.memory_space<vmem>> -> memref<80xi32, #tpu.memory_space<vmem>>
      %dma_wait3A_731 = arith.constant 0 : i32
      %dma_wait3A_732 = arith.constant 0 : i32
      %dma_wait3A_733 = tpu.memref_slice %arg2[%dma_wait3A_731, %dma_wait3A_732] : memref<3200000x16xf32, #tpu.memory_space<hbm>> -> memref<3200000x16xf32, #tpu.memory_space<hbm>>
      tpu.wait_indirect_dma semaphore(%arg10 : memref<!tpu.dma_semaphore, #tpu.memory_space<semaphore_mem>>) src(%dma_wait3A_733 : memref<3200000x16xf32, #tpu.memory_space<hbm>>) dst(%dma_wait3A_727 : memref<80x16xf32, #tpu.memory_space<vmem>>)
      %dma_wait3A_734 = arith.constant 20 : i32
      %dma_wait3A_735 = arith.constant 1600 : i32
      %dma_wait3A_736 = arith.constant 0 : i32
      %dma_wait3A_737 = tpu.memref_slice %arg7[%dma_wait3A_735, %dma_wait3A_736] : memref<2000x16xf32, #tpu.memory_space<vmem>> -> memref<80x16xf32, #tpu.memory_space<vmem>>
      %dma_wait3A_738 = arith.constant 0 : i32
      %dma_wait3A_739 = tpu.memref_slice %arg5[%dma_wait3A_734, %dma_wait3A_738] : memref<25x80xi32, #tpu.memory_space<vmem>> -> memref<1x80xi32, #tpu.memory_space<vmem>>
      %dma_wait3A_740 = tpu.memref_squeeze %dma_wait3A_739 : memref<1x80xi32, #tpu.memory_space<vmem>> -> memref<80xi32, #tpu.memory_space<vmem>>
      %dma_wait3A_741 = arith.constant 0 : i32
      %dma_wait3A_742 = arith.constant 0 : i32
      %dma_wait3A_743 = tpu.memref_slice %arg2[%dma_wait3A_741, %dma_wait3A_742] : memref<3200000x16xf32, #tpu.memory_space<hbm>> -> memref<3200000x16xf32, #tpu.memory_space<hbm>>
      tpu.wait_indirect_dma semaphore(%arg10 : memref<!tpu.dma_semaphore, #tpu.memory_space<semaphore_mem>>) src(%dma_wait3A_743 : memref<3200000x16xf32, #tpu.memory_space<hbm>>) dst(%dma_wait3A_737 : memref<80x16xf32, #tpu.memory_space<vmem>>)
      %dma_wait3A_744 = arith.constant 21 : i32
      %dma_wait3A_745 = arith.constant 1680 : i32
      %dma_wait3A_746 = arith.constant 0 : i32
      %dma_wait3A_747 = tpu.memref_slice %arg7[%dma_wait3A_745, %dma_wait3A_746] : memref<2000x16xf32, #tpu.memory_space<vmem>> -> memref<80x16xf32, #tpu.memory_space<vmem>>
      %dma_wait3A_748 = arith.constant 0 : i32
      %dma_wait3A_749 = tpu.memref_slice %arg5[%dma_wait3A_744, %dma_wait3A_748] : memref<25x80xi32, #tpu.memory_space<vmem>> -> memref<1x80xi32, #tpu.memory_space<vmem>>
      %dma_wait3A_750 = tpu.memref_squeeze %dma_wait3A_749 : memref<1x80xi32, #tpu.memory_space<vmem>> -> memref<80xi32, #tpu.memory_space<vmem>>
      %dma_wait3A_751 = arith.constant 0 : i32
      %dma_wait3A_752 = arith.constant 0 : i32
      %dma_wait3A_753 = tpu.memref_slice %arg2[%dma_wait3A_751, %dma_wait3A_752] : memref<3200000x16xf32, #tpu.memory_space<hbm>> -> memref<3200000x16xf32, #tpu.memory_space<hbm>>
      tpu.wait_indirect_dma semaphore(%arg10 : memref<!tpu.dma_semaphore, #tpu.memory_space<semaphore_mem>>) src(%dma_wait3A_753 : memref<3200000x16xf32, #tpu.memory_space<hbm>>) dst(%dma_wait3A_747 : memref<80x16xf32, #tpu.memory_space<vmem>>)
      %dma_wait3A_754 = arith.constant 22 : i32
      %dma_wait3A_755 = arith.constant 1760 : i32
      %dma_wait3A_756 = arith.constant 0 : i32
      %dma_wait3A_757 = tpu.memref_slice %arg7[%dma_wait3A_755, %dma_wait3A_756] : memref<2000x16xf32, #tpu.memory_space<vmem>> -> memref<80x16xf32, #tpu.memory_space<vmem>>
      %dma_wait3A_758 = arith.constant 0 : i32
      %dma_wait3A_759 = tpu.memref_slice %arg5[%dma_wait3A_754, %dma_wait3A_758] : memref<25x80xi32, #tpu.memory_space<vmem>> -> memref<1x80xi32, #tpu.memory_space<vmem>>
      %dma_wait3A_760 = tpu.memref_squeeze %dma_wait3A_759 : memref<1x80xi32, #tpu.memory_space<vmem>> -> memref<80xi32, #tpu.memory_space<vmem>>
      %dma_wait3A_761 = arith.constant 0 : i32
      %dma_wait3A_762 = arith.constant 0 : i32
      %dma_wait3A_763 = tpu.memref_slice %arg2[%dma_wait3A_761, %dma_wait3A_762] : memref<3200000x16xf32, #tpu.memory_space<hbm>> -> memref<3200000x16xf32, #tpu.memory_space<hbm>>
      tpu.wait_indirect_dma semaphore(%arg10 : memref<!tpu.dma_semaphore, #tpu.memory_space<semaphore_mem>>) src(%dma_wait3A_763 : memref<3200000x16xf32, #tpu.memory_space<hbm>>) dst(%dma_wait3A_757 : memref<80x16xf32, #tpu.memory_space<vmem>>)
      %dma_wait3A_764 = arith.constant 23 : i32
      %dma_wait3A_765 = arith.constant 1840 : i32
      %dma_wait3A_766 = arith.constant 0 : i32
      %dma_wait3A_767 = tpu.memref_slice %arg7[%dma_wait3A_765, %dma_wait3A_766] : memref<2000x16xf32, #tpu.memory_space<vmem>> -> memref<80x16xf32, #tpu.memory_space<vmem>>
      %dma_wait3A_768 = arith.constant 0 : i32
      %dma_wait3A_769 = tpu.memref_slice %arg5[%dma_wait3A_764, %dma_wait3A_768] : memref<25x80xi32, #tpu.memory_space<vmem>> -> memref<1x80xi32, #tpu.memory_space<vmem>>
      %dma_wait3A_770 = tpu.memref_squeeze %dma_wait3A_769 : memref<1x80xi32, #tpu.memory_space<vmem>> -> memref<80xi32, #tpu.memory_space<vmem>>
      %dma_wait3A_771 = arith.constant 0 : i32
      %dma_wait3A_772 = arith.constant 0 : i32
      %dma_wait3A_773 = tpu.memref_slice %arg2[%dma_wait3A_771, %dma_wait3A_772] : memref<3200000x16xf32, #tpu.memory_space<hbm>> -> memref<3200000x16xf32, #tpu.memory_space<hbm>>
      tpu.wait_indirect_dma semaphore(%arg10 : memref<!tpu.dma_semaphore, #tpu.memory_space<semaphore_mem>>) src(%dma_wait3A_773 : memref<3200000x16xf32, #tpu.memory_space<hbm>>) dst(%dma_wait3A_767 : memref<80x16xf32, #tpu.memory_space<vmem>>)
      %dma_wait3A_774 = arith.constant 24 : i32
      %dma_wait3A_775 = arith.constant 1920 : i32
      %dma_wait3A_776 = arith.constant 0 : i32
      %dma_wait3A_777 = tpu.memref_slice %arg7[%dma_wait3A_775, %dma_wait3A_776] : memref<2000x16xf32, #tpu.memory_space<vmem>> -> memref<80x16xf32, #tpu.memory_space<vmem>>
      %dma_wait3A_778 = arith.constant 0 : i32
      %dma_wait3A_779 = tpu.memref_slice %arg5[%dma_wait3A_774, %dma_wait3A_778] : memref<25x80xi32, #tpu.memory_space<vmem>> -> memref<1x80xi32, #tpu.memory_space<vmem>>
      %dma_wait3A_780 = tpu.memref_squeeze %dma_wait3A_779 : memref<1x80xi32, #tpu.memory_space<vmem>> -> memref<80xi32, #tpu.memory_space<vmem>>
      %dma_wait3A_781 = arith.constant 0 : i32
      %dma_wait3A_782 = arith.constant 0 : i32
      %dma_wait3A_783 = tpu.memref_slice %arg2[%dma_wait3A_781, %dma_wait3A_782] : memref<3200000x16xf32, #tpu.memory_space<hbm>> -> memref<3200000x16xf32, #tpu.memory_space<hbm>>
      tpu.wait_indirect_dma semaphore(%arg10 : memref<!tpu.dma_semaphore, #tpu.memory_space<semaphore_mem>>) src(%dma_wait3A_783 : memref<3200000x16xf32, #tpu.memory_space<hbm>>) dst(%dma_wait3A_777 : memref<80x16xf32, #tpu.memory_space<vmem>>)
      %dma_wait3A_784 = arith.constant 0 : i32
      %dma_wait3A_785 = arith.constant 0 : i32
      %dma_wait3A_786 = arith.constant 0 : i32
      %dma_wait3A_787 = tpu.memref_slice %arg8[%dma_wait3A_785, %dma_wait3A_786] : memref<2000x16xf32, #tpu.memory_space<vmem>> -> memref<80x16xf32, #tpu.memory_space<vmem>>
      %dma_wait3A_788 = arith.constant 0 : i32
      %dma_wait3A_789 = tpu.memref_slice %arg6[%dma_wait3A_784, %dma_wait3A_788] : memref<25x80xi32, #tpu.memory_space<vmem>> -> memref<1x80xi32, #tpu.memory_space<vmem>>
      %dma_wait3A_790 = tpu.memref_squeeze %dma_wait3A_789 : memref<1x80xi32, #tpu.memory_space<vmem>> -> memref<80xi32, #tpu.memory_space<vmem>>
      %dma_wait3A_791 = arith.constant 0 : i32
      %dma_wait3A_792 = arith.constant 0 : i32
      %dma_wait3A_793 = tpu.memref_slice %arg2[%dma_wait3A_791, %dma_wait3A_792] : memref<3200000x16xf32, #tpu.memory_space<hbm>> -> memref<3200000x16xf32, #tpu.memory_space<hbm>>
      tpu.wait_indirect_dma semaphore(%arg10 : memref<!tpu.dma_semaphore, #tpu.memory_space<semaphore_mem>>) src(%dma_wait3A_793 : memref<3200000x16xf32, #tpu.memory_space<hbm>>) dst(%dma_wait3A_787 : memref<80x16xf32, #tpu.memory_space<vmem>>)
      %dma_wait3A_794 = arith.constant 1 : i32
      %dma_wait3A_795 = arith.constant 80 : i32
      %dma_wait3A_796 = arith.constant 0 : i32
      %dma_wait3A_797 = tpu.memref_slice %arg8[%dma_wait3A_795, %dma_wait3A_796] : memref<2000x16xf32, #tpu.memory_space<vmem>> -> memref<80x16xf32, #tpu.memory_space<vmem>>
      %dma_wait3A_798 = arith.constant 0 : i32
      %dma_wait3A_799 = tpu.memref_slice %arg6[%dma_wait3A_794, %dma_wait3A_798] : memref<25x80xi32, #tpu.memory_space<vmem>> -> memref<1x80xi32, #tpu.memory_space<vmem>>
      %dma_wait3A_800 = tpu.memref_squeeze %dma_wait3A_799 : memref<1x80xi32, #tpu.memory_space<vmem>> -> memref<80xi32, #tpu.memory_space<vmem>>
      %dma_wait3A_801 = arith.constant 0 : i32
      %dma_wait3A_802 = arith.constant 0 : i32
      %dma_wait3A_803 = tpu.memref_slice %arg2[%dma_wait3A_801, %dma_wait3A_802] : memref<3200000x16xf32, #tpu.memory_space<hbm>> -> memref<3200000x16xf32, #tpu.memory_space<hbm>>
      tpu.wait_indirect_dma semaphore(%arg10 : memref<!tpu.dma_semaphore, #tpu.memory_space<semaphore_mem>>) src(%dma_wait3A_803 : memref<3200000x16xf32, #tpu.memory_space<hbm>>) dst(%dma_wait3A_797 : memref<80x16xf32, #tpu.memory_space<vmem>>)
      %dma_wait3A_804 = arith.constant 2 : i32
      %dma_wait3A_805 = arith.constant 160 : i32
      %dma_wait3A_806 = arith.constant 0 : i32
      %dma_wait3A_807 = tpu.memref_slice %arg8[%dma_wait3A_805, %dma_wait3A_806] : memref<2000x16xf32, #tpu.memory_space<vmem>> -> memref<80x16xf32, #tpu.memory_space<vmem>>
      %dma_wait3A_808 = arith.constant 0 : i32
      %dma_wait3A_809 = tpu.memref_slice %arg6[%dma_wait3A_804, %dma_wait3A_808] : memref<25x80xi32, #tpu.memory_space<vmem>> -> memref<1x80xi32, #tpu.memory_space<vmem>>
      %dma_wait3A_810 = tpu.memref_squeeze %dma_wait3A_809 : memref<1x80xi32, #tpu.memory_space<vmem>> -> memref<80xi32, #tpu.memory_space<vmem>>
      %dma_wait3A_811 = arith.constant 0 : i32
      %dma_wait3A_812 = arith.constant 0 : i32
      %dma_wait3A_813 = tpu.memref_slice %arg2[%dma_wait3A_811, %dma_wait3A_812] : memref<3200000x16xf32, #tpu.memory_space<hbm>> -> memref<3200000x16xf32, #tpu.memory_space<hbm>>
      tpu.wait_indirect_dma semaphore(%arg10 : memref<!tpu.dma_semaphore, #tpu.memory_space<semaphore_mem>>) src(%dma_wait3A_813 : memref<3200000x16xf32, #tpu.memory_space<hbm>>) dst(%dma_wait3A_807 : memref<80x16xf32, #tpu.memory_space<vmem>>)
      %dma_wait3A_814 = arith.constant 3 : i32
      %dma_wait3A_815 = arith.constant 240 : i32
      %dma_wait3A_816 = arith.constant 0 : i32
      %dma_wait3A_817 = tpu.memref_slice %arg8[%dma_wait3A_815, %dma_wait3A_816] : memref<2000x16xf32, #tpu.memory_space<vmem>> -> memref<80x16xf32, #tpu.memory_space<vmem>>
      %dma_wait3A_818 = arith.constant 0 : i32
      %dma_wait3A_819 = tpu.memref_slice %arg6[%dma_wait3A_814, %dma_wait3A_818] : memref<25x80xi32, #tpu.memory_space<vmem>> -> memref<1x80xi32, #tpu.memory_space<vmem>>
      %dma_wait3A_820 = tpu.memref_squeeze %dma_wait3A_819 : memref<1x80xi32, #tpu.memory_space<vmem>> -> memref<80xi32, #tpu.memory_space<vmem>>
      %dma_wait3A_821 = arith.constant 0 : i32
      %dma_wait3A_822 = arith.constant 0 : i32
      %dma_wait3A_823 = tpu.memref_slice %arg2[%dma_wait3A_821, %dma_wait3A_822] : memref<3200000x16xf32, #tpu.memory_space<hbm>> -> memref<3200000x16xf32, #tpu.memory_space<hbm>>
      tpu.wait_indirect_dma semaphore(%arg10 : memref<!tpu.dma_semaphore, #tpu.memory_space<semaphore_mem>>) src(%dma_wait3A_823 : memref<3200000x16xf32, #tpu.memory_space<hbm>>) dst(%dma_wait3A_817 : memref<80x16xf32, #tpu.memory_space<vmem>>)
      %dma_wait3A_824 = arith.constant 4 : i32
      %dma_wait3A_825 = arith.constant 320 : i32
      %dma_wait3A_826 = arith.constant 0 : i32
      %dma_wait3A_827 = tpu.memref_slice %arg8[%dma_wait3A_825, %dma_wait3A_826] : memref<2000x16xf32, #tpu.memory_space<vmem>> -> memref<80x16xf32, #tpu.memory_space<vmem>>
      %dma_wait3A_828 = arith.constant 0 : i32
      %dma_wait3A_829 = tpu.memref_slice %arg6[%dma_wait3A_824, %dma_wait3A_828] : memref<25x80xi32, #tpu.memory_space<vmem>> -> memref<1x80xi32, #tpu.memory_space<vmem>>
      %dma_wait3A_830 = tpu.memref_squeeze %dma_wait3A_829 : memref<1x80xi32, #tpu.memory_space<vmem>> -> memref<80xi32, #tpu.memory_space<vmem>>
      %dma_wait3A_831 = arith.constant 0 : i32
      %dma_wait3A_832 = arith.constant 0 : i32
      %dma_wait3A_833 = tpu.memref_slice %arg2[%dma_wait3A_831, %dma_wait3A_832] : memref<3200000x16xf32, #tpu.memory_space<hbm>> -> memref<3200000x16xf32, #tpu.memory_space<hbm>>
      tpu.wait_indirect_dma semaphore(%arg10 : memref<!tpu.dma_semaphore, #tpu.memory_space<semaphore_mem>>) src(%dma_wait3A_833 : memref<3200000x16xf32, #tpu.memory_space<hbm>>) dst(%dma_wait3A_827 : memref<80x16xf32, #tpu.memory_space<vmem>>)
      %dma_wait3A_834 = arith.constant 5 : i32
      %dma_wait3A_835 = arith.constant 400 : i32
      %dma_wait3A_836 = arith.constant 0 : i32
      %dma_wait3A_837 = tpu.memref_slice %arg8[%dma_wait3A_835, %dma_wait3A_836] : memref<2000x16xf32, #tpu.memory_space<vmem>> -> memref<80x16xf32, #tpu.memory_space<vmem>>
      %dma_wait3A_838 = arith.constant 0 : i32
      %dma_wait3A_839 = tpu.memref_slice %arg6[%dma_wait3A_834, %dma_wait3A_838] : memref<25x80xi32, #tpu.memory_space<vmem>> -> memref<1x80xi32, #tpu.memory_space<vmem>>
      %dma_wait3A_840 = tpu.memref_squeeze %dma_wait3A_839 : memref<1x80xi32, #tpu.memory_space<vmem>> -> memref<80xi32, #tpu.memory_space<vmem>>
      %dma_wait3A_841 = arith.constant 0 : i32
      %dma_wait3A_842 = arith.constant 0 : i32
      %dma_wait3A_843 = tpu.memref_slice %arg2[%dma_wait3A_841, %dma_wait3A_842] : memref<3200000x16xf32, #tpu.memory_space<hbm>> -> memref<3200000x16xf32, #tpu.memory_space<hbm>>
      tpu.wait_indirect_dma semaphore(%arg10 : memref<!tpu.dma_semaphore, #tpu.memory_space<semaphore_mem>>) src(%dma_wait3A_843 : memref<3200000x16xf32, #tpu.memory_space<hbm>>) dst(%dma_wait3A_837 : memref<80x16xf32, #tpu.memory_space<vmem>>)
      %dma_wait3A_844 = arith.constant 6 : i32
      %dma_wait3A_845 = arith.constant 480 : i32
      %dma_wait3A_846 = arith.constant 0 : i32
      %dma_wait3A_847 = tpu.memref_slice %arg8[%dma_wait3A_845, %dma_wait3A_846] : memref<2000x16xf32, #tpu.memory_space<vmem>> -> memref<80x16xf32, #tpu.memory_space<vmem>>
      %dma_wait3A_848 = arith.constant 0 : i32
      %dma_wait3A_849 = tpu.memref_slice %arg6[%dma_wait3A_844, %dma_wait3A_848] : memref<25x80xi32, #tpu.memory_space<vmem>> -> memref<1x80xi32, #tpu.memory_space<vmem>>
      %dma_wait3A_850 = tpu.memref_squeeze %dma_wait3A_849 : memref<1x80xi32, #tpu.memory_space<vmem>> -> memref<80xi32, #tpu.memory_space<vmem>>
      %dma_wait3A_851 = arith.constant 0 : i32
      %dma_wait3A_852 = arith.constant 0 : i32
      %dma_wait3A_853 = tpu.memref_slice %arg2[%dma_wait3A_851, %dma_wait3A_852] : memref<3200000x16xf32, #tpu.memory_space<hbm>> -> memref<3200000x16xf32, #tpu.memory_space<hbm>>
      tpu.wait_indirect_dma semaphore(%arg10 : memref<!tpu.dma_semaphore, #tpu.memory_space<semaphore_mem>>) src(%dma_wait3A_853 : memref<3200000x16xf32, #tpu.memory_space<hbm>>) dst(%dma_wait3A_847 : memref<80x16xf32, #tpu.memory_space<vmem>>)
      %dma_wait3A_854 = arith.constant 7 : i32
      %dma_wait3A_855 = arith.constant 560 : i32
      %dma_wait3A_856 = arith.constant 0 : i32
      %dma_wait3A_857 = tpu.memref_slice %arg8[%dma_wait3A_855, %dma_wait3A_856] : memref<2000x16xf32, #tpu.memory_space<vmem>> -> memref<80x16xf32, #tpu.memory_space<vmem>>
      %dma_wait3A_858 = arith.constant 0 : i32
      %dma_wait3A_859 = tpu.memref_slice %arg6[%dma_wait3A_854, %dma_wait3A_858] : memref<25x80xi32, #tpu.memory_space<vmem>> -> memref<1x80xi32, #tpu.memory_space<vmem>>
      %dma_wait3A_860 = tpu.memref_squeeze %dma_wait3A_859 : memref<1x80xi32, #tpu.memory_space<vmem>> -> memref<80xi32, #tpu.memory_space<vmem>>
      %dma_wait3A_861 = arith.constant 0 : i32
      %dma_wait3A_862 = arith.constant 0 : i32
      %dma_wait3A_863 = tpu.memref_slice %arg2[%dma_wait3A_861, %dma_wait3A_862] : memref<3200000x16xf32, #tpu.memory_space<hbm>> -> memref<3200000x16xf32, #tpu.memory_space<hbm>>
      tpu.wait_indirect_dma semaphore(%arg10 : memref<!tpu.dma_semaphore, #tpu.memory_space<semaphore_mem>>) src(%dma_wait3A_863 : memref<3200000x16xf32, #tpu.memory_space<hbm>>) dst(%dma_wait3A_857 : memref<80x16xf32, #tpu.memory_space<vmem>>)
      %dma_wait3A_864 = arith.constant 8 : i32
      %dma_wait3A_865 = arith.constant 640 : i32
      %dma_wait3A_866 = arith.constant 0 : i32
      %dma_wait3A_867 = tpu.memref_slice %arg8[%dma_wait3A_865, %dma_wait3A_866] : memref<2000x16xf32, #tpu.memory_space<vmem>> -> memref<80x16xf32, #tpu.memory_space<vmem>>
      %dma_wait3A_868 = arith.constant 0 : i32
      %dma_wait3A_869 = tpu.memref_slice %arg6[%dma_wait3A_864, %dma_wait3A_868] : memref<25x80xi32, #tpu.memory_space<vmem>> -> memref<1x80xi32, #tpu.memory_space<vmem>>
      %dma_wait3A_870 = tpu.memref_squeeze %dma_wait3A_869 : memref<1x80xi32, #tpu.memory_space<vmem>> -> memref<80xi32, #tpu.memory_space<vmem>>
      %dma_wait3A_871 = arith.constant 0 : i32
      %dma_wait3A_872 = arith.constant 0 : i32
      %dma_wait3A_873 = tpu.memref_slice %arg2[%dma_wait3A_871, %dma_wait3A_872] : memref<3200000x16xf32, #tpu.memory_space<hbm>> -> memref<3200000x16xf32, #tpu.memory_space<hbm>>
      tpu.wait_indirect_dma semaphore(%arg10 : memref<!tpu.dma_semaphore, #tpu.memory_space<semaphore_mem>>) src(%dma_wait3A_873 : memref<3200000x16xf32, #tpu.memory_space<hbm>>) dst(%dma_wait3A_867 : memref<80x16xf32, #tpu.memory_space<vmem>>)
      %dma_wait3A_874 = arith.constant 9 : i32
      %dma_wait3A_875 = arith.constant 720 : i32
      %dma_wait3A_876 = arith.constant 0 : i32
      %dma_wait3A_877 = tpu.memref_slice %arg8[%dma_wait3A_875, %dma_wait3A_876] : memref<2000x16xf32, #tpu.memory_space<vmem>> -> memref<80x16xf32, #tpu.memory_space<vmem>>
      %dma_wait3A_878 = arith.constant 0 : i32
      %dma_wait3A_879 = tpu.memref_slice %arg6[%dma_wait3A_874, %dma_wait3A_878] : memref<25x80xi32, #tpu.memory_space<vmem>> -> memref<1x80xi32, #tpu.memory_space<vmem>>
      %dma_wait3A_880 = tpu.memref_squeeze %dma_wait3A_879 : memref<1x80xi32, #tpu.memory_space<vmem>> -> memref<80xi32, #tpu.memory_space<vmem>>
      %dma_wait3A_881 = arith.constant 0 : i32
      %dma_wait3A_882 = arith.constant 0 : i32
      %dma_wait3A_883 = tpu.memref_slice %arg2[%dma_wait3A_881, %dma_wait3A_882] : memref<3200000x16xf32, #tpu.memory_space<hbm>> -> memref<3200000x16xf32, #tpu.memory_space<hbm>>
      tpu.wait_indirect_dma semaphore(%arg10 : memref<!tpu.dma_semaphore, #tpu.memory_space<semaphore_mem>>) src(%dma_wait3A_883 : memref<3200000x16xf32, #tpu.memory_space<hbm>>) dst(%dma_wait3A_877 : memref<80x16xf32, #tpu.memory_space<vmem>>)
      %dma_wait3A_884 = arith.constant 10 : i32
      %dma_wait3A_885 = arith.constant 800 : i32
      %dma_wait3A_886 = arith.constant 0 : i32
      %dma_wait3A_887 = tpu.memref_slice %arg8[%dma_wait3A_885, %dma_wait3A_886] : memref<2000x16xf32, #tpu.memory_space<vmem>> -> memref<80x16xf32, #tpu.memory_space<vmem>>
      %dma_wait3A_888 = arith.constant 0 : i32
      %dma_wait3A_889 = tpu.memref_slice %arg6[%dma_wait3A_884, %dma_wait3A_888] : memref<25x80xi32, #tpu.memory_space<vmem>> -> memref<1x80xi32, #tpu.memory_space<vmem>>
      %dma_wait3A_890 = tpu.memref_squeeze %dma_wait3A_889 : memref<1x80xi32, #tpu.memory_space<vmem>> -> memref<80xi32, #tpu.memory_space<vmem>>
      %dma_wait3A_891 = arith.constant 0 : i32
      %dma_wait3A_892 = arith.constant 0 : i32
      %dma_wait3A_893 = tpu.memref_slice %arg2[%dma_wait3A_891, %dma_wait3A_892] : memref<3200000x16xf32, #tpu.memory_space<hbm>> -> memref<3200000x16xf32, #tpu.memory_space<hbm>>
      tpu.wait_indirect_dma semaphore(%arg10 : memref<!tpu.dma_semaphore, #tpu.memory_space<semaphore_mem>>) src(%dma_wait3A_893 : memref<3200000x16xf32, #tpu.memory_space<hbm>>) dst(%dma_wait3A_887 : memref<80x16xf32, #tpu.memory_space<vmem>>)
      %dma_wait3A_894 = arith.constant 11 : i32
      %dma_wait3A_895 = arith.constant 880 : i32
      %dma_wait3A_896 = arith.constant 0 : i32
      %dma_wait3A_897 = tpu.memref_slice %arg8[%dma_wait3A_895, %dma_wait3A_896] : memref<2000x16xf32, #tpu.memory_space<vmem>> -> memref<80x16xf32, #tpu.memory_space<vmem>>
      %dma_wait3A_898 = arith.constant 0 : i32
      %dma_wait3A_899 = tpu.memref_slice %arg6[%dma_wait3A_894, %dma_wait3A_898] : memref<25x80xi32, #tpu.memory_space<vmem>> -> memref<1x80xi32, #tpu.memory_space<vmem>>
      %dma_wait3A_900 = tpu.memref_squeeze %dma_wait3A_899 : memref<1x80xi32, #tpu.memory_space<vmem>> -> memref<80xi32, #tpu.memory_space<vmem>>
      %dma_wait3A_901 = arith.constant 0 : i32
      %dma_wait3A_902 = arith.constant 0 : i32
      %dma_wait3A_903 = tpu.memref_slice %arg2[%dma_wait3A_901, %dma_wait3A_902] : memref<3200000x16xf32, #tpu.memory_space<hbm>> -> memref<3200000x16xf32, #tpu.memory_space<hbm>>
      tpu.wait_indirect_dma semaphore(%arg10 : memref<!tpu.dma_semaphore, #tpu.memory_space<semaphore_mem>>) src(%dma_wait3A_903 : memref<3200000x16xf32, #tpu.memory_space<hbm>>) dst(%dma_wait3A_897 : memref<80x16xf32, #tpu.memory_space<vmem>>)
      %dma_wait3A_904 = arith.constant 12 : i32
      %dma_wait3A_905 = arith.constant 960 : i32
      %dma_wait3A_906 = arith.constant 0 : i32
      %dma_wait3A_907 = tpu.memref_slice %arg8[%dma_wait3A_905, %dma_wait3A_906] : memref<2000x16xf32, #tpu.memory_space<vmem>> -> memref<80x16xf32, #tpu.memory_space<vmem>>
      %dma_wait3A_908 = arith.constant 0 : i32
      %dma_wait3A_909 = tpu.memref_slice %arg6[%dma_wait3A_904, %dma_wait3A_908] : memref<25x80xi32, #tpu.memory_space<vmem>> -> memref<1x80xi32, #tpu.memory_space<vmem>>
      %dma_wait3A_910 = tpu.memref_squeeze %dma_wait3A_909 : memref<1x80xi32, #tpu.memory_space<vmem>> -> memref<80xi32, #tpu.memory_space<vmem>>
      %dma_wait3A_911 = arith.constant 0 : i32
      %dma_wait3A_912 = arith.constant 0 : i32
      %dma_wait3A_913 = tpu.memref_slice %arg2[%dma_wait3A_911, %dma_wait3A_912] : memref<3200000x16xf32, #tpu.memory_space<hbm>> -> memref<3200000x16xf32, #tpu.memory_space<hbm>>
      tpu.wait_indirect_dma semaphore(%arg10 : memref<!tpu.dma_semaphore, #tpu.memory_space<semaphore_mem>>) src(%dma_wait3A_913 : memref<3200000x16xf32, #tpu.memory_space<hbm>>) dst(%dma_wait3A_907 : memref<80x16xf32, #tpu.memory_space<vmem>>)
      %dma_wait3A_914 = arith.constant 13 : i32
      %dma_wait3A_915 = arith.constant 1040 : i32
      %dma_wait3A_916 = arith.constant 0 : i32
      %dma_wait3A_917 = tpu.memref_slice %arg8[%dma_wait3A_915, %dma_wait3A_916] : memref<2000x16xf32, #tpu.memory_space<vmem>> -> memref<80x16xf32, #tpu.memory_space<vmem>>
      %dma_wait3A_918 = arith.constant 0 : i32
      %dma_wait3A_919 = tpu.memref_slice %arg6[%dma_wait3A_914, %dma_wait3A_918] : memref<25x80xi32, #tpu.memory_space<vmem>> -> memref<1x80xi32, #tpu.memory_space<vmem>>
      %dma_wait3A_920 = tpu.memref_squeeze %dma_wait3A_919 : memref<1x80xi32, #tpu.memory_space<vmem>> -> memref<80xi32, #tpu.memory_space<vmem>>
      %dma_wait3A_921 = arith.constant 0 : i32
      %dma_wait3A_922 = arith.constant 0 : i32
      %dma_wait3A_923 = tpu.memref_slice %arg2[%dma_wait3A_921, %dma_wait3A_922] : memref<3200000x16xf32, #tpu.memory_space<hbm>> -> memref<3200000x16xf32, #tpu.memory_space<hbm>>
      tpu.wait_indirect_dma semaphore(%arg10 : memref<!tpu.dma_semaphore, #tpu.memory_space<semaphore_mem>>) src(%dma_wait3A_923 : memref<3200000x16xf32, #tpu.memory_space<hbm>>) dst(%dma_wait3A_917 : memref<80x16xf32, #tpu.memory_space<vmem>>)
      %dma_wait3A_924 = arith.constant 14 : i32
      %dma_wait3A_925 = arith.constant 1120 : i32
      %dma_wait3A_926 = arith.constant 0 : i32
      %dma_wait3A_927 = tpu.memref_slice %arg8[%dma_wait3A_925, %dma_wait3A_926] : memref<2000x16xf32, #tpu.memory_space<vmem>> -> memref<80x16xf32, #tpu.memory_space<vmem>>
      %dma_wait3A_928 = arith.constant 0 : i32
      %dma_wait3A_929 = tpu.memref_slice %arg6[%dma_wait3A_924, %dma_wait3A_928] : memref<25x80xi32, #tpu.memory_space<vmem>> -> memref<1x80xi32, #tpu.memory_space<vmem>>
      %dma_wait3A_930 = tpu.memref_squeeze %dma_wait3A_929 : memref<1x80xi32, #tpu.memory_space<vmem>> -> memref<80xi32, #tpu.memory_space<vmem>>
      %dma_wait3A_931 = arith.constant 0 : i32
      %dma_wait3A_932 = arith.constant 0 : i32
      %dma_wait3A_933 = tpu.memref_slice %arg2[%dma_wait3A_931, %dma_wait3A_932] : memref<3200000x16xf32, #tpu.memory_space<hbm>> -> memref<3200000x16xf32, #tpu.memory_space<hbm>>
      tpu.wait_indirect_dma semaphore(%arg10 : memref<!tpu.dma_semaphore, #tpu.memory_space<semaphore_mem>>) src(%dma_wait3A_933 : memref<3200000x16xf32, #tpu.memory_space<hbm>>) dst(%dma_wait3A_927 : memref<80x16xf32, #tpu.memory_space<vmem>>)
      %dma_wait3A_934 = arith.constant 15 : i32
      %dma_wait3A_935 = arith.constant 1200 : i32
      %dma_wait3A_936 = arith.constant 0 : i32
      %dma_wait3A_937 = tpu.memref_slice %arg8[%dma_wait3A_935, %dma_wait3A_936] : memref<2000x16xf32, #tpu.memory_space<vmem>> -> memref<80x16xf32, #tpu.memory_space<vmem>>
      %dma_wait3A_938 = arith.constant 0 : i32
      %dma_wait3A_939 = tpu.memref_slice %arg6[%dma_wait3A_934, %dma_wait3A_938] : memref<25x80xi32, #tpu.memory_space<vmem>> -> memref<1x80xi32, #tpu.memory_space<vmem>>
      %dma_wait3A_940 = tpu.memref_squeeze %dma_wait3A_939 : memref<1x80xi32, #tpu.memory_space<vmem>> -> memref<80xi32, #tpu.memory_space<vmem>>
      %dma_wait3A_941 = arith.constant 0 : i32
      %dma_wait3A_942 = arith.constant 0 : i32
      %dma_wait3A_943 = tpu.memref_slice %arg2[%dma_wait3A_941, %dma_wait3A_942] : memref<3200000x16xf32, #tpu.memory_space<hbm>> -> memref<3200000x16xf32, #tpu.memory_space<hbm>>
      tpu.wait_indirect_dma semaphore(%arg10 : memref<!tpu.dma_semaphore, #tpu.memory_space<semaphore_mem>>) src(%dma_wait3A_943 : memref<3200000x16xf32, #tpu.memory_space<hbm>>) dst(%dma_wait3A_937 : memref<80x16xf32, #tpu.memory_space<vmem>>)
      %dma_wait3A_944 = arith.constant 16 : i32
      %dma_wait3A_945 = arith.constant 1280 : i32
      %dma_wait3A_946 = arith.constant 0 : i32
      %dma_wait3A_947 = tpu.memref_slice %arg8[%dma_wait3A_945, %dma_wait3A_946] : memref<2000x16xf32, #tpu.memory_space<vmem>> -> memref<80x16xf32, #tpu.memory_space<vmem>>
      %dma_wait3A_948 = arith.constant 0 : i32
      %dma_wait3A_949 = tpu.memref_slice %arg6[%dma_wait3A_944, %dma_wait3A_948] : memref<25x80xi32, #tpu.memory_space<vmem>> -> memref<1x80xi32, #tpu.memory_space<vmem>>
      %dma_wait3A_950 = tpu.memref_squeeze %dma_wait3A_949 : memref<1x80xi32, #tpu.memory_space<vmem>> -> memref<80xi32, #tpu.memory_space<vmem>>
      %dma_wait3A_951 = arith.constant 0 : i32
      %dma_wait3A_952 = arith.constant 0 : i32
      %dma_wait3A_953 = tpu.memref_slice %arg2[%dma_wait3A_951, %dma_wait3A_952] : memref<3200000x16xf32, #tpu.memory_space<hbm>> -> memref<3200000x16xf32, #tpu.memory_space<hbm>>
      tpu.wait_indirect_dma semaphore(%arg10 : memref<!tpu.dma_semaphore, #tpu.memory_space<semaphore_mem>>) src(%dma_wait3A_953 : memref<3200000x16xf32, #tpu.memory_space<hbm>>) dst(%dma_wait3A_947 : memref<80x16xf32, #tpu.memory_space<vmem>>)
      %dma_wait3A_954 = arith.constant 17 : i32
      %dma_wait3A_955 = arith.constant 1360 : i32
      %dma_wait3A_956 = arith.constant 0 : i32
      %dma_wait3A_957 = tpu.memref_slice %arg8[%dma_wait3A_955, %dma_wait3A_956] : memref<2000x16xf32, #tpu.memory_space<vmem>> -> memref<80x16xf32, #tpu.memory_space<vmem>>
      %dma_wait3A_958 = arith.constant 0 : i32
      %dma_wait3A_959 = tpu.memref_slice %arg6[%dma_wait3A_954, %dma_wait3A_958] : memref<25x80xi32, #tpu.memory_space<vmem>> -> memref<1x80xi32, #tpu.memory_space<vmem>>
      %dma_wait3A_960 = tpu.memref_squeeze %dma_wait3A_959 : memref<1x80xi32, #tpu.memory_space<vmem>> -> memref<80xi32, #tpu.memory_space<vmem>>
      %dma_wait3A_961 = arith.constant 0 : i32
      %dma_wait3A_962 = arith.constant 0 : i32
      %dma_wait3A_963 = tpu.memref_slice %arg2[%dma_wait3A_961, %dma_wait3A_962] : memref<3200000x16xf32, #tpu.memory_space<hbm>> -> memref<3200000x16xf32, #tpu.memory_space<hbm>>
      tpu.wait_indirect_dma semaphore(%arg10 : memref<!tpu.dma_semaphore, #tpu.memory_space<semaphore_mem>>) src(%dma_wait3A_963 : memref<3200000x16xf32, #tpu.memory_space<hbm>>) dst(%dma_wait3A_957 : memref<80x16xf32, #tpu.memory_space<vmem>>)
      %dma_wait3A_964 = arith.constant 18 : i32
      %dma_wait3A_965 = arith.constant 1440 : i32
      %dma_wait3A_966 = arith.constant 0 : i32
      %dma_wait3A_967 = tpu.memref_slice %arg8[%dma_wait3A_965, %dma_wait3A_966] : memref<2000x16xf32, #tpu.memory_space<vmem>> -> memref<80x16xf32, #tpu.memory_space<vmem>>
      %dma_wait3A_968 = arith.constant 0 : i32
      %dma_wait3A_969 = tpu.memref_slice %arg6[%dma_wait3A_964, %dma_wait3A_968] : memref<25x80xi32, #tpu.memory_space<vmem>> -> memref<1x80xi32, #tpu.memory_space<vmem>>
      %dma_wait3A_970 = tpu.memref_squeeze %dma_wait3A_969 : memref<1x80xi32, #tpu.memory_space<vmem>> -> memref<80xi32, #tpu.memory_space<vmem>>
      %dma_wait3A_971 = arith.constant 0 : i32
      %dma_wait3A_972 = arith.constant 0 : i32
      %dma_wait3A_973 = tpu.memref_slice %arg2[%dma_wait3A_971, %dma_wait3A_972] : memref<3200000x16xf32, #tpu.memory_space<hbm>> -> memref<3200000x16xf32, #tpu.memory_space<hbm>>
      tpu.wait_indirect_dma semaphore(%arg10 : memref<!tpu.dma_semaphore, #tpu.memory_space<semaphore_mem>>) src(%dma_wait3A_973 : memref<3200000x16xf32, #tpu.memory_space<hbm>>) dst(%dma_wait3A_967 : memref<80x16xf32, #tpu.memory_space<vmem>>)
      %dma_wait3A_974 = arith.constant 19 : i32
      %dma_wait3A_975 = arith.constant 1520 : i32
      %dma_wait3A_976 = arith.constant 0 : i32
      %dma_wait3A_977 = tpu.memref_slice %arg8[%dma_wait3A_975, %dma_wait3A_976] : memref<2000x16xf32, #tpu.memory_space<vmem>> -> memref<80x16xf32, #tpu.memory_space<vmem>>
      %dma_wait3A_978 = arith.constant 0 : i32
      %dma_wait3A_979 = tpu.memref_slice %arg6[%dma_wait3A_974, %dma_wait3A_978] : memref<25x80xi32, #tpu.memory_space<vmem>> -> memref<1x80xi32, #tpu.memory_space<vmem>>
      %dma_wait3A_980 = tpu.memref_squeeze %dma_wait3A_979 : memref<1x80xi32, #tpu.memory_space<vmem>> -> memref<80xi32, #tpu.memory_space<vmem>>
      %dma_wait3A_981 = arith.constant 0 : i32
      %dma_wait3A_982 = arith.constant 0 : i32
      %dma_wait3A_983 = tpu.memref_slice %arg2[%dma_wait3A_981, %dma_wait3A_982] : memref<3200000x16xf32, #tpu.memory_space<hbm>> -> memref<3200000x16xf32, #tpu.memory_space<hbm>>
      tpu.wait_indirect_dma semaphore(%arg10 : memref<!tpu.dma_semaphore, #tpu.memory_space<semaphore_mem>>) src(%dma_wait3A_983 : memref<3200000x16xf32, #tpu.memory_space<hbm>>) dst(%dma_wait3A_977 : memref<80x16xf32, #tpu.memory_space<vmem>>)
      %dma_wait3A_984 = arith.constant 20 : i32
      %dma_wait3A_985 = arith.constant 1600 : i32
      %dma_wait3A_986 = arith.constant 0 : i32
      %dma_wait3A_987 = tpu.memref_slice %arg8[%dma_wait3A_985, %dma_wait3A_986] : memref<2000x16xf32, #tpu.memory_space<vmem>> -> memref<80x16xf32, #tpu.memory_space<vmem>>
      %dma_wait3A_988 = arith.constant 0 : i32
      %dma_wait3A_989 = tpu.memref_slice %arg6[%dma_wait3A_984, %dma_wait3A_988] : memref<25x80xi32, #tpu.memory_space<vmem>> -> memref<1x80xi32, #tpu.memory_space<vmem>>
      %dma_wait3A_990 = tpu.memref_squeeze %dma_wait3A_989 : memref<1x80xi32, #tpu.memory_space<vmem>> -> memref<80xi32, #tpu.memory_space<vmem>>
      %dma_wait3A_991 = arith.constant 0 : i32
      %dma_wait3A_992 = arith.constant 0 : i32
      %dma_wait3A_993 = tpu.memref_slice %arg2[%dma_wait3A_991, %dma_wait3A_992] : memref<3200000x16xf32, #tpu.memory_space<hbm>> -> memref<3200000x16xf32, #tpu.memory_space<hbm>>
      tpu.wait_indirect_dma semaphore(%arg10 : memref<!tpu.dma_semaphore, #tpu.memory_space<semaphore_mem>>) src(%dma_wait3A_993 : memref<3200000x16xf32, #tpu.memory_space<hbm>>) dst(%dma_wait3A_987 : memref<80x16xf32, #tpu.memory_space<vmem>>)
      %dma_wait3A_994 = arith.constant 21 : i32
      %dma_wait3A_995 = arith.constant 1680 : i32
      %dma_wait3A_996 = arith.constant 0 : i32
      %dma_wait3A_997 = tpu.memref_slice %arg8[%dma_wait3A_995, %dma_wait3A_996] : memref<2000x16xf32, #tpu.memory_space<vmem>> -> memref<80x16xf32, #tpu.memory_space<vmem>>
      %dma_wait3A_998 = arith.constant 0 : i32
      %dma_wait3A_999 = tpu.memref_slice %arg6[%dma_wait3A_994, %dma_wait3A_998] : memref<25x80xi32, #tpu.memory_space<vmem>> -> memref<1x80xi32, #tpu.memory_space<vmem>>
      %dma_wait3A_1000 = tpu.memref_squeeze %dma_wait3A_999 : memref<1x80xi32, #tpu.memory_space<vmem>> -> memref<80xi32, #tpu.memory_space<vmem>>
      %dma_wait3A_1001 = arith.constant 0 : i32
      %dma_wait3A_1002 = arith.constant 0 : i32
      %dma_wait3A_1003 = tpu.memref_slice %arg2[%dma_wait3A_1001, %dma_wait3A_1002] : memref<3200000x16xf32, #tpu.memory_space<hbm>> -> memref<3200000x16xf32, #tpu.memory_space<hbm>>
      tpu.wait_indirect_dma semaphore(%arg10 : memref<!tpu.dma_semaphore, #tpu.memory_space<semaphore_mem>>) src(%dma_wait3A_1003 : memref<3200000x16xf32, #tpu.memory_space<hbm>>) dst(%dma_wait3A_997 : memref<80x16xf32, #tpu.memory_space<vmem>>)
      %dma_wait3A_1004 = arith.constant 22 : i32
      %dma_wait3A_1005 = arith.constant 1760 : i32
      %dma_wait3A_1006 = arith.constant 0 : i32
      %dma_wait3A_1007 = tpu.memref_slice %arg8[%dma_wait3A_1005, %dma_wait3A_1006] : memref<2000x16xf32, #tpu.memory_space<vmem>> -> memref<80x16xf32, #tpu.memory_space<vmem>>
      %dma_wait3A_1008 = arith.constant 0 : i32
      %dma_wait3A_1009 = tpu.memref_slice %arg6[%dma_wait3A_1004, %dma_wait3A_1008] : memref<25x80xi32, #tpu.memory_space<vmem>> -> memref<1x80xi32, #tpu.memory_space<vmem>>
      %dma_wait3A_1010 = tpu.memref_squeeze %dma_wait3A_1009 : memref<1x80xi32, #tpu.memory_space<vmem>> -> memref<80xi32, #tpu.memory_space<vmem>>
      %dma_wait3A_1011 = arith.constant 0 : i32
      %dma_wait3A_1012 = arith.constant 0 : i32
      %dma_wait3A_1013 = tpu.memref_slice %arg2[%dma_wait3A_1011, %dma_wait3A_1012] : memref<3200000x16xf32, #tpu.memory_space<hbm>> -> memref<3200000x16xf32, #tpu.memory_space<hbm>>
      tpu.wait_indirect_dma semaphore(%arg10 : memref<!tpu.dma_semaphore, #tpu.memory_space<semaphore_mem>>) src(%dma_wait3A_1013 : memref<3200000x16xf32, #tpu.memory_space<hbm>>) dst(%dma_wait3A_1007 : memref<80x16xf32, #tpu.memory_space<vmem>>)
      %dma_wait3A_1014 = arith.constant 23 : i32
      %dma_wait3A_1015 = arith.constant 1840 : i32
      %dma_wait3A_1016 = arith.constant 0 : i32
      %dma_wait3A_1017 = tpu.memref_slice %arg8[%dma_wait3A_1015, %dma_wait3A_1016] : memref<2000x16xf32, #tpu.memory_space<vmem>> -> memref<80x16xf32, #tpu.memory_space<vmem>>
      %dma_wait3A_1018 = arith.constant 0 : i32
      %dma_wait3A_1019 = tpu.memref_slice %arg6[%dma_wait3A_1014, %dma_wait3A_1018] : memref<25x80xi32, #tpu.memory_space<vmem>> -> memref<1x80xi32, #tpu.memory_space<vmem>>
      %dma_wait3A_1020 = tpu.memref_squeeze %dma_wait3A_1019 : memref<1x80xi32, #tpu.memory_space<vmem>> -> memref<80xi32, #tpu.memory_space<vmem>>
      %dma_wait3A_1021 = arith.constant 0 : i32
      %dma_wait3A_1022 = arith.constant 0 : i32
      %dma_wait3A_1023 = tpu.memref_slice %arg2[%dma_wait3A_1021, %dma_wait3A_1022] : memref<3200000x16xf32, #tpu.memory_space<hbm>> -> memref<3200000x16xf32, #tpu.memory_space<hbm>>
      tpu.wait_indirect_dma semaphore(%arg10 : memref<!tpu.dma_semaphore, #tpu.memory_space<semaphore_mem>>) src(%dma_wait3A_1023 : memref<3200000x16xf32, #tpu.memory_space<hbm>>) dst(%dma_wait3A_1017 : memref<80x16xf32, #tpu.memory_space<vmem>>)
      %dma_wait3A_1024 = arith.constant 24 : i32
      %dma_wait3A_1025 = arith.constant 1920 : i32
      %dma_wait3A_1026 = arith.constant 0 : i32
      %dma_wait3A_1027 = tpu.memref_slice %arg8[%dma_wait3A_1025, %dma_wait3A_1026] : memref<2000x16xf32, #tpu.memory_space<vmem>> -> memref<80x16xf32, #tpu.memory_space<vmem>>
      %dma_wait3A_1028 = arith.constant 0 : i32
      %dma_wait3A_1029 = tpu.memref_slice %arg6[%dma_wait3A_1024, %dma_wait3A_1028] : memref<25x80xi32, #tpu.memory_space<vmem>> -> memref<1x80xi32, #tpu.memory_space<vmem>>
      %dma_wait3A_1030 = tpu.memref_squeeze %dma_wait3A_1029 : memref<1x80xi32, #tpu.memory_space<vmem>> -> memref<80xi32, #tpu.memory_space<vmem>>
      %dma_wait3A_1031 = arith.constant 0 : i32
      %dma_wait3A_1032 = arith.constant 0 : i32
      %dma_wait3A_1033 = tpu.memref_slice %arg2[%dma_wait3A_1031, %dma_wait3A_1032] : memref<3200000x16xf32, #tpu.memory_space<hbm>> -> memref<3200000x16xf32, #tpu.memory_space<hbm>>
      tpu.wait_indirect_dma semaphore(%arg10 : memref<!tpu.dma_semaphore, #tpu.memory_space<semaphore_mem>>) src(%dma_wait3A_1033 : memref<3200000x16xf32, #tpu.memory_space<hbm>>) dst(%dma_wait3A_1027 : memref<80x16xf32, #tpu.memory_space<vmem>>)
      %scan3A_1034 = arith.constant 0 : i32
      %scan3A_1035 = arith.constant 125 : i32
      %scan3A_1036 = arith.addi %scan3A_1034, %scan3A_1035 : i32
      %scan3A_1037 = arith.constant 1 : i32
      scf.for %scan3A_1039 = %scan3A_1034 to %scan3A_1036 step %scan3A_1037  : i32 {
        %mul3A_1040 = arith.constant 16 : i32
        %mul3A_1041 = arith.muli %scan3A_1039, %mul3A_1040 : i32
        %add3A_1042 = vector.broadcast %mul3A_1041 : i32 to vector<16xi32>
        %add3A_1043 = arith.addi %iota3A, %add3A_1042 : vector<16xi32>
        %gather3A = tpu.vector_load_idx %arg7[%add3A_1043, %broadcast_in_dim3A_3] : memref<2000x16xf32, #tpu.memory_space<vmem>>[vector<16xi32>, vector<16xi32>], vector<16xf32>,
        %gather3A_1044 = tpu.vector_load_idx %arg7[%add3A_1043, %broadcast_in_dim3A_5] : memref<2000x16xf32, #tpu.memory_space<vmem>>[vector<16xi32>, vector<16xi32>], vector<16xf32>,
        %gather3A_1045 = tpu.vector_load_idx %arg7[%add3A_1043, %broadcast_in_dim3A_7] : memref<2000x16xf32, #tpu.memory_space<vmem>>[vector<16xi32>, vector<16xi32>], vector<16xf32>,
        %gather3A_1046 = tpu.vector_load_idx %arg7[%add3A_1043, %broadcast_in_dim3A_9] : memref<2000x16xf32, #tpu.memory_space<vmem>>[vector<16xi32>, vector<16xi32>], vector<16xf32>,
        %gather3A_1047 = tpu.vector_load_idx %arg8[%add3A_1043, %broadcast_in_dim3A_3] : memref<2000x16xf32, #tpu.memory_space<vmem>>[vector<16xi32>, vector<16xi32>], vector<16xf32>,
        %gather3A_1048 = tpu.vector_load_idx %arg8[%add3A_1043, %broadcast_in_dim3A_5] : memref<2000x16xf32, #tpu.memory_space<vmem>>[vector<16xi32>, vector<16xi32>], vector<16xf32>,
        %gather3A_1049 = tpu.vector_load_idx %arg8[%add3A_1043, %broadcast_in_dim3A_7] : memref<2000x16xf32, #tpu.memory_space<vmem>>[vector<16xi32>, vector<16xi32>], vector<16xf32>,
        %gather3A_1050 = tpu.vector_load_idx %arg8[%add3A_1043, %broadcast_in_dim3A_9] : memref<2000x16xf32, #tpu.memory_space<vmem>>[vector<16xi32>, vector<16xi32>], vector<16xf32>,
        %mul3A_1051 = arith.mulf %gather3A, %gather3A_1047 : vector<16xf32>
        %mul3A_1052 = arith.mulf %gather3A_1044, %gather3A_1048 : vector<16xf32>
        %add3A_1053 = arith.addf %mul3A_1051, %mul3A_1052 : vector<16xf32>
        %mul3A_1054 = arith.mulf %gather3A_1045, %gather3A_1049 : vector<16xf32>
        %add3A_1055 = arith.addf %add3A_1053, %mul3A_1054 : vector<16xf32>
        %mul3A_1056 = arith.mulf %gather3A_1046, %gather3A_1050 : vector<16xf32>
        %div3A_1057 = arith.divf %add3A_1055, %mul3A_1056 : vector<16xf32>
        %max3A = arith.constant -1.000000e+00 : f32
        %max3A_1058 = vector.broadcast %max3A : f32 to vector<16xf32>
        %max3A_1059 = arith.maximumf %div3A_1057, %max3A_1058 : vector<16xf32>
        %min3A = arith.constant 1.000000e+00 : f32
        %min3A_1060 = vector.broadcast %min3A : f32 to vector<16xf32>
        %min3A_1061 = arith.minimumf %max3A_1059, %min3A_1060 : vector<16xf32>
        %swap3A = arith.index_cast %mul3A_1041 : i32 to index
        %swap3A_1062 = tpu.vector_load %arg9[%swap3A] {strides = array<i32>} : memref<2000xf32, #tpu.memory_space<vmem>>, vector<16xf32>,
        tpu.vector_store %arg9[%swap3A], %min3A_1061 {strides = array<i32>} : memref<2000xf32, #tpu.memory_space<vmem>>, vector<16xf32>,
      }
      %scan3A_1038 = arith.constant 125 : i32
      "tpu.region"() ({
        %run_scoped3A = tpu.sem_alloc : memref<!tpu.dma_semaphore, #tpu.memory_space<semaphore_mem>>
        %dma_start3A_1039 = tpu.memref_slice %arg4[%add3A_17] : memref<6400000xf32, #tpu.memory_space<hbm>> -> memref<2000xf32, #tpu.memory_space<hbm>>
        %dma_start3A_1040 = tpu.memref_slice %arg4[%add3A_17] : memref<6400000xf32, #tpu.memory_space<hbm>> -> memref<2000xf32, #tpu.memory_space<hbm>>
        tpu.enqueue_dma source(%arg9 : memref<2000xf32, #tpu.memory_space<vmem>>) target(%dma_start3A_1040 : memref<2000xf32, #tpu.memory_space<hbm>>) target_semaphore(%run_scoped3A : memref<!tpu.dma_semaphore, #tpu.memory_space<semaphore_mem>>)
        %dma_wait3A_1041 = tpu.memref_slice %arg4[%add3A_17] : memref<6400000xf32, #tpu.memory_space<hbm>> -> memref<2000xf32, #tpu.memory_space<hbm>>
        %dma_wait3A_1042 = tpu.memref_slice %arg4[%add3A_17] : memref<6400000xf32, #tpu.memory_space<hbm>> -> memref<2000xf32, #tpu.memory_space<hbm>>
        tpu.wait_dma2 semaphore(%run_scoped3A : memref<!tpu.dma_semaphore, #tpu.memory_space<semaphore_mem>>) src(%arg9 : memref<2000xf32, #tpu.memory_space<vmem>>) dst(%dma_wait3A_1042 : memref<2000xf32, #tpu.memory_space<hbm>>)
        tpu.yield
      }) : () -> ()
    }
    %scan3A_13 = arith.constant 100 : i32
    return
  }
}

#map = affine_map<(d0, d1) -> (0, 0)>
#map1 = affine_map<(d0, d1) -> (0)>
module attributes {stable_mosaic.version = 14 : i64} {
  func.func @_edge_body(%arg0: i32, %arg1: i32, %arg2: memref<100000x16xf32, #tpu.memory_space<hbm>>, %arg3: memref<2304xf32, #tpu.memory_space<hbm>>, %arg4: memref<80000x80xi32, #tpu.memory_space<hbm>>, %arg5: memref<3200000x3xi32, #tpu.memory_space<hbm>>, %arg6: memref<3200000xf32, #tpu.memory_space<hbm>>, %arg7: memref<3200000x16xf32, #tpu.memory_space<hbm>>, %arg8: memref<2304xf32, #tpu.memory_space<vmem>>, %arg9: memref<25x80xi32, #tpu.memory_space<vmem>>, %arg10: memref<25x80xi32, #tpu.memory_space<vmem>>, %arg11: memref<2000x3xi32, #tpu.memory_space<vmem>>, %arg12: memref<2000x16xf32, #tpu.memory_space<vmem>>, %arg13: memref<2000x16xf32, #tpu.memory_space<vmem>>, %arg14: memref<2000x16xf32, #tpu.memory_space<vmem>>, %arg15: memref<2000xf32, #tpu.memory_space<vmem>>, %arg16: memref<!tpu.dma_semaphore, #tpu.memory_space<semaphore_mem>>) attributes {dimension_semantics = [#tpu.dimension_semantics<core_parallel>, #tpu.dimension_semantics<subcore_parallel>], iteration_bounds = array<i64: 2, 16>, scalar_prefetch = 0 : i64, scratch_operands = 9 : i64, tpu.core_type = #tpu.core_type<sc_vector_subcore>, window_params = [{transform_indices = #map}, {transform_indices = #map1}, {transform_indices = #map}, {transform_indices = #map}, {transform_indices = #map1}, {transform_indices = #map}]} {
    %mul3A = arith.constant 2 : i32
    %mul3A_0 = arith.muli %arg1, %mul3A : i32
    %add3A = arith.addi %mul3A_0, %arg0 : i32
    %mul3A_1 = arith.constant 100000 : i32
    %mul3A_2 = arith.muli %add3A, %mul3A_1 : i32
    "tpu.region"() ({
      %run_scoped3A = tpu.sem_alloc : memref<!tpu.dma_semaphore, #tpu.memory_space<semaphore_mem>>
      tpu.enqueue_dma source(%arg3 : memref<2304xf32, #tpu.memory_space<hbm>>) target(%arg8 : memref<2304xf32, #tpu.memory_space<vmem>>) target_semaphore(%run_scoped3A : memref<!tpu.dma_semaphore, #tpu.memory_space<semaphore_mem>>)
      tpu.wait_dma2 semaphore(%run_scoped3A : memref<!tpu.dma_semaphore, #tpu.memory_space<semaphore_mem>>) src(%arg3 : memref<2304xf32, #tpu.memory_space<hbm>>) dst(%arg8 : memref<2304xf32, #tpu.memory_space<vmem>>)
      tpu.yield
    }) : () -> ()
    %iota3A = tpu.iota {dimensions = array<i32: 0>} : vector<16xi32>
    %broadcast_in_dim3A = arith.constant 0 : i32
    %broadcast_in_dim3A_3 = vector.broadcast %broadcast_in_dim3A : i32 to vector<16xi32>
    %broadcast_in_dim3A_4 = arith.constant 1 : i32
    %broadcast_in_dim3A_5 = vector.broadcast %broadcast_in_dim3A_4 : i32 to vector<16xi32>
    %broadcast_in_dim3A_6 = arith.constant 2 : i32
    %broadcast_in_dim3A_7 = vector.broadcast %broadcast_in_dim3A_6 : i32 to vector<16xi32>
    %broadcast_in_dim3A_8 = arith.constant 3 : i32
    %broadcast_in_dim3A_9 = vector.broadcast %broadcast_in_dim3A_8 : i32 to vector<16xi32>
    %scan3A = arith.constant 0 : i32
    %scan3A_10 = arith.constant 50 : i32
    %scan3A_11 = arith.addi %scan3A, %scan3A_10 : i32
    %scan3A_12 = arith.constant 1 : i32
    scf.for %scan3A_14 = %scan3A to %scan3A_11 step %scan3A_12  : i32 {
      %mul3A_15 = arith.constant 2000 : i32
      %mul3A_16 = arith.muli %scan3A_14, %mul3A_15 : i32
      %add3A_17 = arith.addi %mul3A_2, %mul3A_16 : i32
      %jit3A = arith.constant 80 : i32
      %div3A = arith.divsi %add3A_17, %jit3A : i32
      %sign3A = arith.constant 0 : i32
      %sign3A_18 = arith.cmpi sgt, %add3A_17, %sign3A : i32
      %sign3A_19 = arith.extui %sign3A_18 : i1 to i32
      %sign3A_20 = arith.constant 0 : i32
      %sign3A_21 = arith.cmpi slt, %add3A_17, %sign3A_20 : i32
      %sign3A_22 = arith.extui %sign3A_21 : i1 to i32
      %sign3A_23 = arith.subi %sign3A_19, %sign3A_22 : i32
      %sign3A_24 = arith.constant 0 : i32
      %sign3A_25 = arith.cmpi sgt, %jit3A, %sign3A_24 : i32
      %sign3A_26 = arith.extui %sign3A_25 : i1 to i32
      %sign3A_27 = arith.constant 0 : i32
      %sign3A_28 = arith.cmpi slt, %jit3A, %sign3A_27 : i32
      %sign3A_29 = arith.extui %sign3A_28 : i1 to i32
      %sign3A_30 = arith.subi %sign3A_26, %sign3A_29 : i32
      %ne3A = arith.cmpi ne, %sign3A_23, %sign3A_30 : i32
      %rem3A = arith.remsi %add3A_17, %jit3A : i32
      %ne3A_31 = arith.constant 0 : i32
      %ne3A_32 = arith.cmpi ne, %rem3A, %ne3A_31 : i32
      %and3A = arith.andi %ne3A, %ne3A_32 : i1
      %sub3A = arith.constant 1 : i32
      %sub3A_33 = arith.subi %div3A, %sub3A : i32
      %select_n3A = arith.select %and3A, %sub3A_33, %div3A : i32
      "tpu.region"() ({
        %run_scoped3A = tpu.sem_alloc : memref<!tpu.dma_semaphore, #tpu.memory_space<semaphore_mem>>
        %dma_start3A_1039 = arith.constant 0 : i32
        %dma_start3A_1040 = tpu.memref_slice %arg4[%select_n3A, %dma_start3A_1039] : memref<80000x80xi32, #tpu.memory_space<hbm>> -> memref<25x80xi32, #tpu.memory_space<hbm>>
        %dma_start3A_1041 = arith.constant 0 : i32
        %dma_start3A_1042 = tpu.memref_slice %arg4[%select_n3A, %dma_start3A_1041] : memref<80000x80xi32, #tpu.memory_space<hbm>> -> memref<25x80xi32, #tpu.memory_space<hbm>>
        tpu.enqueue_dma source(%dma_start3A_1042 : memref<25x80xi32, #tpu.memory_space<hbm>>) target(%arg9 : memref<25x80xi32, #tpu.memory_space<vmem>>) target_semaphore(%run_scoped3A : memref<!tpu.dma_semaphore, #tpu.memory_space<semaphore_mem>>)
        %dma_wait3A_1043 = arith.constant 0 : i32
        %dma_wait3A_1044 = tpu.memref_slice %arg4[%select_n3A, %dma_wait3A_1043] : memref<80000x80xi32, #tpu.memory_space<hbm>> -> memref<25x80xi32, #tpu.memory_space<hbm>>
        %dma_wait3A_1045 = arith.constant 0 : i32
        %dma_wait3A_1046 = tpu.memref_slice %arg4[%select_n3A, %dma_wait3A_1045] : memref<80000x80xi32, #tpu.memory_space<hbm>> -> memref<25x80xi32, #tpu.memory_space<hbm>>
        tpu.wait_dma2 semaphore(%run_scoped3A : memref<!tpu.dma_semaphore, #tpu.memory_space<semaphore_mem>>) src(%dma_wait3A_1046 : memref<25x80xi32, #tpu.memory_space<hbm>>) dst(%arg9 : memref<25x80xi32, #tpu.memory_space<vmem>>)
        tpu.yield
      }) : () -> ()
      %add3A_34 = arith.constant 40000 : i32
      %add3A_35 = arith.addi %add3A_34, %select_n3A : i32
      "tpu.region"() ({
        %run_scoped3A = tpu.sem_alloc : memref<!tpu.dma_semaphore, #tpu.memory_space<semaphore_mem>>
        %dma_start3A_1039 = arith.constant 0 : i32
        %dma_start3A_1040 = tpu.memref_slice %arg4[%add3A_35, %dma_start3A_1039] : memref<80000x80xi32, #tpu.memory_space<hbm>> -> memref<25x80xi32, #tpu.memory_space<hbm>>
        %dma_start3A_1041 = arith.constant 0 : i32
        %dma_start3A_1042 = tpu.memref_slice %arg4[%add3A_35, %dma_start3A_1041] : memref<80000x80xi32, #tpu.memory_space<hbm>> -> memref<25x80xi32, #tpu.memory_space<hbm>>
        tpu.enqueue_dma source(%dma_start3A_1042 : memref<25x80xi32, #tpu.memory_space<hbm>>) target(%arg10 : memref<25x80xi32, #tpu.memory_space<vmem>>) target_semaphore(%run_scoped3A : memref<!tpu.dma_semaphore, #tpu.memory_space<semaphore_mem>>)
        %dma_wait3A_1043 = arith.constant 0 : i32
        %dma_wait3A_1044 = tpu.memref_slice %arg4[%add3A_35, %dma_wait3A_1043] : memref<80000x80xi32, #tpu.memory_space<hbm>> -> memref<25x80xi32, #tpu.memory_space<hbm>>
        %dma_wait3A_1045 = arith.constant 0 : i32
        %dma_wait3A_1046 = tpu.memref_slice %arg4[%add3A_35, %dma_wait3A_1045] : memref<80000x80xi32, #tpu.memory_space<hbm>> -> memref<25x80xi32, #tpu.memory_space<hbm>>
        tpu.wait_dma2 semaphore(%run_scoped3A : memref<!tpu.dma_semaphore, #tpu.memory_space<semaphore_mem>>) src(%dma_wait3A_1046 : memref<25x80xi32, #tpu.memory_space<hbm>>) dst(%arg10 : memref<25x80xi32, #tpu.memory_space<vmem>>)
        tpu.yield
      }) : () -> ()
      "tpu.region"() ({
        %run_scoped3A = tpu.sem_alloc : memref<!tpu.dma_semaphore, #tpu.memory_space<semaphore_mem>>
        %dma_start3A_1039 = arith.constant 0 : i32
        %dma_start3A_1040 = tpu.memref_slice %arg5[%add3A_17, %dma_start3A_1039] : memref<3200000x3xi32, #tpu.memory_space<hbm>> -> memref<2000x3xi32, #tpu.memory_space<hbm>>
        %dma_start3A_1041 = arith.constant 0 : i32
        %dma_start3A_1042 = tpu.memref_slice %arg5[%add3A_17, %dma_start3A_1041] : memref<3200000x3xi32, #tpu.memory_space<hbm>> -> memref<2000x3xi32, #tpu.memory_space<hbm>>
        tpu.enqueue_dma source(%dma_start3A_1042 : memref<2000x3xi32, #tpu.memory_space<hbm>>) target(%arg11 : memref<2000x3xi32, #tpu.memory_space<vmem>>) target_semaphore(%run_scoped3A : memref<!tpu.dma_semaphore, #tpu.memory_space<semaphore_mem>>)
        %dma_wait3A_1043 = arith.constant 0 : i32
        %dma_wait3A_1044 = tpu.memref_slice %arg5[%add3A_17, %dma_wait3A_1043] : memref<3200000x3xi32, #tpu.memory_space<hbm>> -> memref<2000x3xi32, #tpu.memory_space<hbm>>
        %dma_wait3A_1045 = arith.constant 0 : i32
        %dma_wait3A_1046 = tpu.memref_slice %arg5[%add3A_17, %dma_wait3A_1045] : memref<3200000x3xi32, #tpu.memory_space<hbm>> -> memref<2000x3xi32, #tpu.memory_space<hbm>>
        tpu.wait_dma2 semaphore(%run_scoped3A : memref<!tpu.dma_semaphore, #tpu.memory_space<semaphore_mem>>) src(%dma_wait3A_1046 : memref<2000x3xi32, #tpu.memory_space<hbm>>) dst(%arg11 : memref<2000x3xi32, #tpu.memory_space<vmem>>)
        tpu.yield
      }) : () -> ()
      %dma_start3A = arith.constant 0 : i32
      %dma_start3A_36 = arith.constant 0 : i32
      %dma_start3A_37 = arith.constant 0 : i32
      %dma_start3A_38 = tpu.memref_slice %arg12[%dma_start3A_36, %dma_start3A_37] : memref<2000x16xf32, #tpu.memory_space<vmem>> -> memref<80x16xf32, #tpu.memory_space<vmem>>
      %dma_start3A_39 = arith.constant 0 : i32
      %dma_start3A_40 = tpu.memref_slice %arg9[%dma_start3A, %dma_start3A_39] : memref<25x80xi32, #tpu.memory_space<vmem>> -> memref<1x80xi32, #tpu.memory_space<vmem>>
      %dma_start3A_41 = tpu.memref_squeeze %dma_start3A_40 : memref<1x80xi32, #tpu.memory_space<vmem>> -> memref<80xi32, #tpu.memory_space<vmem>>
      %dma_start3A_42 = arith.constant 0 : i32
      %dma_start3A_43 = arith.constant 0 : i32
      %dma_start3A_44 = tpu.memref_slice %arg2[%dma_start3A_42, %dma_start3A_43] : memref<100000x16xf32, #tpu.memory_space<hbm>> -> memref<100000x16xf32, #tpu.memory_space<hbm>>
      tpu.enqueue_indirect_dma source(%dma_start3A_44 : memref<100000x16xf32, #tpu.memory_space<hbm>>) target(%dma_start3A_38 : memref<80x16xf32, #tpu.memory_space<vmem>>) offsets(%dma_start3A_41 : memref<80xi32, #tpu.memory_space<vmem>>) semaphore(%arg16 : memref<!tpu.dma_semaphore, #tpu.memory_space<semaphore_mem>>)
      %dma_start3A_45 = arith.constant 1 : i32
      %dma_start3A_46 = arith.constant 80 : i32
      %dma_start3A_47 = arith.constant 0 : i32
      %dma_start3A_48 = tpu.memref_slice %arg12[%dma_start3A_46, %dma_start3A_47] : memref<2000x16xf32, #tpu.memory_space<vmem>> -> memref<80x16xf32, #tpu.memory_space<vmem>>
      %dma_start3A_49 = arith.constant 0 : i32
      %dma_start3A_50 = tpu.memref_slice %arg9[%dma_start3A_45, %dma_start3A_49] : memref<25x80xi32, #tpu.memory_space<vmem>> -> memref<1x80xi32, #tpu.memory_space<vmem>>
      %dma_start3A_51 = tpu.memref_squeeze %dma_start3A_50 : memref<1x80xi32, #tpu.memory_space<vmem>> -> memref<80xi32, #tpu.memory_space<vmem>>
      %dma_start3A_52 = arith.constant 0 : i32
      %dma_start3A_53 = arith.constant 0 : i32
      %dma_start3A_54 = tpu.memref_slice %arg2[%dma_start3A_52, %dma_start3A_53] : memref<100000x16xf32, #tpu.memory_space<hbm>> -> memref<100000x16xf32, #tpu.memory_space<hbm>>
      tpu.enqueue_indirect_dma source(%dma_start3A_54 : memref<100000x16xf32, #tpu.memory_space<hbm>>) target(%dma_start3A_48 : memref<80x16xf32, #tpu.memory_space<vmem>>) offsets(%dma_start3A_51 : memref<80xi32, #tpu.memory_space<vmem>>) semaphore(%arg16 : memref<!tpu.dma_semaphore, #tpu.memory_space<semaphore_mem>>)
      %dma_start3A_55 = arith.constant 2 : i32
      %dma_start3A_56 = arith.constant 160 : i32
      %dma_start3A_57 = arith.constant 0 : i32
      %dma_start3A_58 = tpu.memref_slice %arg12[%dma_start3A_56, %dma_start3A_57] : memref<2000x16xf32, #tpu.memory_space<vmem>> -> memref<80x16xf32, #tpu.memory_space<vmem>>
      %dma_start3A_59 = arith.constant 0 : i32
      %dma_start3A_60 = tpu.memref_slice %arg9[%dma_start3A_55, %dma_start3A_59] : memref<25x80xi32, #tpu.memory_space<vmem>> -> memref<1x80xi32, #tpu.memory_space<vmem>>
      %dma_start3A_61 = tpu.memref_squeeze %dma_start3A_60 : memref<1x80xi32, #tpu.memory_space<vmem>> -> memref<80xi32, #tpu.memory_space<vmem>>
      %dma_start3A_62 = arith.constant 0 : i32
      %dma_start3A_63 = arith.constant 0 : i32
      %dma_start3A_64 = tpu.memref_slice %arg2[%dma_start3A_62, %dma_start3A_63] : memref<100000x16xf32, #tpu.memory_space<hbm>> -> memref<100000x16xf32, #tpu.memory_space<hbm>>
      tpu.enqueue_indirect_dma source(%dma_start3A_64 : memref<100000x16xf32, #tpu.memory_space<hbm>>) target(%dma_start3A_58 : memref<80x16xf32, #tpu.memory_space<vmem>>) offsets(%dma_start3A_61 : memref<80xi32, #tpu.memory_space<vmem>>) semaphore(%arg16 : memref<!tpu.dma_semaphore, #tpu.memory_space<semaphore_mem>>)
      %dma_start3A_65 = arith.constant 3 : i32
      %dma_start3A_66 = arith.constant 240 : i32
      %dma_start3A_67 = arith.constant 0 : i32
      %dma_start3A_68 = tpu.memref_slice %arg12[%dma_start3A_66, %dma_start3A_67] : memref<2000x16xf32, #tpu.memory_space<vmem>> -> memref<80x16xf32, #tpu.memory_space<vmem>>
      %dma_start3A_69 = arith.constant 0 : i32
      %dma_start3A_70 = tpu.memref_slice %arg9[%dma_start3A_65, %dma_start3A_69] : memref<25x80xi32, #tpu.memory_space<vmem>> -> memref<1x80xi32, #tpu.memory_space<vmem>>
      %dma_start3A_71 = tpu.memref_squeeze %dma_start3A_70 : memref<1x80xi32, #tpu.memory_space<vmem>> -> memref<80xi32, #tpu.memory_space<vmem>>
      %dma_start3A_72 = arith.constant 0 : i32
      %dma_start3A_73 = arith.constant 0 : i32
      %dma_start3A_74 = tpu.memref_slice %arg2[%dma_start3A_72, %dma_start3A_73] : memref<100000x16xf32, #tpu.memory_space<hbm>> -> memref<100000x16xf32, #tpu.memory_space<hbm>>
      tpu.enqueue_indirect_dma source(%dma_start3A_74 : memref<100000x16xf32, #tpu.memory_space<hbm>>) target(%dma_start3A_68 : memref<80x16xf32, #tpu.memory_space<vmem>>) offsets(%dma_start3A_71 : memref<80xi32, #tpu.memory_space<vmem>>) semaphore(%arg16 : memref<!tpu.dma_semaphore, #tpu.memory_space<semaphore_mem>>)
      %dma_start3A_75 = arith.constant 4 : i32
      %dma_start3A_76 = arith.constant 320 : i32
      %dma_start3A_77 = arith.constant 0 : i32
      %dma_start3A_78 = tpu.memref_slice %arg12[%dma_start3A_76, %dma_start3A_77] : memref<2000x16xf32, #tpu.memory_space<vmem>> -> memref<80x16xf32, #tpu.memory_space<vmem>>
      %dma_start3A_79 = arith.constant 0 : i32
      %dma_start3A_80 = tpu.memref_slice %arg9[%dma_start3A_75, %dma_start3A_79] : memref<25x80xi32, #tpu.memory_space<vmem>> -> memref<1x80xi32, #tpu.memory_space<vmem>>
      %dma_start3A_81 = tpu.memref_squeeze %dma_start3A_80 : memref<1x80xi32, #tpu.memory_space<vmem>> -> memref<80xi32, #tpu.memory_space<vmem>>
      %dma_start3A_82 = arith.constant 0 : i32
      %dma_start3A_83 = arith.constant 0 : i32
      %dma_start3A_84 = tpu.memref_slice %arg2[%dma_start3A_82, %dma_start3A_83] : memref<100000x16xf32, #tpu.memory_space<hbm>> -> memref<100000x16xf32, #tpu.memory_space<hbm>>
      tpu.enqueue_indirect_dma source(%dma_start3A_84 : memref<100000x16xf32, #tpu.memory_space<hbm>>) target(%dma_start3A_78 : memref<80x16xf32, #tpu.memory_space<vmem>>) offsets(%dma_start3A_81 : memref<80xi32, #tpu.memory_space<vmem>>) semaphore(%arg16 : memref<!tpu.dma_semaphore, #tpu.memory_space<semaphore_mem>>)
      %dma_start3A_85 = arith.constant 5 : i32
      %dma_start3A_86 = arith.constant 400 : i32
      %dma_start3A_87 = arith.constant 0 : i32
      %dma_start3A_88 = tpu.memref_slice %arg12[%dma_start3A_86, %dma_start3A_87] : memref<2000x16xf32, #tpu.memory_space<vmem>> -> memref<80x16xf32, #tpu.memory_space<vmem>>
      %dma_start3A_89 = arith.constant 0 : i32
      %dma_start3A_90 = tpu.memref_slice %arg9[%dma_start3A_85, %dma_start3A_89] : memref<25x80xi32, #tpu.memory_space<vmem>> -> memref<1x80xi32, #tpu.memory_space<vmem>>
      %dma_start3A_91 = tpu.memref_squeeze %dma_start3A_90 : memref<1x80xi32, #tpu.memory_space<vmem>> -> memref<80xi32, #tpu.memory_space<vmem>>
      %dma_start3A_92 = arith.constant 0 : i32
      %dma_start3A_93 = arith.constant 0 : i32
      %dma_start3A_94 = tpu.memref_slice %arg2[%dma_start3A_92, %dma_start3A_93] : memref<100000x16xf32, #tpu.memory_space<hbm>> -> memref<100000x16xf32, #tpu.memory_space<hbm>>
      tpu.enqueue_indirect_dma source(%dma_start3A_94 : memref<100000x16xf32, #tpu.memory_space<hbm>>) target(%dma_start3A_88 : memref<80x16xf32, #tpu.memory_space<vmem>>) offsets(%dma_start3A_91 : memref<80xi32, #tpu.memory_space<vmem>>) semaphore(%arg16 : memref<!tpu.dma_semaphore, #tpu.memory_space<semaphore_mem>>)
      %dma_start3A_95 = arith.constant 6 : i32
      %dma_start3A_96 = arith.constant 480 : i32
      %dma_start3A_97 = arith.constant 0 : i32
      %dma_start3A_98 = tpu.memref_slice %arg12[%dma_start3A_96, %dma_start3A_97] : memref<2000x16xf32, #tpu.memory_space<vmem>> -> memref<80x16xf32, #tpu.memory_space<vmem>>
      %dma_start3A_99 = arith.constant 0 : i32
      %dma_start3A_100 = tpu.memref_slice %arg9[%dma_start3A_95, %dma_start3A_99] : memref<25x80xi32, #tpu.memory_space<vmem>> -> memref<1x80xi32, #tpu.memory_space<vmem>>
      %dma_start3A_101 = tpu.memref_squeeze %dma_start3A_100 : memref<1x80xi32, #tpu.memory_space<vmem>> -> memref<80xi32, #tpu.memory_space<vmem>>
      %dma_start3A_102 = arith.constant 0 : i32
      %dma_start3A_103 = arith.constant 0 : i32
      %dma_start3A_104 = tpu.memref_slice %arg2[%dma_start3A_102, %dma_start3A_103] : memref<100000x16xf32, #tpu.memory_space<hbm>> -> memref<100000x16xf32, #tpu.memory_space<hbm>>
      tpu.enqueue_indirect_dma source(%dma_start3A_104 : memref<100000x16xf32, #tpu.memory_space<hbm>>) target(%dma_start3A_98 : memref<80x16xf32, #tpu.memory_space<vmem>>) offsets(%dma_start3A_101 : memref<80xi32, #tpu.memory_space<vmem>>) semaphore(%arg16 : memref<!tpu.dma_semaphore, #tpu.memory_space<semaphore_mem>>)
      %dma_start3A_105 = arith.constant 7 : i32
      %dma_start3A_106 = arith.constant 560 : i32
      %dma_start3A_107 = arith.constant 0 : i32
      %dma_start3A_108 = tpu.memref_slice %arg12[%dma_start3A_106, %dma_start3A_107] : memref<2000x16xf32, #tpu.memory_space<vmem>> -> memref<80x16xf32, #tpu.memory_space<vmem>>
      %dma_start3A_109 = arith.constant 0 : i32
      %dma_start3A_110 = tpu.memref_slice %arg9[%dma_start3A_105, %dma_start3A_109] : memref<25x80xi32, #tpu.memory_space<vmem>> -> memref<1x80xi32, #tpu.memory_space<vmem>>
      %dma_start3A_111 = tpu.memref_squeeze %dma_start3A_110 : memref<1x80xi32, #tpu.memory_space<vmem>> -> memref<80xi32, #tpu.memory_space<vmem>>
      %dma_start3A_112 = arith.constant 0 : i32
      %dma_start3A_113 = arith.constant 0 : i32
      %dma_start3A_114 = tpu.memref_slice %arg2[%dma_start3A_112, %dma_start3A_113] : memref<100000x16xf32, #tpu.memory_space<hbm>> -> memref<100000x16xf32, #tpu.memory_space<hbm>>
      tpu.enqueue_indirect_dma source(%dma_start3A_114 : memref<100000x16xf32, #tpu.memory_space<hbm>>) target(%dma_start3A_108 : memref<80x16xf32, #tpu.memory_space<vmem>>) offsets(%dma_start3A_111 : memref<80xi32, #tpu.memory_space<vmem>>) semaphore(%arg16 : memref<!tpu.dma_semaphore, #tpu.memory_space<semaphore_mem>>)
      %dma_start3A_115 = arith.constant 8 : i32
      %dma_start3A_116 = arith.constant 640 : i32
      %dma_start3A_117 = arith.constant 0 : i32
      %dma_start3A_118 = tpu.memref_slice %arg12[%dma_start3A_116, %dma_start3A_117] : memref<2000x16xf32, #tpu.memory_space<vmem>> -> memref<80x16xf32, #tpu.memory_space<vmem>>
      %dma_start3A_119 = arith.constant 0 : i32
      %dma_start3A_120 = tpu.memref_slice %arg9[%dma_start3A_115, %dma_start3A_119] : memref<25x80xi32, #tpu.memory_space<vmem>> -> memref<1x80xi32, #tpu.memory_space<vmem>>
      %dma_start3A_121 = tpu.memref_squeeze %dma_start3A_120 : memref<1x80xi32, #tpu.memory_space<vmem>> -> memref<80xi32, #tpu.memory_space<vmem>>
      %dma_start3A_122 = arith.constant 0 : i32
      %dma_start3A_123 = arith.constant 0 : i32
      %dma_start3A_124 = tpu.memref_slice %arg2[%dma_start3A_122, %dma_start3A_123] : memref<100000x16xf32, #tpu.memory_space<hbm>> -> memref<100000x16xf32, #tpu.memory_space<hbm>>
      tpu.enqueue_indirect_dma source(%dma_start3A_124 : memref<100000x16xf32, #tpu.memory_space<hbm>>) target(%dma_start3A_118 : memref<80x16xf32, #tpu.memory_space<vmem>>) offsets(%dma_start3A_121 : memref<80xi32, #tpu.memory_space<vmem>>) semaphore(%arg16 : memref<!tpu.dma_semaphore, #tpu.memory_space<semaphore_mem>>)
      %dma_start3A_125 = arith.constant 9 : i32
      %dma_start3A_126 = arith.constant 720 : i32
      %dma_start3A_127 = arith.constant 0 : i32
      %dma_start3A_128 = tpu.memref_slice %arg12[%dma_start3A_126, %dma_start3A_127] : memref<2000x16xf32, #tpu.memory_space<vmem>> -> memref<80x16xf32, #tpu.memory_space<vmem>>
      %dma_start3A_129 = arith.constant 0 : i32
      %dma_start3A_130 = tpu.memref_slice %arg9[%dma_start3A_125, %dma_start3A_129] : memref<25x80xi32, #tpu.memory_space<vmem>> -> memref<1x80xi32, #tpu.memory_space<vmem>>
      %dma_start3A_131 = tpu.memref_squeeze %dma_start3A_130 : memref<1x80xi32, #tpu.memory_space<vmem>> -> memref<80xi32, #tpu.memory_space<vmem>>
      %dma_start3A_132 = arith.constant 0 : i32
      %dma_start3A_133 = arith.constant 0 : i32
      %dma_start3A_134 = tpu.memref_slice %arg2[%dma_start3A_132, %dma_start3A_133] : memref<100000x16xf32, #tpu.memory_space<hbm>> -> memref<100000x16xf32, #tpu.memory_space<hbm>>
      tpu.enqueue_indirect_dma source(%dma_start3A_134 : memref<100000x16xf32, #tpu.memory_space<hbm>>) target(%dma_start3A_128 : memref<80x16xf32, #tpu.memory_space<vmem>>) offsets(%dma_start3A_131 : memref<80xi32, #tpu.memory_space<vmem>>) semaphore(%arg16 : memref<!tpu.dma_semaphore, #tpu.memory_space<semaphore_mem>>)
      %dma_start3A_135 = arith.constant 10 : i32
      %dma_start3A_136 = arith.constant 800 : i32
      %dma_start3A_137 = arith.constant 0 : i32
      %dma_start3A_138 = tpu.memref_slice %arg12[%dma_start3A_136, %dma_start3A_137] : memref<2000x16xf32, #tpu.memory_space<vmem>> -> memref<80x16xf32, #tpu.memory_space<vmem>>
      %dma_start3A_139 = arith.constant 0 : i32
      %dma_start3A_140 = tpu.memref_slice %arg9[%dma_start3A_135, %dma_start3A_139] : memref<25x80xi32, #tpu.memory_space<vmem>> -> memref<1x80xi32, #tpu.memory_space<vmem>>
      %dma_start3A_141 = tpu.memref_squeeze %dma_start3A_140 : memref<1x80xi32, #tpu.memory_space<vmem>> -> memref<80xi32, #tpu.memory_space<vmem>>
      %dma_start3A_142 = arith.constant 0 : i32
      %dma_start3A_143 = arith.constant 0 : i32
      %dma_start3A_144 = tpu.memref_slice %arg2[%dma_start3A_142, %dma_start3A_143] : memref<100000x16xf32, #tpu.memory_space<hbm>> -> memref<100000x16xf32, #tpu.memory_space<hbm>>
      tpu.enqueue_indirect_dma source(%dma_start3A_144 : memref<100000x16xf32, #tpu.memory_space<hbm>>) target(%dma_start3A_138 : memref<80x16xf32, #tpu.memory_space<vmem>>) offsets(%dma_start3A_141 : memref<80xi32, #tpu.memory_space<vmem>>) semaphore(%arg16 : memref<!tpu.dma_semaphore, #tpu.memory_space<semaphore_mem>>)
      %dma_start3A_145 = arith.constant 11 : i32
      %dma_start3A_146 = arith.constant 880 : i32
      %dma_start3A_147 = arith.constant 0 : i32
      %dma_start3A_148 = tpu.memref_slice %arg12[%dma_start3A_146, %dma_start3A_147] : memref<2000x16xf32, #tpu.memory_space<vmem>> -> memref<80x16xf32, #tpu.memory_space<vmem>>
      %dma_start3A_149 = arith.constant 0 : i32
      %dma_start3A_150 = tpu.memref_slice %arg9[%dma_start3A_145, %dma_start3A_149] : memref<25x80xi32, #tpu.memory_space<vmem>> -> memref<1x80xi32, #tpu.memory_space<vmem>>
      %dma_start3A_151 = tpu.memref_squeeze %dma_start3A_150 : memref<1x80xi32, #tpu.memory_space<vmem>> -> memref<80xi32, #tpu.memory_space<vmem>>
      %dma_start3A_152 = arith.constant 0 : i32
      %dma_start3A_153 = arith.constant 0 : i32
      %dma_start3A_154 = tpu.memref_slice %arg2[%dma_start3A_152, %dma_start3A_153] : memref<100000x16xf32, #tpu.memory_space<hbm>> -> memref<100000x16xf32, #tpu.memory_space<hbm>>
      tpu.enqueue_indirect_dma source(%dma_start3A_154 : memref<100000x16xf32, #tpu.memory_space<hbm>>) target(%dma_start3A_148 : memref<80x16xf32, #tpu.memory_space<vmem>>) offsets(%dma_start3A_151 : memref<80xi32, #tpu.memory_space<vmem>>) semaphore(%arg16 : memref<!tpu.dma_semaphore, #tpu.memory_space<semaphore_mem>>)
      %dma_start3A_155 = arith.constant 12 : i32
      %dma_start3A_156 = arith.constant 960 : i32
      %dma_start3A_157 = arith.constant 0 : i32
      %dma_start3A_158 = tpu.memref_slice %arg12[%dma_start3A_156, %dma_start3A_157] : memref<2000x16xf32, #tpu.memory_space<vmem>> -> memref<80x16xf32, #tpu.memory_space<vmem>>
      %dma_start3A_159 = arith.constant 0 : i32
      %dma_start3A_160 = tpu.memref_slice %arg9[%dma_start3A_155, %dma_start3A_159] : memref<25x80xi32, #tpu.memory_space<vmem>> -> memref<1x80xi32, #tpu.memory_space<vmem>>
      %dma_start3A_161 = tpu.memref_squeeze %dma_start3A_160 : memref<1x80xi32, #tpu.memory_space<vmem>> -> memref<80xi32, #tpu.memory_space<vmem>>
      %dma_start3A_162 = arith.constant 0 : i32
      %dma_start3A_163 = arith.constant 0 : i32
      %dma_start3A_164 = tpu.memref_slice %arg2[%dma_start3A_162, %dma_start3A_163] : memref<100000x16xf32, #tpu.memory_space<hbm>> -> memref<100000x16xf32, #tpu.memory_space<hbm>>
      tpu.enqueue_indirect_dma source(%dma_start3A_164 : memref<100000x16xf32, #tpu.memory_space<hbm>>) target(%dma_start3A_158 : memref<80x16xf32, #tpu.memory_space<vmem>>) offsets(%dma_start3A_161 : memref<80xi32, #tpu.memory_space<vmem>>) semaphore(%arg16 : memref<!tpu.dma_semaphore, #tpu.memory_space<semaphore_mem>>)
      %dma_start3A_165 = arith.constant 13 : i32
      %dma_start3A_166 = arith.constant 1040 : i32
      %dma_start3A_167 = arith.constant 0 : i32
      %dma_start3A_168 = tpu.memref_slice %arg12[%dma_start3A_166, %dma_start3A_167] : memref<2000x16xf32, #tpu.memory_space<vmem>> -> memref<80x16xf32, #tpu.memory_space<vmem>>
      %dma_start3A_169 = arith.constant 0 : i32
      %dma_start3A_170 = tpu.memref_slice %arg9[%dma_start3A_165, %dma_start3A_169] : memref<25x80xi32, #tpu.memory_space<vmem>> -> memref<1x80xi32, #tpu.memory_space<vmem>>
      %dma_start3A_171 = tpu.memref_squeeze %dma_start3A_170 : memref<1x80xi32, #tpu.memory_space<vmem>> -> memref<80xi32, #tpu.memory_space<vmem>>
      %dma_start3A_172 = arith.constant 0 : i32
      %dma_start3A_173 = arith.constant 0 : i32
      %dma_start3A_174 = tpu.memref_slice %arg2[%dma_start3A_172, %dma_start3A_173] : memref<100000x16xf32, #tpu.memory_space<hbm>> -> memref<100000x16xf32, #tpu.memory_space<hbm>>
      tpu.enqueue_indirect_dma source(%dma_start3A_174 : memref<100000x16xf32, #tpu.memory_space<hbm>>) target(%dma_start3A_168 : memref<80x16xf32, #tpu.memory_space<vmem>>) offsets(%dma_start3A_171 : memref<80xi32, #tpu.memory_space<vmem>>) semaphore(%arg16 : memref<!tpu.dma_semaphore, #tpu.memory_space<semaphore_mem>>)
      %dma_start3A_175 = arith.constant 14 : i32
      %dma_start3A_176 = arith.constant 1120 : i32
      %dma_start3A_177 = arith.constant 0 : i32
      %dma_start3A_178 = tpu.memref_slice %arg12[%dma_start3A_176, %dma_start3A_177] : memref<2000x16xf32, #tpu.memory_space<vmem>> -> memref<80x16xf32, #tpu.memory_space<vmem>>
      %dma_start3A_179 = arith.constant 0 : i32
      %dma_start3A_180 = tpu.memref_slice %arg9[%dma_start3A_175, %dma_start3A_179] : memref<25x80xi32, #tpu.memory_space<vmem>> -> memref<1x80xi32, #tpu.memory_space<vmem>>
      %dma_start3A_181 = tpu.memref_squeeze %dma_start3A_180 : memref<1x80xi32, #tpu.memory_space<vmem>> -> memref<80xi32, #tpu.memory_space<vmem>>
      %dma_start3A_182 = arith.constant 0 : i32
      %dma_start3A_183 = arith.constant 0 : i32
      %dma_start3A_184 = tpu.memref_slice %arg2[%dma_start3A_182, %dma_start3A_183] : memref<100000x16xf32, #tpu.memory_space<hbm>> -> memref<100000x16xf32, #tpu.memory_space<hbm>>
      tpu.enqueue_indirect_dma source(%dma_start3A_184 : memref<100000x16xf32, #tpu.memory_space<hbm>>) target(%dma_start3A_178 : memref<80x16xf32, #tpu.memory_space<vmem>>) offsets(%dma_start3A_181 : memref<80xi32, #tpu.memory_space<vmem>>) semaphore(%arg16 : memref<!tpu.dma_semaphore, #tpu.memory_space<semaphore_mem>>)
      %dma_start3A_185 = arith.constant 15 : i32
      %dma_start3A_186 = arith.constant 1200 : i32
      %dma_start3A_187 = arith.constant 0 : i32
      %dma_start3A_188 = tpu.memref_slice %arg12[%dma_start3A_186, %dma_start3A_187] : memref<2000x16xf32, #tpu.memory_space<vmem>> -> memref<80x16xf32, #tpu.memory_space<vmem>>
      %dma_start3A_189 = arith.constant 0 : i32
      %dma_start3A_190 = tpu.memref_slice %arg9[%dma_start3A_185, %dma_start3A_189] : memref<25x80xi32, #tpu.memory_space<vmem>> -> memref<1x80xi32, #tpu.memory_space<vmem>>
      %dma_start3A_191 = tpu.memref_squeeze %dma_start3A_190 : memref<1x80xi32, #tpu.memory_space<vmem>> -> memref<80xi32, #tpu.memory_space<vmem>>
      %dma_start3A_192 = arith.constant 0 : i32
      %dma_start3A_193 = arith.constant 0 : i32
      %dma_start3A_194 = tpu.memref_slice %arg2[%dma_start3A_192, %dma_start3A_193] : memref<100000x16xf32, #tpu.memory_space<hbm>> -> memref<100000x16xf32, #tpu.memory_space<hbm>>
      tpu.enqueue_indirect_dma source(%dma_start3A_194 : memref<100000x16xf32, #tpu.memory_space<hbm>>) target(%dma_start3A_188 : memref<80x16xf32, #tpu.memory_space<vmem>>) offsets(%dma_start3A_191 : memref<80xi32, #tpu.memory_space<vmem>>) semaphore(%arg16 : memref<!tpu.dma_semaphore, #tpu.memory_space<semaphore_mem>>)
      %dma_start3A_195 = arith.constant 16 : i32
      %dma_start3A_196 = arith.constant 1280 : i32
      %dma_start3A_197 = arith.constant 0 : i32
      %dma_start3A_198 = tpu.memref_slice %arg12[%dma_start3A_196, %dma_start3A_197] : memref<2000x16xf32, #tpu.memory_space<vmem>> -> memref<80x16xf32, #tpu.memory_space<vmem>>
      %dma_start3A_199 = arith.constant 0 : i32
      %dma_start3A_200 = tpu.memref_slice %arg9[%dma_start3A_195, %dma_start3A_199] : memref<25x80xi32, #tpu.memory_space<vmem>> -> memref<1x80xi32, #tpu.memory_space<vmem>>
      %dma_start3A_201 = tpu.memref_squeeze %dma_start3A_200 : memref<1x80xi32, #tpu.memory_space<vmem>> -> memref<80xi32, #tpu.memory_space<vmem>>
      %dma_start3A_202 = arith.constant 0 : i32
      %dma_start3A_203 = arith.constant 0 : i32
      %dma_start3A_204 = tpu.memref_slice %arg2[%dma_start3A_202, %dma_start3A_203] : memref<100000x16xf32, #tpu.memory_space<hbm>> -> memref<100000x16xf32, #tpu.memory_space<hbm>>
      tpu.enqueue_indirect_dma source(%dma_start3A_204 : memref<100000x16xf32, #tpu.memory_space<hbm>>) target(%dma_start3A_198 : memref<80x16xf32, #tpu.memory_space<vmem>>) offsets(%dma_start3A_201 : memref<80xi32, #tpu.memory_space<vmem>>) semaphore(%arg16 : memref<!tpu.dma_semaphore, #tpu.memory_space<semaphore_mem>>)
      %dma_start3A_205 = arith.constant 17 : i32
      %dma_start3A_206 = arith.constant 1360 : i32
      %dma_start3A_207 = arith.constant 0 : i32
      %dma_start3A_208 = tpu.memref_slice %arg12[%dma_start3A_206, %dma_start3A_207] : memref<2000x16xf32, #tpu.memory_space<vmem>> -> memref<80x16xf32, #tpu.memory_space<vmem>>
      %dma_start3A_209 = arith.constant 0 : i32
      %dma_start3A_210 = tpu.memref_slice %arg9[%dma_start3A_205, %dma_start3A_209] : memref<25x80xi32, #tpu.memory_space<vmem>> -> memref<1x80xi32, #tpu.memory_space<vmem>>
      %dma_start3A_211 = tpu.memref_squeeze %dma_start3A_210 : memref<1x80xi32, #tpu.memory_space<vmem>> -> memref<80xi32, #tpu.memory_space<vmem>>
      %dma_start3A_212 = arith.constant 0 : i32
      %dma_start3A_213 = arith.constant 0 : i32
      %dma_start3A_214 = tpu.memref_slice %arg2[%dma_start3A_212, %dma_start3A_213] : memref<100000x16xf32, #tpu.memory_space<hbm>> -> memref<100000x16xf32, #tpu.memory_space<hbm>>
      tpu.enqueue_indirect_dma source(%dma_start3A_214 : memref<100000x16xf32, #tpu.memory_space<hbm>>) target(%dma_start3A_208 : memref<80x16xf32, #tpu.memory_space<vmem>>) offsets(%dma_start3A_211 : memref<80xi32, #tpu.memory_space<vmem>>) semaphore(%arg16 : memref<!tpu.dma_semaphore, #tpu.memory_space<semaphore_mem>>)
      %dma_start3A_215 = arith.constant 18 : i32
      %dma_start3A_216 = arith.constant 1440 : i32
      %dma_start3A_217 = arith.constant 0 : i32
      %dma_start3A_218 = tpu.memref_slice %arg12[%dma_start3A_216, %dma_start3A_217] : memref<2000x16xf32, #tpu.memory_space<vmem>> -> memref<80x16xf32, #tpu.memory_space<vmem>>
      %dma_start3A_219 = arith.constant 0 : i32
      %dma_start3A_220 = tpu.memref_slice %arg9[%dma_start3A_215, %dma_start3A_219] : memref<25x80xi32, #tpu.memory_space<vmem>> -> memref<1x80xi32, #tpu.memory_space<vmem>>
      %dma_start3A_221 = tpu.memref_squeeze %dma_start3A_220 : memref<1x80xi32, #tpu.memory_space<vmem>> -> memref<80xi32, #tpu.memory_space<vmem>>
      %dma_start3A_222 = arith.constant 0 : i32
      %dma_start3A_223 = arith.constant 0 : i32
      %dma_start3A_224 = tpu.memref_slice %arg2[%dma_start3A_222, %dma_start3A_223] : memref<100000x16xf32, #tpu.memory_space<hbm>> -> memref<100000x16xf32, #tpu.memory_space<hbm>>
      tpu.enqueue_indirect_dma source(%dma_start3A_224 : memref<100000x16xf32, #tpu.memory_space<hbm>>) target(%dma_start3A_218 : memref<80x16xf32, #tpu.memory_space<vmem>>) offsets(%dma_start3A_221 : memref<80xi32, #tpu.memory_space<vmem>>) semaphore(%arg16 : memref<!tpu.dma_semaphore, #tpu.memory_space<semaphore_mem>>)
      %dma_start3A_225 = arith.constant 19 : i32
      %dma_start3A_226 = arith.constant 1520 : i32
      %dma_start3A_227 = arith.constant 0 : i32
      %dma_start3A_228 = tpu.memref_slice %arg12[%dma_start3A_226, %dma_start3A_227] : memref<2000x16xf32, #tpu.memory_space<vmem>> -> memref<80x16xf32, #tpu.memory_space<vmem>>
      %dma_start3A_229 = arith.constant 0 : i32
      %dma_start3A_230 = tpu.memref_slice %arg9[%dma_start3A_225, %dma_start3A_229] : memref<25x80xi32, #tpu.memory_space<vmem>> -> memref<1x80xi32, #tpu.memory_space<vmem>>
      %dma_start3A_231 = tpu.memref_squeeze %dma_start3A_230 : memref<1x80xi32, #tpu.memory_space<vmem>> -> memref<80xi32, #tpu.memory_space<vmem>>
      %dma_start3A_232 = arith.constant 0 : i32
      %dma_start3A_233 = arith.constant 0 : i32
      %dma_start3A_234 = tpu.memref_slice %arg2[%dma_start3A_232, %dma_start3A_233] : memref<100000x16xf32, #tpu.memory_space<hbm>> -> memref<100000x16xf32, #tpu.memory_space<hbm>>
      tpu.enqueue_indirect_dma source(%dma_start3A_234 : memref<100000x16xf32, #tpu.memory_space<hbm>>) target(%dma_start3A_228 : memref<80x16xf32, #tpu.memory_space<vmem>>) offsets(%dma_start3A_231 : memref<80xi32, #tpu.memory_space<vmem>>) semaphore(%arg16 : memref<!tpu.dma_semaphore, #tpu.memory_space<semaphore_mem>>)
      %dma_start3A_235 = arith.constant 20 : i32
      %dma_start3A_236 = arith.constant 1600 : i32
      %dma_start3A_237 = arith.constant 0 : i32
      %dma_start3A_238 = tpu.memref_slice %arg12[%dma_start3A_236, %dma_start3A_237] : memref<2000x16xf32, #tpu.memory_space<vmem>> -> memref<80x16xf32, #tpu.memory_space<vmem>>
      %dma_start3A_239 = arith.constant 0 : i32
      %dma_start3A_240 = tpu.memref_slice %arg9[%dma_start3A_235, %dma_start3A_239] : memref<25x80xi32, #tpu.memory_space<vmem>> -> memref<1x80xi32, #tpu.memory_space<vmem>>
      %dma_start3A_241 = tpu.memref_squeeze %dma_start3A_240 : memref<1x80xi32, #tpu.memory_space<vmem>> -> memref<80xi32, #tpu.memory_space<vmem>>
      %dma_start3A_242 = arith.constant 0 : i32
      %dma_start3A_243 = arith.constant 0 : i32
      %dma_start3A_244 = tpu.memref_slice %arg2[%dma_start3A_242, %dma_start3A_243] : memref<100000x16xf32, #tpu.memory_space<hbm>> -> memref<100000x16xf32, #tpu.memory_space<hbm>>
      tpu.enqueue_indirect_dma source(%dma_start3A_244 : memref<100000x16xf32, #tpu.memory_space<hbm>>) target(%dma_start3A_238 : memref<80x16xf32, #tpu.memory_space<vmem>>) offsets(%dma_start3A_241 : memref<80xi32, #tpu.memory_space<vmem>>) semaphore(%arg16 : memref<!tpu.dma_semaphore, #tpu.memory_space<semaphore_mem>>)
      %dma_start3A_245 = arith.constant 21 : i32
      %dma_start3A_246 = arith.constant 1680 : i32
      %dma_start3A_247 = arith.constant 0 : i32
      %dma_start3A_248 = tpu.memref_slice %arg12[%dma_start3A_246, %dma_start3A_247] : memref<2000x16xf32, #tpu.memory_space<vmem>> -> memref<80x16xf32, #tpu.memory_space<vmem>>
      %dma_start3A_249 = arith.constant 0 : i32
      %dma_start3A_250 = tpu.memref_slice %arg9[%dma_start3A_245, %dma_start3A_249] : memref<25x80xi32, #tpu.memory_space<vmem>> -> memref<1x80xi32, #tpu.memory_space<vmem>>
      %dma_start3A_251 = tpu.memref_squeeze %dma_start3A_250 : memref<1x80xi32, #tpu.memory_space<vmem>> -> memref<80xi32, #tpu.memory_space<vmem>>
      %dma_start3A_252 = arith.constant 0 : i32
      %dma_start3A_253 = arith.constant 0 : i32
      %dma_start3A_254 = tpu.memref_slice %arg2[%dma_start3A_252, %dma_start3A_253] : memref<100000x16xf32, #tpu.memory_space<hbm>> -> memref<100000x16xf32, #tpu.memory_space<hbm>>
      tpu.enqueue_indirect_dma source(%dma_start3A_254 : memref<100000x16xf32, #tpu.memory_space<hbm>>) target(%dma_start3A_248 : memref<80x16xf32, #tpu.memory_space<vmem>>) offsets(%dma_start3A_251 : memref<80xi32, #tpu.memory_space<vmem>>) semaphore(%arg16 : memref<!tpu.dma_semaphore, #tpu.memory_space<semaphore_mem>>)
      %dma_start3A_255 = arith.constant 22 : i32
      %dma_start3A_256 = arith.constant 1760 : i32
      %dma_start3A_257 = arith.constant 0 : i32
      %dma_start3A_258 = tpu.memref_slice %arg12[%dma_start3A_256, %dma_start3A_257] : memref<2000x16xf32, #tpu.memory_space<vmem>> -> memref<80x16xf32, #tpu.memory_space<vmem>>
      %dma_start3A_259 = arith.constant 0 : i32
      %dma_start3A_260 = tpu.memref_slice %arg9[%dma_start3A_255, %dma_start3A_259] : memref<25x80xi32, #tpu.memory_space<vmem>> -> memref<1x80xi32, #tpu.memory_space<vmem>>
      %dma_start3A_261 = tpu.memref_squeeze %dma_start3A_260 : memref<1x80xi32, #tpu.memory_space<vmem>> -> memref<80xi32, #tpu.memory_space<vmem>>
      %dma_start3A_262 = arith.constant 0 : i32
      %dma_start3A_263 = arith.constant 0 : i32
      %dma_start3A_264 = tpu.memref_slice %arg2[%dma_start3A_262, %dma_start3A_263] : memref<100000x16xf32, #tpu.memory_space<hbm>> -> memref<100000x16xf32, #tpu.memory_space<hbm>>
      tpu.enqueue_indirect_dma source(%dma_start3A_264 : memref<100000x16xf32, #tpu.memory_space<hbm>>) target(%dma_start3A_258 : memref<80x16xf32, #tpu.memory_space<vmem>>) offsets(%dma_start3A_261 : memref<80xi32, #tpu.memory_space<vmem>>) semaphore(%arg16 : memref<!tpu.dma_semaphore, #tpu.memory_space<semaphore_mem>>)
      %dma_start3A_265 = arith.constant 23 : i32
      %dma_start3A_266 = arith.constant 1840 : i32
      %dma_start3A_267 = arith.constant 0 : i32
      %dma_start3A_268 = tpu.memref_slice %arg12[%dma_start3A_266, %dma_start3A_267] : memref<2000x16xf32, #tpu.memory_space<vmem>> -> memref<80x16xf32, #tpu.memory_space<vmem>>
      %dma_start3A_269 = arith.constant 0 : i32
      %dma_start3A_270 = tpu.memref_slice %arg9[%dma_start3A_265, %dma_start3A_269] : memref<25x80xi32, #tpu.memory_space<vmem>> -> memref<1x80xi32, #tpu.memory_space<vmem>>
      %dma_start3A_271 = tpu.memref_squeeze %dma_start3A_270 : memref<1x80xi32, #tpu.memory_space<vmem>> -> memref<80xi32, #tpu.memory_space<vmem>>
      %dma_start3A_272 = arith.constant 0 : i32
      %dma_start3A_273 = arith.constant 0 : i32
      %dma_start3A_274 = tpu.memref_slice %arg2[%dma_start3A_272, %dma_start3A_273] : memref<100000x16xf32, #tpu.memory_space<hbm>> -> memref<100000x16xf32, #tpu.memory_space<hbm>>
      tpu.enqueue_indirect_dma source(%dma_start3A_274 : memref<100000x16xf32, #tpu.memory_space<hbm>>) target(%dma_start3A_268 : memref<80x16xf32, #tpu.memory_space<vmem>>) offsets(%dma_start3A_271 : memref<80xi32, #tpu.memory_space<vmem>>) semaphore(%arg16 : memref<!tpu.dma_semaphore, #tpu.memory_space<semaphore_mem>>)
      %dma_start3A_275 = arith.constant 24 : i32
      %dma_start3A_276 = arith.constant 1920 : i32
      %dma_start3A_277 = arith.constant 0 : i32
      %dma_start3A_278 = tpu.memref_slice %arg12[%dma_start3A_276, %dma_start3A_277] : memref<2000x16xf32, #tpu.memory_space<vmem>> -> memref<80x16xf32, #tpu.memory_space<vmem>>
      %dma_start3A_279 = arith.constant 0 : i32
      %dma_start3A_280 = tpu.memref_slice %arg9[%dma_start3A_275, %dma_start3A_279] : memref<25x80xi32, #tpu.memory_space<vmem>> -> memref<1x80xi32, #tpu.memory_space<vmem>>
      %dma_start3A_281 = tpu.memref_squeeze %dma_start3A_280 : memref<1x80xi32, #tpu.memory_space<vmem>> -> memref<80xi32, #tpu.memory_space<vmem>>
      %dma_start3A_282 = arith.constant 0 : i32
      %dma_start3A_283 = arith.constant 0 : i32
      %dma_start3A_284 = tpu.memref_slice %arg2[%dma_start3A_282, %dma_start3A_283] : memref<100000x16xf32, #tpu.memory_space<hbm>> -> memref<100000x16xf32, #tpu.memory_space<hbm>>
      tpu.enqueue_indirect_dma source(%dma_start3A_284 : memref<100000x16xf32, #tpu.memory_space<hbm>>) target(%dma_start3A_278 : memref<80x16xf32, #tpu.memory_space<vmem>>) offsets(%dma_start3A_281 : memref<80xi32, #tpu.memory_space<vmem>>) semaphore(%arg16 : memref<!tpu.dma_semaphore, #tpu.memory_space<semaphore_mem>>)
      %dma_start3A_285 = arith.constant 0 : i32
      %dma_start3A_286 = arith.constant 0 : i32
      %dma_start3A_287 = arith.constant 0 : i32
      %dma_start3A_288 = tpu.memref_slice %arg13[%dma_start3A_286, %dma_start3A_287] : memref<2000x16xf32, #tpu.memory_space<vmem>> -> memref<80x16xf32, #tpu.memory_space<vmem>>
      %dma_start3A_289 = arith.constant 0 : i32
      %dma_start3A_290 = tpu.memref_slice %arg10[%dma_start3A_285, %dma_start3A_289] : memref<25x80xi32, #tpu.memory_space<vmem>> -> memref<1x80xi32, #tpu.memory_space<vmem>>
      %dma_start3A_291 = tpu.memref_squeeze %dma_start3A_290 : memref<1x80xi32, #tpu.memory_space<vmem>> -> memref<80xi32, #tpu.memory_space<vmem>>
      %dma_start3A_292 = arith.constant 0 : i32
      %dma_start3A_293 = arith.constant 0 : i32
      %dma_start3A_294 = tpu.memref_slice %arg2[%dma_start3A_292, %dma_start3A_293] : memref<100000x16xf32, #tpu.memory_space<hbm>> -> memref<100000x16xf32, #tpu.memory_space<hbm>>
      tpu.enqueue_indirect_dma source(%dma_start3A_294 : memref<100000x16xf32, #tpu.memory_space<hbm>>) target(%dma_start3A_288 : memref<80x16xf32, #tpu.memory_space<vmem>>) offsets(%dma_start3A_291 : memref<80xi32, #tpu.memory_space<vmem>>) semaphore(%arg16 : memref<!tpu.dma_semaphore, #tpu.memory_space<semaphore_mem>>)
      %dma_start3A_295 = arith.constant 1 : i32
      %dma_start3A_296 = arith.constant 80 : i32
      %dma_start3A_297 = arith.constant 0 : i32
      %dma_start3A_298 = tpu.memref_slice %arg13[%dma_start3A_296, %dma_start3A_297] : memref<2000x16xf32, #tpu.memory_space<vmem>> -> memref<80x16xf32, #tpu.memory_space<vmem>>
      %dma_start3A_299 = arith.constant 0 : i32
      %dma_start3A_300 = tpu.memref_slice %arg10[%dma_start3A_295, %dma_start3A_299] : memref<25x80xi32, #tpu.memory_space<vmem>> -> memref<1x80xi32, #tpu.memory_space<vmem>>
      %dma_start3A_301 = tpu.memref_squeeze %dma_start3A_300 : memref<1x80xi32, #tpu.memory_space<vmem>> -> memref<80xi32, #tpu.memory_space<vmem>>
      %dma_start3A_302 = arith.constant 0 : i32
      %dma_start3A_303 = arith.constant 0 : i32
      %dma_start3A_304 = tpu.memref_slice %arg2[%dma_start3A_302, %dma_start3A_303] : memref<100000x16xf32, #tpu.memory_space<hbm>> -> memref<100000x16xf32, #tpu.memory_space<hbm>>
      tpu.enqueue_indirect_dma source(%dma_start3A_304 : memref<100000x16xf32, #tpu.memory_space<hbm>>) target(%dma_start3A_298 : memref<80x16xf32, #tpu.memory_space<vmem>>) offsets(%dma_start3A_301 : memref<80xi32, #tpu.memory_space<vmem>>) semaphore(%arg16 : memref<!tpu.dma_semaphore, #tpu.memory_space<semaphore_mem>>)
      %dma_start3A_305 = arith.constant 2 : i32
      %dma_start3A_306 = arith.constant 160 : i32
      %dma_start3A_307 = arith.constant 0 : i32
      %dma_start3A_308 = tpu.memref_slice %arg13[%dma_start3A_306, %dma_start3A_307] : memref<2000x16xf32, #tpu.memory_space<vmem>> -> memref<80x16xf32, #tpu.memory_space<vmem>>
      %dma_start3A_309 = arith.constant 0 : i32
      %dma_start3A_310 = tpu.memref_slice %arg10[%dma_start3A_305, %dma_start3A_309] : memref<25x80xi32, #tpu.memory_space<vmem>> -> memref<1x80xi32, #tpu.memory_space<vmem>>
      %dma_start3A_311 = tpu.memref_squeeze %dma_start3A_310 : memref<1x80xi32, #tpu.memory_space<vmem>> -> memref<80xi32, #tpu.memory_space<vmem>>
      %dma_start3A_312 = arith.constant 0 : i32
      %dma_start3A_313 = arith.constant 0 : i32
      %dma_start3A_314 = tpu.memref_slice %arg2[%dma_start3A_312, %dma_start3A_313] : memref<100000x16xf32, #tpu.memory_space<hbm>> -> memref<100000x16xf32, #tpu.memory_space<hbm>>
      tpu.enqueue_indirect_dma source(%dma_start3A_314 : memref<100000x16xf32, #tpu.memory_space<hbm>>) target(%dma_start3A_308 : memref<80x16xf32, #tpu.memory_space<vmem>>) offsets(%dma_start3A_311 : memref<80xi32, #tpu.memory_space<vmem>>) semaphore(%arg16 : memref<!tpu.dma_semaphore, #tpu.memory_space<semaphore_mem>>)
      %dma_start3A_315 = arith.constant 3 : i32
      %dma_start3A_316 = arith.constant 240 : i32
      %dma_start3A_317 = arith.constant 0 : i32
      %dma_start3A_318 = tpu.memref_slice %arg13[%dma_start3A_316, %dma_start3A_317] : memref<2000x16xf32, #tpu.memory_space<vmem>> -> memref<80x16xf32, #tpu.memory_space<vmem>>
      %dma_start3A_319 = arith.constant 0 : i32
      %dma_start3A_320 = tpu.memref_slice %arg10[%dma_start3A_315, %dma_start3A_319] : memref<25x80xi32, #tpu.memory_space<vmem>> -> memref<1x80xi32, #tpu.memory_space<vmem>>
      %dma_start3A_321 = tpu.memref_squeeze %dma_start3A_320 : memref<1x80xi32, #tpu.memory_space<vmem>> -> memref<80xi32, #tpu.memory_space<vmem>>
      %dma_start3A_322 = arith.constant 0 : i32
      %dma_start3A_323 = arith.constant 0 : i32
      %dma_start3A_324 = tpu.memref_slice %arg2[%dma_start3A_322, %dma_start3A_323] : memref<100000x16xf32, #tpu.memory_space<hbm>> -> memref<100000x16xf32, #tpu.memory_space<hbm>>
      tpu.enqueue_indirect_dma source(%dma_start3A_324 : memref<100000x16xf32, #tpu.memory_space<hbm>>) target(%dma_start3A_318 : memref<80x16xf32, #tpu.memory_space<vmem>>) offsets(%dma_start3A_321 : memref<80xi32, #tpu.memory_space<vmem>>) semaphore(%arg16 : memref<!tpu.dma_semaphore, #tpu.memory_space<semaphore_mem>>)
      %dma_start3A_325 = arith.constant 4 : i32
      %dma_start3A_326 = arith.constant 320 : i32
      %dma_start3A_327 = arith.constant 0 : i32
      %dma_start3A_328 = tpu.memref_slice %arg13[%dma_start3A_326, %dma_start3A_327] : memref<2000x16xf32, #tpu.memory_space<vmem>> -> memref<80x16xf32, #tpu.memory_space<vmem>>
      %dma_start3A_329 = arith.constant 0 : i32
      %dma_start3A_330 = tpu.memref_slice %arg10[%dma_start3A_325, %dma_start3A_329] : memref<25x80xi32, #tpu.memory_space<vmem>> -> memref<1x80xi32, #tpu.memory_space<vmem>>
      %dma_start3A_331 = tpu.memref_squeeze %dma_start3A_330 : memref<1x80xi32, #tpu.memory_space<vmem>> -> memref<80xi32, #tpu.memory_space<vmem>>
      %dma_start3A_332 = arith.constant 0 : i32
      %dma_start3A_333 = arith.constant 0 : i32
      %dma_start3A_334 = tpu.memref_slice %arg2[%dma_start3A_332, %dma_start3A_333] : memref<100000x16xf32, #tpu.memory_space<hbm>> -> memref<100000x16xf32, #tpu.memory_space<hbm>>
      tpu.enqueue_indirect_dma source(%dma_start3A_334 : memref<100000x16xf32, #tpu.memory_space<hbm>>) target(%dma_start3A_328 : memref<80x16xf32, #tpu.memory_space<vmem>>) offsets(%dma_start3A_331 : memref<80xi32, #tpu.memory_space<vmem>>) semaphore(%arg16 : memref<!tpu.dma_semaphore, #tpu.memory_space<semaphore_mem>>)
      %dma_start3A_335 = arith.constant 5 : i32
      %dma_start3A_336 = arith.constant 400 : i32
      %dma_start3A_337 = arith.constant 0 : i32
      %dma_start3A_338 = tpu.memref_slice %arg13[%dma_start3A_336, %dma_start3A_337] : memref<2000x16xf32, #tpu.memory_space<vmem>> -> memref<80x16xf32, #tpu.memory_space<vmem>>
      %dma_start3A_339 = arith.constant 0 : i32
      %dma_start3A_340 = tpu.memref_slice %arg10[%dma_start3A_335, %dma_start3A_339] : memref<25x80xi32, #tpu.memory_space<vmem>> -> memref<1x80xi32, #tpu.memory_space<vmem>>
      %dma_start3A_341 = tpu.memref_squeeze %dma_start3A_340 : memref<1x80xi32, #tpu.memory_space<vmem>> -> memref<80xi32, #tpu.memory_space<vmem>>
      %dma_start3A_342 = arith.constant 0 : i32
      %dma_start3A_343 = arith.constant 0 : i32
      %dma_start3A_344 = tpu.memref_slice %arg2[%dma_start3A_342, %dma_start3A_343] : memref<100000x16xf32, #tpu.memory_space<hbm>> -> memref<100000x16xf32, #tpu.memory_space<hbm>>
      tpu.enqueue_indirect_dma source(%dma_start3A_344 : memref<100000x16xf32, #tpu.memory_space<hbm>>) target(%dma_start3A_338 : memref<80x16xf32, #tpu.memory_space<vmem>>) offsets(%dma_start3A_341 : memref<80xi32, #tpu.memory_space<vmem>>) semaphore(%arg16 : memref<!tpu.dma_semaphore, #tpu.memory_space<semaphore_mem>>)
      %dma_start3A_345 = arith.constant 6 : i32
      %dma_start3A_346 = arith.constant 480 : i32
      %dma_start3A_347 = arith.constant 0 : i32
      %dma_start3A_348 = tpu.memref_slice %arg13[%dma_start3A_346, %dma_start3A_347] : memref<2000x16xf32, #tpu.memory_space<vmem>> -> memref<80x16xf32, #tpu.memory_space<vmem>>
      %dma_start3A_349 = arith.constant 0 : i32
      %dma_start3A_350 = tpu.memref_slice %arg10[%dma_start3A_345, %dma_start3A_349] : memref<25x80xi32, #tpu.memory_space<vmem>> -> memref<1x80xi32, #tpu.memory_space<vmem>>
      %dma_start3A_351 = tpu.memref_squeeze %dma_start3A_350 : memref<1x80xi32, #tpu.memory_space<vmem>> -> memref<80xi32, #tpu.memory_space<vmem>>
      %dma_start3A_352 = arith.constant 0 : i32
      %dma_start3A_353 = arith.constant 0 : i32
      %dma_start3A_354 = tpu.memref_slice %arg2[%dma_start3A_352, %dma_start3A_353] : memref<100000x16xf32, #tpu.memory_space<hbm>> -> memref<100000x16xf32, #tpu.memory_space<hbm>>
      tpu.enqueue_indirect_dma source(%dma_start3A_354 : memref<100000x16xf32, #tpu.memory_space<hbm>>) target(%dma_start3A_348 : memref<80x16xf32, #tpu.memory_space<vmem>>) offsets(%dma_start3A_351 : memref<80xi32, #tpu.memory_space<vmem>>) semaphore(%arg16 : memref<!tpu.dma_semaphore, #tpu.memory_space<semaphore_mem>>)
      %dma_start3A_355 = arith.constant 7 : i32
      %dma_start3A_356 = arith.constant 560 : i32
      %dma_start3A_357 = arith.constant 0 : i32
      %dma_start3A_358 = tpu.memref_slice %arg13[%dma_start3A_356, %dma_start3A_357] : memref<2000x16xf32, #tpu.memory_space<vmem>> -> memref<80x16xf32, #tpu.memory_space<vmem>>
      %dma_start3A_359 = arith.constant 0 : i32
      %dma_start3A_360 = tpu.memref_slice %arg10[%dma_start3A_355, %dma_start3A_359] : memref<25x80xi32, #tpu.memory_space<vmem>> -> memref<1x80xi32, #tpu.memory_space<vmem>>
      %dma_start3A_361 = tpu.memref_squeeze %dma_start3A_360 : memref<1x80xi32, #tpu.memory_space<vmem>> -> memref<80xi32, #tpu.memory_space<vmem>>
      %dma_start3A_362 = arith.constant 0 : i32
      %dma_start3A_363 = arith.constant 0 : i32
      %dma_start3A_364 = tpu.memref_slice %arg2[%dma_start3A_362, %dma_start3A_363] : memref<100000x16xf32, #tpu.memory_space<hbm>> -> memref<100000x16xf32, #tpu.memory_space<hbm>>
      tpu.enqueue_indirect_dma source(%dma_start3A_364 : memref<100000x16xf32, #tpu.memory_space<hbm>>) target(%dma_start3A_358 : memref<80x16xf32, #tpu.memory_space<vmem>>) offsets(%dma_start3A_361 : memref<80xi32, #tpu.memory_space<vmem>>) semaphore(%arg16 : memref<!tpu.dma_semaphore, #tpu.memory_space<semaphore_mem>>)
      %dma_start3A_365 = arith.constant 8 : i32
      %dma_start3A_366 = arith.constant 640 : i32
      %dma_start3A_367 = arith.constant 0 : i32
      %dma_start3A_368 = tpu.memref_slice %arg13[%dma_start3A_366, %dma_start3A_367] : memref<2000x16xf32, #tpu.memory_space<vmem>> -> memref<80x16xf32, #tpu.memory_space<vmem>>
      %dma_start3A_369 = arith.constant 0 : i32
      %dma_start3A_370 = tpu.memref_slice %arg10[%dma_start3A_365, %dma_start3A_369] : memref<25x80xi32, #tpu.memory_space<vmem>> -> memref<1x80xi32, #tpu.memory_space<vmem>>
      %dma_start3A_371 = tpu.memref_squeeze %dma_start3A_370 : memref<1x80xi32, #tpu.memory_space<vmem>> -> memref<80xi32, #tpu.memory_space<vmem>>
      %dma_start3A_372 = arith.constant 0 : i32
      %dma_start3A_373 = arith.constant 0 : i32
      %dma_start3A_374 = tpu.memref_slice %arg2[%dma_start3A_372, %dma_start3A_373] : memref<100000x16xf32, #tpu.memory_space<hbm>> -> memref<100000x16xf32, #tpu.memory_space<hbm>>
      tpu.enqueue_indirect_dma source(%dma_start3A_374 : memref<100000x16xf32, #tpu.memory_space<hbm>>) target(%dma_start3A_368 : memref<80x16xf32, #tpu.memory_space<vmem>>) offsets(%dma_start3A_371 : memref<80xi32, #tpu.memory_space<vmem>>) semaphore(%arg16 : memref<!tpu.dma_semaphore, #tpu.memory_space<semaphore_mem>>)
      %dma_start3A_375 = arith.constant 9 : i32
      %dma_start3A_376 = arith.constant 720 : i32
      %dma_start3A_377 = arith.constant 0 : i32
      %dma_start3A_378 = tpu.memref_slice %arg13[%dma_start3A_376, %dma_start3A_377] : memref<2000x16xf32, #tpu.memory_space<vmem>> -> memref<80x16xf32, #tpu.memory_space<vmem>>
      %dma_start3A_379 = arith.constant 0 : i32
      %dma_start3A_380 = tpu.memref_slice %arg10[%dma_start3A_375, %dma_start3A_379] : memref<25x80xi32, #tpu.memory_space<vmem>> -> memref<1x80xi32, #tpu.memory_space<vmem>>
      %dma_start3A_381 = tpu.memref_squeeze %dma_start3A_380 : memref<1x80xi32, #tpu.memory_space<vmem>> -> memref<80xi32, #tpu.memory_space<vmem>>
      %dma_start3A_382 = arith.constant 0 : i32
      %dma_start3A_383 = arith.constant 0 : i32
      %dma_start3A_384 = tpu.memref_slice %arg2[%dma_start3A_382, %dma_start3A_383] : memref<100000x16xf32, #tpu.memory_space<hbm>> -> memref<100000x16xf32, #tpu.memory_space<hbm>>
      tpu.enqueue_indirect_dma source(%dma_start3A_384 : memref<100000x16xf32, #tpu.memory_space<hbm>>) target(%dma_start3A_378 : memref<80x16xf32, #tpu.memory_space<vmem>>) offsets(%dma_start3A_381 : memref<80xi32, #tpu.memory_space<vmem>>) semaphore(%arg16 : memref<!tpu.dma_semaphore, #tpu.memory_space<semaphore_mem>>)
      %dma_start3A_385 = arith.constant 10 : i32
      %dma_start3A_386 = arith.constant 800 : i32
      %dma_start3A_387 = arith.constant 0 : i32
      %dma_start3A_388 = tpu.memref_slice %arg13[%dma_start3A_386, %dma_start3A_387] : memref<2000x16xf32, #tpu.memory_space<vmem>> -> memref<80x16xf32, #tpu.memory_space<vmem>>
      %dma_start3A_389 = arith.constant 0 : i32
      %dma_start3A_390 = tpu.memref_slice %arg10[%dma_start3A_385, %dma_start3A_389] : memref<25x80xi32, #tpu.memory_space<vmem>> -> memref<1x80xi32, #tpu.memory_space<vmem>>
      %dma_start3A_391 = tpu.memref_squeeze %dma_start3A_390 : memref<1x80xi32, #tpu.memory_space<vmem>> -> memref<80xi32, #tpu.memory_space<vmem>>
      %dma_start3A_392 = arith.constant 0 : i32
      %dma_start3A_393 = arith.constant 0 : i32
      %dma_start3A_394 = tpu.memref_slice %arg2[%dma_start3A_392, %dma_start3A_393] : memref<100000x16xf32, #tpu.memory_space<hbm>> -> memref<100000x16xf32, #tpu.memory_space<hbm>>
      tpu.enqueue_indirect_dma source(%dma_start3A_394 : memref<100000x16xf32, #tpu.memory_space<hbm>>) target(%dma_start3A_388 : memref<80x16xf32, #tpu.memory_space<vmem>>) offsets(%dma_start3A_391 : memref<80xi32, #tpu.memory_space<vmem>>) semaphore(%arg16 : memref<!tpu.dma_semaphore, #tpu.memory_space<semaphore_mem>>)
      %dma_start3A_395 = arith.constant 11 : i32
      %dma_start3A_396 = arith.constant 880 : i32
      %dma_start3A_397 = arith.constant 0 : i32
      %dma_start3A_398 = tpu.memref_slice %arg13[%dma_start3A_396, %dma_start3A_397] : memref<2000x16xf32, #tpu.memory_space<vmem>> -> memref<80x16xf32, #tpu.memory_space<vmem>>
      %dma_start3A_399 = arith.constant 0 : i32
      %dma_start3A_400 = tpu.memref_slice %arg10[%dma_start3A_395, %dma_start3A_399] : memref<25x80xi32, #tpu.memory_space<vmem>> -> memref<1x80xi32, #tpu.memory_space<vmem>>
      %dma_start3A_401 = tpu.memref_squeeze %dma_start3A_400 : memref<1x80xi32, #tpu.memory_space<vmem>> -> memref<80xi32, #tpu.memory_space<vmem>>
      %dma_start3A_402 = arith.constant 0 : i32
      %dma_start3A_403 = arith.constant 0 : i32
      %dma_start3A_404 = tpu.memref_slice %arg2[%dma_start3A_402, %dma_start3A_403] : memref<100000x16xf32, #tpu.memory_space<hbm>> -> memref<100000x16xf32, #tpu.memory_space<hbm>>
      tpu.enqueue_indirect_dma source(%dma_start3A_404 : memref<100000x16xf32, #tpu.memory_space<hbm>>) target(%dma_start3A_398 : memref<80x16xf32, #tpu.memory_space<vmem>>) offsets(%dma_start3A_401 : memref<80xi32, #tpu.memory_space<vmem>>) semaphore(%arg16 : memref<!tpu.dma_semaphore, #tpu.memory_space<semaphore_mem>>)
      %dma_start3A_405 = arith.constant 12 : i32
      %dma_start3A_406 = arith.constant 960 : i32
      %dma_start3A_407 = arith.constant 0 : i32
      %dma_start3A_408 = tpu.memref_slice %arg13[%dma_start3A_406, %dma_start3A_407] : memref<2000x16xf32, #tpu.memory_space<vmem>> -> memref<80x16xf32, #tpu.memory_space<vmem>>
      %dma_start3A_409 = arith.constant 0 : i32
      %dma_start3A_410 = tpu.memref_slice %arg10[%dma_start3A_405, %dma_start3A_409] : memref<25x80xi32, #tpu.memory_space<vmem>> -> memref<1x80xi32, #tpu.memory_space<vmem>>
      %dma_start3A_411 = tpu.memref_squeeze %dma_start3A_410 : memref<1x80xi32, #tpu.memory_space<vmem>> -> memref<80xi32, #tpu.memory_space<vmem>>
      %dma_start3A_412 = arith.constant 0 : i32
      %dma_start3A_413 = arith.constant 0 : i32
      %dma_start3A_414 = tpu.memref_slice %arg2[%dma_start3A_412, %dma_start3A_413] : memref<100000x16xf32, #tpu.memory_space<hbm>> -> memref<100000x16xf32, #tpu.memory_space<hbm>>
      tpu.enqueue_indirect_dma source(%dma_start3A_414 : memref<100000x16xf32, #tpu.memory_space<hbm>>) target(%dma_start3A_408 : memref<80x16xf32, #tpu.memory_space<vmem>>) offsets(%dma_start3A_411 : memref<80xi32, #tpu.memory_space<vmem>>) semaphore(%arg16 : memref<!tpu.dma_semaphore, #tpu.memory_space<semaphore_mem>>)
      %dma_start3A_415 = arith.constant 13 : i32
      %dma_start3A_416 = arith.constant 1040 : i32
      %dma_start3A_417 = arith.constant 0 : i32
      %dma_start3A_418 = tpu.memref_slice %arg13[%dma_start3A_416, %dma_start3A_417] : memref<2000x16xf32, #tpu.memory_space<vmem>> -> memref<80x16xf32, #tpu.memory_space<vmem>>
      %dma_start3A_419 = arith.constant 0 : i32
      %dma_start3A_420 = tpu.memref_slice %arg10[%dma_start3A_415, %dma_start3A_419] : memref<25x80xi32, #tpu.memory_space<vmem>> -> memref<1x80xi32, #tpu.memory_space<vmem>>
      %dma_start3A_421 = tpu.memref_squeeze %dma_start3A_420 : memref<1x80xi32, #tpu.memory_space<vmem>> -> memref<80xi32, #tpu.memory_space<vmem>>
      %dma_start3A_422 = arith.constant 0 : i32
      %dma_start3A_423 = arith.constant 0 : i32
      %dma_start3A_424 = tpu.memref_slice %arg2[%dma_start3A_422, %dma_start3A_423] : memref<100000x16xf32, #tpu.memory_space<hbm>> -> memref<100000x16xf32, #tpu.memory_space<hbm>>
      tpu.enqueue_indirect_dma source(%dma_start3A_424 : memref<100000x16xf32, #tpu.memory_space<hbm>>) target(%dma_start3A_418 : memref<80x16xf32, #tpu.memory_space<vmem>>) offsets(%dma_start3A_421 : memref<80xi32, #tpu.memory_space<vmem>>) semaphore(%arg16 : memref<!tpu.dma_semaphore, #tpu.memory_space<semaphore_mem>>)
      %dma_start3A_425 = arith.constant 14 : i32
      %dma_start3A_426 = arith.constant 1120 : i32
      %dma_start3A_427 = arith.constant 0 : i32
      %dma_start3A_428 = tpu.memref_slice %arg13[%dma_start3A_426, %dma_start3A_427] : memref<2000x16xf32, #tpu.memory_space<vmem>> -> memref<80x16xf32, #tpu.memory_space<vmem>>
      %dma_start3A_429 = arith.constant 0 : i32
      %dma_start3A_430 = tpu.memref_slice %arg10[%dma_start3A_425, %dma_start3A_429] : memref<25x80xi32, #tpu.memory_space<vmem>> -> memref<1x80xi32, #tpu.memory_space<vmem>>
      %dma_start3A_431 = tpu.memref_squeeze %dma_start3A_430 : memref<1x80xi32, #tpu.memory_space<vmem>> -> memref<80xi32, #tpu.memory_space<vmem>>
      %dma_start3A_432 = arith.constant 0 : i32
      %dma_start3A_433 = arith.constant 0 : i32
      %dma_start3A_434 = tpu.memref_slice %arg2[%dma_start3A_432, %dma_start3A_433] : memref<100000x16xf32, #tpu.memory_space<hbm>> -> memref<100000x16xf32, #tpu.memory_space<hbm>>
      tpu.enqueue_indirect_dma source(%dma_start3A_434 : memref<100000x16xf32, #tpu.memory_space<hbm>>) target(%dma_start3A_428 : memref<80x16xf32, #tpu.memory_space<vmem>>) offsets(%dma_start3A_431 : memref<80xi32, #tpu.memory_space<vmem>>) semaphore(%arg16 : memref<!tpu.dma_semaphore, #tpu.memory_space<semaphore_mem>>)
      %dma_start3A_435 = arith.constant 15 : i32
      %dma_start3A_436 = arith.constant 1200 : i32
      %dma_start3A_437 = arith.constant 0 : i32
      %dma_start3A_438 = tpu.memref_slice %arg13[%dma_start3A_436, %dma_start3A_437] : memref<2000x16xf32, #tpu.memory_space<vmem>> -> memref<80x16xf32, #tpu.memory_space<vmem>>
      %dma_start3A_439 = arith.constant 0 : i32
      %dma_start3A_440 = tpu.memref_slice %arg10[%dma_start3A_435, %dma_start3A_439] : memref<25x80xi32, #tpu.memory_space<vmem>> -> memref<1x80xi32, #tpu.memory_space<vmem>>
      %dma_start3A_441 = tpu.memref_squeeze %dma_start3A_440 : memref<1x80xi32, #tpu.memory_space<vmem>> -> memref<80xi32, #tpu.memory_space<vmem>>
      %dma_start3A_442 = arith.constant 0 : i32
      %dma_start3A_443 = arith.constant 0 : i32
      %dma_start3A_444 = tpu.memref_slice %arg2[%dma_start3A_442, %dma_start3A_443] : memref<100000x16xf32, #tpu.memory_space<hbm>> -> memref<100000x16xf32, #tpu.memory_space<hbm>>
      tpu.enqueue_indirect_dma source(%dma_start3A_444 : memref<100000x16xf32, #tpu.memory_space<hbm>>) target(%dma_start3A_438 : memref<80x16xf32, #tpu.memory_space<vmem>>) offsets(%dma_start3A_441 : memref<80xi32, #tpu.memory_space<vmem>>) semaphore(%arg16 : memref<!tpu.dma_semaphore, #tpu.memory_space<semaphore_mem>>)
      %dma_start3A_445 = arith.constant 16 : i32
      %dma_start3A_446 = arith.constant 1280 : i32
      %dma_start3A_447 = arith.constant 0 : i32
      %dma_start3A_448 = tpu.memref_slice %arg13[%dma_start3A_446, %dma_start3A_447] : memref<2000x16xf32, #tpu.memory_space<vmem>> -> memref<80x16xf32, #tpu.memory_space<vmem>>
      %dma_start3A_449 = arith.constant 0 : i32
      %dma_start3A_450 = tpu.memref_slice %arg10[%dma_start3A_445, %dma_start3A_449] : memref<25x80xi32, #tpu.memory_space<vmem>> -> memref<1x80xi32, #tpu.memory_space<vmem>>
      %dma_start3A_451 = tpu.memref_squeeze %dma_start3A_450 : memref<1x80xi32, #tpu.memory_space<vmem>> -> memref<80xi32, #tpu.memory_space<vmem>>
      %dma_start3A_452 = arith.constant 0 : i32
      %dma_start3A_453 = arith.constant 0 : i32
      %dma_start3A_454 = tpu.memref_slice %arg2[%dma_start3A_452, %dma_start3A_453] : memref<100000x16xf32, #tpu.memory_space<hbm>> -> memref<100000x16xf32, #tpu.memory_space<hbm>>
      tpu.enqueue_indirect_dma source(%dma_start3A_454 : memref<100000x16xf32, #tpu.memory_space<hbm>>) target(%dma_start3A_448 : memref<80x16xf32, #tpu.memory_space<vmem>>) offsets(%dma_start3A_451 : memref<80xi32, #tpu.memory_space<vmem>>) semaphore(%arg16 : memref<!tpu.dma_semaphore, #tpu.memory_space<semaphore_mem>>)
      %dma_start3A_455 = arith.constant 17 : i32
      %dma_start3A_456 = arith.constant 1360 : i32
      %dma_start3A_457 = arith.constant 0 : i32
      %dma_start3A_458 = tpu.memref_slice %arg13[%dma_start3A_456, %dma_start3A_457] : memref<2000x16xf32, #tpu.memory_space<vmem>> -> memref<80x16xf32, #tpu.memory_space<vmem>>
      %dma_start3A_459 = arith.constant 0 : i32
      %dma_start3A_460 = tpu.memref_slice %arg10[%dma_start3A_455, %dma_start3A_459] : memref<25x80xi32, #tpu.memory_space<vmem>> -> memref<1x80xi32, #tpu.memory_space<vmem>>
      %dma_start3A_461 = tpu.memref_squeeze %dma_start3A_460 : memref<1x80xi32, #tpu.memory_space<vmem>> -> memref<80xi32, #tpu.memory_space<vmem>>
      %dma_start3A_462 = arith.constant 0 : i32
      %dma_start3A_463 = arith.constant 0 : i32
      %dma_start3A_464 = tpu.memref_slice %arg2[%dma_start3A_462, %dma_start3A_463] : memref<100000x16xf32, #tpu.memory_space<hbm>> -> memref<100000x16xf32, #tpu.memory_space<hbm>>
      tpu.enqueue_indirect_dma source(%dma_start3A_464 : memref<100000x16xf32, #tpu.memory_space<hbm>>) target(%dma_start3A_458 : memref<80x16xf32, #tpu.memory_space<vmem>>) offsets(%dma_start3A_461 : memref<80xi32, #tpu.memory_space<vmem>>) semaphore(%arg16 : memref<!tpu.dma_semaphore, #tpu.memory_space<semaphore_mem>>)
      %dma_start3A_465 = arith.constant 18 : i32
      %dma_start3A_466 = arith.constant 1440 : i32
      %dma_start3A_467 = arith.constant 0 : i32
      %dma_start3A_468 = tpu.memref_slice %arg13[%dma_start3A_466, %dma_start3A_467] : memref<2000x16xf32, #tpu.memory_space<vmem>> -> memref<80x16xf32, #tpu.memory_space<vmem>>
      %dma_start3A_469 = arith.constant 0 : i32
      %dma_start3A_470 = tpu.memref_slice %arg10[%dma_start3A_465, %dma_start3A_469] : memref<25x80xi32, #tpu.memory_space<vmem>> -> memref<1x80xi32, #tpu.memory_space<vmem>>
      %dma_start3A_471 = tpu.memref_squeeze %dma_start3A_470 : memref<1x80xi32, #tpu.memory_space<vmem>> -> memref<80xi32, #tpu.memory_space<vmem>>
      %dma_start3A_472 = arith.constant 0 : i32
      %dma_start3A_473 = arith.constant 0 : i32
      %dma_start3A_474 = tpu.memref_slice %arg2[%dma_start3A_472, %dma_start3A_473] : memref<100000x16xf32, #tpu.memory_space<hbm>> -> memref<100000x16xf32, #tpu.memory_space<hbm>>
      tpu.enqueue_indirect_dma source(%dma_start3A_474 : memref<100000x16xf32, #tpu.memory_space<hbm>>) target(%dma_start3A_468 : memref<80x16xf32, #tpu.memory_space<vmem>>) offsets(%dma_start3A_471 : memref<80xi32, #tpu.memory_space<vmem>>) semaphore(%arg16 : memref<!tpu.dma_semaphore, #tpu.memory_space<semaphore_mem>>)
      %dma_start3A_475 = arith.constant 19 : i32
      %dma_start3A_476 = arith.constant 1520 : i32
      %dma_start3A_477 = arith.constant 0 : i32
      %dma_start3A_478 = tpu.memref_slice %arg13[%dma_start3A_476, %dma_start3A_477] : memref<2000x16xf32, #tpu.memory_space<vmem>> -> memref<80x16xf32, #tpu.memory_space<vmem>>
      %dma_start3A_479 = arith.constant 0 : i32
      %dma_start3A_480 = tpu.memref_slice %arg10[%dma_start3A_475, %dma_start3A_479] : memref<25x80xi32, #tpu.memory_space<vmem>> -> memref<1x80xi32, #tpu.memory_space<vmem>>
      %dma_start3A_481 = tpu.memref_squeeze %dma_start3A_480 : memref<1x80xi32, #tpu.memory_space<vmem>> -> memref<80xi32, #tpu.memory_space<vmem>>
      %dma_start3A_482 = arith.constant 0 : i32
      %dma_start3A_483 = arith.constant 0 : i32
      %dma_start3A_484 = tpu.memref_slice %arg2[%dma_start3A_482, %dma_start3A_483] : memref<100000x16xf32, #tpu.memory_space<hbm>> -> memref<100000x16xf32, #tpu.memory_space<hbm>>
      tpu.enqueue_indirect_dma source(%dma_start3A_484 : memref<100000x16xf32, #tpu.memory_space<hbm>>) target(%dma_start3A_478 : memref<80x16xf32, #tpu.memory_space<vmem>>) offsets(%dma_start3A_481 : memref<80xi32, #tpu.memory_space<vmem>>) semaphore(%arg16 : memref<!tpu.dma_semaphore, #tpu.memory_space<semaphore_mem>>)
      %dma_start3A_485 = arith.constant 20 : i32
      %dma_start3A_486 = arith.constant 1600 : i32
      %dma_start3A_487 = arith.constant 0 : i32
      %dma_start3A_488 = tpu.memref_slice %arg13[%dma_start3A_486, %dma_start3A_487] : memref<2000x16xf32, #tpu.memory_space<vmem>> -> memref<80x16xf32, #tpu.memory_space<vmem>>
      %dma_start3A_489 = arith.constant 0 : i32
      %dma_start3A_490 = tpu.memref_slice %arg10[%dma_start3A_485, %dma_start3A_489] : memref<25x80xi32, #tpu.memory_space<vmem>> -> memref<1x80xi32, #tpu.memory_space<vmem>>
      %dma_start3A_491 = tpu.memref_squeeze %dma_start3A_490 : memref<1x80xi32, #tpu.memory_space<vmem>> -> memref<80xi32, #tpu.memory_space<vmem>>
      %dma_start3A_492 = arith.constant 0 : i32
      %dma_start3A_493 = arith.constant 0 : i32
      %dma_start3A_494 = tpu.memref_slice %arg2[%dma_start3A_492, %dma_start3A_493] : memref<100000x16xf32, #tpu.memory_space<hbm>> -> memref<100000x16xf32, #tpu.memory_space<hbm>>
      tpu.enqueue_indirect_dma source(%dma_start3A_494 : memref<100000x16xf32, #tpu.memory_space<hbm>>) target(%dma_start3A_488 : memref<80x16xf32, #tpu.memory_space<vmem>>) offsets(%dma_start3A_491 : memref<80xi32, #tpu.memory_space<vmem>>) semaphore(%arg16 : memref<!tpu.dma_semaphore, #tpu.memory_space<semaphore_mem>>)
      %dma_start3A_495 = arith.constant 21 : i32
      %dma_start3A_496 = arith.constant 1680 : i32
      %dma_start3A_497 = arith.constant 0 : i32
      %dma_start3A_498 = tpu.memref_slice %arg13[%dma_start3A_496, %dma_start3A_497] : memref<2000x16xf32, #tpu.memory_space<vmem>> -> memref<80x16xf32, #tpu.memory_space<vmem>>
      %dma_start3A_499 = arith.constant 0 : i32
      %dma_start3A_500 = tpu.memref_slice %arg10[%dma_start3A_495, %dma_start3A_499] : memref<25x80xi32, #tpu.memory_space<vmem>> -> memref<1x80xi32, #tpu.memory_space<vmem>>
      %dma_start3A_501 = tpu.memref_squeeze %dma_start3A_500 : memref<1x80xi32, #tpu.memory_space<vmem>> -> memref<80xi32, #tpu.memory_space<vmem>>
      %dma_start3A_502 = arith.constant 0 : i32
      %dma_start3A_503 = arith.constant 0 : i32
      %dma_start3A_504 = tpu.memref_slice %arg2[%dma_start3A_502, %dma_start3A_503] : memref<100000x16xf32, #tpu.memory_space<hbm>> -> memref<100000x16xf32, #tpu.memory_space<hbm>>
      tpu.enqueue_indirect_dma source(%dma_start3A_504 : memref<100000x16xf32, #tpu.memory_space<hbm>>) target(%dma_start3A_498 : memref<80x16xf32, #tpu.memory_space<vmem>>) offsets(%dma_start3A_501 : memref<80xi32, #tpu.memory_space<vmem>>) semaphore(%arg16 : memref<!tpu.dma_semaphore, #tpu.memory_space<semaphore_mem>>)
      %dma_start3A_505 = arith.constant 22 : i32
      %dma_start3A_506 = arith.constant 1760 : i32
      %dma_start3A_507 = arith.constant 0 : i32
      %dma_start3A_508 = tpu.memref_slice %arg13[%dma_start3A_506, %dma_start3A_507] : memref<2000x16xf32, #tpu.memory_space<vmem>> -> memref<80x16xf32, #tpu.memory_space<vmem>>
      %dma_start3A_509 = arith.constant 0 : i32
      %dma_start3A_510 = tpu.memref_slice %arg10[%dma_start3A_505, %dma_start3A_509] : memref<25x80xi32, #tpu.memory_space<vmem>> -> memref<1x80xi32, #tpu.memory_space<vmem>>
      %dma_start3A_511 = tpu.memref_squeeze %dma_start3A_510 : memref<1x80xi32, #tpu.memory_space<vmem>> -> memref<80xi32, #tpu.memory_space<vmem>>
      %dma_start3A_512 = arith.constant 0 : i32
      %dma_start3A_513 = arith.constant 0 : i32
      %dma_start3A_514 = tpu.memref_slice %arg2[%dma_start3A_512, %dma_start3A_513] : memref<100000x16xf32, #tpu.memory_space<hbm>> -> memref<100000x16xf32, #tpu.memory_space<hbm>>
      tpu.enqueue_indirect_dma source(%dma_start3A_514 : memref<100000x16xf32, #tpu.memory_space<hbm>>) target(%dma_start3A_508 : memref<80x16xf32, #tpu.memory_space<vmem>>) offsets(%dma_start3A_511 : memref<80xi32, #tpu.memory_space<vmem>>) semaphore(%arg16 : memref<!tpu.dma_semaphore, #tpu.memory_space<semaphore_mem>>)
      %dma_start3A_515 = arith.constant 23 : i32
      %dma_start3A_516 = arith.constant 1840 : i32
      %dma_start3A_517 = arith.constant 0 : i32
      %dma_start3A_518 = tpu.memref_slice %arg13[%dma_start3A_516, %dma_start3A_517] : memref<2000x16xf32, #tpu.memory_space<vmem>> -> memref<80x16xf32, #tpu.memory_space<vmem>>
      %dma_start3A_519 = arith.constant 0 : i32
      %dma_start3A_520 = tpu.memref_slice %arg10[%dma_start3A_515, %dma_start3A_519] : memref<25x80xi32, #tpu.memory_space<vmem>> -> memref<1x80xi32, #tpu.memory_space<vmem>>
      %dma_start3A_521 = tpu.memref_squeeze %dma_start3A_520 : memref<1x80xi32, #tpu.memory_space<vmem>> -> memref<80xi32, #tpu.memory_space<vmem>>
      %dma_start3A_522 = arith.constant 0 : i32
      %dma_start3A_523 = arith.constant 0 : i32
      %dma_start3A_524 = tpu.memref_slice %arg2[%dma_start3A_522, %dma_start3A_523] : memref<100000x16xf32, #tpu.memory_space<hbm>> -> memref<100000x16xf32, #tpu.memory_space<hbm>>
      tpu.enqueue_indirect_dma source(%dma_start3A_524 : memref<100000x16xf32, #tpu.memory_space<hbm>>) target(%dma_start3A_518 : memref<80x16xf32, #tpu.memory_space<vmem>>) offsets(%dma_start3A_521 : memref<80xi32, #tpu.memory_space<vmem>>) semaphore(%arg16 : memref<!tpu.dma_semaphore, #tpu.memory_space<semaphore_mem>>)
      %dma_start3A_525 = arith.constant 24 : i32
      %dma_start3A_526 = arith.constant 1920 : i32
      %dma_start3A_527 = arith.constant 0 : i32
      %dma_start3A_528 = tpu.memref_slice %arg13[%dma_start3A_526, %dma_start3A_527] : memref<2000x16xf32, #tpu.memory_space<vmem>> -> memref<80x16xf32, #tpu.memory_space<vmem>>
      %dma_start3A_529 = arith.constant 0 : i32
      %dma_start3A_530 = tpu.memref_slice %arg10[%dma_start3A_525, %dma_start3A_529] : memref<25x80xi32, #tpu.memory_space<vmem>> -> memref<1x80xi32, #tpu.memory_space<vmem>>
      %dma_start3A_531 = tpu.memref_squeeze %dma_start3A_530 : memref<1x80xi32, #tpu.memory_space<vmem>> -> memref<80xi32, #tpu.memory_space<vmem>>
      %dma_start3A_532 = arith.constant 0 : i32
      %dma_start3A_533 = arith.constant 0 : i32
      %dma_start3A_534 = tpu.memref_slice %arg2[%dma_start3A_532, %dma_start3A_533] : memref<100000x16xf32, #tpu.memory_space<hbm>> -> memref<100000x16xf32, #tpu.memory_space<hbm>>
      tpu.enqueue_indirect_dma source(%dma_start3A_534 : memref<100000x16xf32, #tpu.memory_space<hbm>>) target(%dma_start3A_528 : memref<80x16xf32, #tpu.memory_space<vmem>>) offsets(%dma_start3A_531 : memref<80xi32, #tpu.memory_space<vmem>>) semaphore(%arg16 : memref<!tpu.dma_semaphore, #tpu.memory_space<semaphore_mem>>)
      %dma_wait3A = arith.constant 0 : i32
      %dma_wait3A_535 = arith.constant 0 : i32
      %dma_wait3A_536 = arith.constant 0 : i32
      %dma_wait3A_537 = tpu.memref_slice %arg12[%dma_wait3A_535, %dma_wait3A_536] : memref<2000x16xf32, #tpu.memory_space<vmem>> -> memref<80x16xf32, #tpu.memory_space<vmem>>
      %dma_wait3A_538 = arith.constant 0 : i32
      %dma_wait3A_539 = tpu.memref_slice %arg9[%dma_wait3A, %dma_wait3A_538] : memref<25x80xi32, #tpu.memory_space<vmem>> -> memref<1x80xi32, #tpu.memory_space<vmem>>
      %dma_wait3A_540 = tpu.memref_squeeze %dma_wait3A_539 : memref<1x80xi32, #tpu.memory_space<vmem>> -> memref<80xi32, #tpu.memory_space<vmem>>
      %dma_wait3A_541 = arith.constant 0 : i32
      %dma_wait3A_542 = arith.constant 0 : i32
      %dma_wait3A_543 = tpu.memref_slice %arg2[%dma_wait3A_541, %dma_wait3A_542] : memref<100000x16xf32, #tpu.memory_space<hbm>> -> memref<100000x16xf32, #tpu.memory_space<hbm>>
      tpu.wait_indirect_dma semaphore(%arg16 : memref<!tpu.dma_semaphore, #tpu.memory_space<semaphore_mem>>) src(%dma_wait3A_543 : memref<100000x16xf32, #tpu.memory_space<hbm>>) dst(%dma_wait3A_537 : memref<80x16xf32, #tpu.memory_space<vmem>>)
      %dma_wait3A_544 = arith.constant 1 : i32
      %dma_wait3A_545 = arith.constant 80 : i32
      %dma_wait3A_546 = arith.constant 0 : i32
      %dma_wait3A_547 = tpu.memref_slice %arg12[%dma_wait3A_545, %dma_wait3A_546] : memref<2000x16xf32, #tpu.memory_space<vmem>> -> memref<80x16xf32, #tpu.memory_space<vmem>>
      %dma_wait3A_548 = arith.constant 0 : i32
      %dma_wait3A_549 = tpu.memref_slice %arg9[%dma_wait3A_544, %dma_wait3A_548] : memref<25x80xi32, #tpu.memory_space<vmem>> -> memref<1x80xi32, #tpu.memory_space<vmem>>
      %dma_wait3A_550 = tpu.memref_squeeze %dma_wait3A_549 : memref<1x80xi32, #tpu.memory_space<vmem>> -> memref<80xi32, #tpu.memory_space<vmem>>
      %dma_wait3A_551 = arith.constant 0 : i32
      %dma_wait3A_552 = arith.constant 0 : i32
      %dma_wait3A_553 = tpu.memref_slice %arg2[%dma_wait3A_551, %dma_wait3A_552] : memref<100000x16xf32, #tpu.memory_space<hbm>> -> memref<100000x16xf32, #tpu.memory_space<hbm>>
      tpu.wait_indirect_dma semaphore(%arg16 : memref<!tpu.dma_semaphore, #tpu.memory_space<semaphore_mem>>) src(%dma_wait3A_553 : memref<100000x16xf32, #tpu.memory_space<hbm>>) dst(%dma_wait3A_547 : memref<80x16xf32, #tpu.memory_space<vmem>>)
      %dma_wait3A_554 = arith.constant 2 : i32
      %dma_wait3A_555 = arith.constant 160 : i32
      %dma_wait3A_556 = arith.constant 0 : i32
      %dma_wait3A_557 = tpu.memref_slice %arg12[%dma_wait3A_555, %dma_wait3A_556] : memref<2000x16xf32, #tpu.memory_space<vmem>> -> memref<80x16xf32, #tpu.memory_space<vmem>>
      %dma_wait3A_558 = arith.constant 0 : i32
      %dma_wait3A_559 = tpu.memref_slice %arg9[%dma_wait3A_554, %dma_wait3A_558] : memref<25x80xi32, #tpu.memory_space<vmem>> -> memref<1x80xi32, #tpu.memory_space<vmem>>
      %dma_wait3A_560 = tpu.memref_squeeze %dma_wait3A_559 : memref<1x80xi32, #tpu.memory_space<vmem>> -> memref<80xi32, #tpu.memory_space<vmem>>
      %dma_wait3A_561 = arith.constant 0 : i32
      %dma_wait3A_562 = arith.constant 0 : i32
      %dma_wait3A_563 = tpu.memref_slice %arg2[%dma_wait3A_561, %dma_wait3A_562] : memref<100000x16xf32, #tpu.memory_space<hbm>> -> memref<100000x16xf32, #tpu.memory_space<hbm>>
      tpu.wait_indirect_dma semaphore(%arg16 : memref<!tpu.dma_semaphore, #tpu.memory_space<semaphore_mem>>) src(%dma_wait3A_563 : memref<100000x16xf32, #tpu.memory_space<hbm>>) dst(%dma_wait3A_557 : memref<80x16xf32, #tpu.memory_space<vmem>>)
      %dma_wait3A_564 = arith.constant 3 : i32
      %dma_wait3A_565 = arith.constant 240 : i32
      %dma_wait3A_566 = arith.constant 0 : i32
      %dma_wait3A_567 = tpu.memref_slice %arg12[%dma_wait3A_565, %dma_wait3A_566] : memref<2000x16xf32, #tpu.memory_space<vmem>> -> memref<80x16xf32, #tpu.memory_space<vmem>>
      %dma_wait3A_568 = arith.constant 0 : i32
      %dma_wait3A_569 = tpu.memref_slice %arg9[%dma_wait3A_564, %dma_wait3A_568] : memref<25x80xi32, #tpu.memory_space<vmem>> -> memref<1x80xi32, #tpu.memory_space<vmem>>
      %dma_wait3A_570 = tpu.memref_squeeze %dma_wait3A_569 : memref<1x80xi32, #tpu.memory_space<vmem>> -> memref<80xi32, #tpu.memory_space<vmem>>
      %dma_wait3A_571 = arith.constant 0 : i32
      %dma_wait3A_572 = arith.constant 0 : i32
      %dma_wait3A_573 = tpu.memref_slice %arg2[%dma_wait3A_571, %dma_wait3A_572] : memref<100000x16xf32, #tpu.memory_space<hbm>> -> memref<100000x16xf32, #tpu.memory_space<hbm>>
      tpu.wait_indirect_dma semaphore(%arg16 : memref<!tpu.dma_semaphore, #tpu.memory_space<semaphore_mem>>) src(%dma_wait3A_573 : memref<100000x16xf32, #tpu.memory_space<hbm>>) dst(%dma_wait3A_567 : memref<80x16xf32, #tpu.memory_space<vmem>>)
      %dma_wait3A_574 = arith.constant 4 : i32
      %dma_wait3A_575 = arith.constant 320 : i32
      %dma_wait3A_576 = arith.constant 0 : i32
      %dma_wait3A_577 = tpu.memref_slice %arg12[%dma_wait3A_575, %dma_wait3A_576] : memref<2000x16xf32, #tpu.memory_space<vmem>> -> memref<80x16xf32, #tpu.memory_space<vmem>>
      %dma_wait3A_578 = arith.constant 0 : i32
      %dma_wait3A_579 = tpu.memref_slice %arg9[%dma_wait3A_574, %dma_wait3A_578] : memref<25x80xi32, #tpu.memory_space<vmem>> -> memref<1x80xi32, #tpu.memory_space<vmem>>
      %dma_wait3A_580 = tpu.memref_squeeze %dma_wait3A_579 : memref<1x80xi32, #tpu.memory_space<vmem>> -> memref<80xi32, #tpu.memory_space<vmem>>
      %dma_wait3A_581 = arith.constant 0 : i32
      %dma_wait3A_582 = arith.constant 0 : i32
      %dma_wait3A_583 = tpu.memref_slice %arg2[%dma_wait3A_581, %dma_wait3A_582] : memref<100000x16xf32, #tpu.memory_space<hbm>> -> memref<100000x16xf32, #tpu.memory_space<hbm>>
      tpu.wait_indirect_dma semaphore(%arg16 : memref<!tpu.dma_semaphore, #tpu.memory_space<semaphore_mem>>) src(%dma_wait3A_583 : memref<100000x16xf32, #tpu.memory_space<hbm>>) dst(%dma_wait3A_577 : memref<80x16xf32, #tpu.memory_space<vmem>>)
      %dma_wait3A_584 = arith.constant 5 : i32
      %dma_wait3A_585 = arith.constant 400 : i32
      %dma_wait3A_586 = arith.constant 0 : i32
      %dma_wait3A_587 = tpu.memref_slice %arg12[%dma_wait3A_585, %dma_wait3A_586] : memref<2000x16xf32, #tpu.memory_space<vmem>> -> memref<80x16xf32, #tpu.memory_space<vmem>>
      %dma_wait3A_588 = arith.constant 0 : i32
      %dma_wait3A_589 = tpu.memref_slice %arg9[%dma_wait3A_584, %dma_wait3A_588] : memref<25x80xi32, #tpu.memory_space<vmem>> -> memref<1x80xi32, #tpu.memory_space<vmem>>
      %dma_wait3A_590 = tpu.memref_squeeze %dma_wait3A_589 : memref<1x80xi32, #tpu.memory_space<vmem>> -> memref<80xi32, #tpu.memory_space<vmem>>
      %dma_wait3A_591 = arith.constant 0 : i32
      %dma_wait3A_592 = arith.constant 0 : i32
      %dma_wait3A_593 = tpu.memref_slice %arg2[%dma_wait3A_591, %dma_wait3A_592] : memref<100000x16xf32, #tpu.memory_space<hbm>> -> memref<100000x16xf32, #tpu.memory_space<hbm>>
      tpu.wait_indirect_dma semaphore(%arg16 : memref<!tpu.dma_semaphore, #tpu.memory_space<semaphore_mem>>) src(%dma_wait3A_593 : memref<100000x16xf32, #tpu.memory_space<hbm>>) dst(%dma_wait3A_587 : memref<80x16xf32, #tpu.memory_space<vmem>>)
      %dma_wait3A_594 = arith.constant 6 : i32
      %dma_wait3A_595 = arith.constant 480 : i32
      %dma_wait3A_596 = arith.constant 0 : i32
      %dma_wait3A_597 = tpu.memref_slice %arg12[%dma_wait3A_595, %dma_wait3A_596] : memref<2000x16xf32, #tpu.memory_space<vmem>> -> memref<80x16xf32, #tpu.memory_space<vmem>>
      %dma_wait3A_598 = arith.constant 0 : i32
      %dma_wait3A_599 = tpu.memref_slice %arg9[%dma_wait3A_594, %dma_wait3A_598] : memref<25x80xi32, #tpu.memory_space<vmem>> -> memref<1x80xi32, #tpu.memory_space<vmem>>
      %dma_wait3A_600 = tpu.memref_squeeze %dma_wait3A_599 : memref<1x80xi32, #tpu.memory_space<vmem>> -> memref<80xi32, #tpu.memory_space<vmem>>
      %dma_wait3A_601 = arith.constant 0 : i32
      %dma_wait3A_602 = arith.constant 0 : i32
      %dma_wait3A_603 = tpu.memref_slice %arg2[%dma_wait3A_601, %dma_wait3A_602] : memref<100000x16xf32, #tpu.memory_space<hbm>> -> memref<100000x16xf32, #tpu.memory_space<hbm>>
      tpu.wait_indirect_dma semaphore(%arg16 : memref<!tpu.dma_semaphore, #tpu.memory_space<semaphore_mem>>) src(%dma_wait3A_603 : memref<100000x16xf32, #tpu.memory_space<hbm>>) dst(%dma_wait3A_597 : memref<80x16xf32, #tpu.memory_space<vmem>>)
      %dma_wait3A_604 = arith.constant 7 : i32
      %dma_wait3A_605 = arith.constant 560 : i32
      %dma_wait3A_606 = arith.constant 0 : i32
      %dma_wait3A_607 = tpu.memref_slice %arg12[%dma_wait3A_605, %dma_wait3A_606] : memref<2000x16xf32, #tpu.memory_space<vmem>> -> memref<80x16xf32, #tpu.memory_space<vmem>>
      %dma_wait3A_608 = arith.constant 0 : i32
      %dma_wait3A_609 = tpu.memref_slice %arg9[%dma_wait3A_604, %dma_wait3A_608] : memref<25x80xi32, #tpu.memory_space<vmem>> -> memref<1x80xi32, #tpu.memory_space<vmem>>
      %dma_wait3A_610 = tpu.memref_squeeze %dma_wait3A_609 : memref<1x80xi32, #tpu.memory_space<vmem>> -> memref<80xi32, #tpu.memory_space<vmem>>
      %dma_wait3A_611 = arith.constant 0 : i32
      %dma_wait3A_612 = arith.constant 0 : i32
      %dma_wait3A_613 = tpu.memref_slice %arg2[%dma_wait3A_611, %dma_wait3A_612] : memref<100000x16xf32, #tpu.memory_space<hbm>> -> memref<100000x16xf32, #tpu.memory_space<hbm>>
      tpu.wait_indirect_dma semaphore(%arg16 : memref<!tpu.dma_semaphore, #tpu.memory_space<semaphore_mem>>) src(%dma_wait3A_613 : memref<100000x16xf32, #tpu.memory_space<hbm>>) dst(%dma_wait3A_607 : memref<80x16xf32, #tpu.memory_space<vmem>>)
      %dma_wait3A_614 = arith.constant 8 : i32
      %dma_wait3A_615 = arith.constant 640 : i32
      %dma_wait3A_616 = arith.constant 0 : i32
      %dma_wait3A_617 = tpu.memref_slice %arg12[%dma_wait3A_615, %dma_wait3A_616] : memref<2000x16xf32, #tpu.memory_space<vmem>> -> memref<80x16xf32, #tpu.memory_space<vmem>>
      %dma_wait3A_618 = arith.constant 0 : i32
      %dma_wait3A_619 = tpu.memref_slice %arg9[%dma_wait3A_614, %dma_wait3A_618] : memref<25x80xi32, #tpu.memory_space<vmem>> -> memref<1x80xi32, #tpu.memory_space<vmem>>
      %dma_wait3A_620 = tpu.memref_squeeze %dma_wait3A_619 : memref<1x80xi32, #tpu.memory_space<vmem>> -> memref<80xi32, #tpu.memory_space<vmem>>
      %dma_wait3A_621 = arith.constant 0 : i32
      %dma_wait3A_622 = arith.constant 0 : i32
      %dma_wait3A_623 = tpu.memref_slice %arg2[%dma_wait3A_621, %dma_wait3A_622] : memref<100000x16xf32, #tpu.memory_space<hbm>> -> memref<100000x16xf32, #tpu.memory_space<hbm>>
      tpu.wait_indirect_dma semaphore(%arg16 : memref<!tpu.dma_semaphore, #tpu.memory_space<semaphore_mem>>) src(%dma_wait3A_623 : memref<100000x16xf32, #tpu.memory_space<hbm>>) dst(%dma_wait3A_617 : memref<80x16xf32, #tpu.memory_space<vmem>>)
      %dma_wait3A_624 = arith.constant 9 : i32
      %dma_wait3A_625 = arith.constant 720 : i32
      %dma_wait3A_626 = arith.constant 0 : i32
      %dma_wait3A_627 = tpu.memref_slice %arg12[%dma_wait3A_625, %dma_wait3A_626] : memref<2000x16xf32, #tpu.memory_space<vmem>> -> memref<80x16xf32, #tpu.memory_space<vmem>>
      %dma_wait3A_628 = arith.constant 0 : i32
      %dma_wait3A_629 = tpu.memref_slice %arg9[%dma_wait3A_624, %dma_wait3A_628] : memref<25x80xi32, #tpu.memory_space<vmem>> -> memref<1x80xi32, #tpu.memory_space<vmem>>
      %dma_wait3A_630 = tpu.memref_squeeze %dma_wait3A_629 : memref<1x80xi32, #tpu.memory_space<vmem>> -> memref<80xi32, #tpu.memory_space<vmem>>
      %dma_wait3A_631 = arith.constant 0 : i32
      %dma_wait3A_632 = arith.constant 0 : i32
      %dma_wait3A_633 = tpu.memref_slice %arg2[%dma_wait3A_631, %dma_wait3A_632] : memref<100000x16xf32, #tpu.memory_space<hbm>> -> memref<100000x16xf32, #tpu.memory_space<hbm>>
      tpu.wait_indirect_dma semaphore(%arg16 : memref<!tpu.dma_semaphore, #tpu.memory_space<semaphore_mem>>) src(%dma_wait3A_633 : memref<100000x16xf32, #tpu.memory_space<hbm>>) dst(%dma_wait3A_627 : memref<80x16xf32, #tpu.memory_space<vmem>>)
      %dma_wait3A_634 = arith.constant 10 : i32
      %dma_wait3A_635 = arith.constant 800 : i32
      %dma_wait3A_636 = arith.constant 0 : i32
      %dma_wait3A_637 = tpu.memref_slice %arg12[%dma_wait3A_635, %dma_wait3A_636] : memref<2000x16xf32, #tpu.memory_space<vmem>> -> memref<80x16xf32, #tpu.memory_space<vmem>>
      %dma_wait3A_638 = arith.constant 0 : i32
      %dma_wait3A_639 = tpu.memref_slice %arg9[%dma_wait3A_634, %dma_wait3A_638] : memref<25x80xi32, #tpu.memory_space<vmem>> -> memref<1x80xi32, #tpu.memory_space<vmem>>
      %dma_wait3A_640 = tpu.memref_squeeze %dma_wait3A_639 : memref<1x80xi32, #tpu.memory_space<vmem>> -> memref<80xi32, #tpu.memory_space<vmem>>
      %dma_wait3A_641 = arith.constant 0 : i32
      %dma_wait3A_642 = arith.constant 0 : i32
      %dma_wait3A_643 = tpu.memref_slice %arg2[%dma_wait3A_641, %dma_wait3A_642] : memref<100000x16xf32, #tpu.memory_space<hbm>> -> memref<100000x16xf32, #tpu.memory_space<hbm>>
      tpu.wait_indirect_dma semaphore(%arg16 : memref<!tpu.dma_semaphore, #tpu.memory_space<semaphore_mem>>) src(%dma_wait3A_643 : memref<100000x16xf32, #tpu.memory_space<hbm>>) dst(%dma_wait3A_637 : memref<80x16xf32, #tpu.memory_space<vmem>>)
      %dma_wait3A_644 = arith.constant 11 : i32
      %dma_wait3A_645 = arith.constant 880 : i32
      %dma_wait3A_646 = arith.constant 0 : i32
      %dma_wait3A_647 = tpu.memref_slice %arg12[%dma_wait3A_645, %dma_wait3A_646] : memref<2000x16xf32, #tpu.memory_space<vmem>> -> memref<80x16xf32, #tpu.memory_space<vmem>>
      %dma_wait3A_648 = arith.constant 0 : i32
      %dma_wait3A_649 = tpu.memref_slice %arg9[%dma_wait3A_644, %dma_wait3A_648] : memref<25x80xi32, #tpu.memory_space<vmem>> -> memref<1x80xi32, #tpu.memory_space<vmem>>
      %dma_wait3A_650 = tpu.memref_squeeze %dma_wait3A_649 : memref<1x80xi32, #tpu.memory_space<vmem>> -> memref<80xi32, #tpu.memory_space<vmem>>
      %dma_wait3A_651 = arith.constant 0 : i32
      %dma_wait3A_652 = arith.constant 0 : i32
      %dma_wait3A_653 = tpu.memref_slice %arg2[%dma_wait3A_651, %dma_wait3A_652] : memref<100000x16xf32, #tpu.memory_space<hbm>> -> memref<100000x16xf32, #tpu.memory_space<hbm>>
      tpu.wait_indirect_dma semaphore(%arg16 : memref<!tpu.dma_semaphore, #tpu.memory_space<semaphore_mem>>) src(%dma_wait3A_653 : memref<100000x16xf32, #tpu.memory_space<hbm>>) dst(%dma_wait3A_647 : memref<80x16xf32, #tpu.memory_space<vmem>>)
      %dma_wait3A_654 = arith.constant 12 : i32
      %dma_wait3A_655 = arith.constant 960 : i32
      %dma_wait3A_656 = arith.constant 0 : i32
      %dma_wait3A_657 = tpu.memref_slice %arg12[%dma_wait3A_655, %dma_wait3A_656] : memref<2000x16xf32, #tpu.memory_space<vmem>> -> memref<80x16xf32, #tpu.memory_space<vmem>>
      %dma_wait3A_658 = arith.constant 0 : i32
      %dma_wait3A_659 = tpu.memref_slice %arg9[%dma_wait3A_654, %dma_wait3A_658] : memref<25x80xi32, #tpu.memory_space<vmem>> -> memref<1x80xi32, #tpu.memory_space<vmem>>
      %dma_wait3A_660 = tpu.memref_squeeze %dma_wait3A_659 : memref<1x80xi32, #tpu.memory_space<vmem>> -> memref<80xi32, #tpu.memory_space<vmem>>
      %dma_wait3A_661 = arith.constant 0 : i32
      %dma_wait3A_662 = arith.constant 0 : i32
      %dma_wait3A_663 = tpu.memref_slice %arg2[%dma_wait3A_661, %dma_wait3A_662] : memref<100000x16xf32, #tpu.memory_space<hbm>> -> memref<100000x16xf32, #tpu.memory_space<hbm>>
      tpu.wait_indirect_dma semaphore(%arg16 : memref<!tpu.dma_semaphore, #tpu.memory_space<semaphore_mem>>) src(%dma_wait3A_663 : memref<100000x16xf32, #tpu.memory_space<hbm>>) dst(%dma_wait3A_657 : memref<80x16xf32, #tpu.memory_space<vmem>>)
      %dma_wait3A_664 = arith.constant 13 : i32
      %dma_wait3A_665 = arith.constant 1040 : i32
      %dma_wait3A_666 = arith.constant 0 : i32
      %dma_wait3A_667 = tpu.memref_slice %arg12[%dma_wait3A_665, %dma_wait3A_666] : memref<2000x16xf32, #tpu.memory_space<vmem>> -> memref<80x16xf32, #tpu.memory_space<vmem>>
      %dma_wait3A_668 = arith.constant 0 : i32
      %dma_wait3A_669 = tpu.memref_slice %arg9[%dma_wait3A_664, %dma_wait3A_668] : memref<25x80xi32, #tpu.memory_space<vmem>> -> memref<1x80xi32, #tpu.memory_space<vmem>>
      %dma_wait3A_670 = tpu.memref_squeeze %dma_wait3A_669 : memref<1x80xi32, #tpu.memory_space<vmem>> -> memref<80xi32, #tpu.memory_space<vmem>>
      %dma_wait3A_671 = arith.constant 0 : i32
      %dma_wait3A_672 = arith.constant 0 : i32
      %dma_wait3A_673 = tpu.memref_slice %arg2[%dma_wait3A_671, %dma_wait3A_672] : memref<100000x16xf32, #tpu.memory_space<hbm>> -> memref<100000x16xf32, #tpu.memory_space<hbm>>
      tpu.wait_indirect_dma semaphore(%arg16 : memref<!tpu.dma_semaphore, #tpu.memory_space<semaphore_mem>>) src(%dma_wait3A_673 : memref<100000x16xf32, #tpu.memory_space<hbm>>) dst(%dma_wait3A_667 : memref<80x16xf32, #tpu.memory_space<vmem>>)
      %dma_wait3A_674 = arith.constant 14 : i32
      %dma_wait3A_675 = arith.constant 1120 : i32
      %dma_wait3A_676 = arith.constant 0 : i32
      %dma_wait3A_677 = tpu.memref_slice %arg12[%dma_wait3A_675, %dma_wait3A_676] : memref<2000x16xf32, #tpu.memory_space<vmem>> -> memref<80x16xf32, #tpu.memory_space<vmem>>
      %dma_wait3A_678 = arith.constant 0 : i32
      %dma_wait3A_679 = tpu.memref_slice %arg9[%dma_wait3A_674, %dma_wait3A_678] : memref<25x80xi32, #tpu.memory_space<vmem>> -> memref<1x80xi32, #tpu.memory_space<vmem>>
      %dma_wait3A_680 = tpu.memref_squeeze %dma_wait3A_679 : memref<1x80xi32, #tpu.memory_space<vmem>> -> memref<80xi32, #tpu.memory_space<vmem>>
      %dma_wait3A_681 = arith.constant 0 : i32
      %dma_wait3A_682 = arith.constant 0 : i32
      %dma_wait3A_683 = tpu.memref_slice %arg2[%dma_wait3A_681, %dma_wait3A_682] : memref<100000x16xf32, #tpu.memory_space<hbm>> -> memref<100000x16xf32, #tpu.memory_space<hbm>>
      tpu.wait_indirect_dma semaphore(%arg16 : memref<!tpu.dma_semaphore, #tpu.memory_space<semaphore_mem>>) src(%dma_wait3A_683 : memref<100000x16xf32, #tpu.memory_space<hbm>>) dst(%dma_wait3A_677 : memref<80x16xf32, #tpu.memory_space<vmem>>)
      %dma_wait3A_684 = arith.constant 15 : i32
      %dma_wait3A_685 = arith.constant 1200 : i32
      %dma_wait3A_686 = arith.constant 0 : i32
      %dma_wait3A_687 = tpu.memref_slice %arg12[%dma_wait3A_685, %dma_wait3A_686] : memref<2000x16xf32, #tpu.memory_space<vmem>> -> memref<80x16xf32, #tpu.memory_space<vmem>>
      %dma_wait3A_688 = arith.constant 0 : i32
      %dma_wait3A_689 = tpu.memref_slice %arg9[%dma_wait3A_684, %dma_wait3A_688] : memref<25x80xi32, #tpu.memory_space<vmem>> -> memref<1x80xi32, #tpu.memory_space<vmem>>
      %dma_wait3A_690 = tpu.memref_squeeze %dma_wait3A_689 : memref<1x80xi32, #tpu.memory_space<vmem>> -> memref<80xi32, #tpu.memory_space<vmem>>
      %dma_wait3A_691 = arith.constant 0 : i32
      %dma_wait3A_692 = arith.constant 0 : i32
      %dma_wait3A_693 = tpu.memref_slice %arg2[%dma_wait3A_691, %dma_wait3A_692] : memref<100000x16xf32, #tpu.memory_space<hbm>> -> memref<100000x16xf32, #tpu.memory_space<hbm>>
      tpu.wait_indirect_dma semaphore(%arg16 : memref<!tpu.dma_semaphore, #tpu.memory_space<semaphore_mem>>) src(%dma_wait3A_693 : memref<100000x16xf32, #tpu.memory_space<hbm>>) dst(%dma_wait3A_687 : memref<80x16xf32, #tpu.memory_space<vmem>>)
      %dma_wait3A_694 = arith.constant 16 : i32
      %dma_wait3A_695 = arith.constant 1280 : i32
      %dma_wait3A_696 = arith.constant 0 : i32
      %dma_wait3A_697 = tpu.memref_slice %arg12[%dma_wait3A_695, %dma_wait3A_696] : memref<2000x16xf32, #tpu.memory_space<vmem>> -> memref<80x16xf32, #tpu.memory_space<vmem>>
      %dma_wait3A_698 = arith.constant 0 : i32
      %dma_wait3A_699 = tpu.memref_slice %arg9[%dma_wait3A_694, %dma_wait3A_698] : memref<25x80xi32, #tpu.memory_space<vmem>> -> memref<1x80xi32, #tpu.memory_space<vmem>>
      %dma_wait3A_700 = tpu.memref_squeeze %dma_wait3A_699 : memref<1x80xi32, #tpu.memory_space<vmem>> -> memref<80xi32, #tpu.memory_space<vmem>>
      %dma_wait3A_701 = arith.constant 0 : i32
      %dma_wait3A_702 = arith.constant 0 : i32
      %dma_wait3A_703 = tpu.memref_slice %arg2[%dma_wait3A_701, %dma_wait3A_702] : memref<100000x16xf32, #tpu.memory_space<hbm>> -> memref<100000x16xf32, #tpu.memory_space<hbm>>
      tpu.wait_indirect_dma semaphore(%arg16 : memref<!tpu.dma_semaphore, #tpu.memory_space<semaphore_mem>>) src(%dma_wait3A_703 : memref<100000x16xf32, #tpu.memory_space<hbm>>) dst(%dma_wait3A_697 : memref<80x16xf32, #tpu.memory_space<vmem>>)
      %dma_wait3A_704 = arith.constant 17 : i32
      %dma_wait3A_705 = arith.constant 1360 : i32
      %dma_wait3A_706 = arith.constant 0 : i32
      %dma_wait3A_707 = tpu.memref_slice %arg12[%dma_wait3A_705, %dma_wait3A_706] : memref<2000x16xf32, #tpu.memory_space<vmem>> -> memref<80x16xf32, #tpu.memory_space<vmem>>
      %dma_wait3A_708 = arith.constant 0 : i32
      %dma_wait3A_709 = tpu.memref_slice %arg9[%dma_wait3A_704, %dma_wait3A_708] : memref<25x80xi32, #tpu.memory_space<vmem>> -> memref<1x80xi32, #tpu.memory_space<vmem>>
      %dma_wait3A_710 = tpu.memref_squeeze %dma_wait3A_709 : memref<1x80xi32, #tpu.memory_space<vmem>> -> memref<80xi32, #tpu.memory_space<vmem>>
      %dma_wait3A_711 = arith.constant 0 : i32
      %dma_wait3A_712 = arith.constant 0 : i32
      %dma_wait3A_713 = tpu.memref_slice %arg2[%dma_wait3A_711, %dma_wait3A_712] : memref<100000x16xf32, #tpu.memory_space<hbm>> -> memref<100000x16xf32, #tpu.memory_space<hbm>>
      tpu.wait_indirect_dma semaphore(%arg16 : memref<!tpu.dma_semaphore, #tpu.memory_space<semaphore_mem>>) src(%dma_wait3A_713 : memref<100000x16xf32, #tpu.memory_space<hbm>>) dst(%dma_wait3A_707 : memref<80x16xf32, #tpu.memory_space<vmem>>)
      %dma_wait3A_714 = arith.constant 18 : i32
      %dma_wait3A_715 = arith.constant 1440 : i32
      %dma_wait3A_716 = arith.constant 0 : i32
      %dma_wait3A_717 = tpu.memref_slice %arg12[%dma_wait3A_715, %dma_wait3A_716] : memref<2000x16xf32, #tpu.memory_space<vmem>> -> memref<80x16xf32, #tpu.memory_space<vmem>>
      %dma_wait3A_718 = arith.constant 0 : i32
      %dma_wait3A_719 = tpu.memref_slice %arg9[%dma_wait3A_714, %dma_wait3A_718] : memref<25x80xi32, #tpu.memory_space<vmem>> -> memref<1x80xi32, #tpu.memory_space<vmem>>
      %dma_wait3A_720 = tpu.memref_squeeze %dma_wait3A_719 : memref<1x80xi32, #tpu.memory_space<vmem>> -> memref<80xi32, #tpu.memory_space<vmem>>
      %dma_wait3A_721 = arith.constant 0 : i32
      %dma_wait3A_722 = arith.constant 0 : i32
      %dma_wait3A_723 = tpu.memref_slice %arg2[%dma_wait3A_721, %dma_wait3A_722] : memref<100000x16xf32, #tpu.memory_space<hbm>> -> memref<100000x16xf32, #tpu.memory_space<hbm>>
      tpu.wait_indirect_dma semaphore(%arg16 : memref<!tpu.dma_semaphore, #tpu.memory_space<semaphore_mem>>) src(%dma_wait3A_723 : memref<100000x16xf32, #tpu.memory_space<hbm>>) dst(%dma_wait3A_717 : memref<80x16xf32, #tpu.memory_space<vmem>>)
      %dma_wait3A_724 = arith.constant 19 : i32
      %dma_wait3A_725 = arith.constant 1520 : i32
      %dma_wait3A_726 = arith.constant 0 : i32
      %dma_wait3A_727 = tpu.memref_slice %arg12[%dma_wait3A_725, %dma_wait3A_726] : memref<2000x16xf32, #tpu.memory_space<vmem>> -> memref<80x16xf32, #tpu.memory_space<vmem>>
      %dma_wait3A_728 = arith.constant 0 : i32
      %dma_wait3A_729 = tpu.memref_slice %arg9[%dma_wait3A_724, %dma_wait3A_728] : memref<25x80xi32, #tpu.memory_space<vmem>> -> memref<1x80xi32, #tpu.memory_space<vmem>>
      %dma_wait3A_730 = tpu.memref_squeeze %dma_wait3A_729 : memref<1x80xi32, #tpu.memory_space<vmem>> -> memref<80xi32, #tpu.memory_space<vmem>>
      %dma_wait3A_731 = arith.constant 0 : i32
      %dma_wait3A_732 = arith.constant 0 : i32
      %dma_wait3A_733 = tpu.memref_slice %arg2[%dma_wait3A_731, %dma_wait3A_732] : memref<100000x16xf32, #tpu.memory_space<hbm>> -> memref<100000x16xf32, #tpu.memory_space<hbm>>
      tpu.wait_indirect_dma semaphore(%arg16 : memref<!tpu.dma_semaphore, #tpu.memory_space<semaphore_mem>>) src(%dma_wait3A_733 : memref<100000x16xf32, #tpu.memory_space<hbm>>) dst(%dma_wait3A_727 : memref<80x16xf32, #tpu.memory_space<vmem>>)
      %dma_wait3A_734 = arith.constant 20 : i32
      %dma_wait3A_735 = arith.constant 1600 : i32
      %dma_wait3A_736 = arith.constant 0 : i32
      %dma_wait3A_737 = tpu.memref_slice %arg12[%dma_wait3A_735, %dma_wait3A_736] : memref<2000x16xf32, #tpu.memory_space<vmem>> -> memref<80x16xf32, #tpu.memory_space<vmem>>
      %dma_wait3A_738 = arith.constant 0 : i32
      %dma_wait3A_739 = tpu.memref_slice %arg9[%dma_wait3A_734, %dma_wait3A_738] : memref<25x80xi32, #tpu.memory_space<vmem>> -> memref<1x80xi32, #tpu.memory_space<vmem>>
      %dma_wait3A_740 = tpu.memref_squeeze %dma_wait3A_739 : memref<1x80xi32, #tpu.memory_space<vmem>> -> memref<80xi32, #tpu.memory_space<vmem>>
      %dma_wait3A_741 = arith.constant 0 : i32
      %dma_wait3A_742 = arith.constant 0 : i32
      %dma_wait3A_743 = tpu.memref_slice %arg2[%dma_wait3A_741, %dma_wait3A_742] : memref<100000x16xf32, #tpu.memory_space<hbm>> -> memref<100000x16xf32, #tpu.memory_space<hbm>>
      tpu.wait_indirect_dma semaphore(%arg16 : memref<!tpu.dma_semaphore, #tpu.memory_space<semaphore_mem>>) src(%dma_wait3A_743 : memref<100000x16xf32, #tpu.memory_space<hbm>>) dst(%dma_wait3A_737 : memref<80x16xf32, #tpu.memory_space<vmem>>)
      %dma_wait3A_744 = arith.constant 21 : i32
      %dma_wait3A_745 = arith.constant 1680 : i32
      %dma_wait3A_746 = arith.constant 0 : i32
      %dma_wait3A_747 = tpu.memref_slice %arg12[%dma_wait3A_745, %dma_wait3A_746] : memref<2000x16xf32, #tpu.memory_space<vmem>> -> memref<80x16xf32, #tpu.memory_space<vmem>>
      %dma_wait3A_748 = arith.constant 0 : i32
      %dma_wait3A_749 = tpu.memref_slice %arg9[%dma_wait3A_744, %dma_wait3A_748] : memref<25x80xi32, #tpu.memory_space<vmem>> -> memref<1x80xi32, #tpu.memory_space<vmem>>
      %dma_wait3A_750 = tpu.memref_squeeze %dma_wait3A_749 : memref<1x80xi32, #tpu.memory_space<vmem>> -> memref<80xi32, #tpu.memory_space<vmem>>
      %dma_wait3A_751 = arith.constant 0 : i32
      %dma_wait3A_752 = arith.constant 0 : i32
      %dma_wait3A_753 = tpu.memref_slice %arg2[%dma_wait3A_751, %dma_wait3A_752] : memref<100000x16xf32, #tpu.memory_space<hbm>> -> memref<100000x16xf32, #tpu.memory_space<hbm>>
      tpu.wait_indirect_dma semaphore(%arg16 : memref<!tpu.dma_semaphore, #tpu.memory_space<semaphore_mem>>) src(%dma_wait3A_753 : memref<100000x16xf32, #tpu.memory_space<hbm>>) dst(%dma_wait3A_747 : memref<80x16xf32, #tpu.memory_space<vmem>>)
      %dma_wait3A_754 = arith.constant 22 : i32
      %dma_wait3A_755 = arith.constant 1760 : i32
      %dma_wait3A_756 = arith.constant 0 : i32
      %dma_wait3A_757 = tpu.memref_slice %arg12[%dma_wait3A_755, %dma_wait3A_756] : memref<2000x16xf32, #tpu.memory_space<vmem>> -> memref<80x16xf32, #tpu.memory_space<vmem>>
      %dma_wait3A_758 = arith.constant 0 : i32
      %dma_wait3A_759 = tpu.memref_slice %arg9[%dma_wait3A_754, %dma_wait3A_758] : memref<25x80xi32, #tpu.memory_space<vmem>> -> memref<1x80xi32, #tpu.memory_space<vmem>>
      %dma_wait3A_760 = tpu.memref_squeeze %dma_wait3A_759 : memref<1x80xi32, #tpu.memory_space<vmem>> -> memref<80xi32, #tpu.memory_space<vmem>>
      %dma_wait3A_761 = arith.constant 0 : i32
      %dma_wait3A_762 = arith.constant 0 : i32
      %dma_wait3A_763 = tpu.memref_slice %arg2[%dma_wait3A_761, %dma_wait3A_762] : memref<100000x16xf32, #tpu.memory_space<hbm>> -> memref<100000x16xf32, #tpu.memory_space<hbm>>
      tpu.wait_indirect_dma semaphore(%arg16 : memref<!tpu.dma_semaphore, #tpu.memory_space<semaphore_mem>>) src(%dma_wait3A_763 : memref<100000x16xf32, #tpu.memory_space<hbm>>) dst(%dma_wait3A_757 : memref<80x16xf32, #tpu.memory_space<vmem>>)
      %dma_wait3A_764 = arith.constant 23 : i32
      %dma_wait3A_765 = arith.constant 1840 : i32
      %dma_wait3A_766 = arith.constant 0 : i32
      %dma_wait3A_767 = tpu.memref_slice %arg12[%dma_wait3A_765, %dma_wait3A_766] : memref<2000x16xf32, #tpu.memory_space<vmem>> -> memref<80x16xf32, #tpu.memory_space<vmem>>
      %dma_wait3A_768 = arith.constant 0 : i32
      %dma_wait3A_769 = tpu.memref_slice %arg9[%dma_wait3A_764, %dma_wait3A_768] : memref<25x80xi32, #tpu.memory_space<vmem>> -> memref<1x80xi32, #tpu.memory_space<vmem>>
      %dma_wait3A_770 = tpu.memref_squeeze %dma_wait3A_769 : memref<1x80xi32, #tpu.memory_space<vmem>> -> memref<80xi32, #tpu.memory_space<vmem>>
      %dma_wait3A_771 = arith.constant 0 : i32
      %dma_wait3A_772 = arith.constant 0 : i32
      %dma_wait3A_773 = tpu.memref_slice %arg2[%dma_wait3A_771, %dma_wait3A_772] : memref<100000x16xf32, #tpu.memory_space<hbm>> -> memref<100000x16xf32, #tpu.memory_space<hbm>>
      tpu.wait_indirect_dma semaphore(%arg16 : memref<!tpu.dma_semaphore, #tpu.memory_space<semaphore_mem>>) src(%dma_wait3A_773 : memref<100000x16xf32, #tpu.memory_space<hbm>>) dst(%dma_wait3A_767 : memref<80x16xf32, #tpu.memory_space<vmem>>)
      %dma_wait3A_774 = arith.constant 24 : i32
      %dma_wait3A_775 = arith.constant 1920 : i32
      %dma_wait3A_776 = arith.constant 0 : i32
      %dma_wait3A_777 = tpu.memref_slice %arg12[%dma_wait3A_775, %dma_wait3A_776] : memref<2000x16xf32, #tpu.memory_space<vmem>> -> memref<80x16xf32, #tpu.memory_space<vmem>>
      %dma_wait3A_778 = arith.constant 0 : i32
      %dma_wait3A_779 = tpu.memref_slice %arg9[%dma_wait3A_774, %dma_wait3A_778] : memref<25x80xi32, #tpu.memory_space<vmem>> -> memref<1x80xi32, #tpu.memory_space<vmem>>
      %dma_wait3A_780 = tpu.memref_squeeze %dma_wait3A_779 : memref<1x80xi32, #tpu.memory_space<vmem>> -> memref<80xi32, #tpu.memory_space<vmem>>
      %dma_wait3A_781 = arith.constant 0 : i32
      %dma_wait3A_782 = arith.constant 0 : i32
      %dma_wait3A_783 = tpu.memref_slice %arg2[%dma_wait3A_781, %dma_wait3A_782] : memref<100000x16xf32, #tpu.memory_space<hbm>> -> memref<100000x16xf32, #tpu.memory_space<hbm>>
      tpu.wait_indirect_dma semaphore(%arg16 : memref<!tpu.dma_semaphore, #tpu.memory_space<semaphore_mem>>) src(%dma_wait3A_783 : memref<100000x16xf32, #tpu.memory_space<hbm>>) dst(%dma_wait3A_777 : memref<80x16xf32, #tpu.memory_space<vmem>>)
      %dma_wait3A_784 = arith.constant 0 : i32
      %dma_wait3A_785 = arith.constant 0 : i32
      %dma_wait3A_786 = arith.constant 0 : i32
      %dma_wait3A_787 = tpu.memref_slice %arg13[%dma_wait3A_785, %dma_wait3A_786] : memref<2000x16xf32, #tpu.memory_space<vmem>> -> memref<80x16xf32, #tpu.memory_space<vmem>>
      %dma_wait3A_788 = arith.constant 0 : i32
      %dma_wait3A_789 = tpu.memref_slice %arg10[%dma_wait3A_784, %dma_wait3A_788] : memref<25x80xi32, #tpu.memory_space<vmem>> -> memref<1x80xi32, #tpu.memory_space<vmem>>
      %dma_wait3A_790 = tpu.memref_squeeze %dma_wait3A_789 : memref<1x80xi32, #tpu.memory_space<vmem>> -> memref<80xi32, #tpu.memory_space<vmem>>
      %dma_wait3A_791 = arith.constant 0 : i32
      %dma_wait3A_792 = arith.constant 0 : i32
      %dma_wait3A_793 = tpu.memref_slice %arg2[%dma_wait3A_791, %dma_wait3A_792] : memref<100000x16xf32, #tpu.memory_space<hbm>> -> memref<100000x16xf32, #tpu.memory_space<hbm>>
      tpu.wait_indirect_dma semaphore(%arg16 : memref<!tpu.dma_semaphore, #tpu.memory_space<semaphore_mem>>) src(%dma_wait3A_793 : memref<100000x16xf32, #tpu.memory_space<hbm>>) dst(%dma_wait3A_787 : memref<80x16xf32, #tpu.memory_space<vmem>>)
      %dma_wait3A_794 = arith.constant 1 : i32
      %dma_wait3A_795 = arith.constant 80 : i32
      %dma_wait3A_796 = arith.constant 0 : i32
      %dma_wait3A_797 = tpu.memref_slice %arg13[%dma_wait3A_795, %dma_wait3A_796] : memref<2000x16xf32, #tpu.memory_space<vmem>> -> memref<80x16xf32, #tpu.memory_space<vmem>>
      %dma_wait3A_798 = arith.constant 0 : i32
      %dma_wait3A_799 = tpu.memref_slice %arg10[%dma_wait3A_794, %dma_wait3A_798] : memref<25x80xi32, #tpu.memory_space<vmem>> -> memref<1x80xi32, #tpu.memory_space<vmem>>
      %dma_wait3A_800 = tpu.memref_squeeze %dma_wait3A_799 : memref<1x80xi32, #tpu.memory_space<vmem>> -> memref<80xi32, #tpu.memory_space<vmem>>
      %dma_wait3A_801 = arith.constant 0 : i32
      %dma_wait3A_802 = arith.constant 0 : i32
      %dma_wait3A_803 = tpu.memref_slice %arg2[%dma_wait3A_801, %dma_wait3A_802] : memref<100000x16xf32, #tpu.memory_space<hbm>> -> memref<100000x16xf32, #tpu.memory_space<hbm>>
      tpu.wait_indirect_dma semaphore(%arg16 : memref<!tpu.dma_semaphore, #tpu.memory_space<semaphore_mem>>) src(%dma_wait3A_803 : memref<100000x16xf32, #tpu.memory_space<hbm>>) dst(%dma_wait3A_797 : memref<80x16xf32, #tpu.memory_space<vmem>>)
      %dma_wait3A_804 = arith.constant 2 : i32
      %dma_wait3A_805 = arith.constant 160 : i32
      %dma_wait3A_806 = arith.constant 0 : i32
      %dma_wait3A_807 = tpu.memref_slice %arg13[%dma_wait3A_805, %dma_wait3A_806] : memref<2000x16xf32, #tpu.memory_space<vmem>> -> memref<80x16xf32, #tpu.memory_space<vmem>>
      %dma_wait3A_808 = arith.constant 0 : i32
      %dma_wait3A_809 = tpu.memref_slice %arg10[%dma_wait3A_804, %dma_wait3A_808] : memref<25x80xi32, #tpu.memory_space<vmem>> -> memref<1x80xi32, #tpu.memory_space<vmem>>
      %dma_wait3A_810 = tpu.memref_squeeze %dma_wait3A_809 : memref<1x80xi32, #tpu.memory_space<vmem>> -> memref<80xi32, #tpu.memory_space<vmem>>
      %dma_wait3A_811 = arith.constant 0 : i32
      %dma_wait3A_812 = arith.constant 0 : i32
      %dma_wait3A_813 = tpu.memref_slice %arg2[%dma_wait3A_811, %dma_wait3A_812] : memref<100000x16xf32, #tpu.memory_space<hbm>> -> memref<100000x16xf32, #tpu.memory_space<hbm>>
      tpu.wait_indirect_dma semaphore(%arg16 : memref<!tpu.dma_semaphore, #tpu.memory_space<semaphore_mem>>) src(%dma_wait3A_813 : memref<100000x16xf32, #tpu.memory_space<hbm>>) dst(%dma_wait3A_807 : memref<80x16xf32, #tpu.memory_space<vmem>>)
      %dma_wait3A_814 = arith.constant 3 : i32
      %dma_wait3A_815 = arith.constant 240 : i32
      %dma_wait3A_816 = arith.constant 0 : i32
      %dma_wait3A_817 = tpu.memref_slice %arg13[%dma_wait3A_815, %dma_wait3A_816] : memref<2000x16xf32, #tpu.memory_space<vmem>> -> memref<80x16xf32, #tpu.memory_space<vmem>>
      %dma_wait3A_818 = arith.constant 0 : i32
      %dma_wait3A_819 = tpu.memref_slice %arg10[%dma_wait3A_814, %dma_wait3A_818] : memref<25x80xi32, #tpu.memory_space<vmem>> -> memref<1x80xi32, #tpu.memory_space<vmem>>
      %dma_wait3A_820 = tpu.memref_squeeze %dma_wait3A_819 : memref<1x80xi32, #tpu.memory_space<vmem>> -> memref<80xi32, #tpu.memory_space<vmem>>
      %dma_wait3A_821 = arith.constant 0 : i32
      %dma_wait3A_822 = arith.constant 0 : i32
      %dma_wait3A_823 = tpu.memref_slice %arg2[%dma_wait3A_821, %dma_wait3A_822] : memref<100000x16xf32, #tpu.memory_space<hbm>> -> memref<100000x16xf32, #tpu.memory_space<hbm>>
      tpu.wait_indirect_dma semaphore(%arg16 : memref<!tpu.dma_semaphore, #tpu.memory_space<semaphore_mem>>) src(%dma_wait3A_823 : memref<100000x16xf32, #tpu.memory_space<hbm>>) dst(%dma_wait3A_817 : memref<80x16xf32, #tpu.memory_space<vmem>>)
      %dma_wait3A_824 = arith.constant 4 : i32
      %dma_wait3A_825 = arith.constant 320 : i32
      %dma_wait3A_826 = arith.constant 0 : i32
      %dma_wait3A_827 = tpu.memref_slice %arg13[%dma_wait3A_825, %dma_wait3A_826] : memref<2000x16xf32, #tpu.memory_space<vmem>> -> memref<80x16xf32, #tpu.memory_space<vmem>>
      %dma_wait3A_828 = arith.constant 0 : i32
      %dma_wait3A_829 = tpu.memref_slice %arg10[%dma_wait3A_824, %dma_wait3A_828] : memref<25x80xi32, #tpu.memory_space<vmem>> -> memref<1x80xi32, #tpu.memory_space<vmem>>
      %dma_wait3A_830 = tpu.memref_squeeze %dma_wait3A_829 : memref<1x80xi32, #tpu.memory_space<vmem>> -> memref<80xi32, #tpu.memory_space<vmem>>
      %dma_wait3A_831 = arith.constant 0 : i32
      %dma_wait3A_832 = arith.constant 0 : i32
      %dma_wait3A_833 = tpu.memref_slice %arg2[%dma_wait3A_831, %dma_wait3A_832] : memref<100000x16xf32, #tpu.memory_space<hbm>> -> memref<100000x16xf32, #tpu.memory_space<hbm>>
      tpu.wait_indirect_dma semaphore(%arg16 : memref<!tpu.dma_semaphore, #tpu.memory_space<semaphore_mem>>) src(%dma_wait3A_833 : memref<100000x16xf32, #tpu.memory_space<hbm>>) dst(%dma_wait3A_827 : memref<80x16xf32, #tpu.memory_space<vmem>>)
      %dma_wait3A_834 = arith.constant 5 : i32
      %dma_wait3A_835 = arith.constant 400 : i32
      %dma_wait3A_836 = arith.constant 0 : i32
      %dma_wait3A_837 = tpu.memref_slice %arg13[%dma_wait3A_835, %dma_wait3A_836] : memref<2000x16xf32, #tpu.memory_space<vmem>> -> memref<80x16xf32, #tpu.memory_space<vmem>>
      %dma_wait3A_838 = arith.constant 0 : i32
      %dma_wait3A_839 = tpu.memref_slice %arg10[%dma_wait3A_834, %dma_wait3A_838] : memref<25x80xi32, #tpu.memory_space<vmem>> -> memref<1x80xi32, #tpu.memory_space<vmem>>
      %dma_wait3A_840 = tpu.memref_squeeze %dma_wait3A_839 : memref<1x80xi32, #tpu.memory_space<vmem>> -> memref<80xi32, #tpu.memory_space<vmem>>
      %dma_wait3A_841 = arith.constant 0 : i32
      %dma_wait3A_842 = arith.constant 0 : i32
      %dma_wait3A_843 = tpu.memref_slice %arg2[%dma_wait3A_841, %dma_wait3A_842] : memref<100000x16xf32, #tpu.memory_space<hbm>> -> memref<100000x16xf32, #tpu.memory_space<hbm>>
      tpu.wait_indirect_dma semaphore(%arg16 : memref<!tpu.dma_semaphore, #tpu.memory_space<semaphore_mem>>) src(%dma_wait3A_843 : memref<100000x16xf32, #tpu.memory_space<hbm>>) dst(%dma_wait3A_837 : memref<80x16xf32, #tpu.memory_space<vmem>>)
      %dma_wait3A_844 = arith.constant 6 : i32
      %dma_wait3A_845 = arith.constant 480 : i32
      %dma_wait3A_846 = arith.constant 0 : i32
      %dma_wait3A_847 = tpu.memref_slice %arg13[%dma_wait3A_845, %dma_wait3A_846] : memref<2000x16xf32, #tpu.memory_space<vmem>> -> memref<80x16xf32, #tpu.memory_space<vmem>>
      %dma_wait3A_848 = arith.constant 0 : i32
      %dma_wait3A_849 = tpu.memref_slice %arg10[%dma_wait3A_844, %dma_wait3A_848] : memref<25x80xi32, #tpu.memory_space<vmem>> -> memref<1x80xi32, #tpu.memory_space<vmem>>
      %dma_wait3A_850 = tpu.memref_squeeze %dma_wait3A_849 : memref<1x80xi32, #tpu.memory_space<vmem>> -> memref<80xi32, #tpu.memory_space<vmem>>
      %dma_wait3A_851 = arith.constant 0 : i32
      %dma_wait3A_852 = arith.constant 0 : i32
      %dma_wait3A_853 = tpu.memref_slice %arg2[%dma_wait3A_851, %dma_wait3A_852] : memref<100000x16xf32, #tpu.memory_space<hbm>> -> memref<100000x16xf32, #tpu.memory_space<hbm>>
      tpu.wait_indirect_dma semaphore(%arg16 : memref<!tpu.dma_semaphore, #tpu.memory_space<semaphore_mem>>) src(%dma_wait3A_853 : memref<100000x16xf32, #tpu.memory_space<hbm>>) dst(%dma_wait3A_847 : memref<80x16xf32, #tpu.memory_space<vmem>>)
      %dma_wait3A_854 = arith.constant 7 : i32
      %dma_wait3A_855 = arith.constant 560 : i32
      %dma_wait3A_856 = arith.constant 0 : i32
      %dma_wait3A_857 = tpu.memref_slice %arg13[%dma_wait3A_855, %dma_wait3A_856] : memref<2000x16xf32, #tpu.memory_space<vmem>> -> memref<80x16xf32, #tpu.memory_space<vmem>>
      %dma_wait3A_858 = arith.constant 0 : i32
      %dma_wait3A_859 = tpu.memref_slice %arg10[%dma_wait3A_854, %dma_wait3A_858] : memref<25x80xi32, #tpu.memory_space<vmem>> -> memref<1x80xi32, #tpu.memory_space<vmem>>
      %dma_wait3A_860 = tpu.memref_squeeze %dma_wait3A_859 : memref<1x80xi32, #tpu.memory_space<vmem>> -> memref<80xi32, #tpu.memory_space<vmem>>
      %dma_wait3A_861 = arith.constant 0 : i32
      %dma_wait3A_862 = arith.constant 0 : i32
      %dma_wait3A_863 = tpu.memref_slice %arg2[%dma_wait3A_861, %dma_wait3A_862] : memref<100000x16xf32, #tpu.memory_space<hbm>> -> memref<100000x16xf32, #tpu.memory_space<hbm>>
      tpu.wait_indirect_dma semaphore(%arg16 : memref<!tpu.dma_semaphore, #tpu.memory_space<semaphore_mem>>) src(%dma_wait3A_863 : memref<100000x16xf32, #tpu.memory_space<hbm>>) dst(%dma_wait3A_857 : memref<80x16xf32, #tpu.memory_space<vmem>>)
      %dma_wait3A_864 = arith.constant 8 : i32
      %dma_wait3A_865 = arith.constant 640 : i32
      %dma_wait3A_866 = arith.constant 0 : i32
      %dma_wait3A_867 = tpu.memref_slice %arg13[%dma_wait3A_865, %dma_wait3A_866] : memref<2000x16xf32, #tpu.memory_space<vmem>> -> memref<80x16xf32, #tpu.memory_space<vmem>>
      %dma_wait3A_868 = arith.constant 0 : i32
      %dma_wait3A_869 = tpu.memref_slice %arg10[%dma_wait3A_864, %dma_wait3A_868] : memref<25x80xi32, #tpu.memory_space<vmem>> -> memref<1x80xi32, #tpu.memory_space<vmem>>
      %dma_wait3A_870 = tpu.memref_squeeze %dma_wait3A_869 : memref<1x80xi32, #tpu.memory_space<vmem>> -> memref<80xi32, #tpu.memory_space<vmem>>
      %dma_wait3A_871 = arith.constant 0 : i32
      %dma_wait3A_872 = arith.constant 0 : i32
      %dma_wait3A_873 = tpu.memref_slice %arg2[%dma_wait3A_871, %dma_wait3A_872] : memref<100000x16xf32, #tpu.memory_space<hbm>> -> memref<100000x16xf32, #tpu.memory_space<hbm>>
      tpu.wait_indirect_dma semaphore(%arg16 : memref<!tpu.dma_semaphore, #tpu.memory_space<semaphore_mem>>) src(%dma_wait3A_873 : memref<100000x16xf32, #tpu.memory_space<hbm>>) dst(%dma_wait3A_867 : memref<80x16xf32, #tpu.memory_space<vmem>>)
      %dma_wait3A_874 = arith.constant 9 : i32
      %dma_wait3A_875 = arith.constant 720 : i32
      %dma_wait3A_876 = arith.constant 0 : i32
      %dma_wait3A_877 = tpu.memref_slice %arg13[%dma_wait3A_875, %dma_wait3A_876] : memref<2000x16xf32, #tpu.memory_space<vmem>> -> memref<80x16xf32, #tpu.memory_space<vmem>>
      %dma_wait3A_878 = arith.constant 0 : i32
      %dma_wait3A_879 = tpu.memref_slice %arg10[%dma_wait3A_874, %dma_wait3A_878] : memref<25x80xi32, #tpu.memory_space<vmem>> -> memref<1x80xi32, #tpu.memory_space<vmem>>
      %dma_wait3A_880 = tpu.memref_squeeze %dma_wait3A_879 : memref<1x80xi32, #tpu.memory_space<vmem>> -> memref<80xi32, #tpu.memory_space<vmem>>
      %dma_wait3A_881 = arith.constant 0 : i32
      %dma_wait3A_882 = arith.constant 0 : i32
      %dma_wait3A_883 = tpu.memref_slice %arg2[%dma_wait3A_881, %dma_wait3A_882] : memref<100000x16xf32, #tpu.memory_space<hbm>> -> memref<100000x16xf32, #tpu.memory_space<hbm>>
      tpu.wait_indirect_dma semaphore(%arg16 : memref<!tpu.dma_semaphore, #tpu.memory_space<semaphore_mem>>) src(%dma_wait3A_883 : memref<100000x16xf32, #tpu.memory_space<hbm>>) dst(%dma_wait3A_877 : memref<80x16xf32, #tpu.memory_space<vmem>>)
      %dma_wait3A_884 = arith.constant 10 : i32
      %dma_wait3A_885 = arith.constant 800 : i32
      %dma_wait3A_886 = arith.constant 0 : i32
      %dma_wait3A_887 = tpu.memref_slice %arg13[%dma_wait3A_885, %dma_wait3A_886] : memref<2000x16xf32, #tpu.memory_space<vmem>> -> memref<80x16xf32, #tpu.memory_space<vmem>>
      %dma_wait3A_888 = arith.constant 0 : i32
      %dma_wait3A_889 = tpu.memref_slice %arg10[%dma_wait3A_884, %dma_wait3A_888] : memref<25x80xi32, #tpu.memory_space<vmem>> -> memref<1x80xi32, #tpu.memory_space<vmem>>
      %dma_wait3A_890 = tpu.memref_squeeze %dma_wait3A_889 : memref<1x80xi32, #tpu.memory_space<vmem>> -> memref<80xi32, #tpu.memory_space<vmem>>
      %dma_wait3A_891 = arith.constant 0 : i32
      %dma_wait3A_892 = arith.constant 0 : i32
      %dma_wait3A_893 = tpu.memref_slice %arg2[%dma_wait3A_891, %dma_wait3A_892] : memref<100000x16xf32, #tpu.memory_space<hbm>> -> memref<100000x16xf32, #tpu.memory_space<hbm>>
      tpu.wait_indirect_dma semaphore(%arg16 : memref<!tpu.dma_semaphore, #tpu.memory_space<semaphore_mem>>) src(%dma_wait3A_893 : memref<100000x16xf32, #tpu.memory_space<hbm>>) dst(%dma_wait3A_887 : memref<80x16xf32, #tpu.memory_space<vmem>>)
      %dma_wait3A_894 = arith.constant 11 : i32
      %dma_wait3A_895 = arith.constant 880 : i32
      %dma_wait3A_896 = arith.constant 0 : i32
      %dma_wait3A_897 = tpu.memref_slice %arg13[%dma_wait3A_895, %dma_wait3A_896] : memref<2000x16xf32, #tpu.memory_space<vmem>> -> memref<80x16xf32, #tpu.memory_space<vmem>>
      %dma_wait3A_898 = arith.constant 0 : i32
      %dma_wait3A_899 = tpu.memref_slice %arg10[%dma_wait3A_894, %dma_wait3A_898] : memref<25x80xi32, #tpu.memory_space<vmem>> -> memref<1x80xi32, #tpu.memory_space<vmem>>
      %dma_wait3A_900 = tpu.memref_squeeze %dma_wait3A_899 : memref<1x80xi32, #tpu.memory_space<vmem>> -> memref<80xi32, #tpu.memory_space<vmem>>
      %dma_wait3A_901 = arith.constant 0 : i32
      %dma_wait3A_902 = arith.constant 0 : i32
      %dma_wait3A_903 = tpu.memref_slice %arg2[%dma_wait3A_901, %dma_wait3A_902] : memref<100000x16xf32, #tpu.memory_space<hbm>> -> memref<100000x16xf32, #tpu.memory_space<hbm>>
      tpu.wait_indirect_dma semaphore(%arg16 : memref<!tpu.dma_semaphore, #tpu.memory_space<semaphore_mem>>) src(%dma_wait3A_903 : memref<100000x16xf32, #tpu.memory_space<hbm>>) dst(%dma_wait3A_897 : memref<80x16xf32, #tpu.memory_space<vmem>>)
      %dma_wait3A_904 = arith.constant 12 : i32
      %dma_wait3A_905 = arith.constant 960 : i32
      %dma_wait3A_906 = arith.constant 0 : i32
      %dma_wait3A_907 = tpu.memref_slice %arg13[%dma_wait3A_905, %dma_wait3A_906] : memref<2000x16xf32, #tpu.memory_space<vmem>> -> memref<80x16xf32, #tpu.memory_space<vmem>>
      %dma_wait3A_908 = arith.constant 0 : i32
      %dma_wait3A_909 = tpu.memref_slice %arg10[%dma_wait3A_904, %dma_wait3A_908] : memref<25x80xi32, #tpu.memory_space<vmem>> -> memref<1x80xi32, #tpu.memory_space<vmem>>
      %dma_wait3A_910 = tpu.memref_squeeze %dma_wait3A_909 : memref<1x80xi32, #tpu.memory_space<vmem>> -> memref<80xi32, #tpu.memory_space<vmem>>
      %dma_wait3A_911 = arith.constant 0 : i32
      %dma_wait3A_912 = arith.constant 0 : i32
      %dma_wait3A_913 = tpu.memref_slice %arg2[%dma_wait3A_911, %dma_wait3A_912] : memref<100000x16xf32, #tpu.memory_space<hbm>> -> memref<100000x16xf32, #tpu.memory_space<hbm>>
      tpu.wait_indirect_dma semaphore(%arg16 : memref<!tpu.dma_semaphore, #tpu.memory_space<semaphore_mem>>) src(%dma_wait3A_913 : memref<100000x16xf32, #tpu.memory_space<hbm>>) dst(%dma_wait3A_907 : memref<80x16xf32, #tpu.memory_space<vmem>>)
      %dma_wait3A_914 = arith.constant 13 : i32
      %dma_wait3A_915 = arith.constant 1040 : i32
      %dma_wait3A_916 = arith.constant 0 : i32
      %dma_wait3A_917 = tpu.memref_slice %arg13[%dma_wait3A_915, %dma_wait3A_916] : memref<2000x16xf32, #tpu.memory_space<vmem>> -> memref<80x16xf32, #tpu.memory_space<vmem>>
      %dma_wait3A_918 = arith.constant 0 : i32
      %dma_wait3A_919 = tpu.memref_slice %arg10[%dma_wait3A_914, %dma_wait3A_918] : memref<25x80xi32, #tpu.memory_space<vmem>> -> memref<1x80xi32, #tpu.memory_space<vmem>>
      %dma_wait3A_920 = tpu.memref_squeeze %dma_wait3A_919 : memref<1x80xi32, #tpu.memory_space<vmem>> -> memref<80xi32, #tpu.memory_space<vmem>>
      %dma_wait3A_921 = arith.constant 0 : i32
      %dma_wait3A_922 = arith.constant 0 : i32
      %dma_wait3A_923 = tpu.memref_slice %arg2[%dma_wait3A_921, %dma_wait3A_922] : memref<100000x16xf32, #tpu.memory_space<hbm>> -> memref<100000x16xf32, #tpu.memory_space<hbm>>
      tpu.wait_indirect_dma semaphore(%arg16 : memref<!tpu.dma_semaphore, #tpu.memory_space<semaphore_mem>>) src(%dma_wait3A_923 : memref<100000x16xf32, #tpu.memory_space<hbm>>) dst(%dma_wait3A_917 : memref<80x16xf32, #tpu.memory_space<vmem>>)
      %dma_wait3A_924 = arith.constant 14 : i32
      %dma_wait3A_925 = arith.constant 1120 : i32
      %dma_wait3A_926 = arith.constant 0 : i32
      %dma_wait3A_927 = tpu.memref_slice %arg13[%dma_wait3A_925, %dma_wait3A_926] : memref<2000x16xf32, #tpu.memory_space<vmem>> -> memref<80x16xf32, #tpu.memory_space<vmem>>
      %dma_wait3A_928 = arith.constant 0 : i32
      %dma_wait3A_929 = tpu.memref_slice %arg10[%dma_wait3A_924, %dma_wait3A_928] : memref<25x80xi32, #tpu.memory_space<vmem>> -> memref<1x80xi32, #tpu.memory_space<vmem>>
      %dma_wait3A_930 = tpu.memref_squeeze %dma_wait3A_929 : memref<1x80xi32, #tpu.memory_space<vmem>> -> memref<80xi32, #tpu.memory_space<vmem>>
      %dma_wait3A_931 = arith.constant 0 : i32
      %dma_wait3A_932 = arith.constant 0 : i32
      %dma_wait3A_933 = tpu.memref_slice %arg2[%dma_wait3A_931, %dma_wait3A_932] : memref<100000x16xf32, #tpu.memory_space<hbm>> -> memref<100000x16xf32, #tpu.memory_space<hbm>>
      tpu.wait_indirect_dma semaphore(%arg16 : memref<!tpu.dma_semaphore, #tpu.memory_space<semaphore_mem>>) src(%dma_wait3A_933 : memref<100000x16xf32, #tpu.memory_space<hbm>>) dst(%dma_wait3A_927 : memref<80x16xf32, #tpu.memory_space<vmem>>)
      %dma_wait3A_934 = arith.constant 15 : i32
      %dma_wait3A_935 = arith.constant 1200 : i32
      %dma_wait3A_936 = arith.constant 0 : i32
      %dma_wait3A_937 = tpu.memref_slice %arg13[%dma_wait3A_935, %dma_wait3A_936] : memref<2000x16xf32, #tpu.memory_space<vmem>> -> memref<80x16xf32, #tpu.memory_space<vmem>>
      %dma_wait3A_938 = arith.constant 0 : i32
      %dma_wait3A_939 = tpu.memref_slice %arg10[%dma_wait3A_934, %dma_wait3A_938] : memref<25x80xi32, #tpu.memory_space<vmem>> -> memref<1x80xi32, #tpu.memory_space<vmem>>
      %dma_wait3A_940 = tpu.memref_squeeze %dma_wait3A_939 : memref<1x80xi32, #tpu.memory_space<vmem>> -> memref<80xi32, #tpu.memory_space<vmem>>
      %dma_wait3A_941 = arith.constant 0 : i32
      %dma_wait3A_942 = arith.constant 0 : i32
      %dma_wait3A_943 = tpu.memref_slice %arg2[%dma_wait3A_941, %dma_wait3A_942] : memref<100000x16xf32, #tpu.memory_space<hbm>> -> memref<100000x16xf32, #tpu.memory_space<hbm>>
      tpu.wait_indirect_dma semaphore(%arg16 : memref<!tpu.dma_semaphore, #tpu.memory_space<semaphore_mem>>) src(%dma_wait3A_943 : memref<100000x16xf32, #tpu.memory_space<hbm>>) dst(%dma_wait3A_937 : memref<80x16xf32, #tpu.memory_space<vmem>>)
      %dma_wait3A_944 = arith.constant 16 : i32
      %dma_wait3A_945 = arith.constant 1280 : i32
      %dma_wait3A_946 = arith.constant 0 : i32
      %dma_wait3A_947 = tpu.memref_slice %arg13[%dma_wait3A_945, %dma_wait3A_946] : memref<2000x16xf32, #tpu.memory_space<vmem>> -> memref<80x16xf32, #tpu.memory_space<vmem>>
      %dma_wait3A_948 = arith.constant 0 : i32
      %dma_wait3A_949 = tpu.memref_slice %arg10[%dma_wait3A_944, %dma_wait3A_948] : memref<25x80xi32, #tpu.memory_space<vmem>> -> memref<1x80xi32, #tpu.memory_space<vmem>>
      %dma_wait3A_950 = tpu.memref_squeeze %dma_wait3A_949 : memref<1x80xi32, #tpu.memory_space<vmem>> -> memref<80xi32, #tpu.memory_space<vmem>>
      %dma_wait3A_951 = arith.constant 0 : i32
      %dma_wait3A_952 = arith.constant 0 : i32
      %dma_wait3A_953 = tpu.memref_slice %arg2[%dma_wait3A_951, %dma_wait3A_952] : memref<100000x16xf32, #tpu.memory_space<hbm>> -> memref<100000x16xf32, #tpu.memory_space<hbm>>
      tpu.wait_indirect_dma semaphore(%arg16 : memref<!tpu.dma_semaphore, #tpu.memory_space<semaphore_mem>>) src(%dma_wait3A_953 : memref<100000x16xf32, #tpu.memory_space<hbm>>) dst(%dma_wait3A_947 : memref<80x16xf32, #tpu.memory_space<vmem>>)
      %dma_wait3A_954 = arith.constant 17 : i32
      %dma_wait3A_955 = arith.constant 1360 : i32
      %dma_wait3A_956 = arith.constant 0 : i32
      %dma_wait3A_957 = tpu.memref_slice %arg13[%dma_wait3A_955, %dma_wait3A_956] : memref<2000x16xf32, #tpu.memory_space<vmem>> -> memref<80x16xf32, #tpu.memory_space<vmem>>
      %dma_wait3A_958 = arith.constant 0 : i32
      %dma_wait3A_959 = tpu.memref_slice %arg10[%dma_wait3A_954, %dma_wait3A_958] : memref<25x80xi32, #tpu.memory_space<vmem>> -> memref<1x80xi32, #tpu.memory_space<vmem>>
      %dma_wait3A_960 = tpu.memref_squeeze %dma_wait3A_959 : memref<1x80xi32, #tpu.memory_space<vmem>> -> memref<80xi32, #tpu.memory_space<vmem>>
      %dma_wait3A_961 = arith.constant 0 : i32
      %dma_wait3A_962 = arith.constant 0 : i32
      %dma_wait3A_963 = tpu.memref_slice %arg2[%dma_wait3A_961, %dma_wait3A_962] : memref<100000x16xf32, #tpu.memory_space<hbm>> -> memref<100000x16xf32, #tpu.memory_space<hbm>>
      tpu.wait_indirect_dma semaphore(%arg16 : memref<!tpu.dma_semaphore, #tpu.memory_space<semaphore_mem>>) src(%dma_wait3A_963 : memref<100000x16xf32, #tpu.memory_space<hbm>>) dst(%dma_wait3A_957 : memref<80x16xf32, #tpu.memory_space<vmem>>)
      %dma_wait3A_964 = arith.constant 18 : i32
      %dma_wait3A_965 = arith.constant 1440 : i32
      %dma_wait3A_966 = arith.constant 0 : i32
      %dma_wait3A_967 = tpu.memref_slice %arg13[%dma_wait3A_965, %dma_wait3A_966] : memref<2000x16xf32, #tpu.memory_space<vmem>> -> memref<80x16xf32, #tpu.memory_space<vmem>>
      %dma_wait3A_968 = arith.constant 0 : i32
      %dma_wait3A_969 = tpu.memref_slice %arg10[%dma_wait3A_964, %dma_wait3A_968] : memref<25x80xi32, #tpu.memory_space<vmem>> -> memref<1x80xi32, #tpu.memory_space<vmem>>
      %dma_wait3A_970 = tpu.memref_squeeze %dma_wait3A_969 : memref<1x80xi32, #tpu.memory_space<vmem>> -> memref<80xi32, #tpu.memory_space<vmem>>
      %dma_wait3A_971 = arith.constant 0 : i32
      %dma_wait3A_972 = arith.constant 0 : i32
      %dma_wait3A_973 = tpu.memref_slice %arg2[%dma_wait3A_971, %dma_wait3A_972] : memref<100000x16xf32, #tpu.memory_space<hbm>> -> memref<100000x16xf32, #tpu.memory_space<hbm>>
      tpu.wait_indirect_dma semaphore(%arg16 : memref<!tpu.dma_semaphore, #tpu.memory_space<semaphore_mem>>) src(%dma_wait3A_973 : memref<100000x16xf32, #tpu.memory_space<hbm>>) dst(%dma_wait3A_967 : memref<80x16xf32, #tpu.memory_space<vmem>>)
      %dma_wait3A_974 = arith.constant 19 : i32
      %dma_wait3A_975 = arith.constant 1520 : i32
      %dma_wait3A_976 = arith.constant 0 : i32
      %dma_wait3A_977 = tpu.memref_slice %arg13[%dma_wait3A_975, %dma_wait3A_976] : memref<2000x16xf32, #tpu.memory_space<vmem>> -> memref<80x16xf32, #tpu.memory_space<vmem>>
      %dma_wait3A_978 = arith.constant 0 : i32
      %dma_wait3A_979 = tpu.memref_slice %arg10[%dma_wait3A_974, %dma_wait3A_978] : memref<25x80xi32, #tpu.memory_space<vmem>> -> memref<1x80xi32, #tpu.memory_space<vmem>>
      %dma_wait3A_980 = tpu.memref_squeeze %dma_wait3A_979 : memref<1x80xi32, #tpu.memory_space<vmem>> -> memref<80xi32, #tpu.memory_space<vmem>>
      %dma_wait3A_981 = arith.constant 0 : i32
      %dma_wait3A_982 = arith.constant 0 : i32
      %dma_wait3A_983 = tpu.memref_slice %arg2[%dma_wait3A_981, %dma_wait3A_982] : memref<100000x16xf32, #tpu.memory_space<hbm>> -> memref<100000x16xf32, #tpu.memory_space<hbm>>
      tpu.wait_indirect_dma semaphore(%arg16 : memref<!tpu.dma_semaphore, #tpu.memory_space<semaphore_mem>>) src(%dma_wait3A_983 : memref<100000x16xf32, #tpu.memory_space<hbm>>) dst(%dma_wait3A_977 : memref<80x16xf32, #tpu.memory_space<vmem>>)
      %dma_wait3A_984 = arith.constant 20 : i32
      %dma_wait3A_985 = arith.constant 1600 : i32
      %dma_wait3A_986 = arith.constant 0 : i32
      %dma_wait3A_987 = tpu.memref_slice %arg13[%dma_wait3A_985, %dma_wait3A_986] : memref<2000x16xf32, #tpu.memory_space<vmem>> -> memref<80x16xf32, #tpu.memory_space<vmem>>
      %dma_wait3A_988 = arith.constant 0 : i32
      %dma_wait3A_989 = tpu.memref_slice %arg10[%dma_wait3A_984, %dma_wait3A_988] : memref<25x80xi32, #tpu.memory_space<vmem>> -> memref<1x80xi32, #tpu.memory_space<vmem>>
      %dma_wait3A_990 = tpu.memref_squeeze %dma_wait3A_989 : memref<1x80xi32, #tpu.memory_space<vmem>> -> memref<80xi32, #tpu.memory_space<vmem>>
      %dma_wait3A_991 = arith.constant 0 : i32
      %dma_wait3A_992 = arith.constant 0 : i32
      %dma_wait3A_993 = tpu.memref_slice %arg2[%dma_wait3A_991, %dma_wait3A_992] : memref<100000x16xf32, #tpu.memory_space<hbm>> -> memref<100000x16xf32, #tpu.memory_space<hbm>>
      tpu.wait_indirect_dma semaphore(%arg16 : memref<!tpu.dma_semaphore, #tpu.memory_space<semaphore_mem>>) src(%dma_wait3A_993 : memref<100000x16xf32, #tpu.memory_space<hbm>>) dst(%dma_wait3A_987 : memref<80x16xf32, #tpu.memory_space<vmem>>)
      %dma_wait3A_994 = arith.constant 21 : i32
      %dma_wait3A_995 = arith.constant 1680 : i32
      %dma_wait3A_996 = arith.constant 0 : i32
      %dma_wait3A_997 = tpu.memref_slice %arg13[%dma_wait3A_995, %dma_wait3A_996] : memref<2000x16xf32, #tpu.memory_space<vmem>> -> memref<80x16xf32, #tpu.memory_space<vmem>>
      %dma_wait3A_998 = arith.constant 0 : i32
      %dma_wait3A_999 = tpu.memref_slice %arg10[%dma_wait3A_994, %dma_wait3A_998] : memref<25x80xi32, #tpu.memory_space<vmem>> -> memref<1x80xi32, #tpu.memory_space<vmem>>
      %dma_wait3A_1000 = tpu.memref_squeeze %dma_wait3A_999 : memref<1x80xi32, #tpu.memory_space<vmem>> -> memref<80xi32, #tpu.memory_space<vmem>>
      %dma_wait3A_1001 = arith.constant 0 : i32
      %dma_wait3A_1002 = arith.constant 0 : i32
      %dma_wait3A_1003 = tpu.memref_slice %arg2[%dma_wait3A_1001, %dma_wait3A_1002] : memref<100000x16xf32, #tpu.memory_space<hbm>> -> memref<100000x16xf32, #tpu.memory_space<hbm>>
      tpu.wait_indirect_dma semaphore(%arg16 : memref<!tpu.dma_semaphore, #tpu.memory_space<semaphore_mem>>) src(%dma_wait3A_1003 : memref<100000x16xf32, #tpu.memory_space<hbm>>) dst(%dma_wait3A_997 : memref<80x16xf32, #tpu.memory_space<vmem>>)
      %dma_wait3A_1004 = arith.constant 22 : i32
      %dma_wait3A_1005 = arith.constant 1760 : i32
      %dma_wait3A_1006 = arith.constant 0 : i32
      %dma_wait3A_1007 = tpu.memref_slice %arg13[%dma_wait3A_1005, %dma_wait3A_1006] : memref<2000x16xf32, #tpu.memory_space<vmem>> -> memref<80x16xf32, #tpu.memory_space<vmem>>
      %dma_wait3A_1008 = arith.constant 0 : i32
      %dma_wait3A_1009 = tpu.memref_slice %arg10[%dma_wait3A_1004, %dma_wait3A_1008] : memref<25x80xi32, #tpu.memory_space<vmem>> -> memref<1x80xi32, #tpu.memory_space<vmem>>
      %dma_wait3A_1010 = tpu.memref_squeeze %dma_wait3A_1009 : memref<1x80xi32, #tpu.memory_space<vmem>> -> memref<80xi32, #tpu.memory_space<vmem>>
      %dma_wait3A_1011 = arith.constant 0 : i32
      %dma_wait3A_1012 = arith.constant 0 : i32
      %dma_wait3A_1013 = tpu.memref_slice %arg2[%dma_wait3A_1011, %dma_wait3A_1012] : memref<100000x16xf32, #tpu.memory_space<hbm>> -> memref<100000x16xf32, #tpu.memory_space<hbm>>
      tpu.wait_indirect_dma semaphore(%arg16 : memref<!tpu.dma_semaphore, #tpu.memory_space<semaphore_mem>>) src(%dma_wait3A_1013 : memref<100000x16xf32, #tpu.memory_space<hbm>>) dst(%dma_wait3A_1007 : memref<80x16xf32, #tpu.memory_space<vmem>>)
      %dma_wait3A_1014 = arith.constant 23 : i32
      %dma_wait3A_1015 = arith.constant 1840 : i32
      %dma_wait3A_1016 = arith.constant 0 : i32
      %dma_wait3A_1017 = tpu.memref_slice %arg13[%dma_wait3A_1015, %dma_wait3A_1016] : memref<2000x16xf32, #tpu.memory_space<vmem>> -> memref<80x16xf32, #tpu.memory_space<vmem>>
      %dma_wait3A_1018 = arith.constant 0 : i32
      %dma_wait3A_1019 = tpu.memref_slice %arg10[%dma_wait3A_1014, %dma_wait3A_1018] : memref<25x80xi32, #tpu.memory_space<vmem>> -> memref<1x80xi32, #tpu.memory_space<vmem>>
      %dma_wait3A_1020 = tpu.memref_squeeze %dma_wait3A_1019 : memref<1x80xi32, #tpu.memory_space<vmem>> -> memref<80xi32, #tpu.memory_space<vmem>>
      %dma_wait3A_1021 = arith.constant 0 : i32
      %dma_wait3A_1022 = arith.constant 0 : i32
      %dma_wait3A_1023 = tpu.memref_slice %arg2[%dma_wait3A_1021, %dma_wait3A_1022] : memref<100000x16xf32, #tpu.memory_space<hbm>> -> memref<100000x16xf32, #tpu.memory_space<hbm>>
      tpu.wait_indirect_dma semaphore(%arg16 : memref<!tpu.dma_semaphore, #tpu.memory_space<semaphore_mem>>) src(%dma_wait3A_1023 : memref<100000x16xf32, #tpu.memory_space<hbm>>) dst(%dma_wait3A_1017 : memref<80x16xf32, #tpu.memory_space<vmem>>)
      %dma_wait3A_1024 = arith.constant 24 : i32
      %dma_wait3A_1025 = arith.constant 1920 : i32
      %dma_wait3A_1026 = arith.constant 0 : i32
      %dma_wait3A_1027 = tpu.memref_slice %arg13[%dma_wait3A_1025, %dma_wait3A_1026] : memref<2000x16xf32, #tpu.memory_space<vmem>> -> memref<80x16xf32, #tpu.memory_space<vmem>>
      %dma_wait3A_1028 = arith.constant 0 : i32
      %dma_wait3A_1029 = tpu.memref_slice %arg10[%dma_wait3A_1024, %dma_wait3A_1028] : memref<25x80xi32, #tpu.memory_space<vmem>> -> memref<1x80xi32, #tpu.memory_space<vmem>>
      %dma_wait3A_1030 = tpu.memref_squeeze %dma_wait3A_1029 : memref<1x80xi32, #tpu.memory_space<vmem>> -> memref<80xi32, #tpu.memory_space<vmem>>
      %dma_wait3A_1031 = arith.constant 0 : i32
      %dma_wait3A_1032 = arith.constant 0 : i32
      %dma_wait3A_1033 = tpu.memref_slice %arg2[%dma_wait3A_1031, %dma_wait3A_1032] : memref<100000x16xf32, #tpu.memory_space<hbm>> -> memref<100000x16xf32, #tpu.memory_space<hbm>>
      tpu.wait_indirect_dma semaphore(%arg16 : memref<!tpu.dma_semaphore, #tpu.memory_space<semaphore_mem>>) src(%dma_wait3A_1033 : memref<100000x16xf32, #tpu.memory_space<hbm>>) dst(%dma_wait3A_1027 : memref<80x16xf32, #tpu.memory_space<vmem>>)
      %scan3A_1034 = arith.constant 0 : i32
      %scan3A_1035 = arith.constant 125 : i32
      %scan3A_1036 = arith.addi %scan3A_1034, %scan3A_1035 : i32
      %scan3A_1037 = arith.constant 1 : i32
      scf.for %scan3A_1039 = %scan3A_1034 to %scan3A_1036 step %scan3A_1037  : i32 {
        %mul3A_1040 = arith.constant 16 : i32
        %mul3A_1041 = arith.muli %scan3A_1039, %mul3A_1040 : i32
        %add3A_1042 = vector.broadcast %mul3A_1041 : i32 to vector<16xi32>
        %add3A_1043 = arith.addi %iota3A, %add3A_1042 : vector<16xi32>
        %gather3A = tpu.vector_load_idx %arg12[%add3A_1043, %broadcast_in_dim3A_3] : memref<2000x16xf32, #tpu.memory_space<vmem>>[vector<16xi32>, vector<16xi32>], vector<16xf32>,
        %gather3A_1044 = tpu.vector_load_idx %arg12[%add3A_1043, %broadcast_in_dim3A_5] : memref<2000x16xf32, #tpu.memory_space<vmem>>[vector<16xi32>, vector<16xi32>], vector<16xf32>,
        %gather3A_1045 = tpu.vector_load_idx %arg12[%add3A_1043, %broadcast_in_dim3A_7] : memref<2000x16xf32, #tpu.memory_space<vmem>>[vector<16xi32>, vector<16xi32>], vector<16xf32>,
        %gather3A_1046 = tpu.vector_load_idx %arg12[%add3A_1043, %broadcast_in_dim3A_9] : memref<2000x16xf32, #tpu.memory_space<vmem>>[vector<16xi32>, vector<16xi32>], vector<16xf32>,
        %convert_element_type3A = arith.fptosi %gather3A_1046 : vector<16xf32> to vector<16xi32>
        %gather3A_1047 = tpu.vector_load_idx %arg13[%add3A_1043, %broadcast_in_dim3A_3] : memref<2000x16xf32, #tpu.memory_space<vmem>>[vector<16xi32>, vector<16xi32>], vector<16xf32>,
        %gather3A_1048 = tpu.vector_load_idx %arg13[%add3A_1043, %broadcast_in_dim3A_5] : memref<2000x16xf32, #tpu.memory_space<vmem>>[vector<16xi32>, vector<16xi32>], vector<16xf32>,
        %gather3A_1049 = tpu.vector_load_idx %arg13[%add3A_1043, %broadcast_in_dim3A_7] : memref<2000x16xf32, #tpu.memory_space<vmem>>[vector<16xi32>, vector<16xi32>], vector<16xf32>,
        %gather3A_1050 = tpu.vector_load_idx %arg11[%add3A_1043, %broadcast_in_dim3A_3] : memref<2000x3xi32, #tpu.memory_space<vmem>>[vector<16xi32>, vector<16xi32>], vector<16xi32>,
        %convert_element_type3A_1051 = arith.sitofp %gather3A_1050 : vector<16xi32> to vector<16xf32>
        %gather3A_1052 = tpu.vector_load_idx %arg11[%add3A_1043, %broadcast_in_dim3A_5] : memref<2000x3xi32, #tpu.memory_space<vmem>>[vector<16xi32>, vector<16xi32>], vector<16xi32>,
        %convert_element_type3A_1053 = arith.sitofp %gather3A_1052 : vector<16xi32> to vector<16xf32>
        %gather3A_1054 = tpu.vector_load_idx %arg11[%add3A_1043, %broadcast_in_dim3A_7] : memref<2000x3xi32, #tpu.memory_space<vmem>>[vector<16xi32>, vector<16xi32>], vector<16xi32>,
        %convert_element_type3A_1055 = arith.sitofp %gather3A_1054 : vector<16xi32> to vector<16xf32>
        %max3A = arith.constant 0 : i32
        %max3A_1056 = vector.broadcast %max3A : i32 to vector<16xi32>
        %max3A_1057 = arith.maxsi %convert_element_type3A, %max3A_1056 : vector<16xi32>
        %min3A = arith.constant 255 : i32
        %min3A_1058 = vector.broadcast %min3A : i32 to vector<16xi32>
        %min3A_1059 = arith.minsi %max3A_1057, %min3A_1058 : vector<16xi32>
        %mul3A_1060 = arith.constant 9 : i32
        %mul3A_1061 = vector.broadcast %mul3A_1060 : i32 to vector<16xi32>
        %mul3A_1062 = arith.muli %min3A_1059, %mul3A_1061 : vector<16xi32>
        %gather3A_1063 = tpu.vector_load_idx %arg8[%mul3A_1062] : memref<2304xf32, #tpu.memory_space<vmem>>[vector<16xi32>], vector<16xf32>,
        %add3A_1064 = arith.constant 1 : i32
        %add3A_1065 = vector.broadcast %add3A_1064 : i32 to vector<16xi32>
        %add3A_1066 = arith.addi %mul3A_1062, %add3A_1065 : vector<16xi32>
        %gather3A_1067 = tpu.vector_load_idx %arg8[%add3A_1066] : memref<2304xf32, #tpu.memory_space<vmem>>[vector<16xi32>], vector<16xf32>,
        %add3A_1068 = arith.constant 2 : i32
        %add3A_1069 = vector.broadcast %add3A_1068 : i32 to vector<16xi32>
        %add3A_1070 = arith.addi %mul3A_1062, %add3A_1069 : vector<16xi32>
        %gather3A_1071 = tpu.vector_load_idx %arg8[%add3A_1070] : memref<2304xf32, #tpu.memory_space<vmem>>[vector<16xi32>], vector<16xf32>,
        %add3A_1072 = arith.constant 3 : i32
        %add3A_1073 = vector.broadcast %add3A_1072 : i32 to vector<16xi32>
        %add3A_1074 = arith.addi %mul3A_1062, %add3A_1073 : vector<16xi32>
        %gather3A_1075 = tpu.vector_load_idx %arg8[%add3A_1074] : memref<2304xf32, #tpu.memory_space<vmem>>[vector<16xi32>], vector<16xf32>,
        %add3A_1076 = arith.constant 4 : i32
        %add3A_1077 = vector.broadcast %add3A_1076 : i32 to vector<16xi32>
        %add3A_1078 = arith.addi %mul3A_1062, %add3A_1077 : vector<16xi32>
        %gather3A_1079 = tpu.vector_load_idx %arg8[%add3A_1078] : memref<2304xf32, #tpu.memory_space<vmem>>[vector<16xi32>], vector<16xf32>,
        %add3A_1080 = arith.constant 5 : i32
        %add3A_1081 = vector.broadcast %add3A_1080 : i32 to vector<16xi32>
        %add3A_1082 = arith.addi %mul3A_1062, %add3A_1081 : vector<16xi32>
        %gather3A_1083 = tpu.vector_load_idx %arg8[%add3A_1082] : memref<2304xf32, #tpu.memory_space<vmem>>[vector<16xi32>], vector<16xf32>,
        %add3A_1084 = arith.constant 6 : i32
        %add3A_1085 = vector.broadcast %add3A_1084 : i32 to vector<16xi32>
        %add3A_1086 = arith.addi %mul3A_1062, %add3A_1085 : vector<16xi32>
        %gather3A_1087 = tpu.vector_load_idx %arg8[%add3A_1086] : memref<2304xf32, #tpu.memory_space<vmem>>[vector<16xi32>], vector<16xf32>,
        %add3A_1088 = arith.constant 7 : i32
        %add3A_1089 = vector.broadcast %add3A_1088 : i32 to vector<16xi32>
        %add3A_1090 = arith.addi %mul3A_1062, %add3A_1089 : vector<16xi32>
        %gather3A_1091 = tpu.vector_load_idx %arg8[%add3A_1090] : memref<2304xf32, #tpu.memory_space<vmem>>[vector<16xi32>], vector<16xf32>,
        %add3A_1092 = arith.constant 8 : i32
        %add3A_1093 = vector.broadcast %add3A_1092 : i32 to vector<16xi32>
        %add3A_1094 = arith.addi %mul3A_1062, %add3A_1093 : vector<16xi32>
        %gather3A_1095 = tpu.vector_load_idx %arg8[%add3A_1094] : memref<2304xf32, #tpu.memory_space<vmem>>[vector<16xi32>], vector<16xf32>,
        %mul3A_1096 = arith.mulf %convert_element_type3A_1051, %gather3A_1063 : vector<16xf32>
        %mul3A_1097 = arith.mulf %convert_element_type3A_1053, %gather3A_1075 : vector<16xf32>
        %add3A_1098 = arith.addf %mul3A_1096, %mul3A_1097 : vector<16xf32>
        %mul3A_1099 = arith.mulf %convert_element_type3A_1055, %gather3A_1087 : vector<16xf32>
        %add3A_1100 = arith.addf %add3A_1098, %mul3A_1099 : vector<16xf32>
        %mul3A_1101 = arith.mulf %convert_element_type3A_1051, %gather3A_1067 : vector<16xf32>
        %mul3A_1102 = arith.mulf %convert_element_type3A_1053, %gather3A_1079 : vector<16xf32>
        %add3A_1103 = arith.addf %mul3A_1101, %mul3A_1102 : vector<16xf32>
        %mul3A_1104 = arith.mulf %convert_element_type3A_1055, %gather3A_1091 : vector<16xf32>
        %add3A_1105 = arith.addf %add3A_1103, %mul3A_1104 : vector<16xf32>
        %mul3A_1106 = arith.mulf %convert_element_type3A_1051, %gather3A_1071 : vector<16xf32>
        %mul3A_1107 = arith.mulf %convert_element_type3A_1053, %gather3A_1083 : vector<16xf32>
        %add3A_1108 = arith.addf %mul3A_1106, %mul3A_1107 : vector<16xf32>
        %mul3A_1109 = arith.mulf %convert_element_type3A_1055, %gather3A_1095 : vector<16xf32>
        %add3A_1110 = arith.addf %add3A_1108, %mul3A_1109 : vector<16xf32>
        %add3A_1111 = arith.addf %gather3A_1047, %add3A_1100 : vector<16xf32>
        %sub3A_1112 = arith.subf %add3A_1111, %gather3A : vector<16xf32>
        %add3A_1113 = arith.addf %gather3A_1048, %add3A_1105 : vector<16xf32>
        %sub3A_1114 = arith.subf %add3A_1113, %gather3A_1044 : vector<16xf32>
        %add3A_1115 = arith.addf %gather3A_1049, %add3A_1110 : vector<16xf32>
        %sub3A_1116 = arith.subf %add3A_1115, %gather3A_1045 : vector<16xf32>
        %mul3A_1117 = arith.mulf %sub3A_1112, %sub3A_1112 : vector<16xf32>
        %mul3A_1118 = arith.mulf %sub3A_1114, %sub3A_1114 : vector<16xf32>
        %add3A_1119 = arith.addf %mul3A_1117, %mul3A_1118 : vector<16xf32>
        %mul3A_1120 = arith.mulf %sub3A_1116, %sub3A_1116 : vector<16xf32>
        %add3A_1121 = arith.addf %add3A_1119, %mul3A_1120 : vector<16xf32>
        %mul3A_1122 = arith.constant 5.000000e-01 : f32
        %mul3A_1123 = vector.broadcast %mul3A_1122 : f32 to vector<16xf32>
        %mul3A_1124 = arith.mulf %add3A_1121, %mul3A_1123 : vector<16xf32>
        %bitcast3A = vector.bitcast %add3A_1121 : vector<16xf32> to vector<16xi32>
        %shift_right_logical3A = arith.constant 1 : i32
        %shift_right_logical3A_1125 = vector.broadcast %shift_right_logical3A : i32 to vector<16xi32>
        %shift_right_logical3A_1126 = arith.shrui %bitcast3A, %shift_right_logical3A_1125 : vector<16xi32>
        %sub3A_1127 = arith.constant 1597463007 : i32
        %sub3A_1128 = vector.broadcast %sub3A_1127 : i32 to vector<16xi32>
        %sub3A_1129 = arith.subi %sub3A_1128, %shift_right_logical3A_1126 : vector<16xi32>
        %bitcast3A_1130 = vector.bitcast %sub3A_1129 : vector<16xi32> to vector<16xf32>
        %mul3A_1131 = arith.mulf %mul3A_1124, %bitcast3A_1130 : vector<16xf32>
        %mul3A_1132 = arith.mulf %mul3A_1131, %bitcast3A_1130 : vector<16xf32>
        %sub3A_1133 = arith.constant 1.500000e+00 : f32
        %sub3A_1134 = vector.broadcast %sub3A_1133 : f32 to vector<16xf32>
        %sub3A_1135 = arith.subf %sub3A_1134, %mul3A_1132 : vector<16xf32>
        %mul3A_1136 = arith.mulf %bitcast3A_1130, %sub3A_1135 : vector<16xf32>
        %mul3A_1137 = arith.mulf %mul3A_1124, %mul3A_1136 : vector<16xf32>
        %mul3A_1138 = arith.mulf %mul3A_1137, %mul3A_1136 : vector<16xf32>
        %sub3A_1139 = arith.constant 1.500000e+00 : f32
        %sub3A_1140 = vector.broadcast %sub3A_1139 : f32 to vector<16xf32>
        %sub3A_1141 = arith.subf %sub3A_1140, %mul3A_1138 : vector<16xf32>
        %mul3A_1142 = arith.mulf %mul3A_1136, %sub3A_1141 : vector<16xf32>
        %mul3A_1143 = arith.mulf %mul3A_1124, %mul3A_1142 : vector<16xf32>
        %mul3A_1144 = arith.mulf %mul3A_1143, %mul3A_1142 : vector<16xf32>
        %sub3A_1145 = arith.constant 1.500000e+00 : f32
        %sub3A_1146 = vector.broadcast %sub3A_1145 : f32 to vector<16xf32>
        %sub3A_1147 = arith.subf %sub3A_1146, %mul3A_1144 : vector<16xf32>
        %mul3A_1148 = arith.mulf %mul3A_1142, %sub3A_1147 : vector<16xf32>
        %mul3A_1149 = arith.mulf %add3A_1121, %mul3A_1148 : vector<16xf32>
        tpu.vector_store_idx %arg14[%add3A_1043, %broadcast_in_dim3A_3], %sub3A_1112 : memref<2000x16xf32, #tpu.memory_space<vmem>>[vector<16xi32>, vector<16xi32>], vector<16xf32>,
        tpu.vector_store_idx %arg14[%add3A_1043, %broadcast_in_dim3A_5], %sub3A_1114 : memref<2000x16xf32, #tpu.memory_space<vmem>>[vector<16xi32>, vector<16xi32>], vector<16xf32>,
        tpu.vector_store_idx %arg14[%add3A_1043, %broadcast_in_dim3A_7], %sub3A_1116 : memref<2000x16xf32, #tpu.memory_space<vmem>>[vector<16xi32>, vector<16xi32>], vector<16xf32>,
        tpu.vector_store_idx %arg14[%add3A_1043, %broadcast_in_dim3A_9], %mul3A_1149 : memref<2000x16xf32, #tpu.memory_space<vmem>>[vector<16xi32>, vector<16xi32>], vector<16xf32>,
        %swap3A = arith.index_cast %mul3A_1041 : i32 to index
        %swap3A_1150 = tpu.vector_load %arg15[%swap3A] {strides = array<i32>} : memref<2000xf32, #tpu.memory_space<vmem>>, vector<16xf32>,
        tpu.vector_store %arg15[%swap3A], %mul3A_1149 {strides = array<i32>} : memref<2000xf32, #tpu.memory_space<vmem>>, vector<16xf32>,
      }
      %scan3A_1038 = arith.constant 125 : i32
      "tpu.region"() ({
        %run_scoped3A = tpu.sem_alloc : memref<!tpu.dma_semaphore, #tpu.memory_space<semaphore_mem>>
        %dma_start3A_1039 = tpu.memref_slice %arg6[%add3A_17] : memref<3200000xf32, #tpu.memory_space<hbm>> -> memref<2000xf32, #tpu.memory_space<hbm>>
        %dma_start3A_1040 = tpu.memref_slice %arg6[%add3A_17] : memref<3200000xf32, #tpu.memory_space<hbm>> -> memref<2000xf32, #tpu.memory_space<hbm>>
        tpu.enqueue_dma source(%arg15 : memref<2000xf32, #tpu.memory_space<vmem>>) target(%dma_start3A_1040 : memref<2000xf32, #tpu.memory_space<hbm>>) target_semaphore(%run_scoped3A : memref<!tpu.dma_semaphore, #tpu.memory_space<semaphore_mem>>)
        %dma_wait3A_1041 = tpu.memref_slice %arg6[%add3A_17] : memref<3200000xf32, #tpu.memory_space<hbm>> -> memref<2000xf32, #tpu.memory_space<hbm>>
        %dma_wait3A_1042 = tpu.memref_slice %arg6[%add3A_17] : memref<3200000xf32, #tpu.memory_space<hbm>> -> memref<2000xf32, #tpu.memory_space<hbm>>
        tpu.wait_dma2 semaphore(%run_scoped3A : memref<!tpu.dma_semaphore, #tpu.memory_space<semaphore_mem>>) src(%arg15 : memref<2000xf32, #tpu.memory_space<vmem>>) dst(%dma_wait3A_1042 : memref<2000xf32, #tpu.memory_space<hbm>>)
        tpu.yield
      }) : () -> ()
      "tpu.region"() ({
        %run_scoped3A = tpu.sem_alloc : memref<!tpu.dma_semaphore, #tpu.memory_space<semaphore_mem>>
        %dma_start3A_1039 = arith.constant 0 : i32
        %dma_start3A_1040 = tpu.memref_slice %arg7[%add3A_17, %dma_start3A_1039] : memref<3200000x16xf32, #tpu.memory_space<hbm>> -> memref<2000x16xf32, #tpu.memory_space<hbm>>
        %dma_start3A_1041 = arith.constant 0 : i32
        %dma_start3A_1042 = tpu.memref_slice %arg7[%add3A_17, %dma_start3A_1041] : memref<3200000x16xf32, #tpu.memory_space<hbm>> -> memref<2000x16xf32, #tpu.memory_space<hbm>>
        tpu.enqueue_dma source(%arg14 : memref<2000x16xf32, #tpu.memory_space<vmem>>) target(%dma_start3A_1042 : memref<2000x16xf32, #tpu.memory_space<hbm>>) target_semaphore(%run_scoped3A : memref<!tpu.dma_semaphore, #tpu.memory_space<semaphore_mem>>)
        %dma_wait3A_1043 = arith.constant 0 : i32
        %dma_wait3A_1044 = tpu.memref_slice %arg7[%add3A_17, %dma_wait3A_1043] : memref<3200000x16xf32, #tpu.memory_space<hbm>> -> memref<2000x16xf32, #tpu.memory_space<hbm>>
        %dma_wait3A_1045 = arith.constant 0 : i32
        %dma_wait3A_1046 = tpu.memref_slice %arg7[%add3A_17, %dma_wait3A_1045] : memref<3200000x16xf32, #tpu.memory_space<hbm>> -> memref<2000x16xf32, #tpu.memory_space<hbm>>
        tpu.wait_dma2 semaphore(%run_scoped3A : memref<!tpu.dma_semaphore, #tpu.memory_space<semaphore_mem>>) src(%arg14 : memref<2000x16xf32, #tpu.memory_space<vmem>>) dst(%dma_wait3A_1046 : memref<2000x16xf32, #tpu.memory_space<hbm>>)
        tpu.yield
      }) : () -> ()
    }
    %scan3A_13 = arith.constant 50 : i32
    return
  }
}

</mosaic_0001>

<sc_bundles>
// kernel: kernel.4.cloned.1.call-start
scs
__scs_entry_jumppad:
0x0: {  	(pc) =	sbr.rel $0x88, $3  }
0x1: {  	(tag) =	ssettag $0x0;
	lr =	simm.s32 $0x1  }
0x2: {  	[smem:$0x3F9B] =	sst lr;
	_ =	strace $0xD0000000  }
0x3: {  	_ = 	snop  }
0x4: {  	_ = 	snop  }
0x5: {  	_ = 	snop  }
0x6: {  	_ = 	snop  }
0x7: {  	_ = 	snop  }
__scs_overlays_trampoline_lowered:
0x8: {  	[smem:$0x3FAA] =	sst s0  }
0x9: {  	[smem:$0x3FAB] =	sst s1  }
0xa: {  	[smem:$0x3FAC] =	sst s2  }
0xb: {  	[smem:$0x3FAD] =	sst s3  }
0xc: {  	[smem:$0x3FAE] =	sst s4  }
0xd: {  	[smem:$0x3FAF] =	sst s5  }
0xe: {  	[smem:$0x3FB0] =	sst s6  }
0xf: {  	[smem:$0x3FB1] =	sst s7  }
0x10: {  	[smem:$0x3FB2] =	sst s8  }
0x11: {  	[smem:$0x3FB3] =	sst s9;
	s0 =	simm.s32 @!p0 $0x0  }
0x12: {  	s1 =	sld [smem:$0x3F99];
	s0 =	simm.s32 @p0 $0x1  }
0x13: {  	[smem:$0x3FB4] =	sst s0;
	s0 =	simm.s32 @!p1 $0x0  }
0x14: {  	s2 =	sld [smem:$0x3F98];
	s0 =	simm.s32 @p1 $0x1  }
0x15: {  	[smem:$0x3FB5] =	sst s0;
	s0 =	simm.s32 @!p2 $0x0  }
0x16: {  	s3 =	sld [smem:$0x3FDB];
	s0 =	simm.s32 @p2 $0x1  }
0x17: {  	s4 =	simm.s32 $0x1BF5;
	[smem:$0x3FB7] =	sst s0  }
0x18: {  	s0 =	sld [smem:$0x3F9A];
	_ =	swait.ge [sflag:s4], $0x0  }
0x19: {  	s7 =	sld [smem:$0x3F9B]  }
0x1a: {  	s8 =	sadd.s32 $0xFFFFE003, lr  }
0x1b: {  	s9 =	sadd.s32 $0xFFFFFEF7, lr;
	s5 =	simm.s32 $0xFFFFFFFF;
	p2 =	slt.u32 s8, $0xFFFFF086  }
0x1c: {  	p1 =	slt.u32 s9, $0xF7A;
	s5 =	simm.s32 @!p2 $0x0  }
0x1d: {  	s5 =	simm.s32 @p1 $0x1;
	p0 =	seq.s32 s7, s2  }
0x1e: {  	s7 =	smul.u32 @!p0 $0xF7A, s2;
	p2 =	seq.s32 @!p0 s5, $0x0  }
0x1f: {  	s9 =	smul.u32 $0xF7A, s1;
	s8 =	simm.s32 @!p0 $0x1BF5;
	p2 =	por !p2, p0  }
0x20: {  	[sflag:s8] =	ssyncset.s32 @!p0 $0xFFFFF086;
	s6 =	sadd.s32 @!p0 s3, s7;
	s7 =	simm.s32 @!p0 $0x108  }
0x21: {  	s3 =	sadd.s32 s3, s9;
	s6 =	sadd.s32 @!p0 $0x88, s6;
	s7 =	simm.s32 @p2 $0x1082  }
0x22: {  	[simem:s7], [sflag:s8] =	dma.local @!p0 [hbm:s6], $0xF7A  }
0x23: {  	s9 =	sor.u32 $0xD0000000, s2;
	s6 =	simm.s32 $0x108;
	_ =	swait.ge @!p0 [sflag:s8], $0x0  }
0x24: {  	s3 =	sadd.s32 $0x88, s3;
	s6 =	simm.s32 @!p1 $0x1082;
	[sflag:s4] =	ssyncset.s32 $0xFFFFF086  }
0x25: {  	[simem:s6], [sflag:s4] =	dma.local [hbm:s3], $0xF7A  }
0x26: {  	[smem:$0x3F9B] =	sst s1;
	(tag) =	ssettag s2;
	_ =	strace s9  }
0x27: {  	s1 =	sld [smem:$0x3FAB]  }
0x28: {  	s2 =	sld [smem:$0x3FAC]  }
0x29: {  	s4 =	sld [smem:$0x3FAE]  }
0x2a: {  	p0 =	seq.s32 s5, $0x0;
	s5 =	sld [smem:$0x3FAF]  }
0x2b: {  	s6 =	sld [smem:$0x3FB0]  }
0x2c: {  	s7 =	sld [smem:$0x3FB1]  }
0x2d: {  	s3 =	simm.s32 $0x108;
	s8 =	sld [smem:$0x3FB2]  }
0x2e: {  	s3 =	simm.s32 @!p0 $0x1082;
	s9 =	sld [smem:$0x3FB3]  }
0x2f: {  	lr =	sadd.s32 s0, s3;
	s0 =	sld [smem:$0x3FAA]  }
0x30: {  	s3 =	sld [smem:$0x3FAD]  }
0x31: {  	[smem:$0x3FB6] =	sst s10  }
0x32: {  	s10 =	sld [smem:$0x3FB4];
	_ =	sdelay $0x3  }
0x33: {  	p0 =	seq.s32 s10, $0x1;
	s10 =	sld [smem:$0x3FB6];
	_ =	sdelay $0x3  }
0x34: {  	[smem:$0x3FB6] =	sst s10  }
0x35: {  	s10 =	sld [smem:$0x3FB5];
	_ =	sdelay $0x3  }
0x36: {  	p1 =	seq.s32 s10, $0x1;
	s10 =	sld [smem:$0x3FB6];
	_ =	sdelay $0x3  }
0x37: {  	[smem:$0x3FB6] =	sst s10  }
0x38: {  	s10 =	sld [smem:$0x3FB7]  }
0x39: {  	_ = 	snop;
	(pc) =	sbr.ind lr, $3  }
0x3a: {  	_ = 	snop  }
0x3b: {  	_ = 	snop  }
0x3c: {  	p2 =	seq.s32 s10, $0x1;
	s10 =	sld [smem:$0x3FB6]  }
0x3d: {  	_ =	shalt  }
0x3e: {  	_ =	shalt  }
0x3f: {  	_ =	shalt  }
0x40: {  	_ =	shalt  }
0x41: {  	_ =	shalt  }
0x42: {  	_ =	shalt  }
0x43: {  	_ =	shalt  }
0x44: {  	_ =	shalt  }
0x45: {  	_ =	shalt  }
0x46: {  	_ =	shalt  }
0x47: {  	_ =	shalt  }
0x48: {  	_ =	shalt  }
0x49: {  	_ =	shalt  }
0x4a: {  	_ =	shalt  }
0x4b: {  	_ =	shalt  }
0x4c: {  	_ =	shalt  }
0x4d: {  	_ =	shalt  }
0x4e: {  	_ =	shalt  }
0x4f: {  	_ =	shalt  }
0x50: {  	_ =	shalt  }
0x51: {  	_ =	shalt  }
0x52: {  	_ =	shalt  }
0x53: {  	_ =	shalt  }
0x54: {  	_ =	shalt  }
0x55: {  	_ =	shalt  }
0x56: {  	_ =	shalt  }
0x57: {  	_ =	shalt  }
0x58: {  	_ =	shalt  }
0x59: {  	_ =	shalt  }
0x5a: {  	_ =	shalt  }
0x5b: {  	_ =	shalt  }
0x5c: {  	_ =	shalt  }
0x5d: {  	_ =	shalt  }
0x5e: {  	_ =	shalt  }
0x5f: {  	_ =	shalt  }
0x60: {  	_ =	shalt  }
0x61: {  	_ =	shalt  }
0x62: {  	_ =	shalt  }
0x63: {  	_ =	shalt  }
0x64: {  	_ =	shalt  }
0x65: {  	_ =	shalt  }
0x66: {  	_ =	shalt  }
0x67: {  	_ =	shalt  }
0x68: {  	_ =	shalt  }
0x69: {  	_ =	shalt  }
0x6a: {  	_ =	shalt  }
0x6b: {  	_ =	shalt  }
0x6c: {  	_ =	shalt  }
0x6d: {  	_ =	shalt  }
0x6e: {  	_ =	shalt  }
0x6f: {  	_ =	shalt  }
0x70: {  	_ =	shalt  }
0x71: {  	_ =	shalt  }
0x72: {  	_ =	shalt  }
0x73: {  	_ =	shalt  }
0x74: {  	_ =	shalt  }
0x75: {  	_ =	shalt  }
0x76: {  	_ =	shalt  }
0x77: {  	_ =	shalt  }
0x78: {  	_ =	shalt  }
0x79: {  	_ =	shalt  }
0x7a: {  	_ =	shalt  }
0x7b: {  	_ =	shalt  }
0x7c: {  	_ =	shalt  }
0x7d: {  	_ =	shalt  }
0x7e: {  	_ =	shalt  }
0x7f: {  	_ =	shalt  }
0x80: {  	_ =	shalt  }
0x81: {  	_ =	shalt  }
0x82: {  	_ =	shalt  }
0x83: {  	_ =	shalt  }
0x84: {  	_ =	shalt  }
0x85: {  	_ =	shalt  }
0x86: {  	_ =	shalt  }
0x87: {  	_ =	shalt  }
.Lfunc_end0:
.L_simem_size_0:
called_computation.1_lowered:
.L_overlay_start_0:
0x88: {  	s2 =	sld [smem:$0x3FD9]  }
0x89: {  	s3 =	sld [smem:$0x3FFE];
	_ =	sdelay $0x1  }
0x8a: {  	s1 =	srdreg.scid  }
0x8b: {  	s0 =	sand.u32 $0x1, s1  }
0x8c: {  	s15 =	sshll.u32 s0, $0xA;
	s2 =	sadd.s32 s3, s2  }
0x8d: {  	s2 =	sadd.s32 s2, s15  }
0x8e: {  	[smem:$0x3FC2] =	sst s2  }
0x8f: {  	_ = 	snop  }
0x90: {  	s2 =	sld [smem:$0x3FD0];
	_ =	sdelay $0x2  }
0x91: {  	s4 =	simm.s32 $0xB;
	s16 =	simm.s32 $0x10  }
0x92: {  	[smem:s16], [sflag:s4] =	dma.local [hbm:s2], $0x1  }
0x93: {  	_ =	swait.eq [sflag:s4], $0x1  }
0x94: {  	[sflag:s4] =	ssyncset.done $0x0  }
0x95: {  	s17 =	sld [smem:$0x10];
	[sflag:s4] =	ssyncadd.s32 $0xFFFFFFFF  }
0x96: {  	s18 =	sld [smem:$0x11];
	(tm) =	ssettm $0x1  }
0x97: {  	s19 =	sld [smem:$0x3FFB];
	_ =	sdelay $0x3  }
0x98: {  	_ =	strace s19  }
0x99: {  	s2 =	sld [smem:$0x3FFC];
	_ =	sdelay $0x3  }
0x9a: {  	_ =	strace s2  }
0x9b: {  	s2 =	sld [smem:$0x3FFD];
	_ =	sdelay $0x3  }
0x9c: {  	_ =	strace s2  }
0x9d: {  	_ =	strace $0x8FFFFFFF  }
0x9e: {  	s20 =	sld [smem:$0x3FDB];
	_ =	sdelay $0x1  }
0x9f: {  	s5 =	simm.s32 $_scs_section_size  }
0xa0: {  	s6 =	simm.s32 $_size__tile_overlayer_lowered;
	s7 =	simm.s32 $_tile_overlayer_lowered  }
0xa1: {  	s8 =	simm.s32 $0x1BFF;
	s21 =	sshll.u32 s7, $0x1;
	s5 =	sadd.s32 s5, s20  }
0xa2: {  	s22 =	simm.s32 $0x0;
	s6 =	sshll.u32 s6, $0x1;
	s7 =	sadd.s32 s21, s5  }
0xa3: {  	[timem:s22], [sflag:s8] =	dma.local [hbm:s7], s6  }
0xa4: {  	_ =	swait.ge [sflag:s8], s6  }
0xa5: {  	s6 =	ssub.s32 $0x0, s6;
	[sflag:s8] =	ssyncset.done $0x0  }
0xa6: {  	[sflag:s8] =	ssyncadd.s32 s6;
	_ =	sdelay $0x1  }
0xa7: {  	s23 =	simm.s32 $0x1B8B  }
0xa8: {  	_ =	swait.ge [sflag:s23], $0x1  }
0xa9: {  	[sflag:s23] =	ssyncset.done $0x0  }
0xaa: {  	[sflag:s23] =	ssyncadd.s32 $0xFFFFFFFF  }
0xab: {  	s6 =	sld [smem:$0x0]  }
0xac: {  	s7 =	sand.u32 $0xFFFFFFFE, s1  }
0xad: {  	p0 =	sne.s32 s1, s7  }
0xae: {  	s7 =	sshll.u32 @p0 s7, $0xE  }
0xaf: {  	s7 =	sadd.s32 @p0 $0x11B8D, s7;
	s8 =	sshll.u32 @p0 s6, $0x11  }
0xb0: {  	s7 =	sor.u32 @p0 s8, s7  }
0xb1: {  	[sflag:s7] =	ssyncadd.remote.s32 @p0 $0x1;
	_ =	sdelay $0x1  }
0xb2: {  	s7 =	simm.s32 @p0 $0x1B8D  }
0xb3: {  	_ =	swait.eq @p0 [sflag:s7], $0x1  }
0xb4: {  	[sflag:s7] =	ssyncadd.s32 @p0 $0xFFFFFFFF  }
0xb5: {  	s8 =	sshll.u32 @!p0 s1, $0xE  }
0xb6: {  	s8 =	sor.u32 @!p0 $0x4000, s8;
	s7 =	simm.s32 @!p0 $0x1B8D  }
0xb7: {  	s6 =	sshll.u32 @!p0 s6, $0x11;
	s8 =	sadd.s32 @!p0 $0x11B8D, s8;
	_ =	swait.eq @!p0 [sflag:s7], $0x1  }
0xb8: {  	s6 =	sor.u32 @!p0 s6, s8;
	[sflag:s7] =	ssyncadd.s32 @!p0 $0xFFFFFFFF  }
0xb9: {  	s25 =	simm.s32 $0x1B8E;
	s24 =	sld [smem:$0x3FFE];
	[sflag:s6] =	ssyncadd.remote.s32 @!p0 $0x1  }
0xba: {  	s26 =	simm.s32 $execute0_lowered;
	[smem:$0x3FD2] =	sst s25  }
0xbb: {  	s7 =	sshll.u32 s26, $0x1;
	_ =	strace $0x80000049;
	[dreg:$0x1] =	wrdreg $0xFFFFFFFF  }
0xbc: {  	s28 =	simm.s32 $_size_execute0_lowered;
	s5 =	sadd.s32 s5, s7;
	[dreg:$0x0] =	wrdreg $0x0  }
0xbd: {  	s7 =	sshll.u32 s28, $0x1;
	[dreg:$0x2] =	wrdreg s5  }
0xbe: {  	[dreg:$0x3] =	wrdreg s7  }
0xbf: {  	[dreg:$0x4] =	wrdreg $0xC0  }
0xc0: {  	_ =	task [dreg:s22], $0x5FFFF  }
0xc1: {  	[dreg:$0x1] =	wrdreg $0xFFFFFFFF  }
0xc2: {  	[dreg:$0x0] =	wrdreg $0x60  }
0xc3: {  	[dreg:$0x2] =	wrdreg s24  }
0xc4: {  	[dreg:$0x3] =	wrdreg s18  }
0xc5: {  	[dreg:$0x4] =	wrdreg s17  }
0xc6: {  	[dreg:$0x5] =	wrdreg $0xA  }
0xc7: {  	_ =	task.clear_ibuf [dreg:s22], $0x6FFFF;
	_ =	strace $0x90000049  }
0xc8: {  	s29 =	simm.s32 $0xA;
	_ =	strace $0x8000004B  }
0xc9: {  	_ =	swait.ge [sflag:s29], $0x1  }
0xca: {  	[sflag:s29] =	ssyncadd.s32 $0xFFFFFFFF  }
0xcb: {  	_ =	strace $0x9000004B  }
0xcc: {  	_ =	sfence  }
0xcd: {  	s30 =	sld [smem:$0x0];
	_ =	sdelay $0x2  }
0xce: {  	s31 =	sshll.u32 s1, $0xD;
	s1 =	sshrl.u32 s1, $0x2  }
0xcf: {  	s4 =	sand.u32 $0x4000, s31;
	s1 =	sadd.s32 s1, s30  }
0xd0: {  	s0 =	sor.u32 s4, s0;
	s1 =	sshll.u32 s1, $0x11  }
0xd1: {  	s0 =	sor.u32 s1, s0  }
0xd2: {  	s0 =	sadd.s32 $0x8F2B, s0  }
0xd3: {  	[sflag:s0] =	ssyncadd.remote.s32 $0x1  }
0xd4: {  	_ =	sfence.sel $0xFFFF  }
0xd5: {  	[dreg:$0x0] =	wrdreg $0xFFFFFFFF;
	(pc) =	sbr.abs _section_cstart, $3  }
0xd6: {  	[dreg:$0x1] =	wrdreg $0xFFFFFFFF  }
0xd7: {  	_ =	task.clear_ibuf [dreg:s22], $0x2FFFF;
	_ =	strace $0x9FFFFFFF  }
0xd8: {  	(tm) =	ssettm $0x7FFFFFFF  }
0xd9: {  	_ =	shalt  }
tec
execute0_lowered:
.L_overlay_start_1:
0x0: {  	(tag) =	ssettag $0x1  }
0x1: {  	s0 =	rddreg [dreg:$0x0]  }
0x2: {  	s1 =	rddreg [dreg:$0x1]  }
0x3: {  	s3 =	simm.s32 $0x0;
	s2 =	srdreg.scid;
	s6 =	stileid.u32  }
0x4: {  	s11 =	simm.s32 $0x2;
	s12 =	simm.s32 $0x900;
	s13 =	simm.s32 $0x10D0  }
0x5: {  	s14 =	simm.s32 $0x18A0;
	s15 =	simm.s32 $0x50;
	s16 =	simm.s32 $0x5720  }
0x6: {  	s28 =	simm.s32 $0xD420;
	s10 =	simm.s32 $0x17B0;
	s17 =	simm.s32 $0x1800  }
0x7: {  	s18 =	simm.s32 $0x14720;
	s19 =	simm.s32 $0x1850;
	s20 =	simm.s32 $0x14C20  }
0x8: {  	s21 =	simm.s32 $0x1;
	s22 =	simm.s32 $0x15120;
	s23 =	simm.s32 $0x1CE20  }
0x9: {  	s25 =	simm.s32 $0x0;
	[smem:$0x7FF] =	sst s3;
	s5 =	sadd.s32 $0x496600, s0  }
0xa: {  	s2 =	sand.u32 $0x1, s2;
	s4 =	sadd.s32 $0x4C7400, s0;
	s6 =	sshll.u32 s6, $0x1  }
0xb: {  	s7 =	sadd.s32 $0x189200, s0;
	s8 =	sadd.s32 $0x4C7600, s0;
	s30 =	ssub.s32 $0x2, s2  }
0xc: {  	_ =	strace $0x8000004A;
	[dreg:$0x4] =	wrdreg s4;
	s9 =	sshrl.u32 s30, $0x1  }
0xd: {  	s2 =	sor.u32 s2, s6;
	s4 =	simm.s32 $0x1760;
	s31 =	ssub.s32 s30, s9  }
0xe: {  	s6 =	simm.s32 $0x13D20;
	s9 =	smul.u32 $0x186A0, s2;
	s0 =	smax.u32 s31, $0x1  }
0xf: {  	v0 =	vlaneseq.u32;
	s2 =	simm.s32 $0x14220;
	[dreg:$0x5] =	wrdreg s0;
	s0 =	simm.s32 $0x13820  }
.LBB2_1:
0x10: {  	[dreg:$0x6] =	wrdreg s25  }
0x11: {  	s24 =	rddreg [dreg:$0x4]  }
0x12: {  	[tilespmem:s3], [sflag:$0x2] =	stream.linear.gather [hbm4b:s24+s3], $0x900, $0x38;
	[tilespmem:$0x1D5F0] =	vst v63  }
0x13: {  	_ =	swait.ge [sflag:s11], $0x900  }
0x14: {  	[sflag:s11] =	ssyncset.done $0x0  }
0x15: {  	s24 =	simm.s32 $0x0;
	[sflag:s11] =	ssyncadd.s32 $0xFFFFF700  }
.LBB2_2:
0x16: {  	s25 =	smul.u32 $0x7D0, s24;
	_ =	sdelay $0x1  }
0x17: {  	s25 =	sadd.s32 s9, s25  }
0x18: {  	s26 =	smulhi.u32 $0xCCCCCCCD, s25;
	_ =	sdelay $0x1  }
0x19: {  	s29 =	sshrl.u32 s26, $0x6  }
0x1a: {  	s26 =	smul.u32 $0xA, s29;
	_ =	sdelay $0x1  }
0x1b: {  	s31 =	simm.s32 $0x0;
	s29 =	smul.u32 $0x50, s29;
	s30 =	sadd.s32 s1, s26  }
0x1c: {  	[tilespmem:s12], [sflag:$0x2] =	stream.linear.gather [hbm4b:s30+s31], $0x7D0, $0x38;
	[tilespmem:$0x1D5F0] =	vst v63  }
0x1d: {  	s29 =	sshrl.u32 s29, $0x3;
	_ =	swait.ge [sflag:s11], $0x7D0  }
0x1e: {  	s29 =	sadd.s32 s1, s29;
	[sflag:s11] =	ssyncset.done $0x0  }
0x1f: {  	s29 =	sadd.s32 $0x61A80, s29;
	[sflag:s11] =	ssyncadd.s32 $0xFFFFF830  }
0x20: {  	[tilespmem:s13], [sflag:$0x2] =	stream.linear.gather [hbm4b:s29+s31], $0x7D0, $0x38;
	[tilespmem:$0x1D5F0] =	vst v63  }
0x21: {  	_ =	swait.ge [sflag:s11], $0x7D0  }
0x22: {  	[sflag:s11] =	ssyncset.done $0x0  }
0x23: {  	s29 =	sadd.s32 s7, s25;
	[sflag:s11] =	ssyncadd.s32 $0xFFFFF830  }
0x24: {  	[tilespmem:s14], [sflag:$0x2] =	stream.linear.gather [hbm4b:s29+s31], $0x3E80, $0x38;
	[tilespmem:$0x1D5F0] =	vst v63  }
0x25: {  	_ =	swait.ge [sflag:s11], $0x3E80  }
0x26: {  	[sflag:s11] =	ssyncset.done $0x0  }
0x27: {  	[sflag:s11] =	ssyncadd.s32 $0xFFFFC180  }
0x28: {  	[tilespmem:s16], [sflag:$0x1] =	stream.indirect.gather [hbm4b:s5+s15], $0x10, s12, s15, $0xb8;
	[tilespmem:$0x1D5F0] =	vst v63  }
0x29: {  	s30 =	simm.s32 $0x5C20;
	s29 =	simm.s32 $0x950  }
0x2a: {  	[tilespmem:s30], [sflag:$0x1] =	stream.indirect.gather [hbm4b:s5+s15], $0x10, s29, s15, $0xb8;
	[tilespmem:$0x1D5F0] =	vst v63  }
0x2b: {  	s29 =	simm.s32 $0x9A0;
	s30 =	simm.s32 $0x6120  }
0x2c: {  	[tilespmem:s30], [sflag:$0x1] =	stream.indirect.gather [hbm4b:s5+s15], $0x10, s29, s15, $0xb8;
	[tilespmem:$0x1D5F0] =	vst v63  }
0x2d: {  	s29 =	simm.s32 $0x9F0;
	s30 =	simm.s32 $0x6620  }
0x2e: {  	[tilespmem:s30], [sflag:$0x1] =	stream.indirect.gather [hbm4b:s5+s15], $0x10, s29, s15, $0xb8;
	[tilespmem:$0x1D5F0] =	vst v63  }
0x2f: {  	s29 =	simm.s32 $0xA40;
	s30 =	simm.s32 $0x6B20  }
0x30: {  	[tilespmem:s30], [sflag:$0x1] =	stream.indirect.gather [hbm4b:s5+s15], $0x10, s29, s15, $0xb8;
	[tilespmem:$0x1D5F0] =	vst v63  }
0x31: {  	s29 =	simm.s32 $0xA90;
	s30 =	simm.s32 $0x7020  }
0x32: {  	[tilespmem:s30], [sflag:$0x1] =	stream.indirect.gather [hbm4b:s5+s15], $0x10, s29, s15, $0xb8;
	[tilespmem:$0x1D5F0] =	vst v63  }
0x33: {  	s29 =	simm.s32 $0xAE0;
	s30 =	simm.s32 $0x7520  }
0x34: {  	[tilespmem:s30], [sflag:$0x1] =	stream.indirect.gather [hbm4b:s5+s15], $0x10, s29, s15, $0xb8;
	[tilespmem:$0x1D5F0] =	vst v63  }
0x35: {  	s29 =	simm.s32 $0xB30;
	s30 =	simm.s32 $0x7A20  }
0x36: {  	[tilespmem:s30], [sflag:$0x1] =	stream.indirect.gather [hbm4b:s5+s15], $0x10, s29, s15, $0xb8;
	[tilespmem:$0x1D5F0] =	vst v63  }
0x37: {  	s29 =	simm.s32 $0xB80;
	s30 =	simm.s32 $0x7F20  }
0x38: {  	[tilespmem:s30], [sflag:$0x1] =	stream.indirect.gather [hbm4b:s5+s15], $0x10, s29, s15, $0xb8;
	[tilespmem:$0x1D5F0] =	vst v63  }
0x39: {  	s29 =	simm.s32 $0xBD0;
	s30 =	simm.s32 $0x8420  }
0x3a: {  	[tilespmem:s30], [sflag:$0x1] =	stream.indirect.gather [hbm4b:s5+s15], $0x10, s29, s15, $0xb8;
	[tilespmem:$0x1D5F0] =	vst v63  }
0x3b: {  	s29 =	simm.s32 $0xC20;
	s30 =	simm.s32 $0x8920  }
0x3c: {  	[tilespmem:s30], [sflag:$0x1] =	stream.indirect.gather [hbm4b:s5+s15], $0x10, s29, s15, $0xb8;
	[tilespmem:$0x1D5F0] =	vst v63  }
0x3d: {  	s29 =	simm.s32 $0xC70;
	s30 =	simm.s32 $0x8E20  }
0x3e: {  	[tilespmem:s30], [sflag:$0x1] =	stream.indirect.gather [hbm4b:s5+s15], $0x10, s29, s15, $0xb8;
	[tilespmem:$0x1D5F0] =	vst v63  }
0x3f: {  	s29 =	simm.s32 $0xCC0;
	s30 =	simm.s32 $0x9320  }
0x40: {  	[tilespmem:s30], [sflag:$0x1] =	stream.indirect.gather [hbm4b:s5+s15], $0x10, s29, s15, $0xb8;
	[tilespmem:$0x1D5F0] =	vst v63  }
0x41: {  	s29 =	simm.s32 $0xD10;
	s30 =	simm.s32 $0x9820  }
0x42: {  	[tilespmem:s30], [sflag:$0x1] =	stream.indirect.gather [hbm4b:s5+s15], $0x10, s29, s15, $0xb8;
	[tilespmem:$0x1D5F0] =	vst v63  }
0x43: {  	s29 =	simm.s32 $0xD60;
	s30 =	simm.s32 $0x9D20  }
0x44: {  	[tilespmem:s30], [sflag:$0x1] =	stream.indirect.gather [hbm4b:s5+s15], $0x10, s29, s15, $0xb8;
	[tilespmem:$0x1D5F0] =	vst v63  }
0x45: {  	s29 =	simm.s32 $0xDB0;
	s30 =	simm.s32 $0xA220  }
0x46: {  	[tilespmem:s30], [sflag:$0x1] =	stream.indirect.gather [hbm4b:s5+s15], $0x10, s29, s15, $0xb8;
	[tilespmem:$0x1D5F0] =	vst v63  }
0x47: {  	s29 =	simm.s32 $0xE00;
	s30 =	simm.s32 $0xA720  }
0x48: {  	[tilespmem:s30], [sflag:$0x1] =	stream.indirect.gather [hbm4b:s5+s15], $0x10, s29, s15, $0xb8;
	[tilespmem:$0x1D5F0] =	vst v63  }
0x49: {  	s29 =	simm.s32 $0xE50;
	s30 =	simm.s32 $0xAC20  }
0x4a: {  	[tilespmem:s30], [sflag:$0x1] =	stream.indirect.gather [hbm4b:s5+s15], $0x10, s29, s15, $0xb8;
	[tilespmem:$0x1D5F0] =	vst v63  }
0x4b: {  	s29 =	simm.s32 $0xEA0;
	s30 =	simm.s32 $0xB120  }
0x4c: {  	[tilespmem:s30], [sflag:$0x1] =	stream.indirect.gather [hbm4b:s5+s15], $0x10, s29, s15, $0xb8;
	[tilespmem:$0x1D5F0] =	vst v63  }
0x4d: {  	s29 =	simm.s32 $0xEF0;
	s30 =	simm.s32 $0xB620  }
0x4e: {  	[tilespmem:s30], [sflag:$0x1] =	stream.indirect.gather [hbm4b:s5+s15], $0x10, s29, s15, $0xb8;
	[tilespmem:$0x1D5F0] =	vst v63  }
0x4f: {  	s29 =	simm.s32 $0xF40;
	s30 =	simm.s32 $0xBB20  }
0x50: {  	[tilespmem:s30], [sflag:$0x1] =	stream.indirect.gather [hbm4b:s5+s15], $0x10, s29, s15, $0xb8;
	[tilespmem:$0x1D5F0] =	vst v63  }
0x51: {  	s29 =	simm.s32 $0xF90;
	s30 =	simm.s32 $0xC020  }
0x52: {  	[tilespmem:s30], [sflag:$0x1] =	stream.indirect.gather [hbm4b:s5+s15], $0x10, s29, s15, $0xb8;
	[tilespmem:$0x1D5F0] =	vst v63  }
0x53: {  	s29 =	simm.s32 $0xFE0;
	s30 =	simm.s32 $0xC520  }
0x54: {  	[tilespmem:s30], [sflag:$0x1] =	stream.indirect.gather [hbm4b:s5+s15], $0x10, s29, s15, $0xb8;
	[tilespmem:$0x1D5F0] =	vst v63  }
0x55: {  	s29 =	simm.s32 $0x1030;
	s30 =	simm.s32 $0xCA20  }
0x56: {  	[tilespmem:s30], [sflag:$0x1] =	stream.indirect.gather [hbm4b:s5+s15], $0x10, s29, s15, $0xb8;
	[tilespmem:$0x1D5F0] =	vst v63  }
0x57: {  	s29 =	simm.s32 $0x1080;
	s30 =	simm.s32 $0xCF20  }
0x58: {  	[tilespmem:s30], [sflag:$0x1] =	stream.indirect.gather [hbm4b:s5+s15], $0x10, s29, s15, $0xb8;
	[tilespmem:$0x1D5F0] =	vst v63  }
0x59: {  	_ = 	snop  }
0x5a: {  	[tilespmem:s28], [sflag:$0x1] =	stream.indirect.gather [hbm4b:s5+s15], $0x10, s13, s15, $0xb8;
	[tilespmem:$0x1D5F0] =	vst v63  }
0x5b: {  	s29 =	simm.s32 $0x1120;
	s30 =	simm.s32 $0xD920  }
0x5c: {  	[tilespmem:s30], [sflag:$0x1] =	stream.indirect.gather [hbm4b:s5+s15], $0x10, s29, s15, $0xb8;
	[tilespmem:$0x1D5F0] =	vst v63  }
0x5d: {  	s29 =	simm.s32 $0x1170;
	s30 =	simm.s32 $0xDE20  }
0x5e: {  	[tilespmem:s30], [sflag:$0x1] =	stream.indirect.gather [hbm4b:s5+s15], $0x10, s29, s15, $0xb8;
	[tilespmem:$0x1D5F0] =	vst v63  }
0x5f: {  	s29 =	simm.s32 $0x11C0;
	s30 =	simm.s32 $0xE320  }
0x60: {  	[tilespmem:s30], [sflag:$0x1] =	stream.indirect.gather [hbm4b:s5+s15], $0x10, s29, s15, $0xb8;
	[tilespmem:$0x1D5F0] =	vst v63  }
0x61: {  	s29 =	simm.s32 $0x1210;
	s30 =	simm.s32 $0xE820  }
0x62: {  	[tilespmem:s30], [sflag:$0x1] =	stream.indirect.gather [hbm4b:s5+s15], $0x10, s29, s15, $0xb8;
	[tilespmem:$0x1D5F0] =	vst v63  }
0x63: {  	s29 =	simm.s32 $0x1260;
	s30 =	simm.s32 $0xED20  }
0x64: {  	[tilespmem:s30], [sflag:$0x1] =	stream.indirect.gather [hbm4b:s5+s15], $0x10, s29, s15, $0xb8;
	[tilespmem:$0x1D5F0] =	vst v63  }
0x65: {  	s29 =	simm.s32 $0x12B0;
	s30 =	simm.s32 $0xF220  }
0x66: {  	[tilespmem:s30], [sflag:$0x1] =	stream.indirect.gather [hbm4b:s5+s15], $0x10, s29, s15, $0xb8;
	[tilespmem:$0x1D5F0] =	vst v63  }
0x67: {  	s29 =	simm.s32 $0x1300;
	s30 =	simm.s32 $0xF720  }
0x68: {  	[tilespmem:s30], [sflag:$0x1] =	stream.indirect.gather [hbm4b:s5+s15], $0x10, s29, s15, $0xb8;
	[tilespmem:$0x1D5F0] =	vst v63  }
0x69: {  	s29 =	simm.s32 $0x1350;
	s30 =	simm.s32 $0xFC20  }
0x6a: {  	[tilespmem:s30], [sflag:$0x1] =	stream.indirect.gather [hbm4b:s5+s15], $0x10, s29, s15, $0xb8;
	[tilespmem:$0x1D5F0] =	vst v63  }
0x6b: {  	s29 =	simm.s32 $0x13A0;
	s30 =	simm.s32 $0x10120  }
0x6c: {  	[tilespmem:s30], [sflag:$0x1] =	stream.indirect.gather [hbm4b:s5+s15], $0x10, s29, s15, $0xb8;
	[tilespmem:$0x1D5F0] =	vst v63  }
0x6d: {  	s29 =	simm.s32 $0x13F0;
	s30 =	simm.s32 $0x10620  }
0x6e: {  	[tilespmem:s30], [sflag:$0x1] =	stream.indirect.gather [hbm4b:s5+s15], $0x10, s29, s15, $0xb8;
	[tilespmem:$0x1D5F0] =	vst v63  }
0x6f: {  	s29 =	simm.s32 $0x1440;
	s30 =	simm.s32 $0x10B20  }
0x70: {  	[tilespmem:s30], [sflag:$0x1] =	stream.indirect.gather [hbm4b:s5+s15], $0x10, s29, s15, $0xb8;
	[tilespmem:$0x1D5F0] =	vst v63  }
0x71: {  	s29 =	simm.s32 $0x1490;
	s30 =	simm.s32 $0x11020  }
0x72: {  	[tilespmem:s30], [sflag:$0x1] =	stream.indirect.gather [hbm4b:s5+s15], $0x10, s29, s15, $0xb8;
	[tilespmem:$0x1D5F0] =	vst v63  }
0x73: {  	s29 =	simm.s32 $0x14E0;
	s30 =	simm.s32 $0x11520  }
0x74: {  	[tilespmem:s30], [sflag:$0x1] =	stream.indirect.gather [hbm4b:s5+s15], $0x10, s29, s15, $0xb8;
	[tilespmem:$0x1D5F0] =	vst v63  }
0x75: {  	s29 =	simm.s32 $0x1530;
	s30 =	simm.s32 $0x11A20  }
0x76: {  	[tilespmem:s30], [sflag:$0x1] =	stream.indirect.gather [hbm4b:s5+s15], $0x10, s29, s15, $0xb8;
	[tilespmem:$0x1D5F0] =	vst v63  }
0x77: {  	s29 =	simm.s32 $0x1580;
	s30 =	simm.s32 $0x11F20  }
0x78: {  	[tilespmem:s30], [sflag:$0x1] =	stream.indirect.gather [hbm4b:s5+s15], $0x10, s29, s15, $0xb8;
	[tilespmem:$0x1D5F0] =	vst v63  }
0x79: {  	s29 =	simm.s32 $0x15D0;
	s30 =	simm.s32 $0x12420  }
0x7a: {  	[tilespmem:s30], [sflag:$0x1] =	stream.indirect.gather [hbm4b:s5+s15], $0x10, s29, s15, $0xb8;
	[tilespmem:$0x1D5F0] =	vst v63  }
0x7b: {  	s29 =	simm.s32 $0x1620;
	s30 =	simm.s32 $0x12920  }
0x7c: {  	[tilespmem:s30], [sflag:$0x1] =	stream.indirect.gather [hbm4b:s5+s15], $0x10, s29, s15, $0xb8;
	[tilespmem:$0x1D5F0] =	vst v63  }
0x7d: {  	s29 =	simm.s32 $0x1670;
	s30 =	simm.s32 $0x12E20  }
0x7e: {  	[tilespmem:s30], [sflag:$0x1] =	stream.indirect.gather [hbm4b:s5+s15], $0x10, s29, s15, $0xb8;
	[tilespmem:$0x1D5F0] =	vst v63  }
0x7f: {  	s29 =	simm.s32 $0x16C0;
	s30 =	simm.s32 $0x13320  }
0x80: {  	[tilespmem:s30], [sflag:$0x1] =	stream.indirect.gather [hbm4b:s5+s15], $0x10, s29, s15, $0xb8;
	[tilespmem:$0x1D5F0] =	vst v63  }
0x81: {  	s29 =	simm.s32 $0x1710  }
0x82: {  	[tilespmem:s0], [sflag:$0x1] =	stream.indirect.gather [hbm4b:s5+s15], $0x10, s29, s15, $0xb8;
	[tilespmem:$0x1D5F0] =	vst v63  }
0x83: {  	_ = 	snop  }
0x84: {  	[tilespmem:s6], [sflag:$0x1] =	stream.indirect.gather [hbm4b:s5+s15], $0x10, s4, s15, $0xb8;
	[tilespmem:$0x1D5F0] =	vst v63  }
0x85: {  	_ = 	snop  }
0x86: {  	[tilespmem:s2], [sflag:$0x1] =	stream.indirect.gather [hbm4b:s5+s15], $0x10, s10, s15, $0xb8;
	[tilespmem:$0x1D5F0] =	vst v63  }
0x87: {  	_ = 	snop  }
0x88: {  	[tilespmem:s18], [sflag:$0x1] =	stream.indirect.gather [hbm4b:s5+s15], $0x10, s17, s15, $0xb8;
	[tilespmem:$0x1D5F0] =	vst v63  }
0x89: {  	_ = 	snop  }
0x8a: {  	[tilespmem:s20], [sflag:$0x1] =	stream.indirect.gather [hbm4b:s5+s15], $0x10, s19, s15, $0xb8;
	[tilespmem:$0x1D5F0] =	vst v63  }
0x8b: {  	_ =	swait.ge [sflag:s21], $0x500  }
0x8c: {  	[sflag:s21] =	ssyncset.done $0x0  }
0x8d: {  	[sflag:s21] =	ssyncadd.s32 $0xFFFFFB00  }
0x8e: {  	_ =	swait.ge [sflag:s21], $0x500  }
0x8f: {  	[sflag:s21] =	ssyncset.done $0x0  }
0x90: {  	[sflag:s21] =	ssyncadd.s32 $0xFFFFFB00  }
0x91: {  	_ =	swait.ge [sflag:s21], $0x500  }
0x92: {  	[sflag:s21] =	ssyncset.done $0x0  }
0x93: {  	[sflag:s21] =	ssyncadd.s32 $0xFFFFFB00  }
0x94: {  	_ =	swait.ge [sflag:s21], $0x500  }
0x95: {  	[sflag:s21] =	ssyncset.done $0x0  }
0x96: {  	[sflag:s21] =	ssyncadd.s32 $0xFFFFFB00  }
0x97: {  	_ =	swait.ge [sflag:s21], $0x500  }
0x98: {  	[sflag:s21] =	ssyncset.done $0x0  }
0x99: {  	[sflag:s21] =	ssyncadd.s32 $0xFFFFFB00  }
0x9a: {  	_ =	swait.ge [sflag:s21], $0x500  }
0x9b: {  	[sflag:s21] =	ssyncset.done $0x0  }
0x9c: {  	[sflag:s21] =	ssyncadd.s32 $0xFFFFFB00  }
0x9d: {  	_ =	swait.ge [sflag:s21], $0x500  }
0x9e: {  	[sflag:s21] =	ssyncset.done $0x0  }
0x9f: {  	[sflag:s21] =	ssyncadd.s32 $0xFFFFFB00  }
0xa0: {  	_ =	swait.ge [sflag:s21], $0x500  }
0xa1: {  	[sflag:s21] =	ssyncset.done $0x0  }
0xa2: {  	[sflag:s21] =	ssyncadd.s32 $0xFFFFFB00  }
0xa3: {  	_ =	swait.ge [sflag:s21], $0x500  }
0xa4: {  	[sflag:s21] =	ssyncset.done $0x0  }
0xa5: {  	[sflag:s21] =	ssyncadd.s32 $0xFFFFFB00  }
0xa6: {  	_ =	swait.ge [sflag:s21], $0x500  }
0xa7: {  	[sflag:s21] =	ssyncset.done $0x0  }
0xa8: {  	[sflag:s21] =	ssyncadd.s32 $0xFFFFFB00  }
0xa9: {  	_ =	swait.ge [sflag:s21], $0x500  }
0xaa: {  	[sflag:s21] =	ssyncset.done $0x0  }
0xab: {  	[sflag:s21] =	ssyncadd.s32 $0xFFFFFB00  }
0xac: {  	_ =	swait.ge [sflag:s21], $0x500  }
0xad: {  	[sflag:s21] =	ssyncset.done $0x0  }
0xae: {  	[sflag:s21] =	ssyncadd.s32 $0xFFFFFB00  }
0xaf: {  	_ =	swait.ge [sflag:s21], $0x500  }
0xb0: {  	[sflag:s21] =	ssyncset.done $0x0  }
0xb1: {  	[sflag:s21] =	ssyncadd.s32 $0xFFFFFB00  }
0xb2: {  	_ =	swait.ge [sflag:s21], $0x500  }
0xb3: {  	[sflag:s21] =	ssyncset.done $0x0  }
0xb4: {  	[sflag:s21] =	ssyncadd.s32 $0xFFFFFB00  }
0xb5: {  	_ =	swait.ge [sflag:s21], $0x500  }
0xb6: {  	[sflag:s21] =	ssyncset.done $0x0  }
0xb7: {  	[sflag:s21] =	ssyncadd.s32 $0xFFFFFB00  }
0xb8: {  	_ =	swait.ge [sflag:s21], $0x500  }
0xb9: {  	[sflag:s21] =	ssyncset.done $0x0  }
0xba: {  	[sflag:s21] =	ssyncadd.s32 $0xFFFFFB00  }
0xbb: {  	_ =	swait.ge [sflag:s21], $0x500  }
0xbc: {  	[sflag:s21] =	ssyncset.done $0x0  }
0xbd: {  	[sflag:s21] =	ssyncadd.s32 $0xFFFFFB00  }
0xbe: {  	_ =	swait.ge [sflag:s21], $0x500  }
0xbf: {  	[sflag:s21] =	ssyncset.done $0x0  }
0xc0: {  	[sflag:s21] =	ssyncadd.s32 $0xFFFFFB00  }
0xc1: {  	_ =	swait.ge [sflag:s21], $0x500  }
0xc2: {  	[sflag:s21] =	ssyncset.done $0x0  }
0xc3: {  	[sflag:s21] =	ssyncadd.s32 $0xFFFFFB00  }
0xc4: {  	_ =	swait.ge [sflag:s21], $0x500  }
0xc5: {  	[sflag:s21] =	ssyncset.done $0x0  }
0xc6: {  	[sflag:s21] =	ssyncadd.s32 $0xFFFFFB00  }
0xc7: {  	_ =	swait.ge [sflag:s21], $0x500  }
0xc8: {  	[sflag:s21] =	ssyncset.done $0x0  }
0xc9: {  	[sflag:s21] =	ssyncadd.s32 $0xFFFFFB00  }
0xca: {  	_ =	swait.ge [sflag:s21], $0x500  }
0xcb: {  	[sflag:s21] =	ssyncset.done $0x0  }
0xcc: {  	[sflag:s21] =	ssyncadd.s32 $0xFFFFFB00  }
0xcd: {  	_ =	swait.ge [sflag:s21], $0x500  }
0xce: {  	[sflag:s21] =	ssyncset.done $0x0  }
0xcf: {  	[sflag:s21] =	ssyncadd.s32 $0xFFFFFB00  }
0xd0: {  	_ =	swait.ge [sflag:s21], $0x500  }
0xd1: {  	[sflag:s21] =	ssyncset.done $0x0  }
0xd2: {  	[sflag:s21] =	ssyncadd.s32 $0xFFFFFB00  }
0xd3: {  	_ =	swait.ge [sflag:s21], $0x500  }
0xd4: {  	[sflag:s21] =	ssyncset.done $0x0  }
0xd5: {  	[sflag:s21] =	ssyncadd.s32 $0xFFFFFB00  }
0xd6: {  	_ =	swait.ge [sflag:s21], $0x500  }
0xd7: {  	[sflag:s21] =	ssyncset.done $0x0  }
0xd8: {  	[sflag:s21] =	ssyncadd.s32 $0xFFFFFB00  }
0xd9: {  	_ =	swait.ge [sflag:s21], $0x500  }
0xda: {  	[sflag:s21] =	ssyncset.done $0x0  }
0xdb: {  	[sflag:s21] =	ssyncadd.s32 $0xFFFFFB00  }
0xdc: {  	_ =	swait.ge [sflag:s21], $0x500  }
0xdd: {  	[sflag:s21] =	ssyncset.done $0x0  }
0xde: {  	[sflag:s21] =	ssyncadd.s32 $0xFFFFFB00  }
0xdf: {  	_ =	swait.ge [sflag:s21], $0x500  }
0xe0: {  	[sflag:s21] =	ssyncset.done $0x0  }
0xe1: {  	[sflag:s21] =	ssyncadd.s32 $0xFFFFFB00  }
0xe2: {  	_ =	swait.ge [sflag:s21], $0x500  }
0xe3: {  	[sflag:s21] =	ssyncset.done $0x0  }
0xe4: {  	[sflag:s21] =	ssyncadd.s32 $0xFFFFFB00  }
0xe5: {  	_ =	swait.ge [sflag:s21], $0x500  }
0xe6: {  	[sflag:s21] =	ssyncset.done $0x0  }
0xe7: {  	[sflag:s21] =	ssyncadd.s32 $0xFFFFFB00  }
0xe8: {  	_ =	swait.ge [sflag:s21], $0x500  }
0xe9: {  	[sflag:s21] =	ssyncset.done $0x0  }
0xea: {  	[sflag:s21] =	ssyncadd.s32 $0xFFFFFB00  }
0xeb: {  	_ =	swait.ge [sflag:s21], $0x500  }
0xec: {  	[sflag:s21] =	ssyncset.done $0x0  }
0xed: {  	[sflag:s21] =	ssyncadd.s32 $0xFFFFFB00  }
0xee: {  	_ =	swait.ge [sflag:s21], $0x500  }
0xef: {  	[sflag:s21] =	ssyncset.done $0x0  }
0xf0: {  	[sflag:s21] =	ssyncadd.s32 $0xFFFFFB00  }
0xf1: {  	_ =	swait.ge [sflag:s21], $0x500  }
0xf2: {  	[sflag:s21] =	ssyncset.done $0x0  }
0xf3: {  	[sflag:s21] =	ssyncadd.s32 $0xFFFFFB00  }
0xf4: {  	_ =	swait.ge [sflag:s21], $0x500  }
0xf5: {  	[sflag:s21] =	ssyncset.done $0x0  }
0xf6: {  	[sflag:s21] =	ssyncadd.s32 $0xFFFFFB00  }
0xf7: {  	_ =	swait.ge [sflag:s21], $0x500  }
0xf8: {  	[sflag:s21] =	ssyncset.done $0x0  }
0xf9: {  	[sflag:s21] =	ssyncadd.s32 $0xFFFFFB00  }
0xfa: {  	_ =	swait.ge [sflag:s21], $0x500  }
0xfb: {  	[sflag:s21] =	ssyncset.done $0x0  }
0xfc: {  	[sflag:s21] =	ssyncadd.s32 $0xFFFFFB00  }
0xfd: {  	_ =	swait.ge [sflag:s21], $0x500  }
0xfe: {  	[sflag:s21] =	ssyncset.done $0x0  }
0xff: {  	[sflag:s21] =	ssyncadd.s32 $0xFFFFFB00  }
0x100: {  	_ =	swait.ge [sflag:s21], $0x500  }
0x101: {  	[sflag:s21] =	ssyncset.done $0x0  }
0x102: {  	[sflag:s21] =	ssyncadd.s32 $0xFFFFFB00  }
0x103: {  	_ =	swait.ge [sflag:s21], $0x500  }
0x104: {  	[sflag:s21] =	ssyncset.done $0x0  }
0x105: {  	[sflag:s21] =	ssyncadd.s32 $0xFFFFFB00  }
0x106: {  	_ =	swait.ge [sflag:s21], $0x500  }
0x107: {  	[sflag:s21] =	ssyncset.done $0x0  }
0x108: {  	[sflag:s21] =	ssyncadd.s32 $0xFFFFFB00  }
0x109: {  	_ =	swait.ge [sflag:s21], $0x500  }
0x10a: {  	[sflag:s21] =	ssyncset.done $0x0  }
0x10b: {  	[sflag:s21] =	ssyncadd.s32 $0xFFFFFB00  }
0x10c: {  	_ =	swait.ge [sflag:s21], $0x500  }
0x10d: {  	[sflag:s21] =	ssyncset.done $0x0  }
0x10e: {  	[sflag:s21] =	ssyncadd.s32 $0xFFFFFB00  }
0x10f: {  	_ =	swait.ge [sflag:s21], $0x500  }
0x110: {  	[sflag:s21] =	ssyncset.done $0x0  }
0x111: {  	[sflag:s21] =	ssyncadd.s32 $0xFFFFFB00  }
0x112: {  	_ =	swait.ge [sflag:s21], $0x500  }
0x113: {  	[sflag:s21] =	ssyncset.done $0x0  }
0x114: {  	[sflag:s21] =	ssyncadd.s32 $0xFFFFFB00  }
0x115: {  	_ =	swait.ge [sflag:s21], $0x500  }
0x116: {  	[sflag:s21] =	ssyncset.done $0x0  }
0x117: {  	[sflag:s21] =	ssyncadd.s32 $0xFFFFFB00  }
0x118: {  	_ =	swait.ge [sflag:s21], $0x500  }
0x119: {  	[sflag:s21] =	ssyncset.done $0x0  }
0x11a: {  	v2 =	vor.u32 s31, v0;
	[sflag:s21] =	ssyncadd.s32 $0xFFFFFB00  }
0x11b: {  	v4 =	vshll.u32 v2, $0x4;
	_ =	swait.ge [sflag:s21], $0x500  }
0x11c: {  	v1 =	vor.u32 $0x3, v4;
	[sflag:s21] =	ssyncset.done $0x0  }
0x11d: {  	[sflag:s21] =	ssyncadd.s32 $0xFFFFFB00  }
0x11e: {  	_ =	swait.ge [sflag:s21], $0x500  }
0x11f: {  	[sflag:s21] =	ssyncset.done $0x0  }
0x120: {  	[sflag:s21] =	ssyncadd.s32 $0xFFFFFB00  }
0x121: {  	v3 =	vld.idx.msk [tilespmem:v1+s16+$0x0], $0xffff;
	_ =	sdelay $0x4  }
0x122: {  	v3 =	vtrunc.f32 v3  }
0x123: {  	v3 =	vcvt.f32.s32 v3;
	_ =	sdelay $0x1  }
0x124: {  	v2 =	vshll.u32 v2, $0x3;
	vm0 =	vgt.s32 v3, $0x0  }
0x125: {  	v5 =	vor.u32 $0x2, v2;
	v3 =	vnsel vm0, $0x0, v3  }
0x126: {  	v6 =	vor.u32 $0x1, v2;
	v3 =	vmin.u32 v3, $0xFF  }
0x127: {  	v3 =	vmul.u32 $0x9, v3;
	_ =	sdelay $0x1  }
0x128: {  	v7 =	vadd.s32 $0x4, v3  }
0x129: {  	v5 =	vld.idx.msk [tilespmem:v5+s14+$0x0], $0xffff;
	v8 =	vadd.s32 $0x5, v3  }
0x12a: {  	v6 =	vld.idx.msk [tilespmem:v6+s14+$0x0], $0xffff;
	v9 =	vadd.s32 $0x6, v3  }
0x12b: {  	v2 =	vld.idx.msk [tilespmem:v2+s14+$0x0], $0xffff;
	v10 =	vadd.s32 $0x1, v3  }
0x12c: {  	v11 =	vadd.s32 $0x3, v3;
	v12 =	vld.idx.msk [tilespmem:v3+s3+$0x0], $0xffff  }
0x12d: {  	v13 =	vadd.s32 $0x7, v3;
	v7 =	vld.idx.msk [tilespmem:v7+s3+$0x0], $0xffff  }
0x12e: {  	v14 =	vadd.s32 $0x8, v3;
	v15 =	vadd.s32 $0x2, v3;
	v8 =	vld.idx.msk [tilespmem:v8+s3+$0x0], $0xffff  }
0x12f: {  	v16 =	vor.u32 $0x2, v4;
	v14 =	vand.u32 $0x1FF8, v14;
	v3 =	vand.u32 $0x7, v3;
	v9 =	vld.idx.msk [tilespmem:v9+s3+$0x0], $0xffff  }
0x130: {  	v3 =	vor.u32 v3, v14;
	v10 =	vld.idx.msk [tilespmem:v10+s3+$0x0], $0xffff  }
0x131: {  	v60 =	vor.u32 $0x1, v4;
	v11 =	vld.idx.msk [tilespmem:v11+s3+$0x0], $0xffff  }
0x132: {  	v13 =	vld.idx.msk [tilespmem:v13+s3+$0x0], $0xffff  }
0x133: {  	v2 =	vcvt.s32.f32 v2;
	v6 =	vcvt.s32.f32 v6;
	v15 =	vld.idx.msk [tilespmem:v15+s3+$0x0], $0xffff  }
0x134: {  	v17 =	vld.idx.msk [tilespmem:v16+s28+$0x0], $0xffff;
	v5 =	vcvt.s32.f32 v5  }
0x135: {  	v3 =	vld.idx.msk [tilespmem:v3+s3+$0x0], $0xffff;
	v10 =	vmul.f32 v2, v10;
	v7 =	vmul.f32 v6, v7  }
0x136: {  	v18 =	vld.idx.msk [tilespmem:v60+s28+$0x0], $0xffff;
	v12 =	vmul.f32 v2, v12;
	v11 =	vmul.f32 v6, v11  }
0x137: {  	v19 =	vld.idx.msk [tilespmem:v4+s28+$0x0], $0xffff;
	v9 =	vmul.f32 v5, v9;
	v61 =	vmul.f32 v5, v13;
	v7 =	vadd.f32 v7, v10  }
0x138: {  	v62 =	vld.idx.msk [tilespmem:v60+s16+$0x0], $0xffff;
	v2 =	vmul.f32 v2, v15;
	v6 =	vmul.f32 v6, v8;
	v11 =	vadd.f32 v11, v12  }
0x139: {  	v8 =	vld.idx.msk [tilespmem:v4+s16+$0x0], $0xffff;
	v7 =	vadd.f32 v61, v7  }
0x13a: {  	v2 =	vadd.f32 v6, v2;
	v9 =	vadd.f32 v9, v11;
	v3 =	vmul.f32 v5, v3  }
0x13b: {  	v5 =	vld.idx.msk [tilespmem:v16+s16+$0x0], $0xffff;
	v6 =	vadd.f32 v7, v18  }
0x13c: {  	v2 =	vadd.f32 v3, v2;
	v3 =	vadd.f32 v9, v19  }
0x13d: {  	v6 =	vsub.f32 v6, v62  }
0x13e: {  	v7 =	vsub.f32 v3, v8;
	v2 =	vadd.f32 v2, v17;
	_ =	sdelay $0x1  }
0x13f: {  	v2 =	vsub.f32 v2, v5;
	v3 =	vmul.f32 v7, v7;
	v5 =	vmul.f32 v6, v6;
	_ =	sdelay $0x1  }
0x140: {  	v3 =	vadd.f32 v5, v3;
	v5 =	vmul.f32 v2, v2;
	_ =	sdelay $0x1  }
0x141: {  	v3 =	vadd.f32 v5, v3;
	_ =	sdelay $0x1  }
0x142: {  	v8 =	vmul.f32 $5.000000000e-01, v3;
	v5 =	vshrl.u32 v3, $0x1  }
0x143: {  	v5 =	vsub.s32 $0x5F3759DF, v5  }
0x144: {  	v63 =	vmul.f32 v5, v8;
	_ =	sdelay $0x1  }
0x145: {  	v9 =	vmul.f32 v5, v63;
	_ =	sdelay $0x1  }
0x146: {  	v9 =	vsub.f32 $1.500000000e+00, v9;
	_ =	sdelay $0x1  }
0x147: {  	v5 =	vmul.f32 v5, v9;
	_ =	sdelay $0x1  }
0x148: {  	v9 =	vmul.f32 v5, v8;
	_ =	sdelay $0x1  }
0x149: {  	v9 =	vmul.f32 v9, v5;
	_ =	sdelay $0x1  }
0x14a: {  	v9 =	vsub.f32 $1.500000000e+00, v9;
	_ =	sdelay $0x1  }
0x14b: {  	v5 =	vmul.f32 v9, v5;
	_ =	sdelay $0x1  }
0x14c: {  	s31 =	simm.s32 $0x10;
	[tilespmem:v4+s22+$0x0] =	vst.idx.msk $0xffff, v7;
	v7 =	vmul.f32 v5, v8  }
0x14d: {  	v4 =	vor.u32 s31, v0;
	[tilespmem:v60+s22+$0x0] =	vst.idx.msk $0xffff, v6  }
0x14e: {  	s26 =	simm.s32 $0x1CE20;
	s30 =	simm.s32 $0x20;
	s29 =	simm.s32 $0x1CE20;
	[tilespmem:v16+s22+$0x0] =	vst.idx.msk $0xffff, v2;
	v2 =	vshll.u32 v4, $0x4;
	v6 =	vmul.f32 v7, v5  }
.LBB2_3:
0x14f: {  	p0 =	sne.s32 s30, $0x7C0  }
0x150: {  	v7 =	vor.u32 $0x3, v2;
	v6 =	vsub.f32 $1.500000000e+00, v6;
	s26 =	sadd.s32 $0x10, s26;
	s31 =	smov.u32 s30;
	s30 =	sadd.s32 $0x10, s30  }
0x151: {  	_ = 	snop  }
0x152: {  	v5 =	vmul.f32 v6, v5;
	_ =	sdelay $0x1  }
0x153: {  	v3 =	vmul.f32 v5, v3;
	_ =	sdelay $0x1  }
0x154: {  	[tilespmem:v1+s22+$0x0] =	vst.idx.msk $0xffff, v3;
	v1 =	vmov v7  }
0x155: {  	[tilespmem:s29+$0x0] =	vst v3;
	s29 =	smov.u32 s26  }
0x156: {  	v3 =	vld.idx.msk [tilespmem:v7+s16+$0x0], $0xffff;
	_ =	sdelay $0x5  }
0x157: {  	v3 =	vtrunc.f32 v3  }
0x158: {  	v3 =	vcvt.f32.s32 v3;
	_ =	sdelay $0x1  }
0x159: {  	v4 =	vshll.u32 v4, $0x3;
	vm0 =	vgt.s32 v3, $0x0  }
0x15a: {  	v5 =	vor.u32 $0x2, v4;
	v3 =	vnsel vm0, $0x0, v3  }
0x15b: {  	v6 =	vor.u32 $0x1, v4;
	v3 =	vmin.u32 v3, $0xFF  }
0x15c: {  	v3 =	vmul.u32 $0x9, v3;
	_ =	sdelay $0x1  }
0x15d: {  	v7 =	vadd.s32 $0x4, v3;
	v8 =	vadd.s32 $0x6, v3;
	v9 =	vand.u32 $0x7, v3  }
0x15e: {  	v10 =	vadd.s32 $0x1, v3;
	v11 =	vadd.s32 $0x5, v3;
	v12 =	vadd.s32 $0x8, v3;
	v5 =	vld.idx.msk [tilespmem:v5+s14+$0x0], $0xffff  }
0x15f: {  	v13 =	vadd.s32 $0x2, v3;
	v14 =	vadd.s32 $0x3, v3;
	v15 =	vadd.s32 $0x7, v3;
	v6 =	vld.idx.msk [tilespmem:v6+s14+$0x0], $0xffff  }
0x160: {  	v12 =	vand.u32 $0x1FF8, v12;
	v4 =	vld.idx.msk [tilespmem:v4+s14+$0x0], $0xffff  }
0x161: {  	v9 =	vor.u32 v9, v12;
	v3 =	vld.idx.msk [tilespmem:v3+s3+$0x0], $0xffff  }
0x162: {  	v7 =	vld.idx.msk [tilespmem:v7+s3+$0x0], $0xffff  }
0x163: {  	v11 =	vld.idx.msk [tilespmem:v11+s3+$0x0], $0xffff  }
0x164: {  	v12 =	vor.u32 $0x2, v2;
	v8 =	vld.idx.msk [tilespmem:v8+s3+$0x0], $0xffff  }
0x165: {  	v10 =	vld.idx.msk [tilespmem:v10+s3+$0x0], $0xffff  }
0x166: {  	v16 =	vor.u32 $0x1, v2;
	v14 =	vld.idx.msk [tilespmem:v14+s3+$0x0], $0xffff  }
0x167: {  	v15 =	vld.idx.msk [tilespmem:v15+s3+$0x0], $0xffff  }
0x168: {  	v13 =	vld.idx.msk [tilespmem:v13+s3+$0x0], $0xffff  }
0x169: {  	v6 =	vcvt.s32.f32 v6;
	v4 =	vcvt.s32.f32 v4;
	v17 =	vld.idx.msk [tilespmem:v12+s28+$0x0], $0xffff  }
0x16a: {  	v5 =	vcvt.s32.f32 v5;
	v9 =	vld.idx.msk [tilespmem:v9+s3+$0x0], $0xffff  }
0x16b: {  	v7 =	vmul.f32 v6, v7;
	v10 =	vmul.f32 v4, v10;
	v18 =	vld.idx.msk [tilespmem:v16+s28+$0x0], $0xffff  }
0x16c: {  	v3 =	vmul.f32 v4, v3;
	v14 =	vmul.f32 v6, v14;
	v19 =	vld.idx.msk [tilespmem:v2+s28+$0x0], $0xffff  }
0x16d: {  	v8 =	vmul.f32 v5, v8;
	v7 =	vadd.f32 v7, v10;
	v10 =	vmul.f32 v5, v15;
	v20 =	vld.idx.msk [tilespmem:v16+s16+$0x0], $0xffff  }
0x16e: {  	v6 =	vmul.f32 v6, v11;
	v3 =	vadd.f32 v14, v3;
	v4 =	vmul.f32 v4, v13;
	v15 =	vld.idx.msk [tilespmem:v2+s16+$0x0], $0xffff  }
0x16f: {  	v7 =	vadd.f32 v10, v7  }
0x170: {  	v3 =	vadd.f32 v8, v3;
	v4 =	vadd.f32 v6, v4;
	v5 =	vmul.f32 v5, v9;
	v10 =	vld.idx.msk [tilespmem:v12+s16+$0x0], $0xffff  }
0x171: {  	v6 =	vadd.f32 v7, v18  }
0x172: {  	v4 =	vadd.f32 v5, v4;
	v3 =	vadd.f32 v3, v19  }
0x173: {  	v5 =	vsub.f32 v6, v20  }
0x174: {  	v3 =	vsub.f32 v3, v15;
	v4 =	vadd.f32 v4, v17;
	_ =	sdelay $0x1  }
0x175: {  	v7 =	vmul.f32 v5, v5;
	v4 =	vsub.f32 v4, v10;
	v6 =	vmul.f32 v3, v3  }
0x176: {  	[tilespmem:v2+s22+$0x0] =	vst.idx.msk $0xffff, v3  }
0x177: {  	v2 =	vadd.f32 v7, v6;
	v3 =	vmul.f32 v4, v4;
	[tilespmem:v16+s22+$0x0] =	vst.idx.msk $0xffff, v5  }
0x178: {  	[tilespmem:v12+s22+$0x0] =	vst.idx.msk $0xffff, v4  }
0x179: {  	v3 =	vadd.f32 v3, v2;
	_ =	sdelay $0x1  }
0x17a: {  	v2 =	vmul.f32 $5.000000000e-01, v3;
	v4 =	vshrl.u32 v3, $0x1  }
0x17b: {  	v4 =	vsub.s32 $0x5F3759DF, v4  }
0x17c: {  	v5 =	vmul.f32 v4, v2;
	_ =	sdelay $0x1  }
0x17d: {  	v5 =	vmul.f32 v4, v5;
	_ =	sdelay $0x1  }
0x17e: {  	v5 =	vsub.f32 $1.500000000e+00, v5;
	_ =	sdelay $0x1  }
0x17f: {  	v4 =	vmul.f32 v4, v5;
	_ =	sdelay $0x1  }
0x180: {  	v5 =	vmul.f32 v4, v2;
	_ =	sdelay $0x1  }
0x181: {  	v5 =	vmul.f32 v5, v4;
	_ =	sdelay $0x1  }
0x182: {  	v5 =	vsub.f32 $1.500000000e+00, v5;
	_ =	sdelay $0x1  }
0x183: {  	v5 =	vmul.f32 v5, v4  }
.Ltmp0:
0x184: {  	(pc) =	sbr.rel @p0 .LBB2_3-.Ltmp0, $3  }
0x185: {  	v2 =	vmul.f32 v5, v2;
	_ =	sdelay $0x1  }
0x186: {  	v4 =	vor.u32 s31, v0;
	v6 =	vmul.f32 v2, v5  }
0x187: {  	v2 =	vshll.u32 v4, $0x4  }
0x188: {  	v6 =	vsub.f32 $1.500000000e+00, v6;
	_ =	sdelay $0x1  }
0x189: {  	v5 =	vmul.f32 v6, v5  }
0x18a: {  	v51 =	vor.u32 $0x3, v2  }
0x18b: {  	v3 =	vmul.f32 v5, v3;
	_ =	sdelay $0x1  }
0x18c: {  	[tilespmem:v1+s22+$0x0] =	vst.idx.msk $0xffff, v3  }
0x18d: {  	[tilespmem:s29+$0x0] =	vst v3  }
0x18e: {  	v1 =	vld.idx.msk [tilespmem:v51+s16+$0x0], $0xffff;
	_ =	sdelay $0x4  }
0x18f: {  	v1 =	vtrunc.f32 v1  }
0x190: {  	v1 =	vcvt.f32.s32 v1;
	_ =	sdelay $0x1  }
0x191: {  	vm0 =	vgt.s32 v1, $0x0  }
0x192: {  	v3 =	vshll.u32 v4, $0x3;
	v1 =	vnsel vm0, $0x0, v1  }
0x193: {  	v4 =	vor.u32 $0x2, v3;
	v1 =	vmin.u32 v1, $0xFF  }
0x194: {  	v52 =	vor.u32 $0x1, v3;
	v1 =	vmul.u32 $0x9, v1;
	_ =	sdelay $0x1  }
0x195: {  	v7 =	vadd.s32 $0x4, v1  }
0x196: {  	v3 =	vld.idx.msk [tilespmem:v3+s14+$0x0], $0xffff;
	v8 =	vadd.s32 $0x5, v1  }
0x197: {  	v4 =	vld.idx.msk [tilespmem:v4+s14+$0x0], $0xffff;
	v9 =	vadd.s32 $0x6, v1  }
0x198: {  	v5 =	vld.idx.msk [tilespmem:v52+s14+$0x0], $0xffff;
	v10 =	vadd.s32 $0x1, v1  }
0x199: {  	v11 =	vadd.s32 $0x3, v1;
	v12 =	vld.idx.msk [tilespmem:v1+s3+$0x0], $0xffff  }
0x19a: {  	v13 =	vadd.s32 $0x7, v1;
	v7 =	vld.idx.msk [tilespmem:v7+s3+$0x0], $0xffff  }
0x19b: {  	v14 =	vadd.s32 $0x8, v1;
	v15 =	vadd.s32 $0x2, v1;
	v8 =	vld.idx.msk [tilespmem:v8+s3+$0x0], $0xffff  }
0x19c: {  	v16 =	vor.u32 $0x2, v2;
	v14 =	vand.u32 $0x1FF8, v14;
	v1 =	vand.u32 $0x7, v1;
	v9 =	vld.idx.msk [tilespmem:v9+s3+$0x0], $0xffff  }
0x19d: {  	v1 =	vor.u32 v1, v14;
	v10 =	vld.idx.msk [tilespmem:v10+s3+$0x0], $0xffff  }
0x19e: {  	v53 =	vor.u32 $0x1, v2;
	v11 =	vld.idx.msk [tilespmem:v11+s3+$0x0], $0xffff  }
0x19f: {  	v13 =	vld.idx.msk [tilespmem:v13+s3+$0x0], $0xffff  }
0x1a0: {  	v3 =	vcvt.s32.f32 v3;
	v5 =	vcvt.s32.f32 v5;
	v15 =	vld.idx.msk [tilespmem:v15+s3+$0x0], $0xffff  }
0x1a1: {  	v17 =	vld.idx.msk [tilespmem:v16+s28+$0x0], $0xffff;
	v4 =	vcvt.s32.f32 v4  }
0x1a2: {  	v1 =	vld.idx.msk [tilespmem:v1+s3+$0x0], $0xffff;
	v10 =	vmul.f32 v3, v10;
	v7 =	vmul.f32 v5, v7  }
0x1a3: {  	v18 =	vld.idx.msk [tilespmem:v53+s28+$0x0], $0xffff;
	v12 =	vmul.f32 v3, v12;
	v11 =	vmul.f32 v5, v11  }
0x1a4: {  	v19 =	vld.idx.msk [tilespmem:v2+s28+$0x0], $0xffff;
	v9 =	vmul.f32 v4, v9;
	v54 =	vmul.f32 v4, v13;
	v7 =	vadd.f32 v7, v10  }
0x1a5: {  	v55 =	vld.idx.msk [tilespmem:v53+s16+$0x0], $0xffff;
	v3 =	vmul.f32 v3, v15;
	v5 =	vmul.f32 v5, v8;
	v11 =	vadd.f32 v11, v12  }
0x1a6: {  	v56 =	vld.idx.msk [tilespmem:v2+s16+$0x0], $0xffff;
	v7 =	vadd.f32 v54, v7  }
0x1a7: {  	v3 =	vadd.f32 v5, v3;
	v9 =	vadd.f32 v9, v11;
	v1 =	vmul.f32 v4, v1  }
0x1a8: {  	v57 =	vld.idx.msk [tilespmem:v16+s16+$0x0], $0xffff;
	v58 =	vadd.f32 v7, v18  }
0x1a9: {  	v1 =	vadd.f32 v1, v3;
	v3 =	vadd.f32 v9, v19  }
0x1aa: {  	v5 =	vsub.f32 v58, v55  }
0x1ab: {  	v3 =	vsub.f32 v3, v56;
	v1 =	vadd.f32 v1, v17;
	_ =	sdelay $0x1  }
0x1ac: {  	v60 =	vmul.f32 v5, v5;
	v1 =	vsub.f32 v1, v57;
	v59 =	vmul.f32 v3, v3;
	_ =	sdelay $0x1  }
0x1ad: {  	v4 =	vadd.f32 v60, v59;
	v61 =	vmul.f32 v1, v1;
	_ =	sdelay $0x1  }
0x1ae: {  	v4 =	vadd.f32 v61, v4;
	_ =	sdelay $0x1  }
0x1af: {  	v7 =	vmul.f32 $5.000000000e-01, v4;
	v62 =	vshrl.u32 v4, $0x1  }
0x1b0: {  	v8 =	vsub.s32 $0x5F3759DF, v62  }
0x1b1: {  	v63 =	vmul.f32 v8, v7;
	_ =	sdelay $0x1  }
0x1b2: {  	v9 =	vmul.f32 v8, v63;
	_ =	sdelay $0x1  }
0x1b3: {  	v9 =	vsub.f32 $1.500000000e+00, v9;
	_ =	sdelay $0x1  }
0x1b4: {  	v8 =	vmul.f32 v8, v9;
	_ =	sdelay $0x1  }
0x1b5: {  	v9 =	vmul.f32 v8, v7;
	_ =	sdelay $0x1  }
0x1b6: {  	v9 =	vmul.f32 v9, v8;
	_ =	sdelay $0x1  }
0x1b7: {  	v9 =	vsub.f32 $1.500000000e+00, v9;
	_ =	sdelay $0x1  }
0x1b8: {  	v8 =	vmul.f32 v9, v8;
	_ =	sdelay $0x1  }
0x1b9: {  	v7 =	vmul.f32 v8, v7;
	_ =	sdelay $0x1  }
0x1ba: {  	v7 =	vmul.f32 v7, v8;
	_ =	sdelay $0x1  }
0x1bb: {  	v7 =	vsub.f32 $1.500000000e+00, v7;
	_ =	sdelay $0x1  }
0x1bc: {  	v7 =	vmul.f32 v7, v8  }
0x1bd: {  	[tilespmem:v2+s22+$0x0] =	vst.idx.msk $0xffff, v3  }
0x1be: {  	[tilespmem:v53+s22+$0x0] =	vst.idx.msk $0xffff, v5;
	v2 =	vmul.f32 v7, v4  }
0x1bf: {  	[tilespmem:v16+s22+$0x0] =	vst.idx.msk $0xffff, v1  }
0x1c0: {  	s26 =	sadd.s32 $0x10, s26;
	s31 =	sshrl.u32 s25, $0x3;
	s30 =	rddreg [dreg:$0x2];
	[tilespmem:v51+s22+$0x0] =	vst.idx.msk $0xffff, v2  }
0x1c1: {  	[tilespmem:s26+$0x0] =	vst v2;
	s26 =	sadd.s32 s30, s31  }
0x1c2: {  	[hbm4b:s26+s3] =	stream.linear.scatter [tilespmem:s23], [sflag:$0x2], $0x7D0, $0x38;
	[tilespmem:$0x1D5F0] =	vst v63  }
0x1c3: {  	s24 =	sadd.s32 $0x1, s24;
	_ =	swait.ge [sflag:s11], $0x7D0  }
0x1c4: {  	p0 =	sne.s32 s24, $0x32;
	s31 =	sshll.u32 s25, $0x1;
	[sflag:s11] =	ssyncset.done $0x0  }
.Ltmp1:
0x1c5: {  	s25 =	sadd.s32 s8, s31;
	[sflag:s11] =	ssyncadd.s32 $0xFFFFF830;
	(pc) =	sbr.rel @p0 .LBB2_2-.Ltmp1, $4  }
0x1c6: {  	[hbm4b:s25+s3] =	stream.linear.scatter [tilespmem:s22], [sflag:$0x2], $0x7D00, $0x38;
	[tilespmem:$0x1D5F0] =	vst v63  }
0x1c7: {  	_ =	swait.ge [sflag:s11], $0x7D00  }
0x1c8: {  	[sflag:s11] =	ssyncset.done $0x0  }
0x1c9: {  	[sflag:s11] =	ssyncadd.s32 $0xFFFF8300  }
0x1ca: {  	s25 =	rddreg [dreg:$0x6]  }
0x1cb: {  	s24 =	rddreg [dreg:$0x5];
	s25 =	sadd.s32 $0x1, s25  }
0x1cc: {  	p0 =	sne.s32 s25, s24  }
.Ltmp2:
0x1cd: {  	_ = 	snop;
	(pc) =	sbr.rel @p0 .LBB2_1-.Ltmp2, $1  }
0x1ce: {  	_ =	sdelay $0x3  }
0x1cf: {  	_ =	sfence.sel $0x180000  }
0x1d0: {  	[bflag:$0x0] =	sbarrier.arrive $0xFFFF  }
0x1d1: {  	_ =	strace $0x9000004A  }
0x1d2: {  	s0 =	stileid.u32;
	[bflag:$0x2] =	sbarrier.arrive $0xFFFF  }
0x1d3: {  	p0 =	sne.s32 s0, $0x0;
	s0 =	rddreg [dreg:$0x3]  }
0x1d4: {  	s0 =	sadd.s32 @!p0 $0x100000, s0  }
0x1d5: {  	[sflag:s0] =	ssyncadd.tile.s32 @!p0 $0x1;
	_ =	shalt  }
.Lfunc_end2:
_tile_overlayer_lowered:
.L_overlay_start_2:
0x1d6: {  	(tag) =	ssettag $0x2  }
0x1d7: {  	s0 =	rddreg [dreg:$0x0];
	s2 =	stileid.u32  }
0x1d8: {  	s1 =	rddreg [dreg:$0x1];
	p0 =	sne.s32 s2, $0x0  }
0x1d9: {  	s3 =	rddreg [dreg:$0x2];
	[bflag:$0x3] =	sbarrier.arrive $0xFFFF;
	s2 =	simm.s32 @!p0 $0x1C02  }
0x1da: {  	[timem:s3], [sflag:s2] =	dma.local @!p0 [hbm:s0], s1  }
0x1db: {  	s0 =	simm.s32 @!p0 $0x2  }
0x1dc: {  	_ =	swait.ge @!p0 [sflag:s0], s1  }
0x1dd: {  	s1 =	ssub.s32 @!p0 $0x0, s1;
	[sflag:s0] =	ssyncset.done @!p0 $0x0  }
0x1de: {  	[sflag:s0] =	ssyncadd.s32 @!p0 s1  }
0x1df: {  	[bflag:$0x3] =	sbarrier.arrive $0xFFFF  }
0x1e0: {  	_ =	shalt  }

// kernel: kernel.7.cloned.1.call-start
scs
__scs_entry_jumppad:
0x0: {  	(pc) =	sbr.rel $0x88, $3  }
0x1: {  	(tag) =	ssettag $0x0;
	lr =	simm.s32 $0x1  }
0x2: {  	[smem:$0x3F9B] =	sst lr;
	_ =	strace $0xD0000000  }
0x3: {  	_ = 	snop  }
0x4: {  	_ = 	snop  }
0x5: {  	_ = 	snop  }
0x6: {  	_ = 	snop  }
0x7: {  	_ = 	snop  }
__scs_overlays_trampoline_lowered:
0x8: {  	[smem:$0x3FAA] =	sst s0  }
0x9: {  	[smem:$0x3FAB] =	sst s1  }
0xa: {  	[smem:$0x3FAC] =	sst s2  }
0xb: {  	[smem:$0x3FAD] =	sst s3  }
0xc: {  	[smem:$0x3FAE] =	sst s4  }
0xd: {  	[smem:$0x3FAF] =	sst s5  }
0xe: {  	[smem:$0x3FB0] =	sst s6  }
0xf: {  	[smem:$0x3FB1] =	sst s7  }
0x10: {  	[smem:$0x3FB2] =	sst s8  }
0x11: {  	[smem:$0x3FB3] =	sst s9;
	s0 =	simm.s32 @!p0 $0x0  }
0x12: {  	s1 =	sld [smem:$0x3F99];
	s0 =	simm.s32 @p0 $0x1  }
0x13: {  	[smem:$0x3FB4] =	sst s0;
	s0 =	simm.s32 @!p1 $0x0  }
0x14: {  	s2 =	sld [smem:$0x3F98];
	s0 =	simm.s32 @p1 $0x1  }
0x15: {  	[smem:$0x3FB5] =	sst s0;
	s0 =	simm.s32 @!p2 $0x0  }
0x16: {  	s3 =	sld [smem:$0x3FDB];
	s0 =	simm.s32 @p2 $0x1  }
0x17: {  	s4 =	simm.s32 $0x1BF5;
	[smem:$0x3FB7] =	sst s0  }
0x18: {  	s0 =	sld [smem:$0x3F9A];
	_ =	swait.ge [sflag:s4], $0x0  }
0x19: {  	s7 =	sld [smem:$0x3F9B]  }
0x1a: {  	s8 =	sadd.s32 $0xFFFFE003, lr  }
0x1b: {  	s9 =	sadd.s32 $0xFFFFFEF7, lr;
	s5 =	simm.s32 $0xFFFFFFFF;
	p2 =	slt.u32 s8, $0xFFFFF086  }
0x1c: {  	p1 =	slt.u32 s9, $0xF7A;
	s5 =	simm.s32 @!p2 $0x0  }
0x1d: {  	s5 =	simm.s32 @p1 $0x1;
	p0 =	seq.s32 s7, s2  }
0x1e: {  	s7 =	smul.u32 @!p0 $0xF7A, s2;
	p2 =	seq.s32 @!p0 s5, $0x0  }
0x1f: {  	s9 =	smul.u32 $0xF7A, s1;
	s8 =	simm.s32 @!p0 $0x1BF5;
	p2 =	por !p2, p0  }
0x20: {  	[sflag:s8] =	ssyncset.s32 @!p0 $0xFFFFF086;
	s6 =	sadd.s32 @!p0 s3, s7;
	s7 =	simm.s32 @!p0 $0x108  }
0x21: {  	s3 =	sadd.s32 s3, s9;
	s6 =	sadd.s32 @!p0 $0x88, s6;
	s7 =	simm.s32 @p2 $0x1082  }
0x22: {  	[simem:s7], [sflag:s8] =	dma.local @!p0 [hbm:s6], $0xF7A  }
0x23: {  	s9 =	sor.u32 $0xD0000000, s2;
	s6 =	simm.s32 $0x108;
	_ =	swait.ge @!p0 [sflag:s8], $0x0  }
0x24: {  	s3 =	sadd.s32 $0x88, s3;
	s6 =	simm.s32 @!p1 $0x1082;
	[sflag:s4] =	ssyncset.s32 $0xFFFFF086  }
0x25: {  	[simem:s6], [sflag:s4] =	dma.local [hbm:s3], $0xF7A  }
0x26: {  	[smem:$0x3F9B] =	sst s1;
	(tag) =	ssettag s2;
	_ =	strace s9  }
0x27: {  	s1 =	sld [smem:$0x3FAB]  }
0x28: {  	s2 =	sld [smem:$0x3FAC]  }
0x29: {  	s4 =	sld [smem:$0x3FAE]  }
0x2a: {  	p0 =	seq.s32 s5, $0x0;
	s5 =	sld [smem:$0x3FAF]  }
0x2b: {  	s6 =	sld [smem:$0x3FB0]  }
0x2c: {  	s7 =	sld [smem:$0x3FB1]  }
0x2d: {  	s3 =	simm.s32 $0x108;
	s8 =	sld [smem:$0x3FB2]  }
0x2e: {  	s3 =	simm.s32 @!p0 $0x1082;
	s9 =	sld [smem:$0x3FB3]  }
0x2f: {  	lr =	sadd.s32 s0, s3;
	s0 =	sld [smem:$0x3FAA]  }
0x30: {  	s3 =	sld [smem:$0x3FAD]  }
0x31: {  	[smem:$0x3FB6] =	sst s10  }
0x32: {  	s10 =	sld [smem:$0x3FB4];
	_ =	sdelay $0x3  }
0x33: {  	p0 =	seq.s32 s10, $0x1;
	s10 =	sld [smem:$0x3FB6];
	_ =	sdelay $0x3  }
0x34: {  	[smem:$0x3FB6] =	sst s10  }
0x35: {  	s10 =	sld [smem:$0x3FB5];
	_ =	sdelay $0x3  }
0x36: {  	p1 =	seq.s32 s10, $0x1;
	s10 =	sld [smem:$0x3FB6];
	_ =	sdelay $0x3  }
0x37: {  	[smem:$0x3FB6] =	sst s10  }
0x38: {  	s10 =	sld [smem:$0x3FB7]  }
0x39: {  	_ = 	snop;
	(pc) =	sbr.ind lr, $3  }
0x3a: {  	_ = 	snop  }
0x3b: {  	_ = 	snop  }
0x3c: {  	p2 =	seq.s32 s10, $0x1;
	s10 =	sld [smem:$0x3FB6]  }
0x3d: {  	_ =	shalt  }
0x3e: {  	_ =	shalt  }
0x3f: {  	_ =	shalt  }
0x40: {  	_ =	shalt  }
0x41: {  	_ =	shalt  }
0x42: {  	_ =	shalt  }
0x43: {  	_ =	shalt  }
0x44: {  	_ =	shalt  }
0x45: {  	_ =	shalt  }
0x46: {  	_ =	shalt  }
0x47: {  	_ =	shalt  }
0x48: {  	_ =	shalt  }
0x49: {  	_ =	shalt  }
0x4a: {  	_ =	shalt  }
0x4b: {  	_ =	shalt  }
0x4c: {  	_ =	shalt  }
0x4d: {  	_ =	shalt  }
0x4e: {  	_ =	shalt  }
0x4f: {  	_ =	shalt  }
0x50: {  	_ =	shalt  }
0x51: {  	_ =	shalt  }
0x52: {  	_ =	shalt  }
0x53: {  	_ =	shalt  }
0x54: {  	_ =	shalt  }
0x55: {  	_ =	shalt  }
0x56: {  	_ =	shalt  }
0x57: {  	_ =	shalt  }
0x58: {  	_ =	shalt  }
0x59: {  	_ =	shalt  }
0x5a: {  	_ =	shalt  }
0x5b: {  	_ =	shalt  }
0x5c: {  	_ =	shalt  }
0x5d: {  	_ =	shalt  }
0x5e: {  	_ =	shalt  }
0x5f: {  	_ =	shalt  }
0x60: {  	_ =	shalt  }
0x61: {  	_ =	shalt  }
0x62: {  	_ =	shalt  }
0x63: {  	_ =	shalt  }
0x64: {  	_ =	shalt  }
0x65: {  	_ =	shalt  }
0x66: {  	_ =	shalt  }
0x67: {  	_ =	shalt  }
0x68: {  	_ =	shalt  }
0x69: {  	_ =	shalt  }
0x6a: {  	_ =	shalt  }
0x6b: {  	_ =	shalt  }
0x6c: {  	_ =	shalt  }
0x6d: {  	_ =	shalt  }
0x6e: {  	_ =	shalt  }
0x6f: {  	_ =	shalt  }
0x70: {  	_ =	shalt  }
0x71: {  	_ =	shalt  }
0x72: {  	_ =	shalt  }
0x73: {  	_ =	shalt  }
0x74: {  	_ =	shalt  }
0x75: {  	_ =	shalt  }
0x76: {  	_ =	shalt  }
0x77: {  	_ =	shalt  }
0x78: {  	_ =	shalt  }
0x79: {  	_ =	shalt  }
0x7a: {  	_ =	shalt  }
0x7b: {  	_ =	shalt  }
0x7c: {  	_ =	shalt  }
0x7d: {  	_ =	shalt  }
0x7e: {  	_ =	shalt  }
0x7f: {  	_ =	shalt  }
0x80: {  	_ =	shalt  }
0x81: {  	_ =	shalt  }
0x82: {  	_ =	shalt  }
0x83: {  	_ =	shalt  }
0x84: {  	_ =	shalt  }
0x85: {  	_ =	shalt  }
0x86: {  	_ =	shalt  }
0x87: {  	_ =	shalt  }
.Lfunc_end0:
.L_simem_size_0:
called_computation.2_lowered:
.L_overlay_start_0:
0x88: {  	s2 =	sld [smem:$0x3FD9]  }
0x89: {  	s3 =	sld [smem:$0x3FFE];
	_ =	sdelay $0x1  }
0x8a: {  	s1 =	srdreg.scid  }
0x8b: {  	s0 =	sand.u32 $0x1, s1  }
0x8c: {  	s14 =	sshll.u32 s0, $0xA;
	s2 =	sadd.s32 s3, s2  }
0x8d: {  	s2 =	sadd.s32 s2, s14  }
0x8e: {  	[smem:$0x3FC2] =	sst s2  }
0x8f: {  	_ = 	snop  }
0x90: {  	s2 =	sld [smem:$0x3FD0];
	_ =	sdelay $0x2  }
0x91: {  	s15 =	simm.s32 $0xB;
	s4 =	simm.s32 $0x10  }
0x92: {  	[smem:s4], [sflag:s15] =	dma.local [hbm:s2], $0x1  }
0x93: {  	_ =	swait.eq [sflag:s15], $0x1  }
0x94: {  	[sflag:s15] =	ssyncset.done $0x0  }
0x95: {  	[sflag:s15] =	ssyncadd.s32 $0xFFFFFFFF  }
0x96: {  	s16 =	sld [smem:$0x11];
	(tm) =	ssettm $0x1  }
0x97: {  	s17 =	sld [smem:$0x3FFB];
	_ =	sdelay $0x3  }
0x98: {  	_ =	strace s17  }
0x99: {  	s3 =	sld [smem:$0x3FFC];
	_ =	sdelay $0x3  }
0x9a: {  	_ =	strace s3  }
0x9b: {  	s3 =	sld [smem:$0x3FFD];
	_ =	sdelay $0x3  }
0x9c: {  	_ =	strace s3  }
0x9d: {  	_ =	strace $0x8FFFFFFF  }
0x9e: {  	s18 =	sld [smem:$0x3FDB];
	_ =	sdelay $0x1  }
0x9f: {  	s19 =	simm.s32 $_scs_section_size  }
0xa0: {  	s5 =	simm.s32 $_size__tile_overlayer_lowered;
	s6 =	simm.s32 $_tile_overlayer_lowered  }
0xa1: {  	s22 =	simm.s32 $0x1BFF;
	s21 =	sshll.u32 s6, $0x1;
	s3 =	sadd.s32 s19, s18  }
0xa2: {  	s7 =	simm.s32 $0x0;
	s20 =	sshll.u32 s5, $0x1;
	s5 =	sadd.s32 s21, s3  }
0xa3: {  	[timem:s7], [sflag:s22] =	dma.local [hbm:s5], s20  }
0xa4: {  	_ =	swait.ge [sflag:s22], s20  }
0xa5: {  	s4 =	ssub.s32 $0x0, s20;
	[sflag:s22] =	ssyncset.done $0x0  }
0xa6: {  	[sflag:s22] =	ssyncadd.s32 s4;
	_ =	sdelay $0x1  }
0xa7: {  	s23 =	simm.s32 $0x1B8B  }
0xa8: {  	_ =	swait.ge [sflag:s23], $0x1  }
0xa9: {  	[sflag:s23] =	ssyncset.done $0x0  }
0xaa: {  	s25 =	simm.s32 $0x1B8E;
	s24 =	sld [smem:$0x3FFE];
	[sflag:s23] =	ssyncadd.s32 $0xFFFFFFFF  }
0xab: {  	s26 =	simm.s32 $execute0_lowered;
	[smem:$0x3FD2] =	sst s25  }
0xac: {  	s5 =	sshll.u32 s26, $0x1;
	_ =	strace $0x8000004C;
	[dreg:$0x1] =	wrdreg $0xFFFFFFFF  }
0xad: {  	s28 =	simm.s32 $_size_execute0_lowered;
	s3 =	sadd.s32 s3, s5;
	[dreg:$0x0] =	wrdreg $0x0  }
0xae: {  	s5 =	sshll.u32 s28, $0x1;
	[dreg:$0x2] =	wrdreg s3  }
0xaf: {  	[dreg:$0x3] =	wrdreg s5  }
0xb0: {  	[dreg:$0x4] =	wrdreg $0xC0  }
0xb1: {  	_ =	task [dreg:s7], $0x5FFFF  }
0xb2: {  	[dreg:$0x1] =	wrdreg $0xFFFFFFFF  }
0xb3: {  	[dreg:$0x0] =	wrdreg $0x60  }
0xb4: {  	[dreg:$0x2] =	wrdreg s24  }
0xb5: {  	[dreg:$0x3] =	wrdreg s16  }
0xb6: {  	[dreg:$0x4] =	wrdreg $0x9  }
0xb7: {  	_ =	task.clear_ibuf [dreg:s7], $0x5FFFF;
	_ =	strace $0x9000004C  }
0xb8: {  	s29 =	simm.s32 $0x9;
	_ =	strace $0x8000004E  }
0xb9: {  	_ =	swait.ge [sflag:s29], $0x1  }
0xba: {  	[sflag:s29] =	ssyncadd.s32 $0xFFFFFFFF  }
0xbb: {  	_ =	strace $0x9000004E  }
0xbc: {  	_ =	sfence  }
0xbd: {  	s30 =	sld [smem:$0x0];
	_ =	sdelay $0x2  }
0xbe: {  	s31 =	sshll.u32 s1, $0xD;
	s1 =	sshrl.u32 s1, $0x2  }
0xbf: {  	s3 =	sand.u32 $0x4000, s31;
	s1 =	sadd.s32 s1, s30  }
0xc0: {  	s0 =	sor.u32 s3, s0;
	s1 =	sshll.u32 s1, $0x11  }
0xc1: {  	s0 =	sor.u32 s1, s0  }
0xc2: {  	s0 =	sadd.s32 $0x8F2B, s0  }
0xc3: {  	[sflag:s0] =	ssyncadd.remote.s32 $0x1  }
0xc4: {  	_ =	sfence.sel $0xFFFF  }
0xc5: {  	[dreg:$0x0] =	wrdreg $0xFFFFFFFF;
	(pc) =	sbr.abs _section_cstart, $3  }
0xc6: {  	[dreg:$0x1] =	wrdreg $0xFFFFFFFF  }
0xc7: {  	_ =	task.clear_ibuf [dreg:s7], $0x2FFFF;
	_ =	strace $0x9FFFFFFF  }
0xc8: {  	(tm) =	ssettm $0x7FFFFFFF  }
0xc9: {  	_ =	shalt  }
tec
execute0_lowered:
.L_overlay_start_1:
0x0: {  	(tag) =	ssettag $0x1  }
0x1: {  	s0 =	rddreg [dreg:$0x0];
	s2 =	simm.s32 $0x0  }
0x2: {  	s1 =	srdreg.scid;
	s5 =	stileid.u32;
	s8 =	simm.s32 $0x2  }
0x3: {  	s9 =	simm.s32 $0x7D0;
	s10 =	simm.s32 $0x50;
	s11 =	simm.s32 $0xFA0  }
0x4: {  	s21 =	simm.s32 $0xD20;
	s22 =	simm.s32 $0xE1A0;
	s23 =	simm.s32 $0xD70  }
0x5: {  	s24 =	simm.s32 $0xE6A0;
	s28 =	simm.s32 $0xE10;
	s29 =	simm.s32 $0xF0A0  }
0x6: {  	s30 =	simm.s32 $0xE60;
	s31 =	simm.s32 $0xF5A0;
	s7 =	simm.s32 $0xF00  }
0x7: {  	s12 =	simm.s32 $0xF50;
	s13 =	simm.s32 $0x104A0;
	s14 =	simm.s32 $0x1  }
0x8: {  	s15 =	simm.s32 $0x109A0;
	s17 =	simm.s32 $0x0;
	[smem:$0x7FF] =	sst s2  }
0x9: {  	s1 =	sand.u32 $0x1, s1;
	s4 =	sadd.s32 $0x4C7600, s0;
	s6 =	sshll.u32 s5, $0x1  }
0xa: {  	s5 =	sadd.s32 $0x2800, s0;
	s2 =	simm.s32 $0x8CA0;
	s25 =	ssub.s32 $0x2, s1  }
0xb: {  	_ =	strace $0x8000004D;
	s1 =	sor.u32 s1, s6;
	s3 =	sshrl.u32 s25, $0x1  }
0xc: {  	v0 =	vlaneseq.u32;
	s6 =	smul.u32 $0x30D40, s1;
	s1 =	simm.s32 $0xFFA0;
	s26 =	ssub.s32 s25, s3  }
0xd: {  	v0 =	vmul.u32 $0x10, v0;
	s25 =	simm.s32 $0xDC0;
	s3 =	simm.s32 $0xFAA0;
	s0 =	smax.u32 s26, $0x1  }
0xe: {  	s26 =	simm.s32 $0xEBA0;
	[dreg:$0x3] =	wrdreg s0;
	s0 =	simm.s32 $0xEB0  }
.LBB2_1:
0xf: {  	[dreg:$0x4] =	wrdreg s17;
	s16 =	simm.s32 $0x0  }
.LBB2_2:
0x10: {  	s17 =	smul.u32 $0x7D0, s16;
	_ =	sdelay $0x1  }
0x11: {  	s17 =	sadd.s32 s6, s17  }
0x12: {  	s18 =	smulhi.u32 $0xCCCCCCCD, s17;
	_ =	sdelay $0x1  }
0x13: {  	s19 =	sshrl.u32 s18, $0x6  }
0x14: {  	s18 =	smul.u32 $0xA, s19;
	_ =	sdelay $0x1  }
0x15: {  	s19 =	smul.u32 $0x50, s19;
	s20 =	sadd.s32 s5, s18;
	s18 =	simm.s32 $0x0  }
0x16: {  	[tilespmem:s18], [sflag:$0x2] =	stream.linear.gather [hbm4b:s20+s18], $0x7D0, $0x38;
	[tilespmem:$0x11170] =	vst v63  }
0x17: {  	s19 =	sshrl.u32 s19, $0x3;
	_ =	swait.ge [sflag:s8], $0x7D0  }
0x18: {  	s19 =	sadd.s32 s5, s19;
	[sflag:s8] =	ssyncset.done $0x0  }
0x19: {  	s19 =	sadd.s32 $0xC3500, s19;
	[sflag:s8] =	ssyncadd.s32 $0xFFFFF830  }
0x1a: {  	[tilespmem:s9], [sflag:$0x2] =	stream.linear.gather [hbm4b:s19+s18], $0x7D0, $0x38;
	[tilespmem:$0x11170] =	vst v63  }
0x1b: {  	_ =	swait.ge [sflag:s8], $0x7D0  }
0x1c: {  	[sflag:s8] =	ssyncset.done $0x0  }
0x1d: {  	[sflag:s8] =	ssyncadd.s32 $0xFFFFF830  }
0x1e: {  	[tilespmem:s11], [sflag:$0x1] =	stream.indirect.gather [hbm4b:s4+s10], $0x10, s18, s10, $0xb8;
	[tilespmem:$0x11170] =	vst v63  }
0x1f: {  	s20 =	simm.s32 $0x14A0  }
0x20: {  	[tilespmem:s20], [sflag:$0x1] =	stream.indirect.gather [hbm4b:s4+s10], $0x10, s10, s10, $0xb8;
	[tilespmem:$0x11170] =	vst v63  }
0x21: {  	s19 =	simm.s32 $0xA0;
	s20 =	simm.s32 $0x19A0  }
0x22: {  	[tilespmem:s20], [sflag:$0x1] =	stream.indirect.gather [hbm4b:s4+s10], $0x10, s19, s10, $0xb8;
	[tilespmem:$0x11170] =	vst v63  }
0x23: {  	s19 =	simm.s32 $0xF0;
	s20 =	simm.s32 $0x1EA0  }
0x24: {  	[tilespmem:s20], [sflag:$0x1] =	stream.indirect.gather [hbm4b:s4+s10], $0x10, s19, s10, $0xb8;
	[tilespmem:$0x11170] =	vst v63  }
0x25: {  	s19 =	simm.s32 $0x140;
	s20 =	simm.s32 $0x23A0  }
0x26: {  	[tilespmem:s20], [sflag:$0x1] =	stream.indirect.gather [hbm4b:s4+s10], $0x10, s19, s10, $0xb8;
	[tilespmem:$0x11170] =	vst v63  }
0x27: {  	s19 =	simm.s32 $0x190;
	s20 =	simm.s32 $0x28A0  }
0x28: {  	[tilespmem:s20], [sflag:$0x1] =	stream.indirect.gather [hbm4b:s4+s10], $0x10, s19, s10, $0xb8;
	[tilespmem:$0x11170] =	vst v63  }
0x29: {  	s19 =	simm.s32 $0x1E0;
	s20 =	simm.s32 $0x2DA0  }
0x2a: {  	[tilespmem:s20], [sflag:$0x1] =	stream.indirect.gather [hbm4b:s4+s10], $0x10, s19, s10, $0xb8;
	[tilespmem:$0x11170] =	vst v63  }
0x2b: {  	s19 =	simm.s32 $0x230;
	s20 =	simm.s32 $0x32A0  }
0x2c: {  	[tilespmem:s20], [sflag:$0x1] =	stream.indirect.gather [hbm4b:s4+s10], $0x10, s19, s10, $0xb8;
	[tilespmem:$0x11170] =	vst v63  }
0x2d: {  	s19 =	simm.s32 $0x280;
	s20 =	simm.s32 $0x37A0  }
0x2e: {  	[tilespmem:s20], [sflag:$0x1] =	stream.indirect.gather [hbm4b:s4+s10], $0x10, s19, s10, $0xb8;
	[tilespmem:$0x11170] =	vst v63  }
0x2f: {  	s19 =	simm.s32 $0x2D0;
	s20 =	simm.s32 $0x3CA0  }
0x30: {  	[tilespmem:s20], [sflag:$0x1] =	stream.indirect.gather [hbm4b:s4+s10], $0x10, s19, s10, $0xb8;
	[tilespmem:$0x11170] =	vst v63  }
0x31: {  	s19 =	simm.s32 $0x320;
	s20 =	simm.s32 $0x41A0  }
0x32: {  	[tilespmem:s20], [sflag:$0x1] =	stream.indirect.gather [hbm4b:s4+s10], $0x10, s19, s10, $0xb8;
	[tilespmem:$0x11170] =	vst v63  }
0x33: {  	s19 =	simm.s32 $0x370;
	s20 =	simm.s32 $0x46A0  }
0x34: {  	[tilespmem:s20], [sflag:$0x1] =	stream.indirect.gather [hbm4b:s4+s10], $0x10, s19, s10, $0xb8;
	[tilespmem:$0x11170] =	vst v63  }
0x35: {  	s19 =	simm.s32 $0x3C0;
	s20 =	simm.s32 $0x4BA0  }
0x36: {  	[tilespmem:s20], [sflag:$0x1] =	stream.indirect.gather [hbm4b:s4+s10], $0x10, s19, s10, $0xb8;
	[tilespmem:$0x11170] =	vst v63  }
0x37: {  	s19 =	simm.s32 $0x410;
	s20 =	simm.s32 $0x50A0  }
0x38: {  	[tilespmem:s20], [sflag:$0x1] =	stream.indirect.gather [hbm4b:s4+s10], $0x10, s19, s10, $0xb8;
	[tilespmem:$0x11170] =	vst v63  }
0x39: {  	s19 =	simm.s32 $0x460;
	s20 =	simm.s32 $0x55A0  }
0x3a: {  	[tilespmem:s20], [sflag:$0x1] =	stream.indirect.gather [hbm4b:s4+s10], $0x10, s19, s10, $0xb8;
	[tilespmem:$0x11170] =	vst v63  }
0x3b: {  	s19 =	simm.s32 $0x4B0;
	s20 =	simm.s32 $0x5AA0  }
0x3c: {  	[tilespmem:s20], [sflag:$0x1] =	stream.indirect.gather [hbm4b:s4+s10], $0x10, s19, s10, $0xb8;
	[tilespmem:$0x11170] =	vst v63  }
0x3d: {  	s19 =	simm.s32 $0x500;
	s20 =	simm.s32 $0x5FA0  }
0x3e: {  	[tilespmem:s20], [sflag:$0x1] =	stream.indirect.gather [hbm4b:s4+s10], $0x10, s19, s10, $0xb8;
	[tilespmem:$0x11170] =	vst v63  }
0x3f: {  	s19 =	simm.s32 $0x550;
	s20 =	simm.s32 $0x64A0  }
0x40: {  	[tilespmem:s20], [sflag:$0x1] =	stream.indirect.gather [hbm4b:s4+s10], $0x10, s19, s10, $0xb8;
	[tilespmem:$0x11170] =	vst v63  }
0x41: {  	s19 =	simm.s32 $0x5A0;
	s20 =	simm.s32 $0x69A0  }
0x42: {  	[tilespmem:s20], [sflag:$0x1] =	stream.indirect.gather [hbm4b:s4+s10], $0x10, s19, s10, $0xb8;
	[tilespmem:$0x11170] =	vst v63  }
0x43: {  	s19 =	simm.s32 $0x5F0;
	s20 =	simm.s32 $0x6EA0  }
0x44: {  	[tilespmem:s20], [sflag:$0x1] =	stream.indirect.gather [hbm4b:s4+s10], $0x10, s19, s10, $0xb8;
	[tilespmem:$0x11170] =	vst v63  }
0x45: {  	s19 =	simm.s32 $0x640;
	s20 =	simm.s32 $0x73A0  }
0x46: {  	[tilespmem:s20], [sflag:$0x1] =	stream.indirect.gather [hbm4b:s4+s10], $0x10, s19, s10, $0xb8;
	[tilespmem:$0x11170] =	vst v63  }
0x47: {  	s19 =	simm.s32 $0x690;
	s20 =	simm.s32 $0x78A0  }
0x48: {  	[tilespmem:s20], [sflag:$0x1] =	stream.indirect.gather [hbm4b:s4+s10], $0x10, s19, s10, $0xb8;
	[tilespmem:$0x11170] =	vst v63  }
0x49: {  	s19 =	simm.s32 $0x6E0;
	s20 =	simm.s32 $0x7DA0  }
0x4a: {  	[tilespmem:s20], [sflag:$0x1] =	stream.indirect.gather [hbm4b:s4+s10], $0x10, s19, s10, $0xb8;
	[tilespmem:$0x11170] =	vst v63  }
0x4b: {  	s19 =	simm.s32 $0x730;
	s20 =	simm.s32 $0x82A0  }
0x4c: {  	[tilespmem:s20], [sflag:$0x1] =	stream.indirect.gather [hbm4b:s4+s10], $0x10, s19, s10, $0xb8;
	[tilespmem:$0x11170] =	vst v63  }
0x4d: {  	s19 =	simm.s32 $0x780;
	s20 =	simm.s32 $0x87A0  }
0x4e: {  	[tilespmem:s20], [sflag:$0x1] =	stream.indirect.gather [hbm4b:s4+s10], $0x10, s19, s10, $0xb8;
	[tilespmem:$0x11170] =	vst v63  }
0x4f: {  	_ = 	snop  }
0x50: {  	[tilespmem:s2], [sflag:$0x1] =	stream.indirect.gather [hbm4b:s4+s10], $0x10, s9, s10, $0xb8;
	[tilespmem:$0x11170] =	vst v63  }
0x51: {  	s19 =	simm.s32 $0x820;
	s20 =	simm.s32 $0x91A0  }
0x52: {  	[tilespmem:s20], [sflag:$0x1] =	stream.indirect.gather [hbm4b:s4+s10], $0x10, s19, s10, $0xb8;
	[tilespmem:$0x11170] =	vst v63  }
0x53: {  	s19 =	simm.s32 $0x870;
	s20 =	simm.s32 $0x96A0  }
0x54: {  	[tilespmem:s20], [sflag:$0x1] =	stream.indirect.gather [hbm4b:s4+s10], $0x10, s19, s10, $0xb8;
	[tilespmem:$0x11170] =	vst v63  }
0x55: {  	s19 =	simm.s32 $0x8C0;
	s20 =	simm.s32 $0x9BA0  }
0x56: {  	[tilespmem:s20], [sflag:$0x1] =	stream.indirect.gather [hbm4b:s4+s10], $0x10, s19, s10, $0xb8;
	[tilespmem:$0x11170] =	vst v63  }
0x57: {  	s19 =	simm.s32 $0x910;
	s20 =	simm.s32 $0xA0A0  }
0x58: {  	[tilespmem:s20], [sflag:$0x1] =	stream.indirect.gather [hbm4b:s4+s10], $0x10, s19, s10, $0xb8;
	[tilespmem:$0x11170] =	vst v63  }
0x59: {  	s19 =	simm.s32 $0x960;
	s20 =	simm.s32 $0xA5A0  }
0x5a: {  	[tilespmem:s20], [sflag:$0x1] =	stream.indirect.gather [hbm4b:s4+s10], $0x10, s19, s10, $0xb8;
	[tilespmem:$0x11170] =	vst v63  }
0x5b: {  	s19 =	simm.s32 $0x9B0;
	s20 =	simm.s32 $0xAAA0  }
0x5c: {  	[tilespmem:s20], [sflag:$0x1] =	stream.indirect.gather [hbm4b:s4+s10], $0x10, s19, s10, $0xb8;
	[tilespmem:$0x11170] =	vst v63  }
0x5d: {  	s19 =	simm.s32 $0xA00;
	s20 =	simm.s32 $0xAFA0  }
0x5e: {  	[tilespmem:s20], [sflag:$0x1] =	stream.indirect.gather [hbm4b:s4+s10], $0x10, s19, s10, $0xb8;
	[tilespmem:$0x11170] =	vst v63  }
0x5f: {  	s19 =	simm.s32 $0xA50;
	s20 =	simm.s32 $0xB4A0  }
0x60: {  	[tilespmem:s20], [sflag:$0x1] =	stream.indirect.gather [hbm4b:s4+s10], $0x10, s19, s10, $0xb8;
	[tilespmem:$0x11170] =	vst v63  }
0x61: {  	s19 =	simm.s32 $0xAA0;
	s20 =	simm.s32 $0xB9A0  }
0x62: {  	[tilespmem:s20], [sflag:$0x1] =	stream.indirect.gather [hbm4b:s4+s10], $0x10, s19, s10, $0xb8;
	[tilespmem:$0x11170] =	vst v63  }
0x63: {  	s19 =	simm.s32 $0xAF0;
	s20 =	simm.s32 $0xBEA0  }
0x64: {  	[tilespmem:s20], [sflag:$0x1] =	stream.indirect.gather [hbm4b:s4+s10], $0x10, s19, s10, $0xb8;
	[tilespmem:$0x11170] =	vst v63  }
0x65: {  	s19 =	simm.s32 $0xB40;
	s20 =	simm.s32 $0xC3A0  }
0x66: {  	[tilespmem:s20], [sflag:$0x1] =	stream.indirect.gather [hbm4b:s4+s10], $0x10, s19, s10, $0xb8;
	[tilespmem:$0x11170] =	vst v63  }
0x67: {  	s19 =	simm.s32 $0xB90;
	s20 =	simm.s32 $0xC8A0  }
0x68: {  	[tilespmem:s20], [sflag:$0x1] =	stream.indirect.gather [hbm4b:s4+s10], $0x10, s19, s10, $0xb8;
	[tilespmem:$0x11170] =	vst v63  }
0x69: {  	s19 =	simm.s32 $0xBE0;
	s20 =	simm.s32 $0xCDA0  }
0x6a: {  	[tilespmem:s20], [sflag:$0x1] =	stream.indirect.gather [hbm4b:s4+s10], $0x10, s19, s10, $0xb8;
	[tilespmem:$0x11170] =	vst v63  }
0x6b: {  	s19 =	simm.s32 $0xC30;
	s20 =	simm.s32 $0xD2A0  }
0x6c: {  	[tilespmem:s20], [sflag:$0x1] =	stream.indirect.gather [hbm4b:s4+s10], $0x10, s19, s10, $0xb8;
	[tilespmem:$0x11170] =	vst v63  }
0x6d: {  	s19 =	simm.s32 $0xC80;
	s20 =	simm.s32 $0xD7A0  }
0x6e: {  	[tilespmem:s20], [sflag:$0x1] =	stream.indirect.gather [hbm4b:s4+s10], $0x10, s19, s10, $0xb8;
	[tilespmem:$0x11170] =	vst v63  }
0x6f: {  	s19 =	simm.s32 $0xCD0;
	s20 =	simm.s32 $0xDCA0  }
0x70: {  	[tilespmem:s20], [sflag:$0x1] =	stream.indirect.gather [hbm4b:s4+s10], $0x10, s19, s10, $0xb8;
	[tilespmem:$0x11170] =	vst v63  }
0x71: {  	_ = 	snop  }
0x72: {  	[tilespmem:s22], [sflag:$0x1] =	stream.indirect.gather [hbm4b:s4+s10], $0x10, s21, s10, $0xb8;
	[tilespmem:$0x11170] =	vst v63  }
0x73: {  	_ = 	snop  }
0x74: {  	[tilespmem:s24], [sflag:$0x1] =	stream.indirect.gather [hbm4b:s4+s10], $0x10, s23, s10, $0xb8;
	[tilespmem:$0x11170] =	vst v63  }
0x75: {  	_ = 	snop  }
0x76: {  	[tilespmem:s26], [sflag:$0x1] =	stream.indirect.gather [hbm4b:s4+s10], $0x10, s25, s10, $0xb8;
	[tilespmem:$0x11170] =	vst v63  }
0x77: {  	_ = 	snop  }
0x78: {  	[tilespmem:s29], [sflag:$0x1] =	stream.indirect.gather [hbm4b:s4+s10], $0x10, s28, s10, $0xb8;
	[tilespmem:$0x11170] =	vst v63  }
0x79: {  	_ = 	snop  }
0x7a: {  	[tilespmem:s31], [sflag:$0x1] =	stream.indirect.gather [hbm4b:s4+s10], $0x10, s30, s10, $0xb8;
	[tilespmem:$0x11170] =	vst v63  }
0x7b: {  	_ = 	snop  }
0x7c: {  	[tilespmem:s3], [sflag:$0x1] =	stream.indirect.gather [hbm4b:s4+s10], $0x10, s0, s10, $0xb8;
	[tilespmem:$0x11170] =	vst v63  }
0x7d: {  	_ = 	snop  }
0x7e: {  	[tilespmem:s1], [sflag:$0x1] =	stream.indirect.gather [hbm4b:s4+s10], $0x10, s7, s10, $0xb8;
	[tilespmem:$0x11170] =	vst v63  }
0x7f: {  	_ = 	snop  }
0x80: {  	[tilespmem:s13], [sflag:$0x1] =	stream.indirect.gather [hbm4b:s4+s10], $0x10, s12, s10, $0xb8;
	[tilespmem:$0x11170] =	vst v63  }
0x81: {  	_ =	swait.ge [sflag:s14], $0x500  }
0x82: {  	[sflag:s14] =	ssyncset.done $0x0  }
0x83: {  	[sflag:s14] =	ssyncadd.s32 $0xFFFFFB00  }
0x84: {  	_ =	swait.ge [sflag:s14], $0x500  }
0x85: {  	[sflag:s14] =	ssyncset.done $0x0  }
0x86: {  	[sflag:s14] =	ssyncadd.s32 $0xFFFFFB00  }
0x87: {  	_ =	swait.ge [sflag:s14], $0x500  }
0x88: {  	[sflag:s14] =	ssyncset.done $0x0  }
0x89: {  	[sflag:s14] =	ssyncadd.s32 $0xFFFFFB00  }
0x8a: {  	_ =	swait.ge [sflag:s14], $0x500  }
0x8b: {  	[sflag:s14] =	ssyncset.done $0x0  }
0x8c: {  	[sflag:s14] =	ssyncadd.s32 $0xFFFFFB00  }
0x8d: {  	_ =	swait.ge [sflag:s14], $0x500  }
0x8e: {  	[sflag:s14] =	ssyncset.done $0x0  }
0x8f: {  	[sflag:s14] =	ssyncadd.s32 $0xFFFFFB00  }
0x90: {  	_ =	swait.ge [sflag:s14], $0x500  }
0x91: {  	[sflag:s14] =	ssyncset.done $0x0  }
0x92: {  	[sflag:s14] =	ssyncadd.s32 $0xFFFFFB00  }
0x93: {  	_ =	swait.ge [sflag:s14], $0x500  }
0x94: {  	[sflag:s14] =	ssyncset.done $0x0  }
0x95: {  	[sflag:s14] =	ssyncadd.s32 $0xFFFFFB00  }
0x96: {  	_ =	swait.ge [sflag:s14], $0x500  }
0x97: {  	[sflag:s14] =	ssyncset.done $0x0  }
0x98: {  	[sflag:s14] =	ssyncadd.s32 $0xFFFFFB00  }
0x99: {  	_ =	swait.ge [sflag:s14], $0x500  }
0x9a: {  	[sflag:s14] =	ssyncset.done $0x0  }
0x9b: {  	[sflag:s14] =	ssyncadd.s32 $0xFFFFFB00  }
0x9c: {  	_ =	swait.ge [sflag:s14], $0x500  }
0x9d: {  	[sflag:s14] =	ssyncset.done $0x0  }
0x9e: {  	[sflag:s14] =	ssyncadd.s32 $0xFFFFFB00  }
0x9f: {  	_ =	swait.ge [sflag:s14], $0x500  }
0xa0: {  	[sflag:s14] =	ssyncset.done $0x0  }
0xa1: {  	[sflag:s14] =	ssyncadd.s32 $0xFFFFFB00  }
0xa2: {  	_ =	swait.ge [sflag:s14], $0x500  }
0xa3: {  	[sflag:s14] =	ssyncset.done $0x0  }
0xa4: {  	[sflag:s14] =	ssyncadd.s32 $0xFFFFFB00  }
0xa5: {  	_ =	swait.ge [sflag:s14], $0x500  }
0xa6: {  	[sflag:s14] =	ssyncset.done $0x0  }
0xa7: {  	[sflag:s14] =	ssyncadd.s32 $0xFFFFFB00  }
0xa8: {  	_ =	swait.ge [sflag:s14], $0x500  }
0xa9: {  	[sflag:s14] =	ssyncset.done $0x0  }
0xaa: {  	[sflag:s14] =	ssyncadd.s32 $0xFFFFFB00  }
0xab: {  	_ =	swait.ge [sflag:s14], $0x500  }
0xac: {  	[sflag:s14] =	ssyncset.done $0x0  }
0xad: {  	[sflag:s14] =	ssyncadd.s32 $0xFFFFFB00  }
0xae: {  	_ =	swait.ge [sflag:s14], $0x500  }
0xaf: {  	[sflag:s14] =	ssyncset.done $0x0  }
0xb0: {  	[sflag:s14] =	ssyncadd.s32 $0xFFFFFB00  }
0xb1: {  	_ =	swait.ge [sflag:s14], $0x500  }
0xb2: {  	[sflag:s14] =	ssyncset.done $0x0  }
0xb3: {  	[sflag:s14] =	ssyncadd.s32 $0xFFFFFB00  }
0xb4: {  	_ =	swait.ge [sflag:s14], $0x500  }
0xb5: {  	[sflag:s14] =	ssyncset.done $0x0  }
0xb6: {  	[sflag:s14] =	ssyncadd.s32 $0xFFFFFB00  }
0xb7: {  	_ =	swait.ge [sflag:s14], $0x500  }
0xb8: {  	[sflag:s14] =	ssyncset.done $0x0  }
0xb9: {  	[sflag:s14] =	ssyncadd.s32 $0xFFFFFB00  }
0xba: {  	_ =	swait.ge [sflag:s14], $0x500  }
0xbb: {  	[sflag:s14] =	ssyncset.done $0x0  }
0xbc: {  	[sflag:s14] =	ssyncadd.s32 $0xFFFFFB00  }
0xbd: {  	_ =	swait.ge [sflag:s14], $0x500  }
0xbe: {  	[sflag:s14] =	ssyncset.done $0x0  }
0xbf: {  	[sflag:s14] =	ssyncadd.s32 $0xFFFFFB00  }
0xc0: {  	_ =	swait.ge [sflag:s14], $0x500  }
0xc1: {  	[sflag:s14] =	ssyncset.done $0x0  }
0xc2: {  	[sflag:s14] =	ssyncadd.s32 $0xFFFFFB00  }
0xc3: {  	_ =	swait.ge [sflag:s14], $0x500  }
0xc4: {  	[sflag:s14] =	ssyncset.done $0x0  }
0xc5: {  	[sflag:s14] =	ssyncadd.s32 $0xFFFFFB00  }
0xc6: {  	_ =	swait.ge [sflag:s14], $0x500  }
0xc7: {  	[sflag:s14] =	ssyncset.done $0x0  }
0xc8: {  	[sflag:s14] =	ssyncadd.s32 $0xFFFFFB00  }
0xc9: {  	_ =	swait.ge [sflag:s14], $0x500  }
0xca: {  	[sflag:s14] =	ssyncset.done $0x0  }
0xcb: {  	[sflag:s14] =	ssyncadd.s32 $0xFFFFFB00  }
0xcc: {  	_ =	swait.ge [sflag:s14], $0x500  }
0xcd: {  	[sflag:s14] =	ssyncset.done $0x0  }
0xce: {  	[sflag:s14] =	ssyncadd.s32 $0xFFFFFB00  }
0xcf: {  	_ =	swait.ge [sflag:s14], $0x500  }
0xd0: {  	[sflag:s14] =	ssyncset.done $0x0  }
0xd1: {  	[sflag:s14] =	ssyncadd.s32 $0xFFFFFB00  }
0xd2: {  	_ =	swait.ge [sflag:s14], $0x500  }
0xd3: {  	[sflag:s14] =	ssyncset.done $0x0  }
0xd4: {  	[sflag:s14] =	ssyncadd.s32 $0xFFFFFB00  }
0xd5: {  	_ =	swait.ge [sflag:s14], $0x500  }
0xd6: {  	[sflag:s14] =	ssyncset.done $0x0  }
0xd7: {  	[sflag:s14] =	ssyncadd.s32 $0xFFFFFB00  }
0xd8: {  	_ =	swait.ge [sflag:s14], $0x500  }
0xd9: {  	[sflag:s14] =	ssyncset.done $0x0  }
0xda: {  	[sflag:s14] =	ssyncadd.s32 $0xFFFFFB00  }
0xdb: {  	_ =	swait.ge [sflag:s14], $0x500  }
0xdc: {  	[sflag:s14] =	ssyncset.done $0x0  }
0xdd: {  	[sflag:s14] =	ssyncadd.s32 $0xFFFFFB00  }
0xde: {  	_ =	swait.ge [sflag:s14], $0x500  }
0xdf: {  	[sflag:s14] =	ssyncset.done $0x0  }
0xe0: {  	[sflag:s14] =	ssyncadd.s32 $0xFFFFFB00  }
0xe1: {  	_ =	swait.ge [sflag:s14], $0x500  }
0xe2: {  	[sflag:s14] =	ssyncset.done $0x0  }
0xe3: {  	[sflag:s14] =	ssyncadd.s32 $0xFFFFFB00  }
0xe4: {  	_ =	swait.ge [sflag:s14], $0x500  }
0xe5: {  	[sflag:s14] =	ssyncset.done $0x0  }
0xe6: {  	[sflag:s14] =	ssyncadd.s32 $0xFFFFFB00  }
0xe7: {  	_ =	swait.ge [sflag:s14], $0x500  }
0xe8: {  	[sflag:s14] =	ssyncset.done $0x0  }
0xe9: {  	[sflag:s14] =	ssyncadd.s32 $0xFFFFFB00  }
0xea: {  	_ =	swait.ge [sflag:s14], $0x500  }
0xeb: {  	[sflag:s14] =	ssyncset.done $0x0  }
0xec: {  	[sflag:s14] =	ssyncadd.s32 $0xFFFFFB00  }
0xed: {  	_ =	swait.ge [sflag:s14], $0x500  }
0xee: {  	[sflag:s14] =	ssyncset.done $0x0  }
0xef: {  	[sflag:s14] =	ssyncadd.s32 $0xFFFFFB00  }
0xf0: {  	_ =	swait.ge [sflag:s14], $0x500  }
0xf1: {  	[sflag:s14] =	ssyncset.done $0x0  }
0xf2: {  	[sflag:s14] =	ssyncadd.s32 $0xFFFFFB00  }
0xf3: {  	_ =	swait.ge [sflag:s14], $0x500  }
0xf4: {  	[sflag:s14] =	ssyncset.done $0x0  }
0xf5: {  	[sflag:s14] =	ssyncadd.s32 $0xFFFFFB00  }
0xf6: {  	_ =	swait.ge [sflag:s14], $0x500  }
0xf7: {  	[sflag:s14] =	ssyncset.done $0x0  }
0xf8: {  	[sflag:s14] =	ssyncadd.s32 $0xFFFFFB00  }
0xf9: {  	_ =	swait.ge [sflag:s14], $0x500  }
0xfa: {  	[sflag:s14] =	ssyncset.done $0x0  }
0xfb: {  	[sflag:s14] =	ssyncadd.s32 $0xFFFFFB00  }
0xfc: {  	_ =	swait.ge [sflag:s14], $0x500  }
0xfd: {  	[sflag:s14] =	ssyncset.done $0x0  }
0xfe: {  	[sflag:s14] =	ssyncadd.s32 $0xFFFFFB00  }
0xff: {  	_ =	swait.ge [sflag:s14], $0x500  }
0x100: {  	[sflag:s14] =	ssyncset.done $0x0  }
0x101: {  	[sflag:s14] =	ssyncadd.s32 $0xFFFFFB00  }
0x102: {  	_ =	swait.ge [sflag:s14], $0x500  }
0x103: {  	[sflag:s14] =	ssyncset.done $0x0  }
0x104: {  	[sflag:s14] =	ssyncadd.s32 $0xFFFFFB00  }
0x105: {  	_ =	swait.ge [sflag:s14], $0x500  }
0x106: {  	[sflag:s14] =	ssyncset.done $0x0  }
0x107: {  	[sflag:s14] =	ssyncadd.s32 $0xFFFFFB00  }
0x108: {  	_ =	swait.ge [sflag:s14], $0x500  }
0x109: {  	[sflag:s14] =	ssyncset.done $0x0  }
0x10a: {  	[sflag:s14] =	ssyncadd.s32 $0xFFFFFB00  }
0x10b: {  	_ =	swait.ge [sflag:s14], $0x500  }
0x10c: {  	[sflag:s14] =	ssyncset.done $0x0  }
0x10d: {  	[sflag:s14] =	ssyncadd.s32 $0xFFFFFB00  }
0x10e: {  	_ =	swait.ge [sflag:s14], $0x500  }
0x10f: {  	v1 =	vmov s18;
	[sflag:s14] =	ssyncset.done $0x0  }
0x110: {  	v1 =	vshll.u32 v1, $0x4;
	[sflag:s14] =	ssyncadd.s32 $0xFFFFFB00  }
0x111: {  	v1 =	vor.u32 v0, v1;
	_ =	swait.ge [sflag:s14], $0x500  }
0x112: {  	v2 =	vor.u32 $0x3, v1;
	[sflag:s14] =	ssyncset.done $0x0  }
0x113: {  	[sflag:s14] =	ssyncadd.s32 $0xFFFFFB00  }
0x114: {  	_ =	swait.ge [sflag:s14], $0x500  }
0x115: {  	[sflag:s14] =	ssyncset.done $0x0  }
0x116: {  	[sflag:s14] =	ssyncadd.s32 $0xFFFFFB00  }
0x117: {  	v4 =	vor.u32 $0x1, v1;
	v3 =	vld.idx.msk [tilespmem:v2+s11+$0x0], $0xffff  }
0x118: {  	v2 =	vld.idx.msk [tilespmem:v2+s2+$0x0], $0xffff;
	_ =	sdelay $0x1  }
0x119: {  	v5 =	vor.u32 $0x2, v1;
	v6 =	vld.idx.msk [tilespmem:v1+s2+$0x0], $0xffff  }
0x11a: {  	v1 =	vld.idx.msk [tilespmem:v1+s11+$0x0], $0xffff  }
0x11b: {  	v7 =	vld.idx.msk [tilespmem:v4+s11+$0x0], $0xffff  }
0x11c: {  	v2 =	vmul.f32 v2, v3;
	v3 =	vld.idx.msk [tilespmem:v4+s2+$0x0], $0xffff;
	_ =	sdelay $0x1  }
0x11d: {  	v58 =	vld.idx.msk [tilespmem:v5+s11+$0x0], $0xffff;
	(erf) = vrcp.f32 v2  }
0x11e: {  	v2 =	vld.idx.msk [tilespmem:v5+s2+$0x0], $0xffff;
	_ =	sdelay $0x1  }
0x11f: {  	v1 =	vmul.f32 v6, v1;
	v3 =	vmul.f32 v3, v7  }
0x120: {  	s19 =	simm.s32 $0x10  }
0x121: {  	v1 =	vadd.f32 v3, v1;
	v3 =	vmov s19  }
0x122: {  	v2 =	vmul.f32 v2, v58;
	v3 =	vshll.u32 v3, $0x4;
	_ =	sdelay $0x1  }
0x123: {  	v1 =	vadd.f32 v2, v1  }
0x124: {  	v2 =	vor.u32 v0, v3;
	v3 =	vpop (erf)  }
0x125: {  	v59 =	vor.u32 $0x3, v2;
	v1 =	vmul.f32 v3, v1;
	_ =	sdelay $0x1  }
0x126: {  	v1 =	vmax.f32 v1, $-1.000000000e+00  }
0x127: {  	s18 =	simm.s32 $0x109A0;
	v1 =	vmin.f32 v1, $1.000000000e+00  }
0x128: {  	[tilespmem:s18+$0x0] =	vst v1  }
0x129: {  	v3 =	vld.idx.msk [tilespmem:v59+s11+$0x0], $0xffff  }
0x12a: {  	v1 =	vor.u32 $0x1, v2;
	v4 =	vld.idx.msk [tilespmem:v59+s2+$0x0], $0xffff;
	_ =	sdelay $0x1  }
0x12b: {  	v60 =	vor.u32 $0x2, v2  }
0x12c: {  	v61 =	vld.idx.msk [tilespmem:v2+s2+$0x0], $0xffff  }
0x12d: {  	v2 =	vld.idx.msk [tilespmem:v2+s11+$0x0], $0xffff  }
0x12e: {  	v62 =	vld.idx.msk [tilespmem:v1+s11+$0x0], $0xffff;
	v3 =	vmul.f32 v4, v3  }
0x12f: {  	v1 =	vld.idx.msk [tilespmem:v1+s2+$0x0], $0xffff  }
0x130: {  	v8 =	vld.idx.msk [tilespmem:v60+s11+$0x0], $0xffff;
	(erf) = vrcp.f32 v3  }
0x131: {  	v5 =	vld.idx.msk [tilespmem:v60+s2+$0x0], $0xffff;
	_ =	sdelay $0x2  }
0x132: {  	v2 =	vmul.f32 v61, v2;
	v1 =	vmul.f32 v1, v62;
	_ =	sdelay $0x1  }
0x133: {  	s20 =	simm.s32 $0x20;
	v63 =	vmul.f32 v5, v8;
	v1 =	vadd.f32 v1, v2  }
0x134: {  	v2 =	vmov s20  }
0x135: {  	s19 =	simm.s32 $0x30;
	v2 =	vshll.u32 v2, $0x4;
	v1 =	vadd.f32 v63, v1  }
.LBB2_3:
0x136: {  	p0 =	sne.s32 s19, $0x7C0;
	v2 =	vor.u32 v0, v2;
	v3 =	vpop (erf)  }
0x137: {  	v4 =	vor.u32 $0x3, v2;
	v1 =	vmul.f32 v3, v1;
	_ =	sdelay $0x1  }
0x138: {  	v1 =	vmax.f32 v1, $-1.000000000e+00  }
0x139: {  	s18 =	sadd.s32 $0x10, s18;
	v1 =	vmin.f32 v1, $1.000000000e+00  }
0x13a: {  	[tilespmem:s18+$0x0] =	vst v1  }
0x13b: {  	v1 =	vld.idx.msk [tilespmem:v4+s11+$0x0], $0xffff  }
0x13c: {  	v3 =	vor.u32 $0x1, v2;
	v4 =	vld.idx.msk [tilespmem:v4+s2+$0x0], $0xffff;
	_ =	sdelay $0x1  }
0x13d: {  	v5 =	vor.u32 $0x2, v2  }
0x13e: {  	v6 =	vld.idx.msk [tilespmem:v2+s2+$0x0], $0xffff  }
0x13f: {  	v2 =	vld.idx.msk [tilespmem:v2+s11+$0x0], $0xffff  }
0x140: {  	v7 =	vld.idx.msk [tilespmem:v3+s11+$0x0], $0xffff  }
0x141: {  	v1 =	vmul.f32 v4, v1;
	v3 =	vld.idx.msk [tilespmem:v3+s2+$0x0], $0xffff  }
0x142: {  	v4 =	vld.idx.msk [tilespmem:v5+s11+$0x0], $0xffff  }
0x143: {  	v5 =	vld.idx.msk [tilespmem:v5+s2+$0x0], $0xffff;
	(erf) = vrcp.f32 v1;
	_ =	sdelay $0x3  }
.Ltmp0:
0x144: {  	v1 =	vmul.f32 v6, v2;
	v2 =	vmul.f32 v3, v7;
	(pc) =	sbr.rel @p0 .LBB2_3-.Ltmp0, $4  }
0x145: {  	_ = 	snop  }
0x146: {  	v1 =	vadd.f32 v2, v1;
	v3 =	vmul.f32 v5, v4  }
0x147: {  	v2 =	vmov s19  }
0x148: {  	s19 =	sadd.s32 $0x10, s19;
	v2 =	vshll.u32 v2, $0x4;
	v1 =	vadd.f32 v3, v1  }
0x149: {  	v2 =	vor.u32 v0, v2;
	v3 =	vpop (erf)  }
0x14a: {  	v4 =	vor.u32 $0x3, v2;
	v1 =	vmul.f32 v3, v1;
	_ =	sdelay $0x1  }
0x14b: {  	v1 =	vmax.f32 v1, $-1.000000000e+00  }
0x14c: {  	s18 =	sadd.s32 $0x10, s18;
	v1 =	vmin.f32 v1, $1.000000000e+00  }
0x14d: {  	[tilespmem:s18+$0x0] =	vst v1  }
0x14e: {  	v3 =	vor.u32 $0x1, v2;
	v1 =	vld.idx.msk [tilespmem:v4+s11+$0x0], $0xffff  }
0x14f: {  	v4 =	vld.idx.msk [tilespmem:v4+s2+$0x0], $0xffff;
	_ =	sdelay $0x1  }
0x150: {  	v5 =	vor.u32 $0x2, v2;
	v6 =	vld.idx.msk [tilespmem:v2+s2+$0x0], $0xffff  }
0x151: {  	v2 =	vld.idx.msk [tilespmem:v2+s11+$0x0], $0xffff  }
0x152: {  	v7 =	vld.idx.msk [tilespmem:v3+s11+$0x0], $0xffff  }
0x153: {  	v3 =	vld.idx.msk [tilespmem:v3+s2+$0x0], $0xffff;
	v1 =	vmul.f32 v4, v1;
	_ =	sdelay $0x1  }
0x154: {  	v63 =	vld.idx.msk [tilespmem:v5+s11+$0x0], $0xffff;
	(erf) = vrcp.f32 v1  }
0x155: {  	v1 =	vld.idx.msk [tilespmem:v5+s2+$0x0], $0xffff;
	_ =	sdelay $0x1  }
0x156: {  	v2 =	vmul.f32 v6, v2;
	v3 =	vmul.f32 v3, v7;
	_ =	sdelay $0x1  }
0x157: {  	v2 =	vadd.f32 v3, v2  }
0x158: {  	v1 =	vmul.f32 v1, v63;
	_ =	sdelay $0x1  }
0x159: {  	v1 =	vadd.f32 v1, v2  }
0x15a: {  	v2 =	vpop (erf)  }
0x15b: {  	v1 =	vmul.f32 v2, v1;
	_ =	sdelay $0x1  }
0x15c: {  	s17 =	sshrl.u32 s17, $0x3;
	s16 =	sadd.s32 $0x1, s16;
	v1 =	vmax.f32 v1, $-1.000000000e+00  }
0x15d: {  	s19 =	rddreg [dreg:$0x1];
	p0 =	sne.s32 s16, $0x64;
	s18 =	sadd.s32 $0x10, s18;
	v1 =	vmin.f32 v1, $1.000000000e+00  }
.Ltmp1:
0x15e: {  	s20 =	simm.s32 $0x0;
	s17 =	sadd.s32 s19, s17;
	[tilespmem:s18+$0x0] =	vst v1;
	(pc) =	sbr.rel @p0 .LBB2_2-.Ltmp1, $4  }
0x15f: {  	[hbm4b:s17+s20] =	stream.linear.scatter [tilespmem:s15], [sflag:$0x2], $0x7D0, $0x38;
	[tilespmem:$0x11170] =	vst v63  }
0x160: {  	_ =	swait.ge [sflag:s8], $0x7D0  }
0x161: {  	[sflag:s8] =	ssyncset.done $0x0  }
0x162: {  	[sflag:s8] =	ssyncadd.s32 $0xFFFFF830  }
0x163: {  	s17 =	rddreg [dreg:$0x4]  }
0x164: {  	s16 =	rddreg [dreg:$0x3];
	s17 =	sadd.s32 $0x1, s17  }
0x165: {  	p0 =	sne.s32 s17, s16  }
.Ltmp2:
0x166: {  	_ = 	snop;
	(pc) =	sbr.rel @p0 .LBB2_1-.Ltmp2, $1  }
0x167: {  	_ =	sdelay $0x3  }
0x168: {  	_ =	sfence.sel $0x180000  }
0x169: {  	[bflag:$0x0] =	sbarrier.arrive $0xFFFF  }
0x16a: {  	_ =	strace $0x9000004D  }
0x16b: {  	s0 =	stileid.u32;
	[bflag:$0x2] =	sbarrier.arrive $0xFFFF  }
0x16c: {  	p0 =	sne.s32 s0, $0x0;
	s0 =	rddreg [dreg:$0x2]  }
0x16d: {  	s0 =	sadd.s32 @!p0 $0x100000, s0  }
0x16e: {  	[sflag:s0] =	ssyncadd.tile.s32 @!p0 $0x1;
	_ =	shalt  }
.Lfunc_end2:
_tile_overlayer_lowered:
.L_overlay_start_2:
0x16f: {  	(tag) =	ssettag $0x2  }
0x170: {  	s0 =	rddreg [dreg:$0x0];
	s2 =	stileid.u32  }
0x171: {  	s1 =	rddreg [dreg:$0x1];
	p0 =	sne.s32 s2, $0x0  }
0x172: {  	s3 =	rddreg [dreg:$0x2];
	[bflag:$0x3] =	sbarrier.arrive $0xFFFF;
	s2 =	simm.s32 @!p0 $0x1C02  }
0x173: {  	[timem:s3], [sflag:s2] =	dma.local @!p0 [hbm:s0], s1  }
0x174: {  	s0 =	simm.s32 @!p0 $0x2  }
0x175: {  	_ =	swait.ge @!p0 [sflag:s0], s1  }
0x176: {  	s1 =	ssub.s32 @!p0 $0x0, s1;
	[sflag:s0] =	ssyncset.done @!p0 $0x0  }
0x177: {  	[sflag:s0] =	ssyncadd.s32 @!p0 s1  }
0x178: {  	[bflag:$0x3] =	sbarrier.arrive $0xFFFF  }
0x179: {  	_ =	shalt  }

// kernel: sparse-core-data-format-call.cloned.1.call-start
scs
called_computation_lowered:
.L_overlay_start_0:
0x0: {  	s2 =	sld [smem:$0x3FD9]  }
0x1: {  	s3 =	sld [smem:$0x3FFE];
	_ =	sdelay $0x1  }
0x2: {  	s1 =	srdreg.scid  }
0x3: {  	s0 =	sand.u32 $0x1, s1  }
0x4: {  	s18 =	sshll.u32 s0, $0xA;
	s2 =	sadd.s32 s3, s2  }
0x5: {  	s2 =	sadd.s32 s2, s18  }
0x6: {  	[smem:$0x3FC2] =	sst s2  }
0x7: {  	_ = 	snop  }
0x8: {  	s2 =	sld [smem:$0x3FC4];
	(tm) =	ssettm $0x1  }
0x9: {  	s19 =	sld [smem:$0x3FFB];
	_ =	sdelay $0x3  }
0xa: {  	_ =	strace s19  }
0xb: {  	s3 =	sld [smem:$0x3FFC];
	_ =	sdelay $0x3  }
0xc: {  	_ =	strace s3  }
0xd: {  	s3 =	sld [smem:$0x3FFD];
	_ =	sdelay $0x3  }
0xe: {  	_ =	strace s3  }
0xf: {  	_ =	strace $0x8FFFFFFF  }
0x10: {  	s20 =	sld [smem:$0x3FDB];
	_ =	sdelay $0x1  }
0x11: {  	s4 =	simm.s32 $_scs_section_size  }
0x12: {  	s5 =	simm.s32 $_size__tile_overlayer_lowered;
	s6 =	simm.s32 $_tile_overlayer_lowered  }
0x13: {  	s23 =	simm.s32 $0x1BFF;
	s22 =	sshll.u32 s6, $0x1;
	s3 =	sadd.s32 s4, s20  }
0x14: {  	s7 =	simm.s32 $0x0;
	s21 =	sshll.u32 s5, $0x1;
	s5 =	sadd.s32 s22, s3  }
0x15: {  	[timem:s7], [sflag:s23] =	dma.local [hbm:s5], s21  }
0x16: {  	_ =	swait.ge [sflag:s23], s21  }
0x17: {  	s4 =	ssub.s32 $0x0, s21;
	[sflag:s23] =	ssyncset.done $0x0  }
0x18: {  	[sflag:s23] =	ssyncadd.s32 s4;
	_ =	sdelay $0x1  }
0x19: {  	s24 =	simm.s32 $0x1B8B  }
0x1a: {  	_ =	swait.ge [sflag:s24], $0x1  }
0x1b: {  	[sflag:s24] =	ssyncset.done $0x0  }
0x1c: {  	s26 =	simm.s32 $0x1B8E;
	s25 =	sld [smem:$0x3FFE];
	[sflag:s24] =	ssyncadd.s32 $0xFFFFFFFF  }
0x1d: {  	s27 =	simm.s32 $execute0_lowered;
	[smem:$0x3FD2] =	sst s26  }
0x1e: {  	s5 =	sshll.u32 s27, $0x1;
	_ =	strace $0x80000046;
	[dreg:$0x1] =	wrdreg $0xFFFFFFFF  }
0x1f: {  	s28 =	simm.s32 $_size_execute0_lowered;
	s3 =	sadd.s32 s3, s5;
	[dreg:$0x0] =	wrdreg $0x0  }
0x20: {  	s5 =	sshll.u32 s28, $0x1;
	[dreg:$0x2] =	wrdreg s3  }
0x21: {  	[dreg:$0x3] =	wrdreg s5  }
0x22: {  	[dreg:$0x4] =	wrdreg $0xC0  }
0x23: {  	_ =	task [dreg:s7], $0x5FFFF  }
0x24: {  	[dreg:$0x1] =	wrdreg $0xFFFFFFFF  }
0x25: {  	[dreg:$0x0] =	wrdreg $0x60  }
0x26: {  	[dreg:$0x2] =	wrdreg s2  }
0x27: {  	[dreg:$0x3] =	wrdreg s25  }
0x28: {  	[dreg:$0x4] =	wrdreg $0x9  }
0x29: {  	_ =	task.clear_ibuf [dreg:s7], $0x5FFFF;
	_ =	strace $0x90000046  }
0x2a: {  	s29 =	simm.s32 $0x9;
	_ =	strace $0x80000048  }
0x2b: {  	_ =	swait.ge [sflag:s29], $0x1  }
0x2c: {  	[sflag:s29] =	ssyncadd.s32 $0xFFFFFFFF  }
0x2d: {  	_ =	strace $0x90000048  }
0x2e: {  	_ =	sfence  }
0x2f: {  	s30 =	sld [smem:$0x0];
	_ =	sdelay $0x2  }
0x30: {  	s31 =	sshll.u32 s1, $0xD;
	s1 =	sshrl.u32 s1, $0x2  }
0x31: {  	s3 =	sand.u32 $0x4000, s31;
	s1 =	sadd.s32 s1, s30  }
0x32: {  	s0 =	sor.u32 s3, s0;
	s1 =	sshll.u32 s1, $0x11  }
0x33: {  	s0 =	sor.u32 s1, s0  }
0x34: {  	s0 =	sadd.s32 $0x8F2B, s0  }
0x35: {  	[sflag:s0] =	ssyncadd.remote.s32 $0x1  }
0x36: {  	_ =	sfence.sel $0xFFFF  }
0x37: {  	[dreg:$0x0] =	wrdreg $0xFFFFFFFF;
	(pc) =	sbr.abs _section_cstart, $3  }
0x38: {  	[dreg:$0x1] =	wrdreg $0xFFFFFFFF  }
0x39: {  	_ =	task.clear_ibuf [dreg:s7], $0x2FFFF;
	_ =	strace $0x9FFFFFFF  }
0x3a: {  	(tm) =	ssettm $0x7FFFFFFF  }
0x3b: {  	_ =	shalt  }
tec
execute0_lowered:
.L_overlay_start_1:
0x0: {  	(tag) =	ssettag $0x1  }
0x1: {  	s0 =	stileid.u32;
	s7 =	rddreg [dreg:$0x0]  }
0x2: {  	s1 =	srdreg.scid;
	s4 =	rddreg [dreg:$0x1]  }
0x3: {  	s30 =	simm.s32 $0x2;
	s10 =	simm.s32 $0x0;
	s14 =	simm.s32 $0x0  }
0x4: {  	s15 =	simm.s32 $0x0;
	s11 =	simm.s32 $0x0;
	s13 =	simm.s32 $0x0  }
0x5: {  	s2 =	sand.u32 $0x1, s1;
	s3 =	sshll.u32 s0, $0x7;
	s1 =	rddreg [dreg:$0x2]  }
0x6: {  	_ =	strace $0x80000047;
	s5 =	ssub.s32 $0xC300, s3;
	s6 =	ssub.s32 $0x2, s2  }
.Ltmp0:
0x7: {  	s5 =	sshrl.u32 s5, $0xB;
	s8 =	sshrl.u32 s6, $0x1;
	(pc) =	sbr.rel .LBB1_1-.Ltmp0, $4  }
0x8: {  	s4 =	sadd.s32 $0x2800, s4;
	s9 =	sadd.s32 $0x1, s5;
	s6 =	ssub.s32 s6, s8  }
0x9: {  	s31 =	sshll.u32 s2, $0x4;
	s5 =	simm.s32 $0x1;
	s6 =	smul.u32 s9, s6  }
0xa: {  	s12 =	smov.u32 s3;
	s7 =	sadd.s32 s7, s31;
	[sflag:s5] =	ssyncpa.u1 $0x0  }
0xb: {  	s9 =	simm.s32 $0x0;
	[sflag:s30] =	ssyncpa.u1 $0x0;
	s8 =	sadd.s32 $0x1, s6  }
.LBB1_4:
0xc: {  	s21 =	simm.s32 $0x0  }
.LBB1_8:
0xd: {  	_ =	sdelay $0x3  }
0xe: {  	v6 =	vld [tilespmem:s18+$0xFFFFFFC0];
	[tilespmem:v0+s20+$0x30 ss:$0x1] =	vst.idx.msk @p0 $0xffff, v2  }
0xf: {  	v58 =	vld [tilespmem:s18+$0xFFFFFFD0];
	[tilespmem:v0+s20+$0x40 ss:$0x1] =	vst.idx.msk @p0 $0xffff, v3;
	s21 =	sadd.s32 @p0 $0x80, s21  }
0x10: {  	v59 =	vld [tilespmem:s18+$0xFFFFFFE0];
	[tilespmem:v0+s20+$0x50 ss:$0x1] =	vst.idx.msk @p0 $0xffff, v5;
	s19 =	smov.u32 @p0 s21  }
0x11: {  	v60 =	vld [tilespmem:s18+$0xFFFFFFF0];
	[tilespmem:v0+s20+$0x60 ss:$0x1] =	vst.idx.msk @p0 $0xffff, v4;
	s19 =	sand.u32 $0x3F80, s19  }
0x12: {  	v61 =	vld [tilespmem:s18+$0x0];
	[tilespmem:v0+s19+$0x70 ss:$0x1] =	vst.idx.msk $0xffff, v1  }
0x13: {  	v62 =	vld [tilespmem:s18+$0x10];
	[tilespmem:v0+s19+$0x0 ss:$0x1] =	vst.idx.msk $0xffff, v6  }
0x14: {  	v63 =	vld [tilespmem:s18+$0x20];
	[tilespmem:v0+s19+$0x10 ss:$0x1] =	vst.idx.msk $0xffff, v58  }
0x15: {  	[tilespmem:v0+s19+$0x20 ss:$0x1] =	vst.idx.msk $0xffff, v59  }
0x16: {  	[tilespmem:v0+s19+$0x30 ss:$0x1] =	vst.idx.msk $0xffff, v60  }
0x17: {  	[tilespmem:v0+s19+$0x40 ss:$0x1] =	vst.idx.msk $0xffff, v61  }
0x18: {  	[tilespmem:v0+s19+$0x50 ss:$0x1] =	vst.idx.msk $0xffff, v62  }
0x19: {  	[tilespmem:v0+s19+$0x60 ss:$0x1] =	vst.idx.msk $0xffff, v63  }
.LBB1_9:
0x1a: {  	s18 =	sand.u32 $0x1FFFFFF, s11  }
0x1b: {  	s19 =	smulhi.u32 $0x14F8B59, s18;
	_ =	sdelay $0x1  }
0x1c: {  	s19 =	sshrl.u32 s19, $0x8  }
0x1d: {  	s19 =	smul.u32 $0xC350, s19  }
0x1e: {  	s15 =	smul.u32 $0xC3500, s15  }
0x1f: {  	s18 =	ssub.s32 s18, s19  }
0x20: {  	s15 =	sadd.s32 s4, s15;
	s18 =	sshll.u32 s18, $0x4  }
0x21: {  	s15 =	sadd.s32 s18, s15  }
0x22: {  	[hbm4b:s15+s9] =	stream.linear.scatter [tilespmem:s17], [sflag:$0x2], s16, $0x38;
	[tilespmem:$0x10000] =	vst v63  }
.LBB1_10:
0x23: {  	p0 =	slt.u32 s13, $0x2  }
0x24: {  	p1 =	sgt.s32 @!p0 s14, $0xC2D0  }
0x25: {  	s15 =	smov.u32 s14;
	s16 =	sshra.s32 @!p0 s14, $0x1F;
	p1 =	por !p1, p0  }
0x26: {  	s14 =	sand.u32 @!p0 s16, s14;
	s15 =	simm.s32 @p1 $0xC2D0  }
0x27: {  	s14 =	ssub.s32 @!p0 s15, s14  }
0x28: {  	s14 =	sadd.s32 @!p0 $0xFFFF3D30, s14  }
0x29: {  	s15 =	sshll.u32 @!p0 s14, $0x7  }
0x2a: {  	p1 =	sgt.s32 @!p0 s14, $0x7F;
	s14 =	ssub.s32 @!p0 $0x4000, s15  }
0x2b: {  	s16 =	sadd.s32 $0x800, s12;
	p1 =	por !p1, p0;
	s14 =	sand.u32 @!p0 $0x3FFFFF80, s14  }
0x2c: {  	s14 =	simm.s32 @!p1 $0x0;
	p1 =	sgt.s32 s16, $0xC34F  }
0x2d: {  	s16 =	smov.u32 @p1 s3;
	p1 =	sne.s32 s13, s8  }
.Ltmp1:
0x2e: {  	_ = 	snop;
	(pc) =	sbr.rel @!p1 .LBB1_11-.Ltmp1, $4  }
0x2f: {  	s10 =	sadd.s32 $0x4000, s10;
	s15 =	simm.s32 @!p0 $0x2  }
0x30: {  	_ =	swait.ge @!p0 [sflag:s15], s14;
	s17 =	ssub.s32 @!p0 $0x0, s14;
	s14 =	smov.u32 s11  }
0x31: {  	s13 =	sadd.s32 $0x1, s13;
	s11 =	smov.u32 s12;
	[sflag:s15] =	ssyncset.done @!p0 $0x0  }
0x32: {  	s12 =	smov.u32 s16;
	[sflag:s15] =	ssyncadd.s32 @!p0 s17;
	s15 =	smov.u32 s2  }
.LBB1_1:
0x33: {  	p0 =	sge.u32 s13, s6  }
0x34: {  	p1 =	sgt.s32 @!p0 s12, $0xC2D0  }
0x35: {  	s16 =	smov.u32 s12;
	s17 =	sshra.s32 @!p0 s12, $0x1F;
	p1 =	por !p1, p0  }
0x36: {  	s17 =	sand.u32 @!p0 s17, s12;
	s16 =	simm.s32 @p1 $0xC2D0  }
0x37: {  	s16 =	ssub.s32 @!p0 s16, s17  }
0x38: {  	s31 =	sadd.s32 $0xFFFFFFFF, s13;
	s18 =	sxor.u32 @!p0 $0xFFFFFFFF, s13;
	s16 =	sadd.s32 @!p0 $0xFFFF3D30, s16  }
0x39: {  	s19 =	simm.s32 @!p0 $0x80;
	s20 =	simm.s32 @!p0 $0x100;
	s17 =	sshll.u32 @!p0 s16, $0x7  }
0x3a: {  	p1 =	sgt.s32 @!p0 s16, $0x7F;
	s16 =	ssub.s32 @!p0 $0x4000, s17;
	s17 =	sshll.u32 @!p0 s18, $0xE  }
0x3b: {  	p1 =	por !p1, p0;
	s18 =	sshll.u32 @!p0 s12, $0x5;
	s16 =	sand.u32 @!p0 $0x3FFFFF80, s16  }
0x3c: {  	s17 =	sand.u32 @!p0 $0x4000, s17;
	s18 =	sadd.s32 @!p0 s18, s7;
	s16 =	simm.s32 @!p1 $0x0  }
0x3d: {  	[tilespmem:s17], [sflag:$0x1] =	stream.strided.gather @!p0 [hbm4b:s18+s19], s16, s20, s19, $0x38;
	[tilespmem:$0x10000] =	vst v63  }
0x3e: {  	p0 =	sge.u32 s31, s6  }
.Ltmp2:
0x3f: {  	_ = 	snop;
	(pc) =	sbr.rel @p0 .LBB1_10-.Ltmp2, $1  }
0x40: {  	_ =	sdelay $0x3  }
0x41: {  	p0 =	sgt.s32 s11, $0xC2D0;
	s16 =	smov.u32 s11;
	s17 =	sshra.s32 s11, $0x1F  }
0x42: {  	s16 =	simm.s32 @!p0 $0xC2D0;
	s17 =	sand.u32 s17, s11  }
0x43: {  	s16 =	ssub.s32 s16, s17  }
0x44: {  	s16 =	sadd.s32 $0xFFFF3D30, s16  }
0x45: {  	s30 =	sshll.u32 s16, $0x7  }
0x46: {  	s17 =	ssub.s32 $0x4000, s30  }
0x47: {  	p0 =	sgt.s32 s16, $0x7F;
	s16 =	sand.u32 $0x3FFFFF80, s17;
	s17 =	sadd.s32 $0x80, s11  }
0x48: {  	s16 =	simm.s32 @p0 $0x0;
	p0 =	slt.s32 s17, $0xC350  }
0x49: {  	s17 =	simm.s32 @!p0 $0xC350  }
0x4a: {  	s20 =	ssub.s32 s17, s11  }
0x4b: {  	p0 =	slt.s32 s20, $0x1  }
.Ltmp3:
0x4c: {  	_ = 	snop;
	(pc) =	sbr.rel @p0 .LBB1_9-.Ltmp3, $4  }
0x4d: {  	_ = 	snop  }
0x4e: {  	s19 =	sshll.u32 s13, $0xE;
	_ =	swait.ge [sflag:s5], s16  }
0x4f: {  	s31 =	sand.u32 $0x4000, s19;
	s18 =	ssub.s32 $0x0, s16;
	[sflag:s5] =	ssyncset.done $0x0  }
0x50: {  	s17 =	sor.u32 $0x8000, s31;
	[sflag:s5] =	ssyncadd.s32 s18  }
0x51: {  	p1 =	sne.s32 s20, $0x1  }
.Ltmp4:
0x52: {  	v0 =	vmov s17;
	(pc) =	sbr.rel @!p1 .LBB1_4-.Ltmp4, $4  }
0x53: {  	_ = 	snop  }
0x54: {  	s18 =	sand.u32 $0x4000, s10  }
0x55: {  	s18 =	sor.u32 $0x40, s18  }
0x56: {  	s19 =	simm.s32 $0x0;
	s21 =	sadd.s32 $0xFFFFFFFF, s20;
	p0 =	por $0x0, $0x0;
	v1 =	vld [tilespmem:s18+$0x30]  }
0x57: {  	v4 =	vld [tilespmem:s18+$0xFFFFFFC0]  }
0x58: {  	v6 =	vld [tilespmem:s18+$0xFFFFFFD0]  }
0x59: {  	v7 =	vld [tilespmem:s18+$0xFFFFFFE0];
	p1 =	sne.s32 s21, $0x1  }
.Ltmp5:
0x5a: {  	v2 =	vld [tilespmem:s18+$0xFFFFFFF0];
	s20 =	sand.u32 $0x3F80, s19;
	(pc) =	sbr.rel @!p1 .LBB1_6-.Ltmp5, $4  }
0x5b: {  	v3 =	vld [tilespmem:s18+$0x0];
	[tilespmem:v0+s20+$0x70 ss:$0x1] =	vst.idx.msk $0xffff, v1  }
0x5c: {  	v5 =	vld [tilespmem:s18+$0x10];
	[tilespmem:v0+s20+$0x0 ss:$0x1] =	vst.idx.msk $0xffff, v4  }
0x5d: {  	v4 =	vld [tilespmem:s18+$0x20];
	[tilespmem:v0+s20+$0x10 ss:$0x1] =	vst.idx.msk $0xffff, v6;
	s18 =	sadd.s32 $0x80, s18  }
0x5e: {  	s22 =	sadd.s32 $0xFFFFFFFF, s21;
	p0 =	por $0x1, $0x1;
	s21 =	simm.s32 $0x0;
	[tilespmem:v0+s20+$0x20 ss:$0x1] =	vst.idx.msk $0xffff, v7;
	v1 =	vld [tilespmem:s18+$0x30]  }
.LBB1_7:
0x5f: {  	p1 =	sne.s32 s22, $0x1;
	v6 =	vld [tilespmem:s18+$0xFFFFFFC0];
	[tilespmem:v0+s20+$0x30 ss:$0x1] =	vst.idx.msk $0xffff, v2  }
0x60: {  	v7 =	vld [tilespmem:s18+$0xFFFFFFD0];
	[tilespmem:v0+s20+$0x40 ss:$0x1] =	vst.idx.msk $0xffff, v3  }
0x61: {  	s21 =	sadd.s32 $0x80, s21;
	v8 =	vld [tilespmem:s18+$0xFFFFFFE0];
	[tilespmem:v0+s20+$0x50 ss:$0x1] =	vst.idx.msk $0xffff, v5  }
.Ltmp6:
0x62: {  	v2 =	vld [tilespmem:s18+$0xFFFFFFF0];
	[tilespmem:v0+s20+$0x60 ss:$0x1] =	vst.idx.msk $0xffff, v4;
	s20 =	sand.u32 $0x3F80, s21;
	(pc) =	sbr.rel @p1 .LBB1_7-.Ltmp6, $4  }
0x63: {  	v3 =	vld [tilespmem:s18+$0x0];
	[tilespmem:v0+s20+$0x70 ss:$0x1] =	vst.idx.msk $0xffff, v1  }
0x64: {  	[tilespmem:v0+s20+$0x0 ss:$0x1] =	vst.idx.msk $0xffff, v6;
	v5 =	vld [tilespmem:s18+$0x10]  }
0x65: {  	[tilespmem:v0+s20+$0x10 ss:$0x1] =	vst.idx.msk $0xffff, v7;
	v4 =	vld [tilespmem:s18+$0x20];
	s18 =	sadd.s32 $0x80, s18  }
0x66: {  	s22 =	sadd.s32 $0xFFFFFFFF, s22;
	v1 =	vld [tilespmem:s18+$0x30];
	[tilespmem:v0+s20+$0x20 ss:$0x1] =	vst.idx.msk $0xffff, v8  }
.Ltmp7:
0x67: {  	_ = 	snop;
	(pc) =	sbr.rel .LBB1_8-.Ltmp7, $1  }
0x68: {  	_ =	sdelay $0x3  }
.LBB1_6:
.Ltmp8:
0x69: {  	(pc) =	sbr.rel .LBB1_8-.Ltmp8, $2  }
0x6a: {  	_ =	sdelay $0x2  }
0x6b: {  	s21 =	simm.s32 $0x0  }
.LBB1_11:
0x6c: {  	_ =	sfence.sel $0x180000  }
0x6d: {  	s2 =	simm.s32 $0x1;
	[bflag:$0x0] =	sbarrier.arrive $0xFFFF  }
0x6e: {  	s31 =	simm.s32 $0x2;
	[sflag:s2] =	ssyncpa.u1 $0x1  }
0x6f: {  	[sflag:s31] =	ssyncpa.u1 $0x1  }
0x70: {  	p0 =	sne.s32 s0, $0x0;
	_ =	strace $0x90000047  }
0x71: {  	s0 =	sadd.s32 @!p0 $0x100000, s1;
	[bflag:$0x2] =	sbarrier.arrive $0xFFFF  }
0x72: {  	[sflag:s0] =	ssyncadd.tile.s32 @!p0 $0x1;
	_ =	shalt  }
.Lfunc_end1:
_tile_overlayer_lowered:
.L_overlay_start_2:
0x73: {  	(tag) =	ssettag $0x2  }
0x74: {  	s0 =	rddreg [dreg:$0x0];
	s2 =	stileid.u32  }
0x75: {  	s1 =	rddreg [dreg:$0x1];
	p0 =	sne.s32 s2, $0x0  }
0x76: {  	s3 =	rddreg [dreg:$0x2];
	[bflag:$0x3] =	sbarrier.arrive $0xFFFF;
	s2 =	simm.s32 @!p0 $0x1C01  }
0x77: {  	[timem:s3], [sflag:s2] =	dma.local @!p0 [hbm:s0], s1  }
0x78: {  	s0 =	simm.s32 @!p0 $0x1  }
0x79: {  	_ =	swait.ge @!p0 [sflag:s0], s1  }
0x7a: {  	s1 =	ssub.s32 @!p0 $0x0, s1;
	[sflag:s0] =	ssyncset.done @!p0 $0x0  }
0x7b: {  	[sflag:s0] =	ssyncadd.s32 @!p0 s1  }
0x7c: {  	[bflag:$0x3] =	sbarrier.arrive $0xFFFF  }
0x7d: {  	_ =	shalt  }

</sc_bundles>
